<compile_context>
chip_gen: v7x
topology: tpu7x:2x2x1
jax: 0.10.2.dev20260603
libtpu: 0.0.44.dev20260713+nightly
codegen_flags: <defaults>
</compile_context>

<pallas_src>
import functools

import jax
import jax.numpy as jnp
from jax import lax
from jax.experimental import pallas as pl
from jax.experimental.pallas import tpu as pltpu
from jax.experimental.pallas import tpu_sc as plsc

N = 50000
E = 800000
H = 64
H2 = 128
NG = 8

NC, NS, L = 2, 16, 16
NW = NC * NS
NP = 50176
NHALF = NP // 2
ACC = 25104
DUM = ACC - 1
EPW = E // NW
CH1 = 40
KC1 = 1000
EPT = E // NS
CH2 = 80
KC2 = 2000
BN = 1024
BE = 1280


def _masked_ln(z, g, b):
    mask = (lax.broadcasted_iota(jnp.int32, (1, H2), 1) < H).astype(jnp.float32)
    m = jnp.sum(z, axis=-1, keepdims=True) * (1.0 / H)
    zc = (z - m) * mask
    v = jnp.sum(zc * zc, axis=-1, keepdims=True) * (1.0 / H)
    return zc * lax.rsqrt(v + 1e-5) * g + b


def _enc_body(xb, w1, b1, w2, b2, g, b, ob, *, wide):
    h = jnp.maximum(jnp.dot(xb[...], w1[...], preferred_element_type=jnp.float32)
                    + b1[...], 0.0)
    z = jnp.dot(h, w2[...], preferred_element_type=jnp.float32) + b2[...]
    if wide:
        ob[...] = _masked_ln(z, g[...], b[...])
    else:
        m = jnp.mean(z, axis=-1, keepdims=True)
        v = jnp.mean((z - m) * (z - m), axis=-1, keepdims=True)
        ob[...] = (z - m) * lax.rsqrt(v + 1e-5) * g[...] + b[...]


def _encoder(xp, w1, b1, w2, b2, g, b, blk, wide):
    rows = xp.shape[0]
    grid = rows // blk
    hout = H2 if wide else H
    full = lambda shape: pl.BlockSpec(shape, lambda i: (0, 0))
    return pl.pallas_call(
        functools.partial(_enc_body, wide=wide),
        grid=(grid,),
        in_specs=[pl.BlockSpec((blk, 8), lambda i: (i, 0)),
                  full((8, H)), full((1, H)), full((H, hout)), full((1, hout)),
                  full((1, hout)), full((1, hout))],
        out_specs=pl.BlockSpec((blk, hout), lambda i: (i, 0)),
        out_shape=jax.ShapeDtypeStruct((rows, hout), jnp.float32),
    )(xp, w1, b1, w2, b2, g, b)


def _gin_body(hb, ab, eps, w1, b1, w2, b2, g, b, ob, *, relu_out):
    z = hb[:, 0:H] * (1.0 + eps[...]) + ab[:, 0:H]
    z = jnp.maximum(jnp.dot(z, w1[...], preferred_element_type=jnp.float32)
                    + b1[...], 0.0)
    z = jnp.dot(z, w2[...], preferred_element_type=jnp.float32) + b2[...]
    z = _masked_ln(z, g[...], b[...])
    if relu_out:
        z = jnp.maximum(z, 0.0)
    ob[...] = z


def _gin_mlp(h, aggr, eps, w1, b1, w2, b2, g, b, relu_out):
    grid = NP // BN
    full = lambda shape: pl.BlockSpec(shape, lambda i: (0, 0))
    return pl.pallas_call(
        functools.partial(_gin_body, relu_out=relu_out),
        grid=(grid,),
        in_specs=[pl.BlockSpec((BN, H2), lambda i: (i, 0)),
                  pl.BlockSpec((BN, H), lambda i: (i, 0)),
                  full((1, 1)), full((H, H)), full((1, H)), full((H, H2)),
                  full((1, H2)), full((1, H2)), full((1, H2))],
        out_specs=pl.BlockSpec((BN, H2), lambda i: (i, 0)),
        out_shape=jax.ShapeDtypeStruct((NP, H2), jnp.float32),
    )(h, aggr, eps, w1, b1, w2, b2, g, b)


def _pool_body(hb, bb, gw, gbias, gg, gbeta, gout, sout, accv, cntv):
    i = pl.program_id(0)
    ng = pl.num_programs(0)

    @pl.when(i == 0)
    def _init():
        accv[...] = jnp.zeros_like(accv)
        cntv[...] = jnp.zeros_like(cntv)

    ridx = i * BN + lax.broadcasted_iota(jnp.int32, (BN, 1), 0)
    hclean = jnp.where(ridx < N, hb[:, 0:H], 0.0)
    bvec = bb[0, 0, :]
    oh = (bvec[None, :] == lax.broadcasted_iota(jnp.int32, (NG, BN), 0)
          ).astype(jnp.float32)
    accv[...] += jnp.dot(oh, hclean, preferred_element_type=jnp.float32)
    cntv[...] += jnp.sum(oh, axis=1, keepdims=True)

    @pl.when(i == ng - 1)
    def _fin():
        counts = cntv[:, 0:1]
        gmean = accv[...] / jnp.maximum(counts, 1.0)
        t = jnp.maximum(jnp.dot(gmean, gw[...],
                                preferred_element_type=jnp.float32)
                        + gbias[...], 0.0)
        m = jnp.mean(t, axis=-1, keepdims=True)
        v = jnp.mean((t - m) * (t - m), axis=-1, keepdims=True)
        gout[...] = (t - m) * lax.rsqrt(v + 1e-5) * gg[...] + gbeta[...]
        kk = lax.broadcasted_iota(jnp.int32, (NG, NG), 0)
        jj = lax.broadcasted_iota(jnp.int32, (NG, NG), 1)
        mask = (jj < kk).astype(jnp.float32)
        starts = jnp.sum(mask * counts[None, :, 0], axis=1)
        sout[...] = starts[None, :].astype(jnp.int32)


def _pool(h, batch_r, gw, gbias, gg, gbeta):
    grid = NP // BN
    full = lambda shape: pl.BlockSpec(shape, lambda i: (0, 0))
    return pl.pallas_call(
        _pool_body,
        grid=(grid,),
        in_specs=[pl.BlockSpec((BN, H2), lambda i: (i, 0)),
                  pl.BlockSpec((1, 1, BN), lambda i: (i, 0, 0)),
                  full((H, H)), full((1, H)), full((1, H)), full((1, H))],
        out_specs=[full((NG, H)), full((1, NG))],
        out_shape=[jax.ShapeDtypeStruct((NG, H), jnp.float32),
                   jax.ShapeDtypeStruct((1, NG), jnp.int32)],
        scratch_shapes=[pltpu.VMEM((NG, H), jnp.float32),
                        pltpu.VMEM((NG, 1), jnp.float32)],
    )(h, batch_r, gw, gbias, gg, gbeta)


def _edge_body(hsb, hdb, efb, srcb, starts, g, w1a, w1b, w1c, w1d, b1,
               w2, b2, w3, b3, ob):
    sv = srcb[0, 0, :]
    st = starts[0, :]
    ge = (sv[:, None] >= st[None, :]).astype(jnp.int32)
    bs = jnp.sum(ge, axis=1) - 1
    oh = (bs[:, None] ==
          lax.broadcasted_iota(jnp.int32, (BE, NG), 1)).astype(jnp.float32)
    g2 = jnp.dot(g[...], w1c[...], preferred_element_type=jnp.float32)
    t = (jnp.dot(hsb[...], w1a[...], preferred_element_type=jnp.float32)
         + jnp.dot(hdb[...], w1b[...], preferred_element_type=jnp.float32)
         + jnp.dot(efb[...], w1d[...], preferred_element_type=jnp.float32)
         + jnp.dot(oh, g2, preferred_element_type=jnp.float32)
         + b1[...])
    t = jnp.tanh(t)
    t = jnp.tanh(jnp.dot(t, w2[...], preferred_element_type=jnp.float32)
                 + b2[...])
    t = jnp.dot(t, w3[...], preferred_element_type=jnp.float32) + b3[...]
    ob[...] = 1.0 / (1.0 + jnp.exp(-t))


def _edge_mlp(hs, hd, ef, src_r, starts, g, w1a, w1b, w1c, w1d, b1, w2, b2,
              w3, b3):
    grid = E // BE
    full = lambda shape: pl.BlockSpec(shape, lambda i: (0,) * len(shape))
    return pl.pallas_call(
        _edge_body,
        grid=(grid,),
        in_specs=[pl.BlockSpec((BE, H), lambda i: (i, 0)),
                  pl.BlockSpec((BE, H), lambda i: (i, 0)),
                  pl.BlockSpec((BE, H), lambda i: (i, 0)),
                  pl.BlockSpec((1, 1, BE), lambda i: (i, 0, 0)),
                  full((1, NG)), full((NG, H)),
                  full((H, 2 * H)), full((H, 2 * H)), full((H, 2 * H)),
                  full((H, 2 * H)), full((1, 2 * H)),
                  full((2 * H, H)), full((1, H)), full((H, 1)), full((1, 1))],
        out_specs=pl.BlockSpec((BE, 1), lambda i: (i, 0)),
        out_shape=jax.ShapeDtypeStruct((E, 1), jnp.float32),
    )(hs, hd, ef, src_r, starts, g, w1a, w1b, w1c, w1d, b1, w2, b2, w3, b3)


def _sc_msg_body(h_hbm, ef_hbm, idx_hbm, out_hbm, sidx, rows0, rows1,
                 efb0, efb1, msg0, msg1, sg0, sg1, se0, se1, sw0, sw1,
                 *, with_ef, out_1d):
    c = lax.axis_index("c")
    sub = lax.axis_index("s")
    wid = sub * NC + c
    e0 = wid * EPW
    NCHUNK = KC1 // CH1

    def start_gather(jc, rows, sg):
        pltpu.async_copy(h_hbm.at[sidx.at[pl.ds(jc * CH1, CH1)]], rows, sg)

    def start_ef(goff, efb, se):
        if with_ef:
            pltpu.async_copy(ef_hbm.at[pl.ds(goff, CH1)], efb, se)

    def wait_g(rows, sem):
        pltpu.make_async_copy(h_hbm.at[sidx.at[pl.ds(0, CH1)]], rows,
                              sem).wait()

    def wait_e(efb, sem):
        pltpu.make_async_copy(ef_hbm.at[pl.ds(0, CH1)], efb, sem).wait()

    def wait_w(msg, sem):
        n = CH1 * H if out_1d else CH1
        pltpu.make_async_copy(msg, out_hbm.at[pl.ds(0, n)], sem).wait()

    def start_w(msg, goff, sw):
        if out_1d:
            pltpu.async_copy(
                msg, out_hbm.at[pl.ds(pl.multiple_of(goff * H, 8), CH1 * H)],
                sw)
        else:
            pltpu.async_copy(msg, out_hbm.at[pl.ds(goff, CH1)], sw)

    def compute(rows, efb, msg):
        @pl.loop(0, CH1)
        def _cmp(i):
            for j in range(H // L):
                v = rows[i, pl.ds(j * L, L)]
                if with_ef:
                    v = jnp.maximum(v + efb[i, pl.ds(j * L, L)], 0.0)
                if out_1d:
                    msg[pl.ds(i * H + j * L, L)] = v
                else:
                    msg[i, pl.ds(j * L, L)] = v

    @pl.loop(0, EPW // KC1)
    def _outer(ko):
        off = e0 + ko * KC1
        pltpu.sync_copy(idx_hbm.at[pl.ds(off, KC1)], sidx)
        start_gather(0, rows0, sg0)
        start_ef(off, efb0, se0)

        @pl.loop(0, NCHUNK)
        def _inner(jc):
            goff = pl.multiple_of(off + jc * CH1, 8)
            even = jc % 2 == 0

            @pl.when((jc + 1 < NCHUNK) & even)
            def _s1():
                start_gather(jc + 1, rows1, sg1)
                start_ef(goff + CH1, efb1, se1)

            @pl.when((jc + 1 < NCHUNK) & (~even))
            def _s0():
                start_gather(jc + 1, rows0, sg0)
                start_ef(goff + CH1, efb0, se0)

            @pl.when(even)
            def _c0():
                wait_g(rows0, sg0)
                if with_ef:
                    wait_e(efb0, se0)
                @pl.when(jc >= 2)
                def _wb():
                    wait_w(msg0, sw0)
                compute(rows0, efb0, msg0)
                start_w(msg0, goff, sw0)

            @pl.when(~even)
            def _c1():
                wait_g(rows1, sg1)
                if with_ef:
                    wait_e(efb1, se1)
                @pl.when(jc >= 2)
                def _wb():
                    wait_w(msg1, sw1)
                compute(rows1, efb1, msg1)
                start_w(msg1, goff, sw1)

        wait_w(msg1, sw1)
        wait_w(msg0, sw0)


def _sc_msg(h, ef, idx, with_ef, out_1d=False):
    mesh = plsc.VectorSubcoreMesh(core_axis_name="c", subcore_axis_name="s")
    sems = [pltpu.SemaphoreType.DMA] * 6
    oshape = (jax.ShapeDtypeStruct((E * H,), jnp.float32) if out_1d
              else jax.ShapeDtypeStruct((E, H), jnp.float32))
    mshape = ((CH1 * H,) if out_1d else (CH1, H))
    f = pl.kernel(
        functools.partial(_sc_msg_body, with_ef=with_ef, out_1d=out_1d),
        out_type=oshape,
        mesh=mesh,
        scratch_types=[pltpu.VMEM((KC1,), jnp.int32),
                       pltpu.VMEM((CH1, H2), jnp.float32),
                       pltpu.VMEM((CH1, H2), jnp.float32),
                       pltpu.VMEM((CH1, H), jnp.float32),
                       pltpu.VMEM((CH1, H), jnp.float32),
                       pltpu.VMEM(mshape, jnp.float32),
                       pltpu.VMEM(mshape, jnp.float32)] + sems,
    )
    return f(h, ef, idx)


def _sc_pair_body(h_hbm, src_hbm, dst_hbm, hs_hbm, hd_hbm, sidx,
                  rows0, rows1, msg0, msg1, sg0, sg1, sw0, sw1):
    c = lax.axis_index("c")
    sub = lax.axis_index("s")
    e0 = sub * EPT
    NCHUNK = KC1 // CH1

    def wait_g(rows, sem):
        pltpu.make_async_copy(h_hbm.at[sidx.at[pl.ds(0, CH1)]], rows,
                              sem).wait()

    def run(idx_hbm, out_hbm):
        def wait_w(msg, sem):
            pltpu.make_async_copy(msg, out_hbm.at[pl.ds(0, CH1)], sem).wait()

        def compute(rows, msg):
            @pl.loop(0, CH1)
            def _cmp(i):
                for j in range(H // L):
                    msg[i, pl.ds(j * L, L)] = rows[i, pl.ds(j * L, L)]

        @pl.loop(0, EPT // KC1)
        def _outer(ko):
            off = e0 + ko * KC1
            pltpu.sync_copy(idx_hbm.at[pl.ds(off, KC1)], sidx)
            pltpu.async_copy(h_hbm.at[sidx.at[pl.ds(0, CH1)]], rows0, sg0)

            @pl.loop(0, NCHUNK)
            def _inner(jc):
                goff = pl.multiple_of(off + jc * CH1, 8)
                even = jc % 2 == 0

                @pl.when((jc + 1 < NCHUNK) & even)
                def _s1():
                    pltpu.async_copy(
                        h_hbm.at[sidx.at[pl.ds((jc + 1) * CH1, CH1)]],
                        rows1, sg1)

                @pl.when((jc + 1 < NCHUNK) & (~even))
                def _s0():
                    pltpu.async_copy(
                        h_hbm.at[sidx.at[pl.ds((jc + 1) * CH1, CH1)]],
                        rows0, sg0)

                @pl.when(even)
                def _c0():
                    wait_g(rows0, sg0)
                    @pl.when(jc >= 2)
                    def _wb():
                        wait_w(msg0, sw0)
                    compute(rows0, msg0)
                    pltpu.async_copy(msg0, out_hbm.at[pl.ds(goff, CH1)], sw0)

                @pl.when(~even)
                def _c1():
                    wait_g(rows1, sg1)
                    @pl.when(jc >= 2)
                    def _wb():
                        wait_w(msg1, sw1)
                    compute(rows1, msg1)
                    pltpu.async_copy(msg1, out_hbm.at[pl.ds(goff, CH1)], sw1)

            wait_w(msg1, sw1)
            wait_w(msg0, sw0)

    @pl.when(c == 0)
    def _c0():
        run(src_hbm, hs_hbm)

    @pl.when(c == 1)
    def _c1():
        run(dst_hbm, hd_hbm)


def _sc_pair(h, src, dst):
    mesh = plsc.VectorSubcoreMesh(core_axis_name="c", subcore_axis_name="s")
    f = pl.kernel(
        _sc_pair_body,
        out_type=[jax.ShapeDtypeStruct((E, H), jnp.float32),
                  jax.ShapeDtypeStruct((E, H), jnp.float32)],
        mesh=mesh,
        scratch_types=[pltpu.VMEM((KC1,), jnp.int32),
                       pltpu.VMEM((CH1, H2), jnp.float32),
                       pltpu.VMEM((CH1, H2), jnp.float32),
                       pltpu.VMEM((CH1, H), jnp.float32),
                       pltpu.VMEM((CH1, H), jnp.float32),
                       pltpu.SemaphoreType.DMA, pltpu.SemaphoreType.DMA,
                       pltpu.SemaphoreType.DMA, pltpu.SemaphoreType.DMA],
    )
    return f(h, src, dst)


def _sc_seg_body(msg_hbm, dst_hbm, out_hbm, didx, lidx, mb0, mb1, mbc,
                 accum, sr0, sr1):
    c = lax.axis_index("c")
    sub = lax.axis_index("s")
    base = c * NHALF
    NCHUNK = KC2 // CH2

    @pl.loop(0, CH2)
    def _zr(i):
        for j in range(H // L):
            mbc[i, pl.ds(j * L, L)] = jnp.zeros((L,), jnp.float32)

    zpt = ACC // NS
    z0 = sub * zpt
    @pl.loop(0, zpt // CH2)
    def _zc(k):
        pltpu.sync_copy(mbc, accum.at[pl.ds(z0 + k * CH2, CH2)])
    pltpu.sync_copy(mbc.at[pl.ds(0, zpt % CH2)],
                    accum.at[pl.ds(z0 + (zpt // CH2) * CH2, zpt % CH2)])

    plsc.subcore_barrier()

    def wait_read(ref, sem):
        pltpu.make_async_copy(msg_hbm.at[pl.ds(0, CH2 * H)], ref, sem).wait()

    def compact_scatter(mb, jc):
        @pl.loop(0, CH2)
        def _cp(i):
            for j in range(H // L):
                mbc[i, pl.ds(j * L, L)] = mb[pl.ds(i * H + j * L, L)]
        pltpu.sync_copy(mbc, accum.at[lidx.at[jc]], add=True)

    e0 = sub * EPT
    @pl.loop(0, EPT // KC2)
    def _outer(ko):
        off = e0 + ko * KC2
        pltpu.sync_copy(dst_hbm.at[pl.ds(off, KC2)], didx)

        @pl.loop(0, NCHUNK)
        def _lix(r):
            for j in range(CH2 // L):
                v = didx[pl.ds(r * CH2 + j * L, L)] - base
                oob = (v < 0) | (v >= NHALF)
                lidx[r, pl.ds(j * L, L)] = jnp.where(oob, DUM, v)

        pltpu.async_copy(msg_hbm.at[pl.ds(pl.multiple_of(off * H, 8),
                                          CH2 * H)], mb0, sr0)

        @pl.loop(0, NCHUNK)
        def _inner(jc):
            goff = pl.multiple_of((off + jc * CH2) * H, 8)
            even = jc % 2 == 0

            @pl.when((jc + 1 < NCHUNK) & even)
            def _s1():
                pltpu.async_copy(msg_hbm.at[pl.ds(goff + CH2 * H, CH2 * H)],
                                 mb1, sr1)

            @pl.when((jc + 1 < NCHUNK) & (~even))
            def _s0():
                pltpu.async_copy(msg_hbm.at[pl.ds(goff + CH2 * H, CH2 * H)],
                                 mb0, sr0)

            @pl.when(even)
            def _c0():
                wait_read(mb0, sr0)
                compact_scatter(mb0, jc)

            @pl.when(~even)
            def _c1():
                wait_read(mb1, sr1)
                compact_scatter(mb1, jc)

    plsc.subcore_barrier()

    per_tec = NHALF // NS
    a0 = sub * per_tec
    @pl.loop(0, per_tec // CH2)
    def _co(k):
        a = pl.multiple_of(a0 + k * CH2, 8)
        pltpu.sync_copy(accum.at[pl.ds(a, CH2)], mbc)
        pltpu.sync_copy(mbc, out_hbm.at[pl.ds(pl.multiple_of(
            base + a, 8), CH2)])

    rem = per_tec % CH2
    a = pl.multiple_of(a0 + (per_tec // CH2) * CH2, 8)
    pltpu.sync_copy(accum.at[pl.ds(a, rem)], mbc.at[pl.ds(0, rem)])
    pltpu.sync_copy(mbc.at[pl.ds(0, rem)],
                    out_hbm.at[pl.ds(pl.multiple_of(base + a, 8), rem)])


def _sc_seg(msg, dst):
    mesh = plsc.VectorSubcoreMesh(core_axis_name="c", subcore_axis_name="s")
    f = pl.kernel(
        _sc_seg_body,
        out_type=jax.ShapeDtypeStruct((NP, H), jnp.float32),
        mesh=mesh,
        scratch_types=[pltpu.VMEM((KC2,), jnp.int32),
                       pltpu.VMEM((KC2 // CH2, CH2), jnp.int32),
                       pltpu.VMEM((CH2 * H,), jnp.float32),
                       pltpu.VMEM((CH2 * H,), jnp.float32),
                       pltpu.VMEM((CH2, H), jnp.float32),
                       pltpu.VMEM_SHARED((ACC, H), jnp.float32),
                       pltpu.SemaphoreType.DMA, pltpu.SemaphoreType.DMA],
        compiler_params=pltpu.CompilerParams(use_tc_tiling_on_sc=False),
    )
    return f(msg, dst)
def kernel(x, edge_index, edge_attr, batch, params):
    p = params
    src = edge_index[0]
    dst = edge_index[1]

    xp = jnp.pad(x, ((0, NP - N), (0, 5)))
    eap = jnp.pad(edge_attr, ((0, 0), (0, 5)))
    batch_r = jnp.pad(batch, (0, NP - N), constant_values=NG).reshape(
        NP // BN, 1, BN)
    src_r = src.reshape(E // BE, 1, BE)

    r1 = lambda a: a.reshape(1, -1)
    padw = lambda a: jnp.pad(a, ((0, 0), (0, H2 - H)))
    ne_w1 = jnp.pad(p['ne_w1'], ((0, 5), (0, 0)))
    ee_w1 = jnp.pad(p['ee_w1'], ((0, 5), (0, 0)))

    h = _encoder(xp, ne_w1, r1(p['ne_b1']), padw(p['ne_w2']),
                 padw(r1(p['ne_b2'])), padw(r1(p['ne_g'])),
                 padw(r1(p['ne_b'])), BN, wide=True)
    ef = _encoder(eap, ee_w1, r1(p['ee_b1']), p['ee_w2'], r1(p['ee_b2']),
                  r1(p['ee_g']), r1(p['ee_b']), BE, wide=False)

    for i in range(2):
        q = p['gin%d' % i]
        msg = _sc_msg(h, ef, src, with_ef=True, out_1d=True)
        aggr = _sc_seg(msg, dst)
        h = _gin_mlp(h, aggr, q['eps'].reshape(1, 1), q['w1'], r1(q['b1']),
                     padw(q['w2']), padw(r1(q['b2'])), padw(r1(q['g'])),
                     padw(r1(q['b'])), relu_out=(i == 0))

    g, starts = _pool(h, batch_r, p['gp_w'], r1(p['gp_b']), r1(p['gp_g']),
                      r1(p['gp_beta']))

    hs, hd = _sc_pair(h, src, dst)

    w1 = p['ep_w1']
    o = _edge_mlp(hs, hd, ef, src_r, starts, g,
                  w1[0:H], w1[H:2 * H], w1[2 * H:3 * H], w1[3 * H:4 * H],
                  r1(p['ep_b1']), p['ep_w2'], r1(p['ep_b2']), p['ep_w3'],
                  p['ep_b3'].reshape(1, 1))
    return o

# --- scband reference (transcript-rebuilt; emitter-appended) ---
"""Pipeline reference for scband-edge-ranking-gnn2-41875931136402 (READ-ONLY COPY).

The authoritative reference and input builder live on the scoring server;
editing this copy changes nothing except your own understanding.
"""

import jax, jax.numpy as jnp
import numpy as np

N = 50000
E = 800000
H = 64
NG = 8

def _lin(k, fan_in, fan_out):
    kw, kb = jax.random.split(k)
    bound = 1.0 / np.sqrt(fan_in)
    w = jax.random.uniform(kw, (fan_in, fan_out), jnp.float32, -bound, bound)
    b = jax.random.uniform(kb, (fan_out,), jnp.float32, -bound, bound)
    return w, b

def setup_inputs(seed: int = 0) -> dict:
    key = jax.random.key(seed)
    ks = jax.random.split(key, 24)
    x = jax.random.normal(ks[0], (N, 3), jnp.float32)
    edge_index = jax.random.randint(ks[1], (2, E), 0, N, jnp.int32)
    edge_attr = jax.random.normal(ks[2], (E, 3), jnp.float32)
    batch = jnp.sort(jax.random.randint(ks[3], (N,), 0, NG, jnp.int32))
    p = {}
    p['ne_w1'], p['ne_b1'] = _lin(ks[4], 3, H)
    p['ne_w2'], p['ne_b2'] = _lin(ks[5], H, H)
    p['ne_g'] = jnp.ones((H,), jnp.float32); p['ne_b'] = jnp.zeros((H,), jnp.float32)
    p['ee_w1'], p['ee_b1'] = _lin(ks[6], 3, H)
    p['ee_w2'], p['ee_b2'] = _lin(ks[7], H, H)
    p['ee_g'] = jnp.ones((H,), jnp.float32); p['ee_b'] = jnp.zeros((H,), jnp.float32)
    for i in range(2):
        q = {}
        q['w1'], q['b1'] = _lin(ks[8 + 2 * i], H, H)
        q['w2'], q['b2'] = _lin(ks[9 + 2 * i], H, H)
        q['g'] = jnp.ones((H,), jnp.float32); q['b'] = jnp.zeros((H,), jnp.float32)
        q['eps'] = jnp.zeros((), jnp.float32)
        p['gin%d' % i] = q
    p['gp_w'], p['gp_b'] = _lin(ks[12], H, H)
    p['gp_g'] = jnp.ones((H,), jnp.float32); p['gp_beta'] = jnp.zeros((H,), jnp.float32)
    p['ep_w1'], p['ep_b1'] = _lin(ks[13], H * 4, H * 2)
    p['ep_w2'], p['ep_b2'] = _lin(ks[14], H * 2, H)
    p['ep_w3'], p['ep_b3'] = _lin(ks[15], H, 1)
    return {'x': x, 'edge_index': edge_index, 'edge_attr': edge_attr, 'batch': batch, 'params': p}

def _ln(v, g, b):
    m = v.mean(-1, keepdims=True)
    var = v.var(-1, keepdims=True)
    return (v - m) / jnp.sqrt(var + 1e-5) * g + b

def _forward(x, edge_attr, params, edge_index, batch):
    p = params
    # node encoder (dropout = identity in eval)
    h = jax.nn.relu(x @ p['ne_w1'] + p['ne_b1'])
    h = h @ p['ne_w2'] + p['ne_b2']
    h = _ln(h, p['ne_g'], p['ne_b'])
    # edge encoder
    ef = jax.nn.relu(edge_attr @ p['ee_w1'] + p['ee_b1'])
    ef = ef @ p['ee_w2'] + p['ee_b2']
    ef = _ln(ef, p['ee_g'], p['ee_b'])
    src = edge_index[0]
    dst = edge_index[1]
    for i in range(2):
        q = p['gin%d' % i]
        msg = jax.nn.relu(h[src] + ef)
        aggr = jax.ops.segment_sum(msg, dst, num_segments=N)
        z = (1.0 + q['eps']) * h + aggr
        z = jax.nn.relu(z @ q['w1'] + q['b1'])
        z = z @ q['w2'] + q['b2']
        h = _ln(z, q['g'], q['b'])
        if i < 1:
            h = jax.nn.relu(h)
    # global mean pool
    counts = jax.ops.segment_sum(jnp.ones((N,), h.dtype), batch, num_segments=NG)
    gsum = jax.ops.segment_sum(h, batch, num_segments=NG)
    gmean = gsum / jnp.maximum(counts, 1.0)[:, None]
    g = jax.nn.relu(gmean @ p['gp_w'] + p['gp_b'])
    g = _ln(g, p['gp_g'], p['gp_beta'])
    # edge scores
    comb = jnp.concatenate([h[src], h[dst], g[batch[src]], ef], axis=-1)
    o = jnp.tanh(comb @ p['ep_w1'] + p['ep_b1'])
    o = jnp.tanh(o @ p['ep_w2'] + p['ep_b2'])
    o = jax.nn.sigmoid(o @ p['ep_w3'] + p['ep_b3'])
    return o

def reference(x, edge_index, edge_attr, batch, params):
    return _forward(x, edge_attr, params, edge_index, batch)

if __name__ == "__main__":
    import jax
    _d = setup_inputs()
    print(jax.jit(kernel)(*tuple(_d.values())))

</pallas_src>

<mosaic_0001>
#map = affine_map<(d0, d1) -> (0, 0)>
#map1 = affine_map<(d0, d1) -> (0)>
module attributes {stable_mosaic.version = 14 : i64} {
  func.func @_sc_msg_body(%arg0: i32, %arg1: i32, %arg2: memref<50176x128xf32, #tpu.memory_space<hbm>>, %arg3: memref<800000x64xf32, #tpu.memory_space<hbm>>, %arg4: memref<800000xi32, #tpu.memory_space<hbm>>, %arg5: memref<51200000xf32, #tpu.memory_space<hbm>>, %arg6: memref<1000xi32, #tpu.memory_space<vmem>>, %arg7: memref<40x128xf32, #tpu.memory_space<vmem>>, %arg8: memref<40x128xf32, #tpu.memory_space<vmem>>, %arg9: memref<40x64xf32, #tpu.memory_space<vmem>>, %arg10: memref<40x64xf32, #tpu.memory_space<vmem>>, %arg11: memref<2560xf32, #tpu.memory_space<vmem>>, %arg12: memref<2560xf32, #tpu.memory_space<vmem>>, %arg13: memref<!tpu.dma_semaphore, #tpu.memory_space<semaphore_mem>>, %arg14: memref<!tpu.dma_semaphore, #tpu.memory_space<semaphore_mem>>, %arg15: memref<!tpu.dma_semaphore, #tpu.memory_space<semaphore_mem>>, %arg16: memref<!tpu.dma_semaphore, #tpu.memory_space<semaphore_mem>>, %arg17: memref<!tpu.dma_semaphore, #tpu.memory_space<semaphore_mem>>, %arg18: memref<!tpu.dma_semaphore, #tpu.memory_space<semaphore_mem>>) attributes {dimension_semantics = [#tpu.dimension_semantics<core_parallel>, #tpu.dimension_semantics<subcore_parallel>], iteration_bounds = array<i64: 2, 16>, scalar_prefetch = 0 : i64, scratch_operands = 13 : i64, tpu.core_type = #tpu.core_type<sc_vector_subcore>, window_params = [{transform_indices = #map}, {transform_indices = #map}, {transform_indices = #map1}, {transform_indices = #map1}]} {
    %mul3A = arith.constant 2 : i32
    %mul3A_0 = arith.muli %arg1, %mul3A : i32
    %add3A = arith.addi %mul3A_0, %arg0 : i32
    %mul3A_1 = arith.constant 25000 : i32
    %mul3A_2 = arith.muli %add3A, %mul3A_1 : i32
    %scan3A = arith.constant 0 : i32
    %scan3A_3 = arith.constant 25 : i32
    %scan3A_4 = arith.addi %scan3A, %scan3A_3 : i32
    %scan3A_5 = arith.constant 1 : i32
    scf.for %scan3A_7 = %scan3A to %scan3A_4 step %scan3A_5  : i32 {
      %mul3A_8 = arith.constant 1 : i32
      %mul3A_9 = arith.muli %scan3A_7, %mul3A_8 : i32
      %add3A_10 = arith.constant 0 : i32
      %add3A_11 = arith.addi %add3A_10, %mul3A_9 : i32
      %mul3A_12 = arith.constant 1000 : i32
      %mul3A_13 = arith.muli %add3A_11, %mul3A_12 : i32
      %add3A_14 = arith.addi %mul3A_2, %mul3A_13 : i32
      "tpu.region"() ({
        %run_scoped3A = tpu.sem_alloc : memref<!tpu.dma_semaphore, #tpu.memory_space<semaphore_mem>>
        %dma_start3A_35 = tpu.memref_slice %arg4[%add3A_14] : memref<800000xi32, #tpu.memory_space<hbm>> -> memref<1000xi32, #tpu.memory_space<hbm>>
        %dma_start3A_36 = tpu.memref_slice %arg4[%add3A_14] : memref<800000xi32, #tpu.memory_space<hbm>> -> memref<1000xi32, #tpu.memory_space<hbm>>
        tpu.enqueue_dma source(%dma_start3A_36 : memref<1000xi32, #tpu.memory_space<hbm>>) target(%arg6 : memref<1000xi32, #tpu.memory_space<vmem>>) target_semaphore(%run_scoped3A : memref<!tpu.dma_semaphore, #tpu.memory_space<semaphore_mem>>)
        %dma_wait3A_37 = tpu.memref_slice %arg4[%add3A_14] : memref<800000xi32, #tpu.memory_space<hbm>> -> memref<1000xi32, #tpu.memory_space<hbm>>
        %dma_wait3A_38 = tpu.memref_slice %arg4[%add3A_14] : memref<800000xi32, #tpu.memory_space<hbm>> -> memref<1000xi32, #tpu.memory_space<hbm>>
        tpu.wait_dma2 semaphore(%run_scoped3A : memref<!tpu.dma_semaphore, #tpu.memory_space<semaphore_mem>>) src(%dma_wait3A_38 : memref<1000xi32, #tpu.memory_space<hbm>>) dst(%arg6 : memref<1000xi32, #tpu.memory_space<vmem>>)
        tpu.yield
      }) : () -> ()
      %dma_start3A = arith.constant 0 : i32
      %dma_start3A_15 = tpu.memref_slice %arg6[%dma_start3A] : memref<1000xi32, #tpu.memory_space<vmem>> -> memref<40xi32, #tpu.memory_space<vmem>>
      %dma_start3A_16 = arith.constant 0 : i32
      %dma_start3A_17 = arith.constant 0 : i32
      %dma_start3A_18 = tpu.memref_slice %arg2[%dma_start3A_16, %dma_start3A_17] : memref<50176x128xf32, #tpu.memory_space<hbm>> -> memref<50176x128xf32, #tpu.memory_space<hbm>>
      tpu.enqueue_indirect_dma source(%dma_start3A_18 : memref<50176x128xf32, #tpu.memory_space<hbm>>) target(%arg7 : memref<40x128xf32, #tpu.memory_space<vmem>>) offsets(%dma_start3A_15 : memref<40xi32, #tpu.memory_space<vmem>>) semaphore(%arg13 : memref<!tpu.dma_semaphore, #tpu.memory_space<semaphore_mem>>)
      %dma_start3A_19 = arith.constant 0 : i32
      %dma_start3A_20 = tpu.memref_slice %arg3[%add3A_14, %dma_start3A_19] : memref<800000x64xf32, #tpu.memory_space<hbm>> -> memref<40x64xf32, #tpu.memory_space<hbm>>
      %dma_start3A_21 = arith.constant 0 : i32
      %dma_start3A_22 = tpu.memref_slice %arg3[%add3A_14, %dma_start3A_21] : memref<800000x64xf32, #tpu.memory_space<hbm>> -> memref<40x64xf32, #tpu.memory_space<hbm>>
      tpu.enqueue_dma source(%dma_start3A_22 : memref<40x64xf32, #tpu.memory_space<hbm>>) target(%arg9 : memref<40x64xf32, #tpu.memory_space<vmem>>) target_semaphore(%arg15 : memref<!tpu.dma_semaphore, #tpu.memory_space<semaphore_mem>>)
      %scan3A_23 = arith.constant 0 : i32
      %scan3A_24 = arith.constant 25 : i32
      %scan3A_25 = arith.addi %scan3A_23, %scan3A_24 : i32
      %scan3A_26 = arith.constant 1 : i32
      scf.for %scan3A_35 = %scan3A_23 to %scan3A_25 step %scan3A_26  : i32 {
        %mul3A_36 = arith.constant 1 : i32
        %mul3A_37 = arith.muli %scan3A_35, %mul3A_36 : i32
        %add3A_38 = arith.constant 0 : i32
        %add3A_39 = arith.addi %add3A_38, %mul3A_37 : i32
        %mul3A_40 = arith.constant 40 : i32
        %mul3A_41 = arith.muli %add3A_39, %mul3A_40 : i32
        %add3A_42 = arith.addi %add3A_14, %mul3A_41 : i32
        %multiple_of3A = tpu.assume_multiple %add3A_42, 8 : i32
        %jit3A = arith.constant 2 : i32
        %eq3A = arith.constant 0 : i32
        %eq3A_43 = arith.cmpi eq, %jit3A, %eq3A : i32
        %jit3A_44 = arith.constant 1 : i32
        %select_n3A = arith.select %eq3A_43, %jit3A_44, %jit3A : i32
        %rem3A = arith.remsi %add3A_39, %select_n3A : i32
        %ne3A = arith.constant 0 : i32
        %ne3A_45 = arith.cmpi ne, %rem3A, %ne3A : i32
        %lt3A = arith.constant 0 : i32
        %lt3A_46 = arith.cmpi slt, %rem3A, %lt3A : i32
        %lt3A_47 = arith.constant 0 : i32
        %lt3A_48 = arith.cmpi slt, %select_n3A, %lt3A_47 : i32
        %ne3A_49 = arith.xori %lt3A_46, %lt3A_48 : i1
        %and3A = arith.andi %ne3A_49, %ne3A_45 : i1
        %add3A_50 = arith.addi %rem3A, %select_n3A : i32
        %select_n3A_51 = arith.select %and3A, %add3A_50, %rem3A : i32
        %eq3A_52 = arith.constant 0 : i32
        %eq3A_53 = arith.cmpi eq, %select_n3A_51, %eq3A_52 : i32
        %add3A_54 = arith.constant 1 : i32
        %add3A_55 = arith.addi %add3A_39, %add3A_54 : i32
        %lt3A_56 = arith.constant 25 : i32
        %lt3A_57 = arith.cmpi slt, %add3A_55, %lt3A_56 : i32
        %and3A_58 = arith.andi %lt3A_57, %eq3A_53 : i1
        %convert_element_type3A = arith.extui %and3A_58 : i1 to i32
        %cond3A = arith.constant 0 : i32
        %cond3A_59 = arith.cmpi ne, %convert_element_type3A, %cond3A : i32
        scf.if %cond3A_59 {
          %add3A_77 = arith.constant 1 : i32
          %add3A_78 = arith.addi %add3A_39, %add3A_77 : i32
          %mul3A_79 = arith.constant 40 : i32
          %mul3A_80 = arith.muli %add3A_78, %mul3A_79 : i32
          %dma_start3A_81 = tpu.memref_slice %arg6[%mul3A_80] : memref<1000xi32, #tpu.memory_space<vmem>> -> memref<40xi32, #tpu.memory_space<vmem>>
          %dma_start3A_82 = arith.constant 0 : i32
          %dma_start3A_83 = arith.constant 0 : i32
          %dma_start3A_84 = tpu.memref_slice %arg2[%dma_start3A_82, %dma_start3A_83] : memref<50176x128xf32, #tpu.memory_space<hbm>> -> memref<50176x128xf32, #tpu.memory_space<hbm>>
          tpu.enqueue_indirect_dma source(%dma_start3A_84 : memref<50176x128xf32, #tpu.memory_space<hbm>>) target(%arg8 : memref<40x128xf32, #tpu.memory_space<vmem>>) offsets(%dma_start3A_81 : memref<40xi32, #tpu.memory_space<vmem>>) semaphore(%arg14 : memref<!tpu.dma_semaphore, #tpu.memory_space<semaphore_mem>>)
          %add3A_85 = arith.constant 40 : i32
          %add3A_86 = arith.addi %multiple_of3A, %add3A_85 : i32
          %dma_start3A_87 = arith.constant 0 : i32
          %dma_start3A_88 = tpu.memref_slice %arg3[%add3A_86, %dma_start3A_87] : memref<800000x64xf32, #tpu.memory_space<hbm>> -> memref<40x64xf32, #tpu.memory_space<hbm>>
          %dma_start3A_89 = arith.constant 0 : i32
          %dma_start3A_90 = tpu.memref_slice %arg3[%add3A_86, %dma_start3A_89] : memref<800000x64xf32, #tpu.memory_space<hbm>> -> memref<40x64xf32, #tpu.memory_space<hbm>>
          tpu.enqueue_dma source(%dma_start3A_90 : memref<40x64xf32, #tpu.memory_space<hbm>>) target(%arg10 : memref<40x64xf32, #tpu.memory_space<vmem>>) target_semaphore(%arg16 : memref<!tpu.dma_semaphore, #tpu.memory_space<semaphore_mem>>)
        } else {
        }
        %add3A_60 = arith.constant 1 : i32
        %add3A_61 = arith.addi %add3A_39, %add3A_60 : i32
        %lt3A_62 = arith.constant 25 : i32
        %lt3A_63 = arith.cmpi slt, %add3A_61, %lt3A_62 : i32
        %not3A = arith.constant true
        %not3A_64 = arith.xori %eq3A_53, %not3A : i1
        %and3A_65 = arith.andi %lt3A_63, %not3A_64 : i1
        %convert_element_type3A_66 = arith.extui %and3A_65 : i1 to i32
        %cond3A_67 = arith.constant 0 : i32
        %cond3A_68 = arith.cmpi ne, %convert_element_type3A_66, %cond3A_67 : i32
        scf.if %cond3A_68 {
          %add3A_77 = arith.constant 1 : i32
          %add3A_78 = arith.addi %add3A_39, %add3A_77 : i32
          %mul3A_79 = arith.constant 40 : i32
          %mul3A_80 = arith.muli %add3A_78, %mul3A_79 : i32
          %dma_start3A_81 = tpu.memref_slice %arg6[%mul3A_80] : memref<1000xi32, #tpu.memory_space<vmem>> -> memref<40xi32, #tpu.memory_space<vmem>>
          %dma_start3A_82 = arith.constant 0 : i32
          %dma_start3A_83 = arith.constant 0 : i32
          %dma_start3A_84 = tpu.memref_slice %arg2[%dma_start3A_82, %dma_start3A_83] : memref<50176x128xf32, #tpu.memory_space<hbm>> -> memref<50176x128xf32, #tpu.memory_space<hbm>>
          tpu.enqueue_indirect_dma source(%dma_start3A_84 : memref<50176x128xf32, #tpu.memory_space<hbm>>) target(%arg7 : memref<40x128xf32, #tpu.memory_space<vmem>>) offsets(%dma_start3A_81 : memref<40xi32, #tpu.memory_space<vmem>>) semaphore(%arg13 : memref<!tpu.dma_semaphore, #tpu.memory_space<semaphore_mem>>)
          %add3A_85 = arith.constant 40 : i32
          %add3A_86 = arith.addi %multiple_of3A, %add3A_85 : i32
          %dma_start3A_87 = arith.constant 0 : i32
          %dma_start3A_88 = tpu.memref_slice %arg3[%add3A_86, %dma_start3A_87] : memref<800000x64xf32, #tpu.memory_space<hbm>> -> memref<40x64xf32, #tpu.memory_space<hbm>>
          %dma_start3A_89 = arith.constant 0 : i32
          %dma_start3A_90 = tpu.memref_slice %arg3[%add3A_86, %dma_start3A_89] : memref<800000x64xf32, #tpu.memory_space<hbm>> -> memref<40x64xf32, #tpu.memory_space<hbm>>
          tpu.enqueue_dma source(%dma_start3A_90 : memref<40x64xf32, #tpu.memory_space<hbm>>) target(%arg9 : memref<40x64xf32, #tpu.memory_space<vmem>>) target_semaphore(%arg15 : memref<!tpu.dma_semaphore, #tpu.memory_space<semaphore_mem>>)
        } else {
        }
        %convert_element_type3A_69 = arith.extui %eq3A_53 : i1 to i32
        %cond3A_70 = arith.constant 0 : i32
        %cond3A_71 = arith.cmpi ne, %convert_element_type3A_69, %cond3A_70 : i32
        scf.if %cond3A_71 {
          %dma_wait3A_77 = arith.constant 0 : i32
          %dma_wait3A_78 = tpu.memref_slice %arg6[%dma_wait3A_77] : memref<1000xi32, #tpu.memory_space<vmem>> -> memref<40xi32, #tpu.memory_space<vmem>>
          %dma_wait3A_79 = arith.constant 0 : i32
          %dma_wait3A_80 = arith.constant 0 : i32
          %dma_wait3A_81 = tpu.memref_slice %arg2[%dma_wait3A_79, %dma_wait3A_80] : memref<50176x128xf32, #tpu.memory_space<hbm>> -> memref<50176x128xf32, #tpu.memory_space<hbm>>
          tpu.wait_indirect_dma semaphore(%arg13 : memref<!tpu.dma_semaphore, #tpu.memory_space<semaphore_mem>>) src(%dma_wait3A_81 : memref<50176x128xf32, #tpu.memory_space<hbm>>) dst(%arg7 : memref<40x128xf32, #tpu.memory_space<vmem>>)
          %dma_wait3A_82 = arith.constant 0 : i32
          %dma_wait3A_83 = arith.constant 0 : i32
          %dma_wait3A_84 = tpu.memref_slice %arg3[%dma_wait3A_82, %dma_wait3A_83] : memref<800000x64xf32, #tpu.memory_space<hbm>> -> memref<40x64xf32, #tpu.memory_space<hbm>>
          %dma_wait3A_85 = arith.constant 0 : i32
          %dma_wait3A_86 = arith.constant 0 : i32
          %dma_wait3A_87 = tpu.memref_slice %arg3[%dma_wait3A_85, %dma_wait3A_86] : memref<800000x64xf32, #tpu.memory_space<hbm>> -> memref<40x64xf32, #tpu.memory_space<hbm>>
          tpu.wait_dma2 semaphore(%arg15 : memref<!tpu.dma_semaphore, #tpu.memory_space<semaphore_mem>>) src(%dma_wait3A_87 : memref<40x64xf32, #tpu.memory_space<hbm>>) dst(%arg9 : memref<40x64xf32, #tpu.memory_space<vmem>>)
          %ge3A = arith.constant 2 : i32
          %ge3A_88 = arith.cmpi sge, %add3A_39, %ge3A : i32
          %convert_element_type3A_89 = arith.extui %ge3A_88 : i1 to i32
          %cond3A_90 = arith.constant 0 : i32
          %cond3A_91 = arith.cmpi ne, %convert_element_type3A_89, %cond3A_90 : i32
          scf.if %cond3A_91 {
            %dma_wait3A_102 = arith.constant 0 : i32
            %dma_wait3A_103 = tpu.memref_slice %arg5[%dma_wait3A_102] : memref<51200000xf32, #tpu.memory_space<hbm>> -> memref<2560xf32, #tpu.memory_space<hbm>>
            %dma_wait3A_104 = arith.constant 0 : i32
            %dma_wait3A_105 = tpu.memref_slice %arg5[%dma_wait3A_104] : memref<51200000xf32, #tpu.memory_space<hbm>> -> memref<2560xf32, #tpu.memory_space<hbm>>
            tpu.wait_dma2 semaphore(%arg17 : memref<!tpu.dma_semaphore, #tpu.memory_space<semaphore_mem>>) src(%arg11 : memref<2560xf32, #tpu.memory_space<vmem>>) dst(%dma_wait3A_105 : memref<2560xf32, #tpu.memory_space<hbm>>)
          } else {
          }
          %scan3A_92 = arith.constant 0 : i32
          %scan3A_93 = arith.constant 40 : i32
          %scan3A_94 = arith.addi %scan3A_92, %scan3A_93 : i32
          %scan3A_95 = arith.constant 1 : i32
          scf.for %scan3A_102 = %scan3A_92 to %scan3A_94 step %scan3A_95  : i32 {
            %mul3A_103 = arith.constant 1 : i32
            %mul3A_104 = arith.muli %scan3A_102, %mul3A_103 : i32
            %add3A_105 = arith.constant 0 : i32
            %add3A_106 = arith.addi %add3A_105, %mul3A_104 : i32
            %get3A = arith.index_cast %add3A_106 : i32 to index
            %get3A_107 = arith.constant 0 : index
            %get3A_108 = tpu.vector_load %arg7[%get3A, %get3A_107] {strides = array<i32>} : memref<40x128xf32, #tpu.memory_space<vmem>>, vector<1x16xf32>,
            %get3A_109 = vector.shape_cast %get3A_108 : vector<1x16xf32> to vector<16xf32>
            %get3A_110 = arith.index_cast %add3A_106 : i32 to index
            %get3A_111 = arith.constant 0 : index
            %get3A_112 = tpu.vector_load %arg9[%get3A_110, %get3A_111] {strides = array<i32>} : memref<40x64xf32, #tpu.memory_space<vmem>>, vector<1x16xf32>,
            %get3A_113 = vector.shape_cast %get3A_112 : vector<1x16xf32> to vector<16xf32>
            %add3A_114 = arith.addf %get3A_109, %get3A_113 : vector<16xf32>
            %max3A = arith.constant 0.000000e+00 : f32
            %max3A_115 = vector.broadcast %max3A : f32 to vector<16xf32>
            %max3A_116 = arith.maximumf %add3A_114, %max3A_115 : vector<16xf32>
            %mul3A_117 = arith.constant 64 : i32
            %mul3A_118 = arith.muli %add3A_106, %mul3A_117 : i32
            %add3A_119 = arith.constant 0 : i32
            %add3A_120 = arith.addi %mul3A_118, %add3A_119 : i32
            %swap3A = arith.index_cast %add3A_120 : i32 to index
            %swap3A_121 = tpu.vector_load %arg11[%swap3A] {strides = array<i32>} : memref<2560xf32, #tpu.memory_space<vmem>>, vector<16xf32>,
            %swap3A_122 = vector.shape_cast %swap3A_121 : vector<16xf32> to vector<16xf32>
            %swap3A_123 = vector.shape_cast %max3A_116 : vector<16xf32> to vector<16xf32>
            tpu.vector_store %arg11[%swap3A], %swap3A_123 {strides = array<i32>} : memref<2560xf32, #tpu.memory_space<vmem>>, vector<16xf32>,
            %get3A_124 = arith.index_cast %add3A_106 : i32 to index
            %get3A_125 = arith.constant 16 : index
            %get3A_126 = tpu.vector_load %arg7[%get3A_124, %get3A_125] {strides = array<i32>} : memref<40x128xf32, #tpu.memory_space<vmem>>, vector<1x16xf32>,
            %get3A_127 = vector.shape_cast %get3A_126 : vector<1x16xf32> to vector<16xf32>
            %get3A_128 = arith.index_cast %add3A_106 : i32 to index
            %get3A_129 = arith.constant 16 : index
            %get3A_130 = tpu.vector_load %arg9[%get3A_128, %get3A_129] {strides = array<i32>} : memref<40x64xf32, #tpu.memory_space<vmem>>, vector<1x16xf32>,
            %get3A_131 = vector.shape_cast %get3A_130 : vector<1x16xf32> to vector<16xf32>
            %add3A_132 = arith.addf %get3A_127, %get3A_131 : vector<16xf32>
            %max3A_133 = arith.constant 0.000000e+00 : f32
            %max3A_134 = vector.broadcast %max3A_133 : f32 to vector<16xf32>
            %max3A_135 = arith.maximumf %add3A_132, %max3A_134 : vector<16xf32>
            %mul3A_136 = arith.constant 64 : i32
            %mul3A_137 = arith.muli %add3A_106, %mul3A_136 : i32
            %add3A_138 = arith.constant 16 : i32
            %add3A_139 = arith.addi %mul3A_137, %add3A_138 : i32
            %swap3A_140 = arith.index_cast %add3A_139 : i32 to index
            %swap3A_141 = tpu.vector_load %arg11[%swap3A_140] {strides = array<i32>} : memref<2560xf32, #tpu.memory_space<vmem>>, vector<16xf32>,
            %swap3A_142 = vector.shape_cast %swap3A_141 : vector<16xf32> to vector<16xf32>
            %swap3A_143 = vector.shape_cast %max3A_135 : vector<16xf32> to vector<16xf32>
            tpu.vector_store %arg11[%swap3A_140], %swap3A_143 {strides = array<i32>} : memref<2560xf32, #tpu.memory_space<vmem>>, vector<16xf32>,
            %get3A_144 = arith.index_cast %add3A_106 : i32 to index
            %get3A_145 = arith.constant 32 : index
            %get3A_146 = tpu.vector_load %arg7[%get3A_144, %get3A_145] {strides = array<i32>} : memref<40x128xf32, #tpu.memory_space<vmem>>, vector<1x16xf32>,
            %get3A_147 = vector.shape_cast %get3A_146 : vector<1x16xf32> to vector<16xf32>
            %get3A_148 = arith.index_cast %add3A_106 : i32 to index
            %get3A_149 = arith.constant 32 : index
            %get3A_150 = tpu.vector_load %arg9[%get3A_148, %get3A_149] {strides = array<i32>} : memref<40x64xf32, #tpu.memory_space<vmem>>, vector<1x16xf32>,
            %get3A_151 = vector.shape_cast %get3A_150 : vector<1x16xf32> to vector<16xf32>
            %add3A_152 = arith.addf %get3A_147, %get3A_151 : vector<16xf32>
            %max3A_153 = arith.constant 0.000000e+00 : f32
            %max3A_154 = vector.broadcast %max3A_153 : f32 to vector<16xf32>
            %max3A_155 = arith.maximumf %add3A_152, %max3A_154 : vector<16xf32>
            %mul3A_156 = arith.constant 64 : i32
            %mul3A_157 = arith.muli %add3A_106, %mul3A_156 : i32
            %add3A_158 = arith.constant 32 : i32
            %add3A_159 = arith.addi %mul3A_157, %add3A_158 : i32
            %swap3A_160 = arith.index_cast %add3A_159 : i32 to index
            %swap3A_161 = tpu.vector_load %arg11[%swap3A_160] {strides = array<i32>} : memref<2560xf32, #tpu.memory_space<vmem>>, vector<16xf32>,
            %swap3A_162 = vector.shape_cast %swap3A_161 : vector<16xf32> to vector<16xf32>
            %swap3A_163 = vector.shape_cast %max3A_155 : vector<16xf32> to vector<16xf32>
            tpu.vector_store %arg11[%swap3A_160], %swap3A_163 {strides = array<i32>} : memref<2560xf32, #tpu.memory_space<vmem>>, vector<16xf32>,
            %get3A_164 = arith.index_cast %add3A_106 : i32 to index
            %get3A_165 = arith.constant 48 : index
            %get3A_166 = tpu.vector_load %arg7[%get3A_164, %get3A_165] {strides = array<i32>} : memref<40x128xf32, #tpu.memory_space<vmem>>, vector<1x16xf32>,
            %get3A_167 = vector.shape_cast %get3A_166 : vector<1x16xf32> to vector<16xf32>
            %get3A_168 = arith.index_cast %add3A_106 : i32 to index
            %get3A_169 = arith.constant 48 : index
            %get3A_170 = tpu.vector_load %arg9[%get3A_168, %get3A_169] {strides = array<i32>} : memref<40x64xf32, #tpu.memory_space<vmem>>, vector<1x16xf32>,
            %get3A_171 = vector.shape_cast %get3A_170 : vector<1x16xf32> to vector<16xf32>
            %add3A_172 = arith.addf %get3A_167, %get3A_171 : vector<16xf32>
            %max3A_173 = arith.constant 0.000000e+00 : f32
            %max3A_174 = vector.broadcast %max3A_173 : f32 to vector<16xf32>
            %max3A_175 = arith.maximumf %add3A_172, %max3A_174 : vector<16xf32>
            %mul3A_176 = arith.constant 64 : i32
            %mul3A_177 = arith.muli %add3A_106, %mul3A_176 : i32
            %add3A_178 = arith.constant 48 : i32
            %add3A_179 = arith.addi %mul3A_177, %add3A_178 : i32
            %swap3A_180 = arith.index_cast %add3A_179 : i32 to index
            %swap3A_181 = tpu.vector_load %arg11[%swap3A_180] {strides = array<i32>} : memref<2560xf32, #tpu.memory_space<vmem>>, vector<16xf32>,
            %swap3A_182 = vector.shape_cast %swap3A_181 : vector<16xf32> to vector<16xf32>
            %swap3A_183 = vector.shape_cast %max3A_175 : vector<16xf32> to vector<16xf32>
            tpu.vector_store %arg11[%swap3A_180], %swap3A_183 {strides = array<i32>} : memref<2560xf32, #tpu.memory_space<vmem>>, vector<16xf32>,
          }
          %scan3A_96 = arith.constant 40 : i32
          %mul3A_97 = arith.constant 64 : i32
          %mul3A_98 = arith.muli %multiple_of3A, %mul3A_97 : i32
          %multiple_of3A_99 = tpu.assume_multiple %mul3A_98, 8 : i32
          %dma_start3A_100 = tpu.memref_slice %arg5[%multiple_of3A_99] : memref<51200000xf32, #tpu.memory_space<hbm>> -> memref<2560xf32, #tpu.memory_space<hbm>>
          %dma_start3A_101 = tpu.memref_slice %arg5[%multiple_of3A_99] : memref<51200000xf32, #tpu.memory_space<hbm>> -> memref<2560xf32, #tpu.memory_space<hbm>>
          tpu.enqueue_dma source(%arg11 : memref<2560xf32, #tpu.memory_space<vmem>>) target(%dma_start3A_101 : memref<2560xf32, #tpu.memory_space<hbm>>) target_semaphore(%arg17 : memref<!tpu.dma_semaphore, #tpu.memory_space<semaphore_mem>>)
        } else {
        }
        %not3A_72 = arith.constant true
        %not3A_73 = arith.xori %eq3A_53, %not3A_72 : i1
        %convert_element_type3A_74 = arith.extui %not3A_73 : i1 to i32
        %cond3A_75 = arith.constant 0 : i32
        %cond3A_76 = arith.cmpi ne, %convert_element_type3A_74, %cond3A_75 : i32
        scf.if %cond3A_76 {
          %dma_wait3A_77 = arith.constant 0 : i32
          %dma_wait3A_78 = tpu.memref_slice %arg6[%dma_wait3A_77] : memref<1000xi32, #tpu.memory_space<vmem>> -> memref<40xi32, #tpu.memory_space<vmem>>
          %dma_wait3A_79 = arith.constant 0 : i32
          %dma_wait3A_80 = arith.constant 0 : i32
          %dma_wait3A_81 = tpu.memref_slice %arg2[%dma_wait3A_79, %dma_wait3A_80] : memref<50176x128xf32, #tpu.memory_space<hbm>> -> memref<50176x128xf32, #tpu.memory_space<hbm>>
          tpu.wait_indirect_dma semaphore(%arg14 : memref<!tpu.dma_semaphore, #tpu.memory_space<semaphore_mem>>) src(%dma_wait3A_81 : memref<50176x128xf32, #tpu.memory_space<hbm>>) dst(%arg8 : memref<40x128xf32, #tpu.memory_space<vmem>>)
          %dma_wait3A_82 = arith.constant 0 : i32
          %dma_wait3A_83 = arith.constant 0 : i32
          %dma_wait3A_84 = tpu.memref_slice %arg3[%dma_wait3A_82, %dma_wait3A_83] : memref<800000x64xf32, #tpu.memory_space<hbm>> -> memref<40x64xf32, #tpu.memory_space<hbm>>
          %dma_wait3A_85 = arith.constant 0 : i32
          %dma_wait3A_86 = arith.constant 0 : i32
          %dma_wait3A_87 = tpu.memref_slice %arg3[%dma_wait3A_85, %dma_wait3A_86] : memref<800000x64xf32, #tpu.memory_space<hbm>> -> memref<40x64xf32, #tpu.memory_space<hbm>>
          tpu.wait_dma2 semaphore(%arg16 : memref<!tpu.dma_semaphore, #tpu.memory_space<semaphore_mem>>) src(%dma_wait3A_87 : memref<40x64xf32, #tpu.memory_space<hbm>>) dst(%arg10 : memref<40x64xf32, #tpu.memory_space<vmem>>)
          %ge3A = arith.constant 2 : i32
          %ge3A_88 = arith.cmpi sge, %add3A_39, %ge3A : i32
          %convert_element_type3A_89 = arith.extui %ge3A_88 : i1 to i32
          %cond3A_90 = arith.constant 0 : i32
          %cond3A_91 = arith.cmpi ne, %convert_element_type3A_89, %cond3A_90 : i32
          scf.if %cond3A_91 {
            %dma_wait3A_102 = arith.constant 0 : i32
            %dma_wait3A_103 = tpu.memref_slice %arg5[%dma_wait3A_102] : memref<51200000xf32, #tpu.memory_space<hbm>> -> memref<2560xf32, #tpu.memory_space<hbm>>
            %dma_wait3A_104 = arith.constant 0 : i32
            %dma_wait3A_105 = tpu.memref_slice %arg5[%dma_wait3A_104] : memref<51200000xf32, #tpu.memory_space<hbm>> -> memref<2560xf32, #tpu.memory_space<hbm>>
            tpu.wait_dma2 semaphore(%arg18 : memref<!tpu.dma_semaphore, #tpu.memory_space<semaphore_mem>>) src(%arg12 : memref<2560xf32, #tpu.memory_space<vmem>>) dst(%dma_wait3A_105 : memref<2560xf32, #tpu.memory_space<hbm>>)
          } else {
          }
          %scan3A_92 = arith.constant 0 : i32
          %scan3A_93 = arith.constant 40 : i32
          %scan3A_94 = arith.addi %scan3A_92, %scan3A_93 : i32
          %scan3A_95 = arith.constant 1 : i32
          scf.for %scan3A_102 = %scan3A_92 to %scan3A_94 step %scan3A_95  : i32 {
            %mul3A_103 = arith.constant 1 : i32
            %mul3A_104 = arith.muli %scan3A_102, %mul3A_103 : i32
            %add3A_105 = arith.constant 0 : i32
            %add3A_106 = arith.addi %add3A_105, %mul3A_104 : i32
            %get3A = arith.index_cast %add3A_106 : i32 to index
            %get3A_107 = arith.constant 0 : index
            %get3A_108 = tpu.vector_load %arg8[%get3A, %get3A_107] {strides = array<i32>} : memref<40x128xf32, #tpu.memory_space<vmem>>, vector<1x16xf32>,
            %get3A_109 = vector.shape_cast %get3A_108 : vector<1x16xf32> to vector<16xf32>
            %get3A_110 = arith.index_cast %add3A_106 : i32 to index
            %get3A_111 = arith.constant 0 : index
            %get3A_112 = tpu.vector_load %arg10[%get3A_110, %get3A_111] {strides = array<i32>} : memref<40x64xf32, #tpu.memory_space<vmem>>, vector<1x16xf32>,
            %get3A_113 = vector.shape_cast %get3A_112 : vector<1x16xf32> to vector<16xf32>
            %add3A_114 = arith.addf %get3A_109, %get3A_113 : vector<16xf32>
            %max3A = arith.constant 0.000000e+00 : f32
            %max3A_115 = vector.broadcast %max3A : f32 to vector<16xf32>
            %max3A_116 = arith.maximumf %add3A_114, %max3A_115 : vector<16xf32>
            %mul3A_117 = arith.constant 64 : i32
            %mul3A_118 = arith.muli %add3A_106, %mul3A_117 : i32
            %add3A_119 = arith.constant 0 : i32
            %add3A_120 = arith.addi %mul3A_118, %add3A_119 : i32
            %swap3A = arith.index_cast %add3A_120 : i32 to index
            %swap3A_121 = tpu.vector_load %arg12[%swap3A] {strides = array<i32>} : memref<2560xf32, #tpu.memory_space<vmem>>, vector<16xf32>,
            %swap3A_122 = vector.shape_cast %swap3A_121 : vector<16xf32> to vector<16xf32>
            %swap3A_123 = vector.shape_cast %max3A_116 : vector<16xf32> to vector<16xf32>
            tpu.vector_store %arg12[%swap3A], %swap3A_123 {strides = array<i32>} : memref<2560xf32, #tpu.memory_space<vmem>>, vector<16xf32>,
            %get3A_124 = arith.index_cast %add3A_106 : i32 to index
            %get3A_125 = arith.constant 16 : index
            %get3A_126 = tpu.vector_load %arg8[%get3A_124, %get3A_125] {strides = array<i32>} : memref<40x128xf32, #tpu.memory_space<vmem>>, vector<1x16xf32>,
            %get3A_127 = vector.shape_cast %get3A_126 : vector<1x16xf32> to vector<16xf32>
            %get3A_128 = arith.index_cast %add3A_106 : i32 to index
            %get3A_129 = arith.constant 16 : index
            %get3A_130 = tpu.vector_load %arg10[%get3A_128, %get3A_129] {strides = array<i32>} : memref<40x64xf32, #tpu.memory_space<vmem>>, vector<1x16xf32>,
            %get3A_131 = vector.shape_cast %get3A_130 : vector<1x16xf32> to vector<16xf32>
            %add3A_132 = arith.addf %get3A_127, %get3A_131 : vector<16xf32>
            %max3A_133 = arith.constant 0.000000e+00 : f32
            %max3A_134 = vector.broadcast %max3A_133 : f32 to vector<16xf32>
            %max3A_135 = arith.maximumf %add3A_132, %max3A_134 : vector<16xf32>
            %mul3A_136 = arith.constant 64 : i32
            %mul3A_137 = arith.muli %add3A_106, %mul3A_136 : i32
            %add3A_138 = arith.constant 16 : i32
            %add3A_139 = arith.addi %mul3A_137, %add3A_138 : i32
            %swap3A_140 = arith.index_cast %add3A_139 : i32 to index
            %swap3A_141 = tpu.vector_load %arg12[%swap3A_140] {strides = array<i32>} : memref<2560xf32, #tpu.memory_space<vmem>>, vector<16xf32>,
            %swap3A_142 = vector.shape_cast %swap3A_141 : vector<16xf32> to vector<16xf32>
            %swap3A_143 = vector.shape_cast %max3A_135 : vector<16xf32> to vector<16xf32>
            tpu.vector_store %arg12[%swap3A_140], %swap3A_143 {strides = array<i32>} : memref<2560xf32, #tpu.memory_space<vmem>>, vector<16xf32>,
            %get3A_144 = arith.index_cast %add3A_106 : i32 to index
            %get3A_145 = arith.constant 32 : index
            %get3A_146 = tpu.vector_load %arg8[%get3A_144, %get3A_145] {strides = array<i32>} : memref<40x128xf32, #tpu.memory_space<vmem>>, vector<1x16xf32>,
            %get3A_147 = vector.shape_cast %get3A_146 : vector<1x16xf32> to vector<16xf32>
            %get3A_148 = arith.index_cast %add3A_106 : i32 to index
            %get3A_149 = arith.constant 32 : index
            %get3A_150 = tpu.vector_load %arg10[%get3A_148, %get3A_149] {strides = array<i32>} : memref<40x64xf32, #tpu.memory_space<vmem>>, vector<1x16xf32>,
            %get3A_151 = vector.shape_cast %get3A_150 : vector<1x16xf32> to vector<16xf32>
            %add3A_152 = arith.addf %get3A_147, %get3A_151 : vector<16xf32>
            %max3A_153 = arith.constant 0.000000e+00 : f32
            %max3A_154 = vector.broadcast %max3A_153 : f32 to vector<16xf32>
            %max3A_155 = arith.maximumf %add3A_152, %max3A_154 : vector<16xf32>
            %mul3A_156 = arith.constant 64 : i32
            %mul3A_157 = arith.muli %add3A_106, %mul3A_156 : i32
            %add3A_158 = arith.constant 32 : i32
            %add3A_159 = arith.addi %mul3A_157, %add3A_158 : i32
            %swap3A_160 = arith.index_cast %add3A_159 : i32 to index
            %swap3A_161 = tpu.vector_load %arg12[%swap3A_160] {strides = array<i32>} : memref<2560xf32, #tpu.memory_space<vmem>>, vector<16xf32>,
            %swap3A_162 = vector.shape_cast %swap3A_161 : vector<16xf32> to vector<16xf32>
            %swap3A_163 = vector.shape_cast %max3A_155 : vector<16xf32> to vector<16xf32>
            tpu.vector_store %arg12[%swap3A_160], %swap3A_163 {strides = array<i32>} : memref<2560xf32, #tpu.memory_space<vmem>>, vector<16xf32>,
            %get3A_164 = arith.index_cast %add3A_106 : i32 to index
            %get3A_165 = arith.constant 48 : index
            %get3A_166 = tpu.vector_load %arg8[%get3A_164, %get3A_165] {strides = array<i32>} : memref<40x128xf32, #tpu.memory_space<vmem>>, vector<1x16xf32>,
            %get3A_167 = vector.shape_cast %get3A_166 : vector<1x16xf32> to vector<16xf32>
            %get3A_168 = arith.index_cast %add3A_106 : i32 to index
            %get3A_169 = arith.constant 48 : index
            %get3A_170 = tpu.vector_load %arg10[%get3A_168, %get3A_169] {strides = array<i32>} : memref<40x64xf32, #tpu.memory_space<vmem>>, vector<1x16xf32>,
            %get3A_171 = vector.shape_cast %get3A_170 : vector<1x16xf32> to vector<16xf32>
            %add3A_172 = arith.addf %get3A_167, %get3A_171 : vector<16xf32>
            %max3A_173 = arith.constant 0.000000e+00 : f32
            %max3A_174 = vector.broadcast %max3A_173 : f32 to vector<16xf32>
            %max3A_175 = arith.maximumf %add3A_172, %max3A_174 : vector<16xf32>
            %mul3A_176 = arith.constant 64 : i32
            %mul3A_177 = arith.muli %add3A_106, %mul3A_176 : i32
            %add3A_178 = arith.constant 48 : i32
            %add3A_179 = arith.addi %mul3A_177, %add3A_178 : i32
            %swap3A_180 = arith.index_cast %add3A_179 : i32 to index
            %swap3A_181 = tpu.vector_load %arg12[%swap3A_180] {strides = array<i32>} : memref<2560xf32, #tpu.memory_space<vmem>>, vector<16xf32>,
            %swap3A_182 = vector.shape_cast %swap3A_181 : vector<16xf32> to vector<16xf32>
            %swap3A_183 = vector.shape_cast %max3A_175 : vector<16xf32> to vector<16xf32>
            tpu.vector_store %arg12[%swap3A_180], %swap3A_183 {strides = array<i32>} : memref<2560xf32, #tpu.memory_space<vmem>>, vector<16xf32>,
          }
          %scan3A_96 = arith.constant 40 : i32
          %mul3A_97 = arith.constant 64 : i32
          %mul3A_98 = arith.muli %multiple_of3A, %mul3A_97 : i32
          %multiple_of3A_99 = tpu.assume_multiple %mul3A_98, 8 : i32
          %dma_start3A_100 = tpu.memref_slice %arg5[%multiple_of3A_99] : memref<51200000xf32, #tpu.memory_space<hbm>> -> memref<2560xf32, #tpu.memory_space<hbm>>
          %dma_start3A_101 = tpu.memref_slice %arg5[%multiple_of3A_99] : memref<51200000xf32, #tpu.memory_space<hbm>> -> memref<2560xf32, #tpu.memory_space<hbm>>
          tpu.enqueue_dma source(%arg12 : memref<2560xf32, #tpu.memory_space<vmem>>) target(%dma_start3A_101 : memref<2560xf32, #tpu.memory_space<hbm>>) target_semaphore(%arg18 : memref<!tpu.dma_semaphore, #tpu.memory_space<semaphore_mem>>)
        } else {
        }
      }
      %scan3A_27 = arith.constant 25 : i32
      %dma_wait3A = arith.constant 0 : i32
      %dma_wait3A_28 = tpu.memref_slice %arg5[%dma_wait3A] : memref<51200000xf32, #tpu.memory_space<hbm>> -> memref<2560xf32, #tpu.memory_space<hbm>>
      %dma_wait3A_29 = arith.constant 0 : i32
      %dma_wait3A_30 = tpu.memref_slice %arg5[%dma_wait3A_29] : memref<51200000xf32, #tpu.memory_space<hbm>> -> memref<2560xf32, #tpu.memory_space<hbm>>
      tpu.wait_dma2 semaphore(%arg18 : memref<!tpu.dma_semaphore, #tpu.memory_space<semaphore_mem>>) src(%arg12 : memref<2560xf32, #tpu.memory_space<vmem>>) dst(%dma_wait3A_30 : memref<2560xf32, #tpu.memory_space<hbm>>)
      %dma_wait3A_31 = arith.constant 0 : i32
      %dma_wait3A_32 = tpu.memref_slice %arg5[%dma_wait3A_31] : memref<51200000xf32, #tpu.memory_space<hbm>> -> memref<2560xf32, #tpu.memory_space<hbm>>
      %dma_wait3A_33 = arith.constant 0 : i32
      %dma_wait3A_34 = tpu.memref_slice %arg5[%dma_wait3A_33] : memref<51200000xf32, #tpu.memory_space<hbm>> -> memref<2560xf32, #tpu.memory_space<hbm>>
      tpu.wait_dma2 semaphore(%arg17 : memref<!tpu.dma_semaphore, #tpu.memory_space<semaphore_mem>>) src(%arg11 : memref<2560xf32, #tpu.memory_space<vmem>>) dst(%dma_wait3A_34 : memref<2560xf32, #tpu.memory_space<hbm>>)
    }
    %scan3A_6 = arith.constant 25 : i32
    return
  }
}

#map = affine_map<(d0, d1) -> (0, 0)>
#map1 = affine_map<(d0, d1) -> (0)>
module attributes {stable_mosaic.version = 14 : i64} {
  func.func @_sc_msg_body(%arg0: i32, %arg1: i32, %arg2: memref<50176x128xf32, #tpu.memory_space<hbm>>, %arg3: memref<800000x64xf32, #tpu.memory_space<hbm>>, %arg4: memref<800000xi32, #tpu.memory_space<hbm>>, %arg5: memref<51200000xf32, #tpu.memory_space<hbm>>, %arg6: memref<1000xi32, #tpu.memory_space<vmem>>, %arg7: memref<40x128xf32, #tpu.memory_space<vmem>>, %arg8: memref<40x128xf32, #tpu.memory_space<vmem>>, %arg9: memref<40x64xf32, #tpu.memory_space<vmem>>, %arg10: memref<40x64xf32, #tpu.memory_space<vmem>>, %arg11: memref<2560xf32, #tpu.memory_space<vmem>>, %arg12: memref<2560xf32, #tpu.memory_space<vmem>>, %arg13: memref<!tpu.dma_semaphore, #tpu.memory_space<semaphore_mem>>, %arg14: memref<!tpu.dma_semaphore, #tpu.memory_space<semaphore_mem>>, %arg15: memref<!tpu.dma_semaphore, #tpu.memory_space<semaphore_mem>>, %arg16: memref<!tpu.dma_semaphore, #tpu.memory_space<semaphore_mem>>, %arg17: memref<!tpu.dma_semaphore, #tpu.memory_space<semaphore_mem>>, %arg18: memref<!tpu.dma_semaphore, #tpu.memory_space<semaphore_mem>>) attributes {dimension_semantics = [#tpu.dimension_semantics<core_parallel>, #tpu.dimension_semantics<subcore_parallel>], iteration_bounds = array<i64: 2, 16>, scalar_prefetch = 0 : i64, scratch_operands = 13 : i64, tpu.core_type = #tpu.core_type<sc_vector_subcore>, window_params = [{transform_indices = #map}, {transform_indices = #map}, {transform_indices = #map1}, {transform_indices = #map1}]} {
    %mul3A = arith.constant 2 : i32
    %mul3A_0 = arith.muli %arg1, %mul3A : i32
    %add3A = arith.addi %mul3A_0, %arg0 : i32
    %mul3A_1 = arith.constant 25000 : i32
    %mul3A_2 = arith.muli %add3A, %mul3A_1 : i32
    %scan3A = arith.constant 0 : i32
    %scan3A_3 = arith.constant 25 : i32
    %scan3A_4 = arith.addi %scan3A, %scan3A_3 : i32
    %scan3A_5 = arith.constant 1 : i32
    scf.for %scan3A_7 = %scan3A to %scan3A_4 step %scan3A_5  : i32 {
      %mul3A_8 = arith.constant 1 : i32
      %mul3A_9 = arith.muli %scan3A_7, %mul3A_8 : i32
      %add3A_10 = arith.constant 0 : i32
      %add3A_11 = arith.addi %add3A_10, %mul3A_9 : i32
      %mul3A_12 = arith.constant 1000 : i32
      %mul3A_13 = arith.muli %add3A_11, %mul3A_12 : i32
      %add3A_14 = arith.addi %mul3A_2, %mul3A_13 : i32
      "tpu.region"() ({
        %run_scoped3A = tpu.sem_alloc : memref<!tpu.dma_semaphore, #tpu.memory_space<semaphore_mem>>
        %dma_start3A_35 = tpu.memref_slice %arg4[%add3A_14] : memref<800000xi32, #tpu.memory_space<hbm>> -> memref<1000xi32, #tpu.memory_space<hbm>>
        %dma_start3A_36 = tpu.memref_slice %arg4[%add3A_14] : memref<800000xi32, #tpu.memory_space<hbm>> -> memref<1000xi32, #tpu.memory_space<hbm>>
        tpu.enqueue_dma source(%dma_start3A_36 : memref<1000xi32, #tpu.memory_space<hbm>>) target(%arg6 : memref<1000xi32, #tpu.memory_space<vmem>>) target_semaphore(%run_scoped3A : memref<!tpu.dma_semaphore, #tpu.memory_space<semaphore_mem>>)
        %dma_wait3A_37 = tpu.memref_slice %arg4[%add3A_14] : memref<800000xi32, #tpu.memory_space<hbm>> -> memref<1000xi32, #tpu.memory_space<hbm>>
        %dma_wait3A_38 = tpu.memref_slice %arg4[%add3A_14] : memref<800000xi32, #tpu.memory_space<hbm>> -> memref<1000xi32, #tpu.memory_space<hbm>>
        tpu.wait_dma2 semaphore(%run_scoped3A : memref<!tpu.dma_semaphore, #tpu.memory_space<semaphore_mem>>) src(%dma_wait3A_38 : memref<1000xi32, #tpu.memory_space<hbm>>) dst(%arg6 : memref<1000xi32, #tpu.memory_space<vmem>>)
        tpu.yield
      }) : () -> ()
      %dma_start3A = arith.constant 0 : i32
      %dma_start3A_15 = tpu.memref_slice %arg6[%dma_start3A] : memref<1000xi32, #tpu.memory_space<vmem>> -> memref<40xi32, #tpu.memory_space<vmem>>
      %dma_start3A_16 = arith.constant 0 : i32
      %dma_start3A_17 = arith.constant 0 : i32
      %dma_start3A_18 = tpu.memref_slice %arg2[%dma_start3A_16, %dma_start3A_17] : memref<50176x128xf32, #tpu.memory_space<hbm>> -> memref<50176x128xf32, #tpu.memory_space<hbm>>
      tpu.enqueue_indirect_dma source(%dma_start3A_18 : memref<50176x128xf32, #tpu.memory_space<hbm>>) target(%arg7 : memref<40x128xf32, #tpu.memory_space<vmem>>) offsets(%dma_start3A_15 : memref<40xi32, #tpu.memory_space<vmem>>) semaphore(%arg13 : memref<!tpu.dma_semaphore, #tpu.memory_space<semaphore_mem>>)
      %dma_start3A_19 = arith.constant 0 : i32
      %dma_start3A_20 = tpu.memref_slice %arg3[%add3A_14, %dma_start3A_19] : memref<800000x64xf32, #tpu.memory_space<hbm>> -> memref<40x64xf32, #tpu.memory_space<hbm>>
      %dma_start3A_21 = arith.constant 0 : i32
      %dma_start3A_22 = tpu.memref_slice %arg3[%add3A_14, %dma_start3A_21] : memref<800000x64xf32, #tpu.memory_space<hbm>> -> memref<40x64xf32, #tpu.memory_space<hbm>>
      tpu.enqueue_dma source(%dma_start3A_22 : memref<40x64xf32, #tpu.memory_space<hbm>>) target(%arg9 : memref<40x64xf32, #tpu.memory_space<vmem>>) target_semaphore(%arg15 : memref<!tpu.dma_semaphore, #tpu.memory_space<semaphore_mem>>)
      %scan3A_23 = arith.constant 0 : i32
      %scan3A_24 = arith.constant 25 : i32
      %scan3A_25 = arith.addi %scan3A_23, %scan3A_24 : i32
      %scan3A_26 = arith.constant 1 : i32
      scf.for %scan3A_35 = %scan3A_23 to %scan3A_25 step %scan3A_26  : i32 {
        %mul3A_36 = arith.constant 1 : i32
        %mul3A_37 = arith.muli %scan3A_35, %mul3A_36 : i32
        %add3A_38 = arith.constant 0 : i32
        %add3A_39 = arith.addi %add3A_38, %mul3A_37 : i32
        %mul3A_40 = arith.constant 40 : i32
        %mul3A_41 = arith.muli %add3A_39, %mul3A_40 : i32
        %add3A_42 = arith.addi %add3A_14, %mul3A_41 : i32
        %multiple_of3A = tpu.assume_multiple %add3A_42, 8 : i32
        %jit3A = arith.constant 2 : i32
        %eq3A = arith.constant 0 : i32
        %eq3A_43 = arith.cmpi eq, %jit3A, %eq3A : i32
        %jit3A_44 = arith.constant 1 : i32
        %select_n3A = arith.select %eq3A_43, %jit3A_44, %jit3A : i32
        %rem3A = arith.remsi %add3A_39, %select_n3A : i32
        %ne3A = arith.constant 0 : i32
        %ne3A_45 = arith.cmpi ne, %rem3A, %ne3A : i32
        %lt3A = arith.constant 0 : i32
        %lt3A_46 = arith.cmpi slt, %rem3A, %lt3A : i32
        %lt3A_47 = arith.constant 0 : i32
        %lt3A_48 = arith.cmpi slt, %select_n3A, %lt3A_47 : i32
        %ne3A_49 = arith.xori %lt3A_46, %lt3A_48 : i1
        %and3A = arith.andi %ne3A_49, %ne3A_45 : i1
        %add3A_50 = arith.addi %rem3A, %select_n3A : i32
        %select_n3A_51 = arith.select %and3A, %add3A_50, %rem3A : i32
        %eq3A_52 = arith.constant 0 : i32
        %eq3A_53 = arith.cmpi eq, %select_n3A_51, %eq3A_52 : i32
        %add3A_54 = arith.constant 1 : i32
        %add3A_55 = arith.addi %add3A_39, %add3A_54 : i32
        %lt3A_56 = arith.constant 25 : i32
        %lt3A_57 = arith.cmpi slt, %add3A_55, %lt3A_56 : i32
        %and3A_58 = arith.andi %lt3A_57, %eq3A_53 : i1
        %convert_element_type3A = arith.extui %and3A_58 : i1 to i32
        %cond3A = arith.constant 0 : i32
        %cond3A_59 = arith.cmpi ne, %convert_element_type3A, %cond3A : i32
        scf.if %cond3A_59 {
          %add3A_77 = arith.constant 1 : i32
          %add3A_78 = arith.addi %add3A_39, %add3A_77 : i32
          %mul3A_79 = arith.constant 40 : i32
          %mul3A_80 = arith.muli %add3A_78, %mul3A_79 : i32
          %dma_start3A_81 = tpu.memref_slice %arg6[%mul3A_80] : memref<1000xi32, #tpu.memory_space<vmem>> -> memref<40xi32, #tpu.memory_space<vmem>>
          %dma_start3A_82 = arith.constant 0 : i32
          %dma_start3A_83 = arith.constant 0 : i32
          %dma_start3A_84 = tpu.memref_slice %arg2[%dma_start3A_82, %dma_start3A_83] : memref<50176x128xf32, #tpu.memory_space<hbm>> -> memref<50176x128xf32, #tpu.memory_space<hbm>>
          tpu.enqueue_indirect_dma source(%dma_start3A_84 : memref<50176x128xf32, #tpu.memory_space<hbm>>) target(%arg8 : memref<40x128xf32, #tpu.memory_space<vmem>>) offsets(%dma_start3A_81 : memref<40xi32, #tpu.memory_space<vmem>>) semaphore(%arg14 : memref<!tpu.dma_semaphore, #tpu.memory_space<semaphore_mem>>)
          %add3A_85 = arith.constant 40 : i32
          %add3A_86 = arith.addi %multiple_of3A, %add3A_85 : i32
          %dma_start3A_87 = arith.constant 0 : i32
          %dma_start3A_88 = tpu.memref_slice %arg3[%add3A_86, %dma_start3A_87] : memref<800000x64xf32, #tpu.memory_space<hbm>> -> memref<40x64xf32, #tpu.memory_space<hbm>>
          %dma_start3A_89 = arith.constant 0 : i32
          %dma_start3A_90 = tpu.memref_slice %arg3[%add3A_86, %dma_start3A_89] : memref<800000x64xf32, #tpu.memory_space<hbm>> -> memref<40x64xf32, #tpu.memory_space<hbm>>
          tpu.enqueue_dma source(%dma_start3A_90 : memref<40x64xf32, #tpu.memory_space<hbm>>) target(%arg10 : memref<40x64xf32, #tpu.memory_space<vmem>>) target_semaphore(%arg16 : memref<!tpu.dma_semaphore, #tpu.memory_space<semaphore_mem>>)
        } else {
        }
        %add3A_60 = arith.constant 1 : i32
        %add3A_61 = arith.addi %add3A_39, %add3A_60 : i32
        %lt3A_62 = arith.constant 25 : i32
        %lt3A_63 = arith.cmpi slt, %add3A_61, %lt3A_62 : i32
        %not3A = arith.constant true
        %not3A_64 = arith.xori %eq3A_53, %not3A : i1
        %and3A_65 = arith.andi %lt3A_63, %not3A_64 : i1
        %convert_element_type3A_66 = arith.extui %and3A_65 : i1 to i32
        %cond3A_67 = arith.constant 0 : i32
        %cond3A_68 = arith.cmpi ne, %convert_element_type3A_66, %cond3A_67 : i32
        scf.if %cond3A_68 {
          %add3A_77 = arith.constant 1 : i32
          %add3A_78 = arith.addi %add3A_39, %add3A_77 : i32
          %mul3A_79 = arith.constant 40 : i32
          %mul3A_80 = arith.muli %add3A_78, %mul3A_79 : i32
          %dma_start3A_81 = tpu.memref_slice %arg6[%mul3A_80] : memref<1000xi32, #tpu.memory_space<vmem>> -> memref<40xi32, #tpu.memory_space<vmem>>
          %dma_start3A_82 = arith.constant 0 : i32
          %dma_start3A_83 = arith.constant 0 : i32
          %dma_start3A_84 = tpu.memref_slice %arg2[%dma_start3A_82, %dma_start3A_83] : memref<50176x128xf32, #tpu.memory_space<hbm>> -> memref<50176x128xf32, #tpu.memory_space<hbm>>
          tpu.enqueue_indirect_dma source(%dma_start3A_84 : memref<50176x128xf32, #tpu.memory_space<hbm>>) target(%arg7 : memref<40x128xf32, #tpu.memory_space<vmem>>) offsets(%dma_start3A_81 : memref<40xi32, #tpu.memory_space<vmem>>) semaphore(%arg13 : memref<!tpu.dma_semaphore, #tpu.memory_space<semaphore_mem>>)
          %add3A_85 = arith.constant 40 : i32
          %add3A_86 = arith.addi %multiple_of3A, %add3A_85 : i32
          %dma_start3A_87 = arith.constant 0 : i32
          %dma_start3A_88 = tpu.memref_slice %arg3[%add3A_86, %dma_start3A_87] : memref<800000x64xf32, #tpu.memory_space<hbm>> -> memref<40x64xf32, #tpu.memory_space<hbm>>
          %dma_start3A_89 = arith.constant 0 : i32
          %dma_start3A_90 = tpu.memref_slice %arg3[%add3A_86, %dma_start3A_89] : memref<800000x64xf32, #tpu.memory_space<hbm>> -> memref<40x64xf32, #tpu.memory_space<hbm>>
          tpu.enqueue_dma source(%dma_start3A_90 : memref<40x64xf32, #tpu.memory_space<hbm>>) target(%arg9 : memref<40x64xf32, #tpu.memory_space<vmem>>) target_semaphore(%arg15 : memref<!tpu.dma_semaphore, #tpu.memory_space<semaphore_mem>>)
        } else {
        }
        %convert_element_type3A_69 = arith.extui %eq3A_53 : i1 to i32
        %cond3A_70 = arith.constant 0 : i32
        %cond3A_71 = arith.cmpi ne, %convert_element_type3A_69, %cond3A_70 : i32
        scf.if %cond3A_71 {
          %dma_wait3A_77 = arith.constant 0 : i32
          %dma_wait3A_78 = tpu.memref_slice %arg6[%dma_wait3A_77] : memref<1000xi32, #tpu.memory_space<vmem>> -> memref<40xi32, #tpu.memory_space<vmem>>
          %dma_wait3A_79 = arith.constant 0 : i32
          %dma_wait3A_80 = arith.constant 0 : i32
          %dma_wait3A_81 = tpu.memref_slice %arg2[%dma_wait3A_79, %dma_wait3A_80] : memref<50176x128xf32, #tpu.memory_space<hbm>> -> memref<50176x128xf32, #tpu.memory_space<hbm>>
          tpu.wait_indirect_dma semaphore(%arg13 : memref<!tpu.dma_semaphore, #tpu.memory_space<semaphore_mem>>) src(%dma_wait3A_81 : memref<50176x128xf32, #tpu.memory_space<hbm>>) dst(%arg7 : memref<40x128xf32, #tpu.memory_space<vmem>>)
          %dma_wait3A_82 = arith.constant 0 : i32
          %dma_wait3A_83 = arith.constant 0 : i32
          %dma_wait3A_84 = tpu.memref_slice %arg3[%dma_wait3A_82, %dma_wait3A_83] : memref<800000x64xf32, #tpu.memory_space<hbm>> -> memref<40x64xf32, #tpu.memory_space<hbm>>
          %dma_wait3A_85 = arith.constant 0 : i32
          %dma_wait3A_86 = arith.constant 0 : i32
          %dma_wait3A_87 = tpu.memref_slice %arg3[%dma_wait3A_85, %dma_wait3A_86] : memref<800000x64xf32, #tpu.memory_space<hbm>> -> memref<40x64xf32, #tpu.memory_space<hbm>>
          tpu.wait_dma2 semaphore(%arg15 : memref<!tpu.dma_semaphore, #tpu.memory_space<semaphore_mem>>) src(%dma_wait3A_87 : memref<40x64xf32, #tpu.memory_space<hbm>>) dst(%arg9 : memref<40x64xf32, #tpu.memory_space<vmem>>)
          %ge3A = arith.constant 2 : i32
          %ge3A_88 = arith.cmpi sge, %add3A_39, %ge3A : i32
          %convert_element_type3A_89 = arith.extui %ge3A_88 : i1 to i32
          %cond3A_90 = arith.constant 0 : i32
          %cond3A_91 = arith.cmpi ne, %convert_element_type3A_89, %cond3A_90 : i32
          scf.if %cond3A_91 {
            %dma_wait3A_102 = arith.constant 0 : i32
            %dma_wait3A_103 = tpu.memref_slice %arg5[%dma_wait3A_102] : memref<51200000xf32, #tpu.memory_space<hbm>> -> memref<2560xf32, #tpu.memory_space<hbm>>
            %dma_wait3A_104 = arith.constant 0 : i32
            %dma_wait3A_105 = tpu.memref_slice %arg5[%dma_wait3A_104] : memref<51200000xf32, #tpu.memory_space<hbm>> -> memref<2560xf32, #tpu.memory_space<hbm>>
            tpu.wait_dma2 semaphore(%arg17 : memref<!tpu.dma_semaphore, #tpu.memory_space<semaphore_mem>>) src(%arg11 : memref<2560xf32, #tpu.memory_space<vmem>>) dst(%dma_wait3A_105 : memref<2560xf32, #tpu.memory_space<hbm>>)
          } else {
          }
          %scan3A_92 = arith.constant 0 : i32
          %scan3A_93 = arith.constant 40 : i32
          %scan3A_94 = arith.addi %scan3A_92, %scan3A_93 : i32
          %scan3A_95 = arith.constant 1 : i32
          scf.for %scan3A_102 = %scan3A_92 to %scan3A_94 step %scan3A_95  : i32 {
            %mul3A_103 = arith.constant 1 : i32
            %mul3A_104 = arith.muli %scan3A_102, %mul3A_103 : i32
            %add3A_105 = arith.constant 0 : i32
            %add3A_106 = arith.addi %add3A_105, %mul3A_104 : i32
            %get3A = arith.index_cast %add3A_106 : i32 to index
            %get3A_107 = arith.constant 0 : index
            %get3A_108 = tpu.vector_load %arg7[%get3A, %get3A_107] {strides = array<i32>} : memref<40x128xf32, #tpu.memory_space<vmem>>, vector<1x16xf32>,
            %get3A_109 = vector.shape_cast %get3A_108 : vector<1x16xf32> to vector<16xf32>
            %get3A_110 = arith.index_cast %add3A_106 : i32 to index
            %get3A_111 = arith.constant 0 : index
            %get3A_112 = tpu.vector_load %arg9[%get3A_110, %get3A_111] {strides = array<i32>} : memref<40x64xf32, #tpu.memory_space<vmem>>, vector<1x16xf32>,
            %get3A_113 = vector.shape_cast %get3A_112 : vector<1x16xf32> to vector<16xf32>
            %add3A_114 = arith.addf %get3A_109, %get3A_113 : vector<16xf32>
            %max3A = arith.constant 0.000000e+00 : f32
            %max3A_115 = vector.broadcast %max3A : f32 to vector<16xf32>
            %max3A_116 = arith.maximumf %add3A_114, %max3A_115 : vector<16xf32>
            %mul3A_117 = arith.constant 64 : i32
            %mul3A_118 = arith.muli %add3A_106, %mul3A_117 : i32
            %add3A_119 = arith.constant 0 : i32
            %add3A_120 = arith.addi %mul3A_118, %add3A_119 : i32
            %swap3A = arith.index_cast %add3A_120 : i32 to index
            %swap3A_121 = tpu.vector_load %arg11[%swap3A] {strides = array<i32>} : memref<2560xf32, #tpu.memory_space<vmem>>, vector<16xf32>,
            %swap3A_122 = vector.shape_cast %swap3A_121 : vector<16xf32> to vector<16xf32>
            %swap3A_123 = vector.shape_cast %max3A_116 : vector<16xf32> to vector<16xf32>
            tpu.vector_store %arg11[%swap3A], %swap3A_123 {strides = array<i32>} : memref<2560xf32, #tpu.memory_space<vmem>>, vector<16xf32>,
            %get3A_124 = arith.index_cast %add3A_106 : i32 to index
            %get3A_125 = arith.constant 16 : index
            %get3A_126 = tpu.vector_load %arg7[%get3A_124, %get3A_125] {strides = array<i32>} : memref<40x128xf32, #tpu.memory_space<vmem>>, vector<1x16xf32>,
            %get3A_127 = vector.shape_cast %get3A_126 : vector<1x16xf32> to vector<16xf32>
            %get3A_128 = arith.index_cast %add3A_106 : i32 to index
            %get3A_129 = arith.constant 16 : index
            %get3A_130 = tpu.vector_load %arg9[%get3A_128, %get3A_129] {strides = array<i32>} : memref<40x64xf32, #tpu.memory_space<vmem>>, vector<1x16xf32>,
            %get3A_131 = vector.shape_cast %get3A_130 : vector<1x16xf32> to vector<16xf32>
            %add3A_132 = arith.addf %get3A_127, %get3A_131 : vector<16xf32>
            %max3A_133 = arith.constant 0.000000e+00 : f32
            %max3A_134 = vector.broadcast %max3A_133 : f32 to vector<16xf32>
            %max3A_135 = arith.maximumf %add3A_132, %max3A_134 : vector<16xf32>
            %mul3A_136 = arith.constant 64 : i32
            %mul3A_137 = arith.muli %add3A_106, %mul3A_136 : i32
            %add3A_138 = arith.constant 16 : i32
            %add3A_139 = arith.addi %mul3A_137, %add3A_138 : i32
            %swap3A_140 = arith.index_cast %add3A_139 : i32 to index
            %swap3A_141 = tpu.vector_load %arg11[%swap3A_140] {strides = array<i32>} : memref<2560xf32, #tpu.memory_space<vmem>>, vector<16xf32>,
            %swap3A_142 = vector.shape_cast %swap3A_141 : vector<16xf32> to vector<16xf32>
            %swap3A_143 = vector.shape_cast %max3A_135 : vector<16xf32> to vector<16xf32>
            tpu.vector_store %arg11[%swap3A_140], %swap3A_143 {strides = array<i32>} : memref<2560xf32, #tpu.memory_space<vmem>>, vector<16xf32>,
            %get3A_144 = arith.index_cast %add3A_106 : i32 to index
            %get3A_145 = arith.constant 32 : index
            %get3A_146 = tpu.vector_load %arg7[%get3A_144, %get3A_145] {strides = array<i32>} : memref<40x128xf32, #tpu.memory_space<vmem>>, vector<1x16xf32>,
            %get3A_147 = vector.shape_cast %get3A_146 : vector<1x16xf32> to vector<16xf32>
            %get3A_148 = arith.index_cast %add3A_106 : i32 to index
            %get3A_149 = arith.constant 32 : index
            %get3A_150 = tpu.vector_load %arg9[%get3A_148, %get3A_149] {strides = array<i32>} : memref<40x64xf32, #tpu.memory_space<vmem>>, vector<1x16xf32>,
            %get3A_151 = vector.shape_cast %get3A_150 : vector<1x16xf32> to vector<16xf32>
            %add3A_152 = arith.addf %get3A_147, %get3A_151 : vector<16xf32>
            %max3A_153 = arith.constant 0.000000e+00 : f32
            %max3A_154 = vector.broadcast %max3A_153 : f32 to vector<16xf32>
            %max3A_155 = arith.maximumf %add3A_152, %max3A_154 : vector<16xf32>
            %mul3A_156 = arith.constant 64 : i32
            %mul3A_157 = arith.muli %add3A_106, %mul3A_156 : i32
            %add3A_158 = arith.constant 32 : i32
            %add3A_159 = arith.addi %mul3A_157, %add3A_158 : i32
            %swap3A_160 = arith.index_cast %add3A_159 : i32 to index
            %swap3A_161 = tpu.vector_load %arg11[%swap3A_160] {strides = array<i32>} : memref<2560xf32, #tpu.memory_space<vmem>>, vector<16xf32>,
            %swap3A_162 = vector.shape_cast %swap3A_161 : vector<16xf32> to vector<16xf32>
            %swap3A_163 = vector.shape_cast %max3A_155 : vector<16xf32> to vector<16xf32>
            tpu.vector_store %arg11[%swap3A_160], %swap3A_163 {strides = array<i32>} : memref<2560xf32, #tpu.memory_space<vmem>>, vector<16xf32>,
            %get3A_164 = arith.index_cast %add3A_106 : i32 to index
            %get3A_165 = arith.constant 48 : index
            %get3A_166 = tpu.vector_load %arg7[%get3A_164, %get3A_165] {strides = array<i32>} : memref<40x128xf32, #tpu.memory_space<vmem>>, vector<1x16xf32>,
            %get3A_167 = vector.shape_cast %get3A_166 : vector<1x16xf32> to vector<16xf32>
            %get3A_168 = arith.index_cast %add3A_106 : i32 to index
            %get3A_169 = arith.constant 48 : index
            %get3A_170 = tpu.vector_load %arg9[%get3A_168, %get3A_169] {strides = array<i32>} : memref<40x64xf32, #tpu.memory_space<vmem>>, vector<1x16xf32>,
            %get3A_171 = vector.shape_cast %get3A_170 : vector<1x16xf32> to vector<16xf32>
            %add3A_172 = arith.addf %get3A_167, %get3A_171 : vector<16xf32>
            %max3A_173 = arith.constant 0.000000e+00 : f32
            %max3A_174 = vector.broadcast %max3A_173 : f32 to vector<16xf32>
            %max3A_175 = arith.maximumf %add3A_172, %max3A_174 : vector<16xf32>
            %mul3A_176 = arith.constant 64 : i32
            %mul3A_177 = arith.muli %add3A_106, %mul3A_176 : i32
            %add3A_178 = arith.constant 48 : i32
            %add3A_179 = arith.addi %mul3A_177, %add3A_178 : i32
            %swap3A_180 = arith.index_cast %add3A_179 : i32 to index
            %swap3A_181 = tpu.vector_load %arg11[%swap3A_180] {strides = array<i32>} : memref<2560xf32, #tpu.memory_space<vmem>>, vector<16xf32>,
            %swap3A_182 = vector.shape_cast %swap3A_181 : vector<16xf32> to vector<16xf32>
            %swap3A_183 = vector.shape_cast %max3A_175 : vector<16xf32> to vector<16xf32>
            tpu.vector_store %arg11[%swap3A_180], %swap3A_183 {strides = array<i32>} : memref<2560xf32, #tpu.memory_space<vmem>>, vector<16xf32>,
          }
          %scan3A_96 = arith.constant 40 : i32
          %mul3A_97 = arith.constant 64 : i32
          %mul3A_98 = arith.muli %multiple_of3A, %mul3A_97 : i32
          %multiple_of3A_99 = tpu.assume_multiple %mul3A_98, 8 : i32
          %dma_start3A_100 = tpu.memref_slice %arg5[%multiple_of3A_99] : memref<51200000xf32, #tpu.memory_space<hbm>> -> memref<2560xf32, #tpu.memory_space<hbm>>
          %dma_start3A_101 = tpu.memref_slice %arg5[%multiple_of3A_99] : memref<51200000xf32, #tpu.memory_space<hbm>> -> memref<2560xf32, #tpu.memory_space<hbm>>
          tpu.enqueue_dma source(%arg11 : memref<2560xf32, #tpu.memory_space<vmem>>) target(%dma_start3A_101 : memref<2560xf32, #tpu.memory_space<hbm>>) target_semaphore(%arg17 : memref<!tpu.dma_semaphore, #tpu.memory_space<semaphore_mem>>)
        } else {
        }
        %not3A_72 = arith.constant true
        %not3A_73 = arith.xori %eq3A_53, %not3A_72 : i1
        %convert_element_type3A_74 = arith.extui %not3A_73 : i1 to i32
        %cond3A_75 = arith.constant 0 : i32
        %cond3A_76 = arith.cmpi ne, %convert_element_type3A_74, %cond3A_75 : i32
        scf.if %cond3A_76 {
          %dma_wait3A_77 = arith.constant 0 : i32
          %dma_wait3A_78 = tpu.memref_slice %arg6[%dma_wait3A_77] : memref<1000xi32, #tpu.memory_space<vmem>> -> memref<40xi32, #tpu.memory_space<vmem>>
          %dma_wait3A_79 = arith.constant 0 : i32
          %dma_wait3A_80 = arith.constant 0 : i32
          %dma_wait3A_81 = tpu.memref_slice %arg2[%dma_wait3A_79, %dma_wait3A_80] : memref<50176x128xf32, #tpu.memory_space<hbm>> -> memref<50176x128xf32, #tpu.memory_space<hbm>>
          tpu.wait_indirect_dma semaphore(%arg14 : memref<!tpu.dma_semaphore, #tpu.memory_space<semaphore_mem>>) src(%dma_wait3A_81 : memref<50176x128xf32, #tpu.memory_space<hbm>>) dst(%arg8 : memref<40x128xf32, #tpu.memory_space<vmem>>)
          %dma_wait3A_82 = arith.constant 0 : i32
          %dma_wait3A_83 = arith.constant 0 : i32
          %dma_wait3A_84 = tpu.memref_slice %arg3[%dma_wait3A_82, %dma_wait3A_83] : memref<800000x64xf32, #tpu.memory_space<hbm>> -> memref<40x64xf32, #tpu.memory_space<hbm>>
          %dma_wait3A_85 = arith.constant 0 : i32
          %dma_wait3A_86 = arith.constant 0 : i32
          %dma_wait3A_87 = tpu.memref_slice %arg3[%dma_wait3A_85, %dma_wait3A_86] : memref<800000x64xf32, #tpu.memory_space<hbm>> -> memref<40x64xf32, #tpu.memory_space<hbm>>
          tpu.wait_dma2 semaphore(%arg16 : memref<!tpu.dma_semaphore, #tpu.memory_space<semaphore_mem>>) src(%dma_wait3A_87 : memref<40x64xf32, #tpu.memory_space<hbm>>) dst(%arg10 : memref<40x64xf32, #tpu.memory_space<vmem>>)
          %ge3A = arith.constant 2 : i32
          %ge3A_88 = arith.cmpi sge, %add3A_39, %ge3A : i32
          %convert_element_type3A_89 = arith.extui %ge3A_88 : i1 to i32
          %cond3A_90 = arith.constant 0 : i32
          %cond3A_91 = arith.cmpi ne, %convert_element_type3A_89, %cond3A_90 : i32
          scf.if %cond3A_91 {
            %dma_wait3A_102 = arith.constant 0 : i32
            %dma_wait3A_103 = tpu.memref_slice %arg5[%dma_wait3A_102] : memref<51200000xf32, #tpu.memory_space<hbm>> -> memref<2560xf32, #tpu.memory_space<hbm>>
            %dma_wait3A_104 = arith.constant 0 : i32
            %dma_wait3A_105 = tpu.memref_slice %arg5[%dma_wait3A_104] : memref<51200000xf32, #tpu.memory_space<hbm>> -> memref<2560xf32, #tpu.memory_space<hbm>>
            tpu.wait_dma2 semaphore(%arg18 : memref<!tpu.dma_semaphore, #tpu.memory_space<semaphore_mem>>) src(%arg12 : memref<2560xf32, #tpu.memory_space<vmem>>) dst(%dma_wait3A_105 : memref<2560xf32, #tpu.memory_space<hbm>>)
          } else {
          }
          %scan3A_92 = arith.constant 0 : i32
          %scan3A_93 = arith.constant 40 : i32
          %scan3A_94 = arith.addi %scan3A_92, %scan3A_93 : i32
          %scan3A_95 = arith.constant 1 : i32
          scf.for %scan3A_102 = %scan3A_92 to %scan3A_94 step %scan3A_95  : i32 {
            %mul3A_103 = arith.constant 1 : i32
            %mul3A_104 = arith.muli %scan3A_102, %mul3A_103 : i32
            %add3A_105 = arith.constant 0 : i32
            %add3A_106 = arith.addi %add3A_105, %mul3A_104 : i32
            %get3A = arith.index_cast %add3A_106 : i32 to index
            %get3A_107 = arith.constant 0 : index
            %get3A_108 = tpu.vector_load %arg8[%get3A, %get3A_107] {strides = array<i32>} : memref<40x128xf32, #tpu.memory_space<vmem>>, vector<1x16xf32>,
            %get3A_109 = vector.shape_cast %get3A_108 : vector<1x16xf32> to vector<16xf32>
            %get3A_110 = arith.index_cast %add3A_106 : i32 to index
            %get3A_111 = arith.constant 0 : index
            %get3A_112 = tpu.vector_load %arg10[%get3A_110, %get3A_111] {strides = array<i32>} : memref<40x64xf32, #tpu.memory_space<vmem>>, vector<1x16xf32>,
            %get3A_113 = vector.shape_cast %get3A_112 : vector<1x16xf32> to vector<16xf32>
            %add3A_114 = arith.addf %get3A_109, %get3A_113 : vector<16xf32>
            %max3A = arith.constant 0.000000e+00 : f32
            %max3A_115 = vector.broadcast %max3A : f32 to vector<16xf32>
            %max3A_116 = arith.maximumf %add3A_114, %max3A_115 : vector<16xf32>
            %mul3A_117 = arith.constant 64 : i32
            %mul3A_118 = arith.muli %add3A_106, %mul3A_117 : i32
            %add3A_119 = arith.constant 0 : i32
            %add3A_120 = arith.addi %mul3A_118, %add3A_119 : i32
            %swap3A = arith.index_cast %add3A_120 : i32 to index
            %swap3A_121 = tpu.vector_load %arg12[%swap3A] {strides = array<i32>} : memref<2560xf32, #tpu.memory_space<vmem>>, vector<16xf32>,
            %swap3A_122 = vector.shape_cast %swap3A_121 : vector<16xf32> to vector<16xf32>
            %swap3A_123 = vector.shape_cast %max3A_116 : vector<16xf32> to vector<16xf32>
            tpu.vector_store %arg12[%swap3A], %swap3A_123 {strides = array<i32>} : memref<2560xf32, #tpu.memory_space<vmem>>, vector<16xf32>,
            %get3A_124 = arith.index_cast %add3A_106 : i32 to index
            %get3A_125 = arith.constant 16 : index
            %get3A_126 = tpu.vector_load %arg8[%get3A_124, %get3A_125] {strides = array<i32>} : memref<40x128xf32, #tpu.memory_space<vmem>>, vector<1x16xf32>,
            %get3A_127 = vector.shape_cast %get3A_126 : vector<1x16xf32> to vector<16xf32>
            %get3A_128 = arith.index_cast %add3A_106 : i32 to index
            %get3A_129 = arith.constant 16 : index
            %get3A_130 = tpu.vector_load %arg10[%get3A_128, %get3A_129] {strides = array<i32>} : memref<40x64xf32, #tpu.memory_space<vmem>>, vector<1x16xf32>,
            %get3A_131 = vector.shape_cast %get3A_130 : vector<1x16xf32> to vector<16xf32>
            %add3A_132 = arith.addf %get3A_127, %get3A_131 : vector<16xf32>
            %max3A_133 = arith.constant 0.000000e+00 : f32
            %max3A_134 = vector.broadcast %max3A_133 : f32 to vector<16xf32>
            %max3A_135 = arith.maximumf %add3A_132, %max3A_134 : vector<16xf32>
            %mul3A_136 = arith.constant 64 : i32
            %mul3A_137 = arith.muli %add3A_106, %mul3A_136 : i32
            %add3A_138 = arith.constant 16 : i32
            %add3A_139 = arith.addi %mul3A_137, %add3A_138 : i32
            %swap3A_140 = arith.index_cast %add3A_139 : i32 to index
            %swap3A_141 = tpu.vector_load %arg12[%swap3A_140] {strides = array<i32>} : memref<2560xf32, #tpu.memory_space<vmem>>, vector<16xf32>,
            %swap3A_142 = vector.shape_cast %swap3A_141 : vector<16xf32> to vector<16xf32>
            %swap3A_143 = vector.shape_cast %max3A_135 : vector<16xf32> to vector<16xf32>
            tpu.vector_store %arg12[%swap3A_140], %swap3A_143 {strides = array<i32>} : memref<2560xf32, #tpu.memory_space<vmem>>, vector<16xf32>,
            %get3A_144 = arith.index_cast %add3A_106 : i32 to index
            %get3A_145 = arith.constant 32 : index
            %get3A_146 = tpu.vector_load %arg8[%get3A_144, %get3A_145] {strides = array<i32>} : memref<40x128xf32, #tpu.memory_space<vmem>>, vector<1x16xf32>,
            %get3A_147 = vector.shape_cast %get3A_146 : vector<1x16xf32> to vector<16xf32>
            %get3A_148 = arith.index_cast %add3A_106 : i32 to index
            %get3A_149 = arith.constant 32 : index
            %get3A_150 = tpu.vector_load %arg10[%get3A_148, %get3A_149] {strides = array<i32>} : memref<40x64xf32, #tpu.memory_space<vmem>>, vector<1x16xf32>,
            %get3A_151 = vector.shape_cast %get3A_150 : vector<1x16xf32> to vector<16xf32>
            %add3A_152 = arith.addf %get3A_147, %get3A_151 : vector<16xf32>
            %max3A_153 = arith.constant 0.000000e+00 : f32
            %max3A_154 = vector.broadcast %max3A_153 : f32 to vector<16xf32>
            %max3A_155 = arith.maximumf %add3A_152, %max3A_154 : vector<16xf32>
            %mul3A_156 = arith.constant 64 : i32
            %mul3A_157 = arith.muli %add3A_106, %mul3A_156 : i32
            %add3A_158 = arith.constant 32 : i32
            %add3A_159 = arith.addi %mul3A_157, %add3A_158 : i32
            %swap3A_160 = arith.index_cast %add3A_159 : i32 to index
            %swap3A_161 = tpu.vector_load %arg12[%swap3A_160] {strides = array<i32>} : memref<2560xf32, #tpu.memory_space<vmem>>, vector<16xf32>,
            %swap3A_162 = vector.shape_cast %swap3A_161 : vector<16xf32> to vector<16xf32>
            %swap3A_163 = vector.shape_cast %max3A_155 : vector<16xf32> to vector<16xf32>
            tpu.vector_store %arg12[%swap3A_160], %swap3A_163 {strides = array<i32>} : memref<2560xf32, #tpu.memory_space<vmem>>, vector<16xf32>,
            %get3A_164 = arith.index_cast %add3A_106 : i32 to index
            %get3A_165 = arith.constant 48 : index
            %get3A_166 = tpu.vector_load %arg8[%get3A_164, %get3A_165] {strides = array<i32>} : memref<40x128xf32, #tpu.memory_space<vmem>>, vector<1x16xf32>,
            %get3A_167 = vector.shape_cast %get3A_166 : vector<1x16xf32> to vector<16xf32>
            %get3A_168 = arith.index_cast %add3A_106 : i32 to index
            %get3A_169 = arith.constant 48 : index
            %get3A_170 = tpu.vector_load %arg10[%get3A_168, %get3A_169] {strides = array<i32>} : memref<40x64xf32, #tpu.memory_space<vmem>>, vector<1x16xf32>,
            %get3A_171 = vector.shape_cast %get3A_170 : vector<1x16xf32> to vector<16xf32>
            %add3A_172 = arith.addf %get3A_167, %get3A_171 : vector<16xf32>
            %max3A_173 = arith.constant 0.000000e+00 : f32
            %max3A_174 = vector.broadcast %max3A_173 : f32 to vector<16xf32>
            %max3A_175 = arith.maximumf %add3A_172, %max3A_174 : vector<16xf32>
            %mul3A_176 = arith.constant 64 : i32
            %mul3A_177 = arith.muli %add3A_106, %mul3A_176 : i32
            %add3A_178 = arith.constant 48 : i32
            %add3A_179 = arith.addi %mul3A_177, %add3A_178 : i32
            %swap3A_180 = arith.index_cast %add3A_179 : i32 to index
            %swap3A_181 = tpu.vector_load %arg12[%swap3A_180] {strides = array<i32>} : memref<2560xf32, #tpu.memory_space<vmem>>, vector<16xf32>,
            %swap3A_182 = vector.shape_cast %swap3A_181 : vector<16xf32> to vector<16xf32>
            %swap3A_183 = vector.shape_cast %max3A_175 : vector<16xf32> to vector<16xf32>
            tpu.vector_store %arg12[%swap3A_180], %swap3A_183 {strides = array<i32>} : memref<2560xf32, #tpu.memory_space<vmem>>, vector<16xf32>,
          }
          %scan3A_96 = arith.constant 40 : i32
          %mul3A_97 = arith.constant 64 : i32
          %mul3A_98 = arith.muli %multiple_of3A, %mul3A_97 : i32
          %multiple_of3A_99 = tpu.assume_multiple %mul3A_98, 8 : i32
          %dma_start3A_100 = tpu.memref_slice %arg5[%multiple_of3A_99] : memref<51200000xf32, #tpu.memory_space<hbm>> -> memref<2560xf32, #tpu.memory_space<hbm>>
          %dma_start3A_101 = tpu.memref_slice %arg5[%multiple_of3A_99] : memref<51200000xf32, #tpu.memory_space<hbm>> -> memref<2560xf32, #tpu.memory_space<hbm>>
          tpu.enqueue_dma source(%arg12 : memref<2560xf32, #tpu.memory_space<vmem>>) target(%dma_start3A_101 : memref<2560xf32, #tpu.memory_space<hbm>>) target_semaphore(%arg18 : memref<!tpu.dma_semaphore, #tpu.memory_space<semaphore_mem>>)
        } else {
        }
      }
      %scan3A_27 = arith.constant 25 : i32
      %dma_wait3A = arith.constant 0 : i32
      %dma_wait3A_28 = tpu.memref_slice %arg5[%dma_wait3A] : memref<51200000xf32, #tpu.memory_space<hbm>> -> memref<2560xf32, #tpu.memory_space<hbm>>
      %dma_wait3A_29 = arith.constant 0 : i32
      %dma_wait3A_30 = tpu.memref_slice %arg5[%dma_wait3A_29] : memref<51200000xf32, #tpu.memory_space<hbm>> -> memref<2560xf32, #tpu.memory_space<hbm>>
      tpu.wait_dma2 semaphore(%arg18 : memref<!tpu.dma_semaphore, #tpu.memory_space<semaphore_mem>>) src(%arg12 : memref<2560xf32, #tpu.memory_space<vmem>>) dst(%dma_wait3A_30 : memref<2560xf32, #tpu.memory_space<hbm>>)
      %dma_wait3A_31 = arith.constant 0 : i32
      %dma_wait3A_32 = tpu.memref_slice %arg5[%dma_wait3A_31] : memref<51200000xf32, #tpu.memory_space<hbm>> -> memref<2560xf32, #tpu.memory_space<hbm>>
      %dma_wait3A_33 = arith.constant 0 : i32
      %dma_wait3A_34 = tpu.memref_slice %arg5[%dma_wait3A_33] : memref<51200000xf32, #tpu.memory_space<hbm>> -> memref<2560xf32, #tpu.memory_space<hbm>>
      tpu.wait_dma2 semaphore(%arg17 : memref<!tpu.dma_semaphore, #tpu.memory_space<semaphore_mem>>) src(%arg11 : memref<2560xf32, #tpu.memory_space<vmem>>) dst(%dma_wait3A_34 : memref<2560xf32, #tpu.memory_space<hbm>>)
    }
    %scan3A_6 = arith.constant 25 : i32
    return
  }
}

#map = affine_map<(d0, d1) -> (0)>
#map1 = affine_map<(d0, d1) -> (0, 0)>
module attributes {stable_mosaic.version = 14 : i64} {
  func.func @_sc_seg_body(%arg0: i32, %arg1: i32, %arg2: memref<51200000xf32, #tpu.memory_space<hbm>>, %arg3: memref<800000xi32, #tpu.memory_space<hbm>>, %arg4: memref<50176x64xf32, #tpu.memory_space<hbm>>, %arg5: memref<2000xi32, #tpu.memory_space<vmem>>, %arg6: memref<25x80xi32, #tpu.memory_space<vmem>>, %arg7: memref<5120xf32, #tpu.memory_space<vmem>>, %arg8: memref<5120xf32, #tpu.memory_space<vmem>>, %arg9: memref<80x64xf32, #tpu.memory_space<vmem>>, %arg10: memref<25104x64xf32, #tpu.memory_space<vmem_shared>>, %arg11: memref<!tpu.dma_semaphore, #tpu.memory_space<semaphore_mem>>, %arg12: memref<!tpu.dma_semaphore, #tpu.memory_space<semaphore_mem>>) attributes {dimension_semantics = [#tpu.dimension_semantics<core_parallel>, #tpu.dimension_semantics<subcore_parallel>], iteration_bounds = array<i64: 2, 16>, scalar_prefetch = 0 : i64, scratch_operands = 8 : i64, tpu.core_type = #tpu.core_type<sc_vector_subcore>, window_params = [{transform_indices = #map}, {transform_indices = #map}, {transform_indices = #map1}]} {
    %mul3A = arith.constant 25088 : i32
    %mul3A_0 = arith.muli %arg0, %mul3A : i32
    %scan3A = arith.constant 0 : i32
    %scan3A_1 = arith.constant 80 : i32
    %scan3A_2 = arith.addi %scan3A, %scan3A_1 : i32
    %scan3A_3 = arith.constant 1 : i32
    scf.for %scan3A_32 = %scan3A to %scan3A_2 step %scan3A_3  : i32 {
      %mul3A_33 = arith.constant 1 : i32
      %mul3A_34 = arith.muli %scan3A_32, %mul3A_33 : i32
      %add3A_35 = arith.constant 0 : i32
      %add3A_36 = arith.addi %add3A_35, %mul3A_34 : i32
      %broadcast_in_dim3A = arith.constant 0.000000e+00 : f32
      %broadcast_in_dim3A_37 = vector.broadcast %broadcast_in_dim3A : f32 to vector<16xf32>
      %swap3A = arith.index_cast %add3A_36 : i32 to index
      %swap3A_38 = arith.constant 0 : index
      %swap3A_39 = tpu.vector_load %arg9[%swap3A, %swap3A_38] {strides = array<i32>} : memref<80x64xf32, #tpu.memory_space<vmem>>, vector<1x16xf32>,
      %swap3A_40 = vector.shape_cast %swap3A_39 : vector<1x16xf32> to vector<16xf32>
      %swap3A_41 = vector.shape_cast %broadcast_in_dim3A_37 : vector<16xf32> to vector<1x16xf32>
      tpu.vector_store %arg9[%swap3A, %swap3A_38], %swap3A_41 {strides = array<i32>} : memref<80x64xf32, #tpu.memory_space<vmem>>, vector<1x16xf32>,
      %broadcast_in_dim3A_42 = arith.constant 0.000000e+00 : f32
      %broadcast_in_dim3A_43 = vector.broadcast %broadcast_in_dim3A_42 : f32 to vector<16xf32>
      %swap3A_44 = arith.index_cast %add3A_36 : i32 to index
      %swap3A_45 = arith.constant 16 : index
      %swap3A_46 = tpu.vector_load %arg9[%swap3A_44, %swap3A_45] {strides = array<i32>} : memref<80x64xf32, #tpu.memory_space<vmem>>, vector<1x16xf32>,
      %swap3A_47 = vector.shape_cast %swap3A_46 : vector<1x16xf32> to vector<16xf32>
      %swap3A_48 = vector.shape_cast %broadcast_in_dim3A_43 : vector<16xf32> to vector<1x16xf32>
      tpu.vector_store %arg9[%swap3A_44, %swap3A_45], %swap3A_48 {strides = array<i32>} : memref<80x64xf32, #tpu.memory_space<vmem>>, vector<1x16xf32>,
      %broadcast_in_dim3A_49 = arith.constant 0.000000e+00 : f32
      %broadcast_in_dim3A_50 = vector.broadcast %broadcast_in_dim3A_49 : f32 to vector<16xf32>
      %swap3A_51 = arith.index_cast %add3A_36 : i32 to index
      %swap3A_52 = arith.constant 32 : index
      %swap3A_53 = tpu.vector_load %arg9[%swap3A_51, %swap3A_52] {strides = array<i32>} : memref<80x64xf32, #tpu.memory_space<vmem>>, vector<1x16xf32>,
      %swap3A_54 = vector.shape_cast %swap3A_53 : vector<1x16xf32> to vector<16xf32>
      %swap3A_55 = vector.shape_cast %broadcast_in_dim3A_50 : vector<16xf32> to vector<1x16xf32>
      tpu.vector_store %arg9[%swap3A_51, %swap3A_52], %swap3A_55 {strides = array<i32>} : memref<80x64xf32, #tpu.memory_space<vmem>>, vector<1x16xf32>,
      %broadcast_in_dim3A_56 = arith.constant 0.000000e+00 : f32
      %broadcast_in_dim3A_57 = vector.broadcast %broadcast_in_dim3A_56 : f32 to vector<16xf32>
      %swap3A_58 = arith.index_cast %add3A_36 : i32 to index
      %swap3A_59 = arith.constant 48 : index
      %swap3A_60 = tpu.vector_load %arg9[%swap3A_58, %swap3A_59] {strides = array<i32>} : memref<80x64xf32, #tpu.memory_space<vmem>>, vector<1x16xf32>,
      %swap3A_61 = vector.shape_cast %swap3A_60 : vector<1x16xf32> to vector<16xf32>
      %swap3A_62 = vector.shape_cast %broadcast_in_dim3A_57 : vector<16xf32> to vector<1x16xf32>
      tpu.vector_store %arg9[%swap3A_58, %swap3A_59], %swap3A_62 {strides = array<i32>} : memref<80x64xf32, #tpu.memory_space<vmem>>, vector<1x16xf32>,
    }
    %scan3A_4 = arith.constant 80 : i32
    %mul3A_5 = arith.constant 1569 : i32
    %mul3A_6 = arith.muli %arg1, %mul3A_5 : i32
    %scan3A_7 = arith.constant 0 : i32
    %scan3A_8 = arith.constant 19 : i32
    %scan3A_9 = arith.addi %scan3A_7, %scan3A_8 : i32
    %scan3A_10 = arith.constant 1 : i32
    scf.for %scan3A_32 = %scan3A_7 to %scan3A_9 step %scan3A_10  : i32 {
      %mul3A_33 = arith.constant 1 : i32
      %mul3A_34 = arith.muli %scan3A_32, %mul3A_33 : i32
      %add3A_35 = arith.constant 0 : i32
      %add3A_36 = arith.addi %add3A_35, %mul3A_34 : i32
      %mul3A_37 = arith.constant 80 : i32
      %mul3A_38 = arith.muli %add3A_36, %mul3A_37 : i32
      %add3A_39 = arith.addi %mul3A_6, %mul3A_38 : i32
      "tpu.region"() ({
        %run_scoped3A = tpu.sem_alloc : memref<!tpu.dma_semaphore, #tpu.memory_space<semaphore_mem>>
        %dma_start3A = arith.constant 0 : i32
        %dma_start3A_40 = tpu.memref_slice %arg10[%add3A_39, %dma_start3A] : memref<25104x64xf32, #tpu.memory_space<vmem_shared>> -> memref<80x64xf32, #tpu.memory_space<vmem_shared>>
        %dma_start3A_41 = arith.constant 0 : i32
        %dma_start3A_42 = tpu.memref_slice %arg10[%add3A_39, %dma_start3A_41] : memref<25104x64xf32, #tpu.memory_space<vmem_shared>> -> memref<80x64xf32, #tpu.memory_space<vmem_shared>>
        tpu.enqueue_dma source(%arg9 : memref<80x64xf32, #tpu.memory_space<vmem>>) target(%dma_start3A_42 : memref<80x64xf32, #tpu.memory_space<vmem_shared>>) target_semaphore(%run_scoped3A : memref<!tpu.dma_semaphore, #tpu.memory_space<semaphore_mem>>)
        %dma_wait3A = arith.constant 0 : i32
        %dma_wait3A_43 = tpu.memref_slice %arg10[%add3A_39, %dma_wait3A] : memref<25104x64xf32, #tpu.memory_space<vmem_shared>> -> memref<80x64xf32, #tpu.memory_space<vmem_shared>>
        %dma_wait3A_44 = arith.constant 0 : i32
        %dma_wait3A_45 = tpu.memref_slice %arg10[%add3A_39, %dma_wait3A_44] : memref<25104x64xf32, #tpu.memory_space<vmem_shared>> -> memref<80x64xf32, #tpu.memory_space<vmem_shared>>
        tpu.wait_dma2 semaphore(%run_scoped3A : memref<!tpu.dma_semaphore, #tpu.memory_space<semaphore_mem>>) src(%arg9 : memref<80x64xf32, #tpu.memory_space<vmem>>) dst(%dma_wait3A_45 : memref<80x64xf32, #tpu.memory_space<vmem_shared>>)
        tpu.yield
      }) : () -> ()
    }
    %scan3A_11 = arith.constant 19 : i32
    %add3A = arith.constant 1520 : i32
    %add3A_12 = arith.addi %mul3A_6, %add3A : i32
    "tpu.region"() ({
      %run_scoped3A = tpu.sem_alloc : memref<!tpu.dma_semaphore, #tpu.memory_space<semaphore_mem>>
      %dma_start3A = arith.constant 0 : i32
      %dma_start3A_32 = arith.constant 0 : i32
      %dma_start3A_33 = tpu.memref_slice %arg9[%dma_start3A, %dma_start3A_32] : memref<80x64xf32, #tpu.memory_space<vmem>> -> memref<49x64xf32, #tpu.memory_space<vmem>>
      %dma_start3A_34 = arith.constant 0 : i32
      %dma_start3A_35 = tpu.memref_slice %arg10[%add3A_12, %dma_start3A_34] : memref<25104x64xf32, #tpu.memory_space<vmem_shared>> -> memref<49x64xf32, #tpu.memory_space<vmem_shared>>
      %dma_start3A_36 = arith.constant 0 : i32
      %dma_start3A_37 = tpu.memref_slice %arg10[%add3A_12, %dma_start3A_36] : memref<25104x64xf32, #tpu.memory_space<vmem_shared>> -> memref<49x64xf32, #tpu.memory_space<vmem_shared>>
      %dma_start3A_38 = arith.constant 0 : i32
      %dma_start3A_39 = arith.constant 0 : i32
      %dma_start3A_40 = tpu.memref_slice %arg9[%dma_start3A_38, %dma_start3A_39] : memref<80x64xf32, #tpu.memory_space<vmem>> -> memref<49x64xf32, #tpu.memory_space<vmem>>
      tpu.enqueue_dma source(%dma_start3A_40 : memref<49x64xf32, #tpu.memory_space<vmem>>) target(%dma_start3A_37 : memref<49x64xf32, #tpu.memory_space<vmem_shared>>) target_semaphore(%run_scoped3A : memref<!tpu.dma_semaphore, #tpu.memory_space<semaphore_mem>>)
      %dma_wait3A = arith.constant 0 : i32
      %dma_wait3A_41 = arith.constant 0 : i32
      %dma_wait3A_42 = tpu.memref_slice %arg9[%dma_wait3A, %dma_wait3A_41] : memref<80x64xf32, #tpu.memory_space<vmem>> -> memref<49x64xf32, #tpu.memory_space<vmem>>
      %dma_wait3A_43 = arith.constant 0 : i32
      %dma_wait3A_44 = tpu.memref_slice %arg10[%add3A_12, %dma_wait3A_43] : memref<25104x64xf32, #tpu.memory_space<vmem_shared>> -> memref<49x64xf32, #tpu.memory_space<vmem_shared>>
      %dma_wait3A_45 = arith.constant 0 : i32
      %dma_wait3A_46 = tpu.memref_slice %arg10[%add3A_12, %dma_wait3A_45] : memref<25104x64xf32, #tpu.memory_space<vmem_shared>> -> memref<49x64xf32, #tpu.memory_space<vmem_shared>>
      %dma_wait3A_47 = arith.constant 0 : i32
      %dma_wait3A_48 = arith.constant 0 : i32
      %dma_wait3A_49 = tpu.memref_slice %arg9[%dma_wait3A_47, %dma_wait3A_48] : memref<80x64xf32, #tpu.memory_space<vmem>> -> memref<49x64xf32, #tpu.memory_space<vmem>>
      tpu.wait_dma2 semaphore(%run_scoped3A : memref<!tpu.dma_semaphore, #tpu.memory_space<semaphore_mem>>) src(%dma_wait3A_49 : memref<49x64xf32, #tpu.memory_space<vmem>>) dst(%dma_wait3A_46 : memref<49x64xf32, #tpu.memory_space<vmem_shared>>)
      tpu.yield
    }) : () -> ()
    %barrier3A = arith.constant 0 : index
    tpu.barrier barrier_id(%barrier3A)
    %mul3A_13 = arith.constant 50000 : i32
    %mul3A_14 = arith.muli %arg1, %mul3A_13 : i32
    %scan3A_15 = arith.constant 0 : i32
    %scan3A_16 = arith.constant 25 : i32
    %scan3A_17 = arith.addi %scan3A_15, %scan3A_16 : i32
    %scan3A_18 = arith.constant 1 : i32
    scf.for %scan3A_32 = %scan3A_15 to %scan3A_17 step %scan3A_18  : i32 {
      %mul3A_33 = arith.constant 1 : i32
      %mul3A_34 = arith.muli %scan3A_32, %mul3A_33 : i32
      %add3A_35 = arith.constant 0 : i32
      %add3A_36 = arith.addi %add3A_35, %mul3A_34 : i32
      %mul3A_37 = arith.constant 2000 : i32
      %mul3A_38 = arith.muli %add3A_36, %mul3A_37 : i32
      %add3A_39 = arith.addi %mul3A_14, %mul3A_38 : i32
      "tpu.region"() ({
        %run_scoped3A = tpu.sem_alloc : memref<!tpu.dma_semaphore, #tpu.memory_space<semaphore_mem>>
        %dma_start3A_54 = tpu.memref_slice %arg3[%add3A_39] : memref<800000xi32, #tpu.memory_space<hbm>> -> memref<2000xi32, #tpu.memory_space<hbm>>
        %dma_start3A_55 = tpu.memref_slice %arg3[%add3A_39] : memref<800000xi32, #tpu.memory_space<hbm>> -> memref<2000xi32, #tpu.memory_space<hbm>>
        tpu.enqueue_dma source(%dma_start3A_55 : memref<2000xi32, #tpu.memory_space<hbm>>) target(%arg5 : memref<2000xi32, #tpu.memory_space<vmem>>) target_semaphore(%run_scoped3A : memref<!tpu.dma_semaphore, #tpu.memory_space<semaphore_mem>>)
        %dma_wait3A = tpu.memref_slice %arg3[%add3A_39] : memref<800000xi32, #tpu.memory_space<hbm>> -> memref<2000xi32, #tpu.memory_space<hbm>>
        %dma_wait3A_56 = tpu.memref_slice %arg3[%add3A_39] : memref<800000xi32, #tpu.memory_space<hbm>> -> memref<2000xi32, #tpu.memory_space<hbm>>
        tpu.wait_dma2 semaphore(%run_scoped3A : memref<!tpu.dma_semaphore, #tpu.memory_space<semaphore_mem>>) src(%dma_wait3A_56 : memref<2000xi32, #tpu.memory_space<hbm>>) dst(%arg5 : memref<2000xi32, #tpu.memory_space<vmem>>)
        tpu.yield
      }) : () -> ()
      %scan3A_40 = arith.constant 0 : i32
      %scan3A_41 = arith.constant 25 : i32
      %scan3A_42 = arith.addi %scan3A_40, %scan3A_41 : i32
      %scan3A_43 = arith.constant 1 : i32
      scf.for %scan3A_54 = %scan3A_40 to %scan3A_42 step %scan3A_43  : i32 {
        %mul3A_55 = arith.constant 1 : i32
        %mul3A_56 = arith.muli %scan3A_54, %mul3A_55 : i32
        %add3A_57 = arith.constant 0 : i32
        %add3A_58 = arith.addi %add3A_57, %mul3A_56 : i32
        %mul3A_59 = arith.constant 80 : i32
        %mul3A_60 = arith.muli %add3A_58, %mul3A_59 : i32
        %add3A_61 = arith.constant 0 : i32
        %add3A_62 = arith.addi %mul3A_60, %add3A_61 : i32
        %get3A = arith.index_cast %add3A_62 : i32 to index
        %get3A_63 = tpu.vector_load %arg5[%get3A] {strides = array<i32>} : memref<2000xi32, #tpu.memory_space<vmem>>, vector<16xi32>,
        %get3A_64 = vector.shape_cast %get3A_63 : vector<16xi32> to vector<16xi32>
        %sub3A = vector.broadcast %mul3A_0 : i32 to vector<16xi32>
        %sub3A_65 = arith.subi %get3A_64, %sub3A : vector<16xi32>
        %lt3A = arith.constant 0 : i32
        %lt3A_66 = vector.broadcast %lt3A : i32 to vector<16xi32>
        %lt3A_67 = arith.cmpi slt, %sub3A_65, %lt3A_66 : vector<16xi32>
        %ge3A = arith.constant 25088 : i32
        %ge3A_68 = vector.broadcast %ge3A : i32 to vector<16xi32>
        %ge3A_69 = arith.cmpi sge, %sub3A_65, %ge3A_68 : vector<16xi32>
        %or3A = arith.ori %lt3A_67, %ge3A_69 : vector<16xi1>
        %jit3A = arith.constant 25103 : i32
        %broadcast_in_dim3A = vector.broadcast %jit3A : i32 to vector<16xi32>
        %select_n3A = arith.select %or3A, %broadcast_in_dim3A, %sub3A_65 : vector<16xi1>, vector<16xi32>
        %swap3A = arith.index_cast %add3A_58 : i32 to index
        %swap3A_70 = arith.constant 0 : index
        %swap3A_71 = tpu.vector_load %arg6[%swap3A, %swap3A_70] {strides = array<i32>} : memref<25x80xi32, #tpu.memory_space<vmem>>, vector<1x16xi32>,
        %swap3A_72 = vector.shape_cast %swap3A_71 : vector<1x16xi32> to vector<16xi32>
        %swap3A_73 = vector.shape_cast %select_n3A : vector<16xi32> to vector<1x16xi32>
        tpu.vector_store %arg6[%swap3A, %swap3A_70], %swap3A_73 {strides = array<i32>} : memref<25x80xi32, #tpu.memory_space<vmem>>, vector<1x16xi32>,
        %mul3A_74 = arith.constant 80 : i32
        %mul3A_75 = arith.muli %add3A_58, %mul3A_74 : i32
        %add3A_76 = arith.constant 16 : i32
        %add3A_77 = arith.addi %mul3A_75, %add3A_76 : i32
        %get3A_78 = arith.index_cast %add3A_77 : i32 to index
        %get3A_79 = tpu.vector_load %arg5[%get3A_78] {strides = array<i32>} : memref<2000xi32, #tpu.memory_space<vmem>>, vector<16xi32>,
        %get3A_80 = vector.shape_cast %get3A_79 : vector<16xi32> to vector<16xi32>
        %sub3A_81 = vector.broadcast %mul3A_0 : i32 to vector<16xi32>
        %sub3A_82 = arith.subi %get3A_80, %sub3A_81 : vector<16xi32>
        %lt3A_83 = arith.constant 0 : i32
        %lt3A_84 = vector.broadcast %lt3A_83 : i32 to vector<16xi32>
        %lt3A_85 = arith.cmpi slt, %sub3A_82, %lt3A_84 : vector<16xi32>
        %ge3A_86 = arith.constant 25088 : i32
        %ge3A_87 = vector.broadcast %ge3A_86 : i32 to vector<16xi32>
        %ge3A_88 = arith.cmpi sge, %sub3A_82, %ge3A_87 : vector<16xi32>
        %or3A_89 = arith.ori %lt3A_85, %ge3A_88 : vector<16xi1>
        %jit3A_90 = arith.constant 25103 : i32
        %broadcast_in_dim3A_91 = vector.broadcast %jit3A_90 : i32 to vector<16xi32>
        %select_n3A_92 = arith.select %or3A_89, %broadcast_in_dim3A_91, %sub3A_82 : vector<16xi1>, vector<16xi32>
        %swap3A_93 = arith.index_cast %add3A_58 : i32 to index
        %swap3A_94 = arith.constant 16 : index
        %swap3A_95 = tpu.vector_load %arg6[%swap3A_93, %swap3A_94] {strides = array<i32>} : memref<25x80xi32, #tpu.memory_space<vmem>>, vector<1x16xi32>,
        %swap3A_96 = vector.shape_cast %swap3A_95 : vector<1x16xi32> to vector<16xi32>
        %swap3A_97 = vector.shape_cast %select_n3A_92 : vector<16xi32> to vector<1x16xi32>
        tpu.vector_store %arg6[%swap3A_93, %swap3A_94], %swap3A_97 {strides = array<i32>} : memref<25x80xi32, #tpu.memory_space<vmem>>, vector<1x16xi32>,
        %mul3A_98 = arith.constant 80 : i32
        %mul3A_99 = arith.muli %add3A_58, %mul3A_98 : i32
        %add3A_100 = arith.constant 32 : i32
        %add3A_101 = arith.addi %mul3A_99, %add3A_100 : i32
        %get3A_102 = arith.index_cast %add3A_101 : i32 to index
        %get3A_103 = tpu.vector_load %arg5[%get3A_102] {strides = array<i32>} : memref<2000xi32, #tpu.memory_space<vmem>>, vector<16xi32>,
        %get3A_104 = vector.shape_cast %get3A_103 : vector<16xi32> to vector<16xi32>
        %sub3A_105 = vector.broadcast %mul3A_0 : i32 to vector<16xi32>
        %sub3A_106 = arith.subi %get3A_104, %sub3A_105 : vector<16xi32>
        %lt3A_107 = arith.constant 0 : i32
        %lt3A_108 = vector.broadcast %lt3A_107 : i32 to vector<16xi32>
        %lt3A_109 = arith.cmpi slt, %sub3A_106, %lt3A_108 : vector<16xi32>
        %ge3A_110 = arith.constant 25088 : i32
        %ge3A_111 = vector.broadcast %ge3A_110 : i32 to vector<16xi32>
        %ge3A_112 = arith.cmpi sge, %sub3A_106, %ge3A_111 : vector<16xi32>
        %or3A_113 = arith.ori %lt3A_109, %ge3A_112 : vector<16xi1>
        %jit3A_114 = arith.constant 25103 : i32
        %broadcast_in_dim3A_115 = vector.broadcast %jit3A_114 : i32 to vector<16xi32>
        %select_n3A_116 = arith.select %or3A_113, %broadcast_in_dim3A_115, %sub3A_106 : vector<16xi1>, vector<16xi32>
        %swap3A_117 = arith.index_cast %add3A_58 : i32 to index
        %swap3A_118 = arith.constant 32 : index
        %swap3A_119 = tpu.vector_load %arg6[%swap3A_117, %swap3A_118] {strides = array<i32>} : memref<25x80xi32, #tpu.memory_space<vmem>>, vector<1x16xi32>,
        %swap3A_120 = vector.shape_cast %swap3A_119 : vector<1x16xi32> to vector<16xi32>
        %swap3A_121 = vector.shape_cast %select_n3A_116 : vector<16xi32> to vector<1x16xi32>
        tpu.vector_store %arg6[%swap3A_117, %swap3A_118], %swap3A_121 {strides = array<i32>} : memref<25x80xi32, #tpu.memory_space<vmem>>, vector<1x16xi32>,
        %mul3A_122 = arith.constant 80 : i32
        %mul3A_123 = arith.muli %add3A_58, %mul3A_122 : i32
        %add3A_124 = arith.constant 48 : i32
        %add3A_125 = arith.addi %mul3A_123, %add3A_124 : i32
        %get3A_126 = arith.index_cast %add3A_125 : i32 to index
        %get3A_127 = tpu.vector_load %arg5[%get3A_126] {strides = array<i32>} : memref<2000xi32, #tpu.memory_space<vmem>>, vector<16xi32>,
        %get3A_128 = vector.shape_cast %get3A_127 : vector<16xi32> to vector<16xi32>
        %sub3A_129 = vector.broadcast %mul3A_0 : i32 to vector<16xi32>
        %sub3A_130 = arith.subi %get3A_128, %sub3A_129 : vector<16xi32>
        %lt3A_131 = arith.constant 0 : i32
        %lt3A_132 = vector.broadcast %lt3A_131 : i32 to vector<16xi32>
        %lt3A_133 = arith.cmpi slt, %sub3A_130, %lt3A_132 : vector<16xi32>
        %ge3A_134 = arith.constant 25088 : i32
        %ge3A_135 = vector.broadcast %ge3A_134 : i32 to vector<16xi32>
        %ge3A_136 = arith.cmpi sge, %sub3A_130, %ge3A_135 : vector<16xi32>
        %or3A_137 = arith.ori %lt3A_133, %ge3A_136 : vector<16xi1>
        %jit3A_138 = arith.constant 25103 : i32
        %broadcast_in_dim3A_139 = vector.broadcast %jit3A_138 : i32 to vector<16xi32>
        %select_n3A_140 = arith.select %or3A_137, %broadcast_in_dim3A_139, %sub3A_130 : vector<16xi1>, vector<16xi32>
        %swap3A_141 = arith.index_cast %add3A_58 : i32 to index
        %swap3A_142 = arith.constant 48 : index
        %swap3A_143 = tpu.vector_load %arg6[%swap3A_141, %swap3A_142] {strides = array<i32>} : memref<25x80xi32, #tpu.memory_space<vmem>>, vector<1x16xi32>,
        %swap3A_144 = vector.shape_cast %swap3A_143 : vector<1x16xi32> to vector<16xi32>
        %swap3A_145 = vector.shape_cast %select_n3A_140 : vector<16xi32> to vector<1x16xi32>
        tpu.vector_store %arg6[%swap3A_141, %swap3A_142], %swap3A_145 {strides = array<i32>} : memref<25x80xi32, #tpu.memory_space<vmem>>, vector<1x16xi32>,
        %mul3A_146 = arith.constant 80 : i32
        %mul3A_147 = arith.muli %add3A_58, %mul3A_146 : i32
        %add3A_148 = arith.constant 64 : i32
        %add3A_149 = arith.addi %mul3A_147, %add3A_148 : i32
        %get3A_150 = arith.index_cast %add3A_149 : i32 to index
        %get3A_151 = tpu.vector_load %arg5[%get3A_150] {strides = array<i32>} : memref<2000xi32, #tpu.memory_space<vmem>>, vector<16xi32>,
        %get3A_152 = vector.shape_cast %get3A_151 : vector<16xi32> to vector<16xi32>
        %sub3A_153 = vector.broadcast %mul3A_0 : i32 to vector<16xi32>
        %sub3A_154 = arith.subi %get3A_152, %sub3A_153 : vector<16xi32>
        %lt3A_155 = arith.constant 0 : i32
        %lt3A_156 = vector.broadcast %lt3A_155 : i32 to vector<16xi32>
        %lt3A_157 = arith.cmpi slt, %sub3A_154, %lt3A_156 : vector<16xi32>
        %ge3A_158 = arith.constant 25088 : i32
        %ge3A_159 = vector.broadcast %ge3A_158 : i32 to vector<16xi32>
        %ge3A_160 = arith.cmpi sge, %sub3A_154, %ge3A_159 : vector<16xi32>
        %or3A_161 = arith.ori %lt3A_157, %ge3A_160 : vector<16xi1>
        %jit3A_162 = arith.constant 25103 : i32
        %broadcast_in_dim3A_163 = vector.broadcast %jit3A_162 : i32 to vector<16xi32>
        %select_n3A_164 = arith.select %or3A_161, %broadcast_in_dim3A_163, %sub3A_154 : vector<16xi1>, vector<16xi32>
        %swap3A_165 = arith.index_cast %add3A_58 : i32 to index
        %swap3A_166 = arith.constant 64 : index
        %swap3A_167 = tpu.vector_load %arg6[%swap3A_165, %swap3A_166] {strides = array<i32>} : memref<25x80xi32, #tpu.memory_space<vmem>>, vector<1x16xi32>,
        %swap3A_168 = vector.shape_cast %swap3A_167 : vector<1x16xi32> to vector<16xi32>
        %swap3A_169 = vector.shape_cast %select_n3A_164 : vector<16xi32> to vector<1x16xi32>
        tpu.vector_store %arg6[%swap3A_165, %swap3A_166], %swap3A_169 {strides = array<i32>} : memref<25x80xi32, #tpu.memory_space<vmem>>, vector<1x16xi32>,
      }
      %scan3A_44 = arith.constant 25 : i32
      %mul3A_45 = arith.constant 64 : i32
      %mul3A_46 = arith.muli %add3A_39, %mul3A_45 : i32
      %multiple_of3A_47 = tpu.assume_multiple %mul3A_46, 8 : i32
      %dma_start3A = tpu.memref_slice %arg2[%multiple_of3A_47] : memref<51200000xf32, #tpu.memory_space<hbm>> -> memref<5120xf32, #tpu.memory_space<hbm>>
      %dma_start3A_48 = tpu.memref_slice %arg2[%multiple_of3A_47] : memref<51200000xf32, #tpu.memory_space<hbm>> -> memref<5120xf32, #tpu.memory_space<hbm>>
      tpu.enqueue_dma source(%dma_start3A_48 : memref<5120xf32, #tpu.memory_space<hbm>>) target(%arg7 : memref<5120xf32, #tpu.memory_space<vmem>>) target_semaphore(%arg11 : memref<!tpu.dma_semaphore, #tpu.memory_space<semaphore_mem>>)
      %scan3A_49 = arith.constant 0 : i32
      %scan3A_50 = arith.constant 25 : i32
      %scan3A_51 = arith.addi %scan3A_49, %scan3A_50 : i32
      %scan3A_52 = arith.constant 1 : i32
      scf.for %scan3A_54 = %scan3A_49 to %scan3A_51 step %scan3A_52  : i32 {
        %mul3A_55 = arith.constant 1 : i32
        %mul3A_56 = arith.muli %scan3A_54, %mul3A_55 : i32
        %add3A_57 = arith.constant 0 : i32
        %add3A_58 = arith.addi %add3A_57, %mul3A_56 : i32
        %mul3A_59 = arith.constant 80 : i32
        %mul3A_60 = arith.muli %add3A_58, %mul3A_59 : i32
        %add3A_61 = arith.addi %add3A_39, %mul3A_60 : i32
        %mul3A_62 = arith.constant 64 : i32
        %mul3A_63 = arith.muli %add3A_61, %mul3A_62 : i32
        %multiple_of3A_64 = tpu.assume_multiple %mul3A_63, 8 : i32
        %jit3A = arith.constant 2 : i32
        %eq3A = arith.constant 0 : i32
        %eq3A_65 = arith.cmpi eq, %jit3A, %eq3A : i32
        %jit3A_66 = arith.constant 1 : i32
        %select_n3A = arith.select %eq3A_65, %jit3A_66, %jit3A : i32
        %rem3A = arith.remsi %add3A_58, %select_n3A : i32
        %ne3A = arith.constant 0 : i32
        %ne3A_67 = arith.cmpi ne, %rem3A, %ne3A : i32
        %lt3A = arith.constant 0 : i32
        %lt3A_68 = arith.cmpi slt, %rem3A, %lt3A : i32
        %lt3A_69 = arith.constant 0 : i32
        %lt3A_70 = arith.cmpi slt, %select_n3A, %lt3A_69 : i32
        %ne3A_71 = arith.xori %lt3A_68, %lt3A_70 : i1
        %and3A = arith.andi %ne3A_71, %ne3A_67 : i1
        %add3A_72 = arith.addi %rem3A, %select_n3A : i32
        %select_n3A_73 = arith.select %and3A, %add3A_72, %rem3A : i32
        %eq3A_74 = arith.constant 0 : i32
        %eq3A_75 = arith.cmpi eq, %select_n3A_73, %eq3A_74 : i32
        %add3A_76 = arith.constant 1 : i32
        %add3A_77 = arith.addi %add3A_58, %add3A_76 : i32
        %lt3A_78 = arith.constant 25 : i32
        %lt3A_79 = arith.cmpi slt, %add3A_77, %lt3A_78 : i32
        %and3A_80 = arith.andi %lt3A_79, %eq3A_75 : i1
        %convert_element_type3A = arith.extui %and3A_80 : i1 to i32
        %cond3A = arith.constant 0 : i32
        %cond3A_81 = arith.cmpi ne, %convert_element_type3A, %cond3A : i32
        scf.if %cond3A_81 {
          %add3A_99 = arith.constant 5120 : i32
          %add3A_100 = arith.addi %multiple_of3A_64, %add3A_99 : i32
          %dma_start3A_101 = tpu.memref_slice %arg2[%add3A_100] : memref<51200000xf32, #tpu.memory_space<hbm>> -> memref<5120xf32, #tpu.memory_space<hbm>>
          %dma_start3A_102 = tpu.memref_slice %arg2[%add3A_100] : memref<51200000xf32, #tpu.memory_space<hbm>> -> memref<5120xf32, #tpu.memory_space<hbm>>
          tpu.enqueue_dma source(%dma_start3A_102 : memref<5120xf32, #tpu.memory_space<hbm>>) target(%arg8 : memref<5120xf32, #tpu.memory_space<vmem>>) target_semaphore(%arg12 : memref<!tpu.dma_semaphore, #tpu.memory_space<semaphore_mem>>)
        } else {
        }
        %add3A_82 = arith.constant 1 : i32
        %add3A_83 = arith.addi %add3A_58, %add3A_82 : i32
        %lt3A_84 = arith.constant 25 : i32
        %lt3A_85 = arith.cmpi slt, %add3A_83, %lt3A_84 : i32
        %not3A = arith.constant true
        %not3A_86 = arith.xori %eq3A_75, %not3A : i1
        %and3A_87 = arith.andi %lt3A_85, %not3A_86 : i1
        %convert_element_type3A_88 = arith.extui %and3A_87 : i1 to i32
        %cond3A_89 = arith.constant 0 : i32
        %cond3A_90 = arith.cmpi ne, %convert_element_type3A_88, %cond3A_89 : i32
        scf.if %cond3A_90 {
          %add3A_99 = arith.constant 5120 : i32
          %add3A_100 = arith.addi %multiple_of3A_64, %add3A_99 : i32
          %dma_start3A_101 = tpu.memref_slice %arg2[%add3A_100] : memref<51200000xf32, #tpu.memory_space<hbm>> -> memref<5120xf32, #tpu.memory_space<hbm>>
          %dma_start3A_102 = tpu.memref_slice %arg2[%add3A_100] : memref<51200000xf32, #tpu.memory_space<hbm>> -> memref<5120xf32, #tpu.memory_space<hbm>>
          tpu.enqueue_dma source(%dma_start3A_102 : memref<5120xf32, #tpu.memory_space<hbm>>) target(%arg7 : memref<5120xf32, #tpu.memory_space<vmem>>) target_semaphore(%arg11 : memref<!tpu.dma_semaphore, #tpu.memory_space<semaphore_mem>>)
        } else {
        }
        %convert_element_type3A_91 = arith.extui %eq3A_75 : i1 to i32
        %cond3A_92 = arith.constant 0 : i32
        %cond3A_93 = arith.cmpi ne, %convert_element_type3A_91, %cond3A_92 : i32
        scf.if %cond3A_93 {
          %dma_wait3A = arith.constant 0 : i32
          %dma_wait3A_99 = tpu.memref_slice %arg2[%dma_wait3A] : memref<51200000xf32, #tpu.memory_space<hbm>> -> memref<5120xf32, #tpu.memory_space<hbm>>
          %dma_wait3A_100 = arith.constant 0 : i32
          %dma_wait3A_101 = tpu.memref_slice %arg2[%dma_wait3A_100] : memref<51200000xf32, #tpu.memory_space<hbm>> -> memref<5120xf32, #tpu.memory_space<hbm>>
          tpu.wait_dma2 semaphore(%arg11 : memref<!tpu.dma_semaphore, #tpu.memory_space<semaphore_mem>>) src(%dma_wait3A_101 : memref<5120xf32, #tpu.memory_space<hbm>>) dst(%arg7 : memref<5120xf32, #tpu.memory_space<vmem>>)
          %scan3A_102 = arith.constant 0 : i32
          %scan3A_103 = arith.constant 80 : i32
          %scan3A_104 = arith.addi %scan3A_102, %scan3A_103 : i32
          %scan3A_105 = arith.constant 1 : i32
          scf.for %scan3A_107 = %scan3A_102 to %scan3A_104 step %scan3A_105  : i32 {
            %mul3A_108 = arith.constant 1 : i32
            %mul3A_109 = arith.muli %scan3A_107, %mul3A_108 : i32
            %add3A_110 = arith.constant 0 : i32
            %add3A_111 = arith.addi %add3A_110, %mul3A_109 : i32
            %mul3A_112 = arith.constant 64 : i32
            %mul3A_113 = arith.muli %add3A_111, %mul3A_112 : i32
            %add3A_114 = arith.constant 0 : i32
            %add3A_115 = arith.addi %mul3A_113, %add3A_114 : i32
            %get3A = arith.index_cast %add3A_115 : i32 to index
            %get3A_116 = tpu.vector_load %arg7[%get3A] {strides = array<i32>} : memref<5120xf32, #tpu.memory_space<vmem>>, vector<16xf32>,
            %get3A_117 = vector.shape_cast %get3A_116 : vector<16xf32> to vector<16xf32>
            %swap3A = arith.index_cast %add3A_111 : i32 to index
            %swap3A_118 = arith.constant 0 : index
            %swap3A_119 = tpu.vector_load %arg9[%swap3A, %swap3A_118] {strides = array<i32>} : memref<80x64xf32, #tpu.memory_space<vmem>>, vector<1x16xf32>,
            %swap3A_120 = vector.shape_cast %swap3A_119 : vector<1x16xf32> to vector<16xf32>
            %swap3A_121 = vector.shape_cast %get3A_117 : vector<16xf32> to vector<1x16xf32>
            tpu.vector_store %arg9[%swap3A, %swap3A_118], %swap3A_121 {strides = array<i32>} : memref<80x64xf32, #tpu.memory_space<vmem>>, vector<1x16xf32>,
            %mul3A_122 = arith.constant 64 : i32
            %mul3A_123 = arith.muli %add3A_111, %mul3A_122 : i32
            %add3A_124 = arith.constant 16 : i32
            %add3A_125 = arith.addi %mul3A_123, %add3A_124 : i32
            %get3A_126 = arith.index_cast %add3A_125 : i32 to index
            %get3A_127 = tpu.vector_load %arg7[%get3A_126] {strides = array<i32>} : memref<5120xf32, #tpu.memory_space<vmem>>, vector<16xf32>,
            %get3A_128 = vector.shape_cast %get3A_127 : vector<16xf32> to vector<16xf32>
            %swap3A_129 = arith.index_cast %add3A_111 : i32 to index
            %swap3A_130 = arith.constant 16 : index
            %swap3A_131 = tpu.vector_load %arg9[%swap3A_129, %swap3A_130] {strides = array<i32>} : memref<80x64xf32, #tpu.memory_space<vmem>>, vector<1x16xf32>,
            %swap3A_132 = vector.shape_cast %swap3A_131 : vector<1x16xf32> to vector<16xf32>
            %swap3A_133 = vector.shape_cast %get3A_128 : vector<16xf32> to vector<1x16xf32>
            tpu.vector_store %arg9[%swap3A_129, %swap3A_130], %swap3A_133 {strides = array<i32>} : memref<80x64xf32, #tpu.memory_space<vmem>>, vector<1x16xf32>,
            %mul3A_134 = arith.constant 64 : i32
            %mul3A_135 = arith.muli %add3A_111, %mul3A_134 : i32
            %add3A_136 = arith.constant 32 : i32
            %add3A_137 = arith.addi %mul3A_135, %add3A_136 : i32
            %get3A_138 = arith.index_cast %add3A_137 : i32 to index
            %get3A_139 = tpu.vector_load %arg7[%get3A_138] {strides = array<i32>} : memref<5120xf32, #tpu.memory_space<vmem>>, vector<16xf32>,
            %get3A_140 = vector.shape_cast %get3A_139 : vector<16xf32> to vector<16xf32>
            %swap3A_141 = arith.index_cast %add3A_111 : i32 to index
            %swap3A_142 = arith.constant 32 : index
            %swap3A_143 = tpu.vector_load %arg9[%swap3A_141, %swap3A_142] {strides = array<i32>} : memref<80x64xf32, #tpu.memory_space<vmem>>, vector<1x16xf32>,
            %swap3A_144 = vector.shape_cast %swap3A_143 : vector<1x16xf32> to vector<16xf32>
            %swap3A_145 = vector.shape_cast %get3A_140 : vector<16xf32> to vector<1x16xf32>
            tpu.vector_store %arg9[%swap3A_141, %swap3A_142], %swap3A_145 {strides = array<i32>} : memref<80x64xf32, #tpu.memory_space<vmem>>, vector<1x16xf32>,
            %mul3A_146 = arith.constant 64 : i32
            %mul3A_147 = arith.muli %add3A_111, %mul3A_146 : i32
            %add3A_148 = arith.constant 48 : i32
            %add3A_149 = arith.addi %mul3A_147, %add3A_148 : i32
            %get3A_150 = arith.index_cast %add3A_149 : i32 to index
            %get3A_151 = tpu.vector_load %arg7[%get3A_150] {strides = array<i32>} : memref<5120xf32, #tpu.memory_space<vmem>>, vector<16xf32>,
            %get3A_152 = vector.shape_cast %get3A_151 : vector<16xf32> to vector<16xf32>
            %swap3A_153 = arith.index_cast %add3A_111 : i32 to index
            %swap3A_154 = arith.constant 48 : index
            %swap3A_155 = tpu.vector_load %arg9[%swap3A_153, %swap3A_154] {strides = array<i32>} : memref<80x64xf32, #tpu.memory_space<vmem>>, vector<1x16xf32>,
            %swap3A_156 = vector.shape_cast %swap3A_155 : vector<1x16xf32> to vector<16xf32>
            %swap3A_157 = vector.shape_cast %get3A_152 : vector<16xf32> to vector<1x16xf32>
            tpu.vector_store %arg9[%swap3A_153, %swap3A_154], %swap3A_157 {strides = array<i32>} : memref<80x64xf32, #tpu.memory_space<vmem>>, vector<1x16xf32>,
          }
          %scan3A_106 = arith.constant 80 : i32
          "tpu.region"() ({
            %run_scoped3A = tpu.sem_alloc : memref<!tpu.dma_semaphore, #tpu.memory_space<semaphore_mem>>
            %dma_start3A_107 = arith.constant 0 : i32
            %dma_start3A_108 = tpu.memref_slice %arg6[%add3A_58, %dma_start3A_107] : memref<25x80xi32, #tpu.memory_space<vmem>> -> memref<1x80xi32, #tpu.memory_space<vmem>>
            %dma_start3A_109 = tpu.memref_squeeze %dma_start3A_108 : memref<1x80xi32, #tpu.memory_space<vmem>> -> memref<80xi32, #tpu.memory_space<vmem>>
            %dma_start3A_110 = arith.constant 0 : i32
            %dma_start3A_111 = arith.constant 0 : i32
            %dma_start3A_112 = tpu.memref_slice %arg10[%dma_start3A_110, %dma_start3A_111] : memref<25104x64xf32, #tpu.memory_space<vmem_shared>> -> memref<25104x64xf32, #tpu.memory_space<vmem_shared>>
            tpu.enqueue_indirect_dma source(%arg9 : memref<80x64xf32, #tpu.memory_space<vmem>>) target(%dma_start3A_112 : memref<25104x64xf32, #tpu.memory_space<vmem_shared>>) offsets(%dma_start3A_109 : memref<80xi32, #tpu.memory_space<vmem>>) semaphore(%run_scoped3A : memref<!tpu.dma_semaphore, #tpu.memory_space<semaphore_mem>>) {add = true}
            %dma_wait3A_113 = arith.constant 0 : i32
            %dma_wait3A_114 = tpu.memref_slice %arg6[%add3A_58, %dma_wait3A_113] : memref<25x80xi32, #tpu.memory_space<vmem>> -> memref<1x80xi32, #tpu.memory_space<vmem>>
            %dma_wait3A_115 = tpu.memref_squeeze %dma_wait3A_114 : memref<1x80xi32, #tpu.memory_space<vmem>> -> memref<80xi32, #tpu.memory_space<vmem>>
            %dma_wait3A_116 = arith.constant 0 : i32
            %dma_wait3A_117 = arith.constant 0 : i32
            %dma_wait3A_118 = tpu.memref_slice %arg10[%dma_wait3A_116, %dma_wait3A_117] : memref<25104x64xf32, #tpu.memory_space<vmem_shared>> -> memref<25104x64xf32, #tpu.memory_space<vmem_shared>>
            tpu.wait_indirect_dma semaphore(%run_scoped3A : memref<!tpu.dma_semaphore, #tpu.memory_space<semaphore_mem>>) src(%arg9 : memref<80x64xf32, #tpu.memory_space<vmem>>) dst(%dma_wait3A_118 : memref<25104x64xf32, #tpu.memory_space<vmem_shared>>)
            tpu.yield
          }) : () -> ()
        } else {
        }
        %not3A_94 = arith.constant true
        %not3A_95 = arith.xori %eq3A_75, %not3A_94 : i1
        %convert_element_type3A_96 = arith.extui %not3A_95 : i1 to i32
        %cond3A_97 = arith.constant 0 : i32
        %cond3A_98 = arith.cmpi ne, %convert_element_type3A_96, %cond3A_97 : i32
        scf.if %cond3A_98 {
          %dma_wait3A = arith.constant 0 : i32
          %dma_wait3A_99 = tpu.memref_slice %arg2[%dma_wait3A] : memref<51200000xf32, #tpu.memory_space<hbm>> -> memref<5120xf32, #tpu.memory_space<hbm>>
          %dma_wait3A_100 = arith.constant 0 : i32
          %dma_wait3A_101 = tpu.memref_slice %arg2[%dma_wait3A_100] : memref<51200000xf32, #tpu.memory_space<hbm>> -> memref<5120xf32, #tpu.memory_space<hbm>>
          tpu.wait_dma2 semaphore(%arg12 : memref<!tpu.dma_semaphore, #tpu.memory_space<semaphore_mem>>) src(%dma_wait3A_101 : memref<5120xf32, #tpu.memory_space<hbm>>) dst(%arg8 : memref<5120xf32, #tpu.memory_space<vmem>>)
          %scan3A_102 = arith.constant 0 : i32
          %scan3A_103 = arith.constant 80 : i32
          %scan3A_104 = arith.addi %scan3A_102, %scan3A_103 : i32
          %scan3A_105 = arith.constant 1 : i32
          scf.for %scan3A_107 = %scan3A_102 to %scan3A_104 step %scan3A_105  : i32 {
            %mul3A_108 = arith.constant 1 : i32
            %mul3A_109 = arith.muli %scan3A_107, %mul3A_108 : i32
            %add3A_110 = arith.constant 0 : i32
            %add3A_111 = arith.addi %add3A_110, %mul3A_109 : i32
            %mul3A_112 = arith.constant 64 : i32
            %mul3A_113 = arith.muli %add3A_111, %mul3A_112 : i32
            %add3A_114 = arith.constant 0 : i32
            %add3A_115 = arith.addi %mul3A_113, %add3A_114 : i32
            %get3A = arith.index_cast %add3A_115 : i32 to index
            %get3A_116 = tpu.vector_load %arg8[%get3A] {strides = array<i32>} : memref<5120xf32, #tpu.memory_space<vmem>>, vector<16xf32>,
            %get3A_117 = vector.shape_cast %get3A_116 : vector<16xf32> to vector<16xf32>
            %swap3A = arith.index_cast %add3A_111 : i32 to index
            %swap3A_118 = arith.constant 0 : index
            %swap3A_119 = tpu.vector_load %arg9[%swap3A, %swap3A_118] {strides = array<i32>} : memref<80x64xf32, #tpu.memory_space<vmem>>, vector<1x16xf32>,
            %swap3A_120 = vector.shape_cast %swap3A_119 : vector<1x16xf32> to vector<16xf32>
            %swap3A_121 = vector.shape_cast %get3A_117 : vector<16xf32> to vector<1x16xf32>
            tpu.vector_store %arg9[%swap3A, %swap3A_118], %swap3A_121 {strides = array<i32>} : memref<80x64xf32, #tpu.memory_space<vmem>>, vector<1x16xf32>,
            %mul3A_122 = arith.constant 64 : i32
            %mul3A_123 = arith.muli %add3A_111, %mul3A_122 : i32
            %add3A_124 = arith.constant 16 : i32
            %add3A_125 = arith.addi %mul3A_123, %add3A_124 : i32
            %get3A_126 = arith.index_cast %add3A_125 : i32 to index
            %get3A_127 = tpu.vector_load %arg8[%get3A_126] {strides = array<i32>} : memref<5120xf32, #tpu.memory_space<vmem>>, vector<16xf32>,
            %get3A_128 = vector.shape_cast %get3A_127 : vector<16xf32> to vector<16xf32>
            %swap3A_129 = arith.index_cast %add3A_111 : i32 to index
            %swap3A_130 = arith.constant 16 : index
            %swap3A_131 = tpu.vector_load %arg9[%swap3A_129, %swap3A_130] {strides = array<i32>} : memref<80x64xf32, #tpu.memory_space<vmem>>, vector<1x16xf32>,
            %swap3A_132 = vector.shape_cast %swap3A_131 : vector<1x16xf32> to vector<16xf32>
            %swap3A_133 = vector.shape_cast %get3A_128 : vector<16xf32> to vector<1x16xf32>
            tpu.vector_store %arg9[%swap3A_129, %swap3A_130], %swap3A_133 {strides = array<i32>} : memref<80x64xf32, #tpu.memory_space<vmem>>, vector<1x16xf32>,
            %mul3A_134 = arith.constant 64 : i32
            %mul3A_135 = arith.muli %add3A_111, %mul3A_134 : i32
            %add3A_136 = arith.constant 32 : i32
            %add3A_137 = arith.addi %mul3A_135, %add3A_136 : i32
            %get3A_138 = arith.index_cast %add3A_137 : i32 to index
            %get3A_139 = tpu.vector_load %arg8[%get3A_138] {strides = array<i32>} : memref<5120xf32, #tpu.memory_space<vmem>>, vector<16xf32>,
            %get3A_140 = vector.shape_cast %get3A_139 : vector<16xf32> to vector<16xf32>
            %swap3A_141 = arith.index_cast %add3A_111 : i32 to index
            %swap3A_142 = arith.constant 32 : index
            %swap3A_143 = tpu.vector_load %arg9[%swap3A_141, %swap3A_142] {strides = array<i32>} : memref<80x64xf32, #tpu.memory_space<vmem>>, vector<1x16xf32>,
            %swap3A_144 = vector.shape_cast %swap3A_143 : vector<1x16xf32> to vector<16xf32>
            %swap3A_145 = vector.shape_cast %get3A_140 : vector<16xf32> to vector<1x16xf32>
            tpu.vector_store %arg9[%swap3A_141, %swap3A_142], %swap3A_145 {strides = array<i32>} : memref<80x64xf32, #tpu.memory_space<vmem>>, vector<1x16xf32>,
            %mul3A_146 = arith.constant 64 : i32
            %mul3A_147 = arith.muli %add3A_111, %mul3A_146 : i32
            %add3A_148 = arith.constant 48 : i32
            %add3A_149 = arith.addi %mul3A_147, %add3A_148 : i32
            %get3A_150 = arith.index_cast %add3A_149 : i32 to index
            %get3A_151 = tpu.vector_load %arg8[%get3A_150] {strides = array<i32>} : memref<5120xf32, #tpu.memory_space<vmem>>, vector<16xf32>,
            %get3A_152 = vector.shape_cast %get3A_151 : vector<16xf32> to vector<16xf32>
            %swap3A_153 = arith.index_cast %add3A_111 : i32 to index
            %swap3A_154 = arith.constant 48 : index
            %swap3A_155 = tpu.vector_load %arg9[%swap3A_153, %swap3A_154] {strides = array<i32>} : memref<80x64xf32, #tpu.memory_space<vmem>>, vector<1x16xf32>,
            %swap3A_156 = vector.shape_cast %swap3A_155 : vector<1x16xf32> to vector<16xf32>
            %swap3A_157 = vector.shape_cast %get3A_152 : vector<16xf32> to vector<1x16xf32>
            tpu.vector_store %arg9[%swap3A_153, %swap3A_154], %swap3A_157 {strides = array<i32>} : memref<80x64xf32, #tpu.memory_space<vmem>>, vector<1x16xf32>,
          }
          %scan3A_106 = arith.constant 80 : i32
          "tpu.region"() ({
            %run_scoped3A = tpu.sem_alloc : memref<!tpu.dma_semaphore, #tpu.memory_space<semaphore_mem>>
            %dma_start3A_107 = arith.constant 0 : i32
            %dma_start3A_108 = tpu.memref_slice %arg6[%add3A_58, %dma_start3A_107] : memref<25x80xi32, #tpu.memory_space<vmem>> -> memref<1x80xi32, #tpu.memory_space<vmem>>
            %dma_start3A_109 = tpu.memref_squeeze %dma_start3A_108 : memref<1x80xi32, #tpu.memory_space<vmem>> -> memref<80xi32, #tpu.memory_space<vmem>>
            %dma_start3A_110 = arith.constant 0 : i32
            %dma_start3A_111 = arith.constant 0 : i32
            %dma_start3A_112 = tpu.memref_slice %arg10[%dma_start3A_110, %dma_start3A_111] : memref<25104x64xf32, #tpu.memory_space<vmem_shared>> -> memref<25104x64xf32, #tpu.memory_space<vmem_shared>>
            tpu.enqueue_indirect_dma source(%arg9 : memref<80x64xf32, #tpu.memory_space<vmem>>) target(%dma_start3A_112 : memref<25104x64xf32, #tpu.memory_space<vmem_shared>>) offsets(%dma_start3A_109 : memref<80xi32, #tpu.memory_space<vmem>>) semaphore(%run_scoped3A : memref<!tpu.dma_semaphore, #tpu.memory_space<semaphore_mem>>) {add = true}
            %dma_wait3A_113 = arith.constant 0 : i32
            %dma_wait3A_114 = tpu.memref_slice %arg6[%add3A_58, %dma_wait3A_113] : memref<25x80xi32, #tpu.memory_space<vmem>> -> memref<1x80xi32, #tpu.memory_space<vmem>>
            %dma_wait3A_115 = tpu.memref_squeeze %dma_wait3A_114 : memref<1x80xi32, #tpu.memory_space<vmem>> -> memref<80xi32, #tpu.memory_space<vmem>>
            %dma_wait3A_116 = arith.constant 0 : i32
            %dma_wait3A_117 = arith.constant 0 : i32
            %dma_wait3A_118 = tpu.memref_slice %arg10[%dma_wait3A_116, %dma_wait3A_117] : memref<25104x64xf32, #tpu.memory_space<vmem_shared>> -> memref<25104x64xf32, #tpu.memory_space<vmem_shared>>
            tpu.wait_indirect_dma semaphore(%run_scoped3A : memref<!tpu.dma_semaphore, #tpu.memory_space<semaphore_mem>>) src(%arg9 : memref<80x64xf32, #tpu.memory_space<vmem>>) dst(%dma_wait3A_118 : memref<25104x64xf32, #tpu.memory_space<vmem_shared>>)
            tpu.yield
          }) : () -> ()
        } else {
        }
      }
      %scan3A_53 = arith.constant 25 : i32
    }
    %scan3A_19 = arith.constant 25 : i32
    %barrier3A_20 = arith.constant 0 : index
    tpu.barrier barrier_id(%barrier3A_20)
    %mul3A_21 = arith.constant 1568 : i32
    %mul3A_22 = arith.muli %arg1, %mul3A_21 : i32
    %scan3A_23 = arith.constant 0 : i32
    %scan3A_24 = arith.constant 19 : i32
    %scan3A_25 = arith.addi %scan3A_23, %scan3A_24 : i32
    %scan3A_26 = arith.constant 1 : i32
    scf.for %scan3A_32 = %scan3A_23 to %scan3A_25 step %scan3A_26  : i32 {
      %mul3A_33 = arith.constant 1 : i32
      %mul3A_34 = arith.muli %scan3A_32, %mul3A_33 : i32
      %add3A_35 = arith.constant 0 : i32
      %add3A_36 = arith.addi %add3A_35, %mul3A_34 : i32
      %mul3A_37 = arith.constant 80 : i32
      %mul3A_38 = arith.muli %add3A_36, %mul3A_37 : i32
      %add3A_39 = arith.addi %mul3A_22, %mul3A_38 : i32
      %multiple_of3A_40 = tpu.assume_multiple %add3A_39, 8 : i32
      "tpu.region"() ({
        %run_scoped3A = tpu.sem_alloc : memref<!tpu.dma_semaphore, #tpu.memory_space<semaphore_mem>>
        %dma_start3A = arith.constant 0 : i32
        %dma_start3A_43 = tpu.memref_slice %arg10[%multiple_of3A_40, %dma_start3A] : memref<25104x64xf32, #tpu.memory_space<vmem_shared>> -> memref<80x64xf32, #tpu.memory_space<vmem_shared>>
        %dma_start3A_44 = arith.constant 0 : i32
        %dma_start3A_45 = tpu.memref_slice %arg10[%multiple_of3A_40, %dma_start3A_44] : memref<25104x64xf32, #tpu.memory_space<vmem_shared>> -> memref<80x64xf32, #tpu.memory_space<vmem_shared>>
        tpu.enqueue_dma source(%dma_start3A_45 : memref<80x64xf32, #tpu.memory_space<vmem_shared>>) target(%arg9 : memref<80x64xf32, #tpu.memory_space<vmem>>) target_semaphore(%run_scoped3A : memref<!tpu.dma_semaphore, #tpu.memory_space<semaphore_mem>>)
        %dma_wait3A = arith.constant 0 : i32
        %dma_wait3A_46 = tpu.memref_slice %arg10[%multiple_of3A_40, %dma_wait3A] : memref<25104x64xf32, #tpu.memory_space<vmem_shared>> -> memref<80x64xf32, #tpu.memory_space<vmem_shared>>
        %dma_wait3A_47 = arith.constant 0 : i32
        %dma_wait3A_48 = tpu.memref_slice %arg10[%multiple_of3A_40, %dma_wait3A_47] : memref<25104x64xf32, #tpu.memory_space<vmem_shared>> -> memref<80x64xf32, #tpu.memory_space<vmem_shared>>
        tpu.wait_dma2 semaphore(%run_scoped3A : memref<!tpu.dma_semaphore, #tpu.memory_space<semaphore_mem>>) src(%dma_wait3A_48 : memref<80x64xf32, #tpu.memory_space<vmem_shared>>) dst(%arg9 : memref<80x64xf32, #tpu.memory_space<vmem>>)
        tpu.yield
      }) : () -> ()
      %add3A_41 = arith.addi %mul3A_0, %multiple_of3A_40 : i32
      %multiple_of3A_42 = tpu.assume_multiple %add3A_41, 8 : i32
      "tpu.region"() ({
        %run_scoped3A = tpu.sem_alloc : memref<!tpu.dma_semaphore, #tpu.memory_space<semaphore_mem>>
        %dma_start3A = arith.constant 0 : i32
        %dma_start3A_43 = tpu.memref_slice %arg4[%multiple_of3A_42, %dma_start3A] : memref<50176x64xf32, #tpu.memory_space<hbm>> -> memref<80x64xf32, #tpu.memory_space<hbm>>
        %dma_start3A_44 = arith.constant 0 : i32
        %dma_start3A_45 = tpu.memref_slice %arg4[%multiple_of3A_42, %dma_start3A_44] : memref<50176x64xf32, #tpu.memory_space<hbm>> -> memref<80x64xf32, #tpu.memory_space<hbm>>
        tpu.enqueue_dma source(%arg9 : memref<80x64xf32, #tpu.memory_space<vmem>>) target(%dma_start3A_45 : memref<80x64xf32, #tpu.memory_space<hbm>>) target_semaphore(%run_scoped3A : memref<!tpu.dma_semaphore, #tpu.memory_space<semaphore_mem>>)
        %dma_wait3A = arith.constant 0 : i32
        %dma_wait3A_46 = tpu.memref_slice %arg4[%multiple_of3A_42, %dma_wait3A] : memref<50176x64xf32, #tpu.memory_space<hbm>> -> memref<80x64xf32, #tpu.memory_space<hbm>>
        %dma_wait3A_47 = arith.constant 0 : i32
        %dma_wait3A_48 = tpu.memref_slice %arg4[%multiple_of3A_42, %dma_wait3A_47] : memref<50176x64xf32, #tpu.memory_space<hbm>> -> memref<80x64xf32, #tpu.memory_space<hbm>>
        tpu.wait_dma2 semaphore(%run_scoped3A : memref<!tpu.dma_semaphore, #tpu.memory_space<semaphore_mem>>) src(%arg9 : memref<80x64xf32, #tpu.memory_space<vmem>>) dst(%dma_wait3A_48 : memref<80x64xf32, #tpu.memory_space<hbm>>)
        tpu.yield
      }) : () -> ()
    }
    %scan3A_27 = arith.constant 19 : i32
    %add3A_28 = arith.constant 1520 : i32
    %add3A_29 = arith.addi %mul3A_22, %add3A_28 : i32
    %multiple_of3A = tpu.assume_multiple %add3A_29, 8 : i32
    "tpu.region"() ({
      %run_scoped3A = tpu.sem_alloc : memref<!tpu.dma_semaphore, #tpu.memory_space<semaphore_mem>>
      %dma_start3A = arith.constant 0 : i32
      %dma_start3A_32 = arith.constant 0 : i32
      %dma_start3A_33 = tpu.memref_slice %arg9[%dma_start3A, %dma_start3A_32] : memref<80x64xf32, #tpu.memory_space<vmem>> -> memref<48x64xf32, #tpu.memory_space<vmem>>
      %dma_start3A_34 = arith.constant 0 : i32
      %dma_start3A_35 = tpu.memref_slice %arg10[%multiple_of3A, %dma_start3A_34] : memref<25104x64xf32, #tpu.memory_space<vmem_shared>> -> memref<48x64xf32, #tpu.memory_space<vmem_shared>>
      %dma_start3A_36 = arith.constant 0 : i32
      %dma_start3A_37 = arith.constant 0 : i32
      %dma_start3A_38 = tpu.memref_slice %arg9[%dma_start3A_36, %dma_start3A_37] : memref<80x64xf32, #tpu.memory_space<vmem>> -> memref<48x64xf32, #tpu.memory_space<vmem>>
      %dma_start3A_39 = arith.constant 0 : i32
      %dma_start3A_40 = tpu.memref_slice %arg10[%multiple_of3A, %dma_start3A_39] : memref<25104x64xf32, #tpu.memory_space<vmem_shared>> -> memref<48x64xf32, #tpu.memory_space<vmem_shared>>
      tpu.enqueue_dma source(%dma_start3A_40 : memref<48x64xf32, #tpu.memory_space<vmem_shared>>) target(%dma_start3A_38 : memref<48x64xf32, #tpu.memory_space<vmem>>) target_semaphore(%run_scoped3A : memref<!tpu.dma_semaphore, #tpu.memory_space<semaphore_mem>>)
      %dma_wait3A = arith.constant 0 : i32
      %dma_wait3A_41 = arith.constant 0 : i32
      %dma_wait3A_42 = tpu.memref_slice %arg9[%dma_wait3A, %dma_wait3A_41] : memref<80x64xf32, #tpu.memory_space<vmem>> -> memref<48x64xf32, #tpu.memory_space<vmem>>
      %dma_wait3A_43 = arith.constant 0 : i32
      %dma_wait3A_44 = tpu.memref_slice %arg10[%multiple_of3A, %dma_wait3A_43] : memref<25104x64xf32, #tpu.memory_space<vmem_shared>> -> memref<48x64xf32, #tpu.memory_space<vmem_shared>>
      %dma_wait3A_45 = arith.constant 0 : i32
      %dma_wait3A_46 = arith.constant 0 : i32
      %dma_wait3A_47 = tpu.memref_slice %arg9[%dma_wait3A_45, %dma_wait3A_46] : memref<80x64xf32, #tpu.memory_space<vmem>> -> memref<48x64xf32, #tpu.memory_space<vmem>>
      %dma_wait3A_48 = arith.constant 0 : i32
      %dma_wait3A_49 = tpu.memref_slice %arg10[%multiple_of3A, %dma_wait3A_48] : memref<25104x64xf32, #tpu.memory_space<vmem_shared>> -> memref<48x64xf32, #tpu.memory_space<vmem_shared>>
      tpu.wait_dma2 semaphore(%run_scoped3A : memref<!tpu.dma_semaphore, #tpu.memory_space<semaphore_mem>>) src(%dma_wait3A_49 : memref<48x64xf32, #tpu.memory_space<vmem_shared>>) dst(%dma_wait3A_47 : memref<48x64xf32, #tpu.memory_space<vmem>>)
      tpu.yield
    }) : () -> ()
    %add3A_30 = arith.addi %mul3A_0, %multiple_of3A : i32
    %multiple_of3A_31 = tpu.assume_multiple %add3A_30, 8 : i32
    "tpu.region"() ({
      %run_scoped3A = tpu.sem_alloc : memref<!tpu.dma_semaphore, #tpu.memory_space<semaphore_mem>>
      %dma_start3A = arith.constant 0 : i32
      %dma_start3A_32 = arith.constant 0 : i32
      %dma_start3A_33 = tpu.memref_slice %arg9[%dma_start3A, %dma_start3A_32] : memref<80x64xf32, #tpu.memory_space<vmem>> -> memref<48x64xf32, #tpu.memory_space<vmem>>
      %dma_start3A_34 = arith.constant 0 : i32
      %dma_start3A_35 = tpu.memref_slice %arg4[%multiple_of3A_31, %dma_start3A_34] : memref<50176x64xf32, #tpu.memory_space<hbm>> -> memref<48x64xf32, #tpu.memory_space<hbm>>
      %dma_start3A_36 = arith.constant 0 : i32
      %dma_start3A_37 = tpu.memref_slice %arg4[%multiple_of3A_31, %dma_start3A_36] : memref<50176x64xf32, #tpu.memory_space<hbm>> -> memref<48x64xf32, #tpu.memory_space<hbm>>
      %dma_start3A_38 = arith.constant 0 : i32
      %dma_start3A_39 = arith.constant 0 : i32
      %dma_start3A_40 = tpu.memref_slice %arg9[%dma_start3A_38, %dma_start3A_39] : memref<80x64xf32, #tpu.memory_space<vmem>> -> memref<48x64xf32, #tpu.memory_space<vmem>>
      tpu.enqueue_dma source(%dma_start3A_40 : memref<48x64xf32, #tpu.memory_space<vmem>>) target(%dma_start3A_37 : memref<48x64xf32, #tpu.memory_space<hbm>>) target_semaphore(%run_scoped3A : memref<!tpu.dma_semaphore, #tpu.memory_space<semaphore_mem>>)
      %dma_wait3A = arith.constant 0 : i32
      %dma_wait3A_41 = arith.constant 0 : i32
      %dma_wait3A_42 = tpu.memref_slice %arg9[%dma_wait3A, %dma_wait3A_41] : memref<80x64xf32, #tpu.memory_space<vmem>> -> memref<48x64xf32, #tpu.memory_space<vmem>>
      %dma_wait3A_43 = arith.constant 0 : i32
      %dma_wait3A_44 = tpu.memref_slice %arg4[%multiple_of3A_31, %dma_wait3A_43] : memref<50176x64xf32, #tpu.memory_space<hbm>> -> memref<48x64xf32, #tpu.memory_space<hbm>>
      %dma_wait3A_45 = arith.constant 0 : i32
      %dma_wait3A_46 = tpu.memref_slice %arg4[%multiple_of3A_31, %dma_wait3A_45] : memref<50176x64xf32, #tpu.memory_space<hbm>> -> memref<48x64xf32, #tpu.memory_space<hbm>>
      %dma_wait3A_47 = arith.constant 0 : i32
      %dma_wait3A_48 = arith.constant 0 : i32
      %dma_wait3A_49 = tpu.memref_slice %arg9[%dma_wait3A_47, %dma_wait3A_48] : memref<80x64xf32, #tpu.memory_space<vmem>> -> memref<48x64xf32, #tpu.memory_space<vmem>>
      tpu.wait_dma2 semaphore(%run_scoped3A : memref<!tpu.dma_semaphore, #tpu.memory_space<semaphore_mem>>) src(%dma_wait3A_49 : memref<48x64xf32, #tpu.memory_space<vmem>>) dst(%dma_wait3A_46 : memref<48x64xf32, #tpu.memory_space<hbm>>)
      tpu.yield
    }) : () -> ()
    return
  }
}

#map = affine_map<(d0, d1) -> (0)>
#map1 = affine_map<(d0, d1) -> (0, 0)>
module attributes {stable_mosaic.version = 14 : i64} {
  func.func @_sc_seg_body(%arg0: i32, %arg1: i32, %arg2: memref<51200000xf32, #tpu.memory_space<hbm>>, %arg3: memref<800000xi32, #tpu.memory_space<hbm>>, %arg4: memref<50176x64xf32, #tpu.memory_space<hbm>>, %arg5: memref<2000xi32, #tpu.memory_space<vmem>>, %arg6: memref<25x80xi32, #tpu.memory_space<vmem>>, %arg7: memref<5120xf32, #tpu.memory_space<vmem>>, %arg8: memref<5120xf32, #tpu.memory_space<vmem>>, %arg9: memref<80x64xf32, #tpu.memory_space<vmem>>, %arg10: memref<25104x64xf32, #tpu.memory_space<vmem_shared>>, %arg11: memref<!tpu.dma_semaphore, #tpu.memory_space<semaphore_mem>>, %arg12: memref<!tpu.dma_semaphore, #tpu.memory_space<semaphore_mem>>) attributes {dimension_semantics = [#tpu.dimension_semantics<core_parallel>, #tpu.dimension_semantics<subcore_parallel>], iteration_bounds = array<i64: 2, 16>, scalar_prefetch = 0 : i64, scratch_operands = 8 : i64, tpu.core_type = #tpu.core_type<sc_vector_subcore>, window_params = [{transform_indices = #map}, {transform_indices = #map}, {transform_indices = #map1}]} {
    %mul3A = arith.constant 25088 : i32
    %mul3A_0 = arith.muli %arg0, %mul3A : i32
    %scan3A = arith.constant 0 : i32
    %scan3A_1 = arith.constant 80 : i32
    %scan3A_2 = arith.addi %scan3A, %scan3A_1 : i32
    %scan3A_3 = arith.constant 1 : i32
    scf.for %scan3A_32 = %scan3A to %scan3A_2 step %scan3A_3  : i32 {
      %mul3A_33 = arith.constant 1 : i32
      %mul3A_34 = arith.muli %scan3A_32, %mul3A_33 : i32
      %add3A_35 = arith.constant 0 : i32
      %add3A_36 = arith.addi %add3A_35, %mul3A_34 : i32
      %broadcast_in_dim3A = arith.constant 0.000000e+00 : f32
      %broadcast_in_dim3A_37 = vector.broadcast %broadcast_in_dim3A : f32 to vector<16xf32>
      %swap3A = arith.index_cast %add3A_36 : i32 to index
      %swap3A_38 = arith.constant 0 : index
      %swap3A_39 = tpu.vector_load %arg9[%swap3A, %swap3A_38] {strides = array<i32>} : memref<80x64xf32, #tpu.memory_space<vmem>>, vector<1x16xf32>,
      %swap3A_40 = vector.shape_cast %swap3A_39 : vector<1x16xf32> to vector<16xf32>
      %swap3A_41 = vector.shape_cast %broadcast_in_dim3A_37 : vector<16xf32> to vector<1x16xf32>
      tpu.vector_store %arg9[%swap3A, %swap3A_38], %swap3A_41 {strides = array<i32>} : memref<80x64xf32, #tpu.memory_space<vmem>>, vector<1x16xf32>,
      %broadcast_in_dim3A_42 = arith.constant 0.000000e+00 : f32
      %broadcast_in_dim3A_43 = vector.broadcast %broadcast_in_dim3A_42 : f32 to vector<16xf32>
      %swap3A_44 = arith.index_cast %add3A_36 : i32 to index
      %swap3A_45 = arith.constant 16 : index
      %swap3A_46 = tpu.vector_load %arg9[%swap3A_44, %swap3A_45] {strides = array<i32>} : memref<80x64xf32, #tpu.memory_space<vmem>>, vector<1x16xf32>,
      %swap3A_47 = vector.shape_cast %swap3A_46 : vector<1x16xf32> to vector<16xf32>
      %swap3A_48 = vector.shape_cast %broadcast_in_dim3A_43 : vector<16xf32> to vector<1x16xf32>
      tpu.vector_store %arg9[%swap3A_44, %swap3A_45], %swap3A_48 {strides = array<i32>} : memref<80x64xf32, #tpu.memory_space<vmem>>, vector<1x16xf32>,
      %broadcast_in_dim3A_49 = arith.constant 0.000000e+00 : f32
      %broadcast_in_dim3A_50 = vector.broadcast %broadcast_in_dim3A_49 : f32 to vector<16xf32>
      %swap3A_51 = arith.index_cast %add3A_36 : i32 to index
      %swap3A_52 = arith.constant 32 : index
      %swap3A_53 = tpu.vector_load %arg9[%swap3A_51, %swap3A_52] {strides = array<i32>} : memref<80x64xf32, #tpu.memory_space<vmem>>, vector<1x16xf32>,
      %swap3A_54 = vector.shape_cast %swap3A_53 : vector<1x16xf32> to vector<16xf32>
      %swap3A_55 = vector.shape_cast %broadcast_in_dim3A_50 : vector<16xf32> to vector<1x16xf32>
      tpu.vector_store %arg9[%swap3A_51, %swap3A_52], %swap3A_55 {strides = array<i32>} : memref<80x64xf32, #tpu.memory_space<vmem>>, vector<1x16xf32>,
      %broadcast_in_dim3A_56 = arith.constant 0.000000e+00 : f32
      %broadcast_in_dim3A_57 = vector.broadcast %broadcast_in_dim3A_56 : f32 to vector<16xf32>
      %swap3A_58 = arith.index_cast %add3A_36 : i32 to index
      %swap3A_59 = arith.constant 48 : index
      %swap3A_60 = tpu.vector_load %arg9[%swap3A_58, %swap3A_59] {strides = array<i32>} : memref<80x64xf32, #tpu.memory_space<vmem>>, vector<1x16xf32>,
      %swap3A_61 = vector.shape_cast %swap3A_60 : vector<1x16xf32> to vector<16xf32>
      %swap3A_62 = vector.shape_cast %broadcast_in_dim3A_57 : vector<16xf32> to vector<1x16xf32>
      tpu.vector_store %arg9[%swap3A_58, %swap3A_59], %swap3A_62 {strides = array<i32>} : memref<80x64xf32, #tpu.memory_space<vmem>>, vector<1x16xf32>,
    }
    %scan3A_4 = arith.constant 80 : i32
    %mul3A_5 = arith.constant 1569 : i32
    %mul3A_6 = arith.muli %arg1, %mul3A_5 : i32
    %scan3A_7 = arith.constant 0 : i32
    %scan3A_8 = arith.constant 19 : i32
    %scan3A_9 = arith.addi %scan3A_7, %scan3A_8 : i32
    %scan3A_10 = arith.constant 1 : i32
    scf.for %scan3A_32 = %scan3A_7 to %scan3A_9 step %scan3A_10  : i32 {
      %mul3A_33 = arith.constant 1 : i32
      %mul3A_34 = arith.muli %scan3A_32, %mul3A_33 : i32
      %add3A_35 = arith.constant 0 : i32
      %add3A_36 = arith.addi %add3A_35, %mul3A_34 : i32
      %mul3A_37 = arith.constant 80 : i32
      %mul3A_38 = arith.muli %add3A_36, %mul3A_37 : i32
      %add3A_39 = arith.addi %mul3A_6, %mul3A_38 : i32
      "tpu.region"() ({
        %run_scoped3A = tpu.sem_alloc : memref<!tpu.dma_semaphore, #tpu.memory_space<semaphore_mem>>
        %dma_start3A = arith.constant 0 : i32
        %dma_start3A_40 = tpu.memref_slice %arg10[%add3A_39, %dma_start3A] : memref<25104x64xf32, #tpu.memory_space<vmem_shared>> -> memref<80x64xf32, #tpu.memory_space<vmem_shared>>
        %dma_start3A_41 = arith.constant 0 : i32
        %dma_start3A_42 = tpu.memref_slice %arg10[%add3A_39, %dma_start3A_41] : memref<25104x64xf32, #tpu.memory_space<vmem_shared>> -> memref<80x64xf32, #tpu.memory_space<vmem_shared>>
        tpu.enqueue_dma source(%arg9 : memref<80x64xf32, #tpu.memory_space<vmem>>) target(%dma_start3A_42 : memref<80x64xf32, #tpu.memory_space<vmem_shared>>) target_semaphore(%run_scoped3A : memref<!tpu.dma_semaphore, #tpu.memory_space<semaphore_mem>>)
        %dma_wait3A = arith.constant 0 : i32
        %dma_wait3A_43 = tpu.memref_slice %arg10[%add3A_39, %dma_wait3A] : memref<25104x64xf32, #tpu.memory_space<vmem_shared>> -> memref<80x64xf32, #tpu.memory_space<vmem_shared>>
        %dma_wait3A_44 = arith.constant 0 : i32
        %dma_wait3A_45 = tpu.memref_slice %arg10[%add3A_39, %dma_wait3A_44] : memref<25104x64xf32, #tpu.memory_space<vmem_shared>> -> memref<80x64xf32, #tpu.memory_space<vmem_shared>>
        tpu.wait_dma2 semaphore(%run_scoped3A : memref<!tpu.dma_semaphore, #tpu.memory_space<semaphore_mem>>) src(%arg9 : memref<80x64xf32, #tpu.memory_space<vmem>>) dst(%dma_wait3A_45 : memref<80x64xf32, #tpu.memory_space<vmem_shared>>)
        tpu.yield
      }) : () -> ()
    }
    %scan3A_11 = arith.constant 19 : i32
    %add3A = arith.constant 1520 : i32
    %add3A_12 = arith.addi %mul3A_6, %add3A : i32
    "tpu.region"() ({
      %run_scoped3A = tpu.sem_alloc : memref<!tpu.dma_semaphore, #tpu.memory_space<semaphore_mem>>
      %dma_start3A = arith.constant 0 : i32
      %dma_start3A_32 = arith.constant 0 : i32
      %dma_start3A_33 = tpu.memref_slice %arg9[%dma_start3A, %dma_start3A_32] : memref<80x64xf32, #tpu.memory_space<vmem>> -> memref<49x64xf32, #tpu.memory_space<vmem>>
      %dma_start3A_34 = arith.constant 0 : i32
      %dma_start3A_35 = tpu.memref_slice %arg10[%add3A_12, %dma_start3A_34] : memref<25104x64xf32, #tpu.memory_space<vmem_shared>> -> memref<49x64xf32, #tpu.memory_space<vmem_shared>>
      %dma_start3A_36 = arith.constant 0 : i32
      %dma_start3A_37 = tpu.memref_slice %arg10[%add3A_12, %dma_start3A_36] : memref<25104x64xf32, #tpu.memory_space<vmem_shared>> -> memref<49x64xf32, #tpu.memory_space<vmem_shared>>
      %dma_start3A_38 = arith.constant 0 : i32
      %dma_start3A_39 = arith.constant 0 : i32
      %dma_start3A_40 = tpu.memref_slice %arg9[%dma_start3A_38, %dma_start3A_39] : memref<80x64xf32, #tpu.memory_space<vmem>> -> memref<49x64xf32, #tpu.memory_space<vmem>>
      tpu.enqueue_dma source(%dma_start3A_40 : memref<49x64xf32, #tpu.memory_space<vmem>>) target(%dma_start3A_37 : memref<49x64xf32, #tpu.memory_space<vmem_shared>>) target_semaphore(%run_scoped3A : memref<!tpu.dma_semaphore, #tpu.memory_space<semaphore_mem>>)
      %dma_wait3A = arith.constant 0 : i32
      %dma_wait3A_41 = arith.constant 0 : i32
      %dma_wait3A_42 = tpu.memref_slice %arg9[%dma_wait3A, %dma_wait3A_41] : memref<80x64xf32, #tpu.memory_space<vmem>> -> memref<49x64xf32, #tpu.memory_space<vmem>>
      %dma_wait3A_43 = arith.constant 0 : i32
      %dma_wait3A_44 = tpu.memref_slice %arg10[%add3A_12, %dma_wait3A_43] : memref<25104x64xf32, #tpu.memory_space<vmem_shared>> -> memref<49x64xf32, #tpu.memory_space<vmem_shared>>
      %dma_wait3A_45 = arith.constant 0 : i32
      %dma_wait3A_46 = tpu.memref_slice %arg10[%add3A_12, %dma_wait3A_45] : memref<25104x64xf32, #tpu.memory_space<vmem_shared>> -> memref<49x64xf32, #tpu.memory_space<vmem_shared>>
      %dma_wait3A_47 = arith.constant 0 : i32
      %dma_wait3A_48 = arith.constant 0 : i32
      %dma_wait3A_49 = tpu.memref_slice %arg9[%dma_wait3A_47, %dma_wait3A_48] : memref<80x64xf32, #tpu.memory_space<vmem>> -> memref<49x64xf32, #tpu.memory_space<vmem>>
      tpu.wait_dma2 semaphore(%run_scoped3A : memref<!tpu.dma_semaphore, #tpu.memory_space<semaphore_mem>>) src(%dma_wait3A_49 : memref<49x64xf32, #tpu.memory_space<vmem>>) dst(%dma_wait3A_46 : memref<49x64xf32, #tpu.memory_space<vmem_shared>>)
      tpu.yield
    }) : () -> ()
    %barrier3A = arith.constant 0 : index
    tpu.barrier barrier_id(%barrier3A)
    %mul3A_13 = arith.constant 50000 : i32
    %mul3A_14 = arith.muli %arg1, %mul3A_13 : i32
    %scan3A_15 = arith.constant 0 : i32
    %scan3A_16 = arith.constant 25 : i32
    %scan3A_17 = arith.addi %scan3A_15, %scan3A_16 : i32
    %scan3A_18 = arith.constant 1 : i32
    scf.for %scan3A_32 = %scan3A_15 to %scan3A_17 step %scan3A_18  : i32 {
      %mul3A_33 = arith.constant 1 : i32
      %mul3A_34 = arith.muli %scan3A_32, %mul3A_33 : i32
      %add3A_35 = arith.constant 0 : i32
      %add3A_36 = arith.addi %add3A_35, %mul3A_34 : i32
      %mul3A_37 = arith.constant 2000 : i32
      %mul3A_38 = arith.muli %add3A_36, %mul3A_37 : i32
      %add3A_39 = arith.addi %mul3A_14, %mul3A_38 : i32
      "tpu.region"() ({
        %run_scoped3A = tpu.sem_alloc : memref<!tpu.dma_semaphore, #tpu.memory_space<semaphore_mem>>
        %dma_start3A_54 = tpu.memref_slice %arg3[%add3A_39] : memref<800000xi32, #tpu.memory_space<hbm>> -> memref<2000xi32, #tpu.memory_space<hbm>>
        %dma_start3A_55 = tpu.memref_slice %arg3[%add3A_39] : memref<800000xi32, #tpu.memory_space<hbm>> -> memref<2000xi32, #tpu.memory_space<hbm>>
        tpu.enqueue_dma source(%dma_start3A_55 : memref<2000xi32, #tpu.memory_space<hbm>>) target(%arg5 : memref<2000xi32, #tpu.memory_space<vmem>>) target_semaphore(%run_scoped3A : memref<!tpu.dma_semaphore, #tpu.memory_space<semaphore_mem>>)
        %dma_wait3A = tpu.memref_slice %arg3[%add3A_39] : memref<800000xi32, #tpu.memory_space<hbm>> -> memref<2000xi32, #tpu.memory_space<hbm>>
        %dma_wait3A_56 = tpu.memref_slice %arg3[%add3A_39] : memref<800000xi32, #tpu.memory_space<hbm>> -> memref<2000xi32, #tpu.memory_space<hbm>>
        tpu.wait_dma2 semaphore(%run_scoped3A : memref<!tpu.dma_semaphore, #tpu.memory_space<semaphore_mem>>) src(%dma_wait3A_56 : memref<2000xi32, #tpu.memory_space<hbm>>) dst(%arg5 : memref<2000xi32, #tpu.memory_space<vmem>>)
        tpu.yield
      }) : () -> ()
      %scan3A_40 = arith.constant 0 : i32
      %scan3A_41 = arith.constant 25 : i32
      %scan3A_42 = arith.addi %scan3A_40, %scan3A_41 : i32
      %scan3A_43 = arith.constant 1 : i32
      scf.for %scan3A_54 = %scan3A_40 to %scan3A_42 step %scan3A_43  : i32 {
        %mul3A_55 = arith.constant 1 : i32
        %mul3A_56 = arith.muli %scan3A_54, %mul3A_55 : i32
        %add3A_57 = arith.constant 0 : i32
        %add3A_58 = arith.addi %add3A_57, %mul3A_56 : i32
        %mul3A_59 = arith.constant 80 : i32
        %mul3A_60 = arith.muli %add3A_58, %mul3A_59 : i32
        %add3A_61 = arith.constant 0 : i32
        %add3A_62 = arith.addi %mul3A_60, %add3A_61 : i32
        %get3A = arith.index_cast %add3A_62 : i32 to index
        %get3A_63 = tpu.vector_load %arg5[%get3A] {strides = array<i32>} : memref<2000xi32, #tpu.memory_space<vmem>>, vector<16xi32>,
        %get3A_64 = vector.shape_cast %get3A_63 : vector<16xi32> to vector<16xi32>
        %sub3A = vector.broadcast %mul3A_0 : i32 to vector<16xi32>
        %sub3A_65 = arith.subi %get3A_64, %sub3A : vector<16xi32>
        %lt3A = arith.constant 0 : i32
        %lt3A_66 = vector.broadcast %lt3A : i32 to vector<16xi32>
        %lt3A_67 = arith.cmpi slt, %sub3A_65, %lt3A_66 : vector<16xi32>
        %ge3A = arith.constant 25088 : i32
        %ge3A_68 = vector.broadcast %ge3A : i32 to vector<16xi32>
        %ge3A_69 = arith.cmpi sge, %sub3A_65, %ge3A_68 : vector<16xi32>
        %or3A = arith.ori %lt3A_67, %ge3A_69 : vector<16xi1>
        %jit3A = arith.constant 25103 : i32
        %broadcast_in_dim3A = vector.broadcast %jit3A : i32 to vector<16xi32>
        %select_n3A = arith.select %or3A, %broadcast_in_dim3A, %sub3A_65 : vector<16xi1>, vector<16xi32>
        %swap3A = arith.index_cast %add3A_58 : i32 to index
        %swap3A_70 = arith.constant 0 : index
        %swap3A_71 = tpu.vector_load %arg6[%swap3A, %swap3A_70] {strides = array<i32>} : memref<25x80xi32, #tpu.memory_space<vmem>>, vector<1x16xi32>,
        %swap3A_72 = vector.shape_cast %swap3A_71 : vector<1x16xi32> to vector<16xi32>
        %swap3A_73 = vector.shape_cast %select_n3A : vector<16xi32> to vector<1x16xi32>
        tpu.vector_store %arg6[%swap3A, %swap3A_70], %swap3A_73 {strides = array<i32>} : memref<25x80xi32, #tpu.memory_space<vmem>>, vector<1x16xi32>,
        %mul3A_74 = arith.constant 80 : i32
        %mul3A_75 = arith.muli %add3A_58, %mul3A_74 : i32
        %add3A_76 = arith.constant 16 : i32
        %add3A_77 = arith.addi %mul3A_75, %add3A_76 : i32
        %get3A_78 = arith.index_cast %add3A_77 : i32 to index
        %get3A_79 = tpu.vector_load %arg5[%get3A_78] {strides = array<i32>} : memref<2000xi32, #tpu.memory_space<vmem>>, vector<16xi32>,
        %get3A_80 = vector.shape_cast %get3A_79 : vector<16xi32> to vector<16xi32>
        %sub3A_81 = vector.broadcast %mul3A_0 : i32 to vector<16xi32>
        %sub3A_82 = arith.subi %get3A_80, %sub3A_81 : vector<16xi32>
        %lt3A_83 = arith.constant 0 : i32
        %lt3A_84 = vector.broadcast %lt3A_83 : i32 to vector<16xi32>
        %lt3A_85 = arith.cmpi slt, %sub3A_82, %lt3A_84 : vector<16xi32>
        %ge3A_86 = arith.constant 25088 : i32
        %ge3A_87 = vector.broadcast %ge3A_86 : i32 to vector<16xi32>
        %ge3A_88 = arith.cmpi sge, %sub3A_82, %ge3A_87 : vector<16xi32>
        %or3A_89 = arith.ori %lt3A_85, %ge3A_88 : vector<16xi1>
        %jit3A_90 = arith.constant 25103 : i32
        %broadcast_in_dim3A_91 = vector.broadcast %jit3A_90 : i32 to vector<16xi32>
        %select_n3A_92 = arith.select %or3A_89, %broadcast_in_dim3A_91, %sub3A_82 : vector<16xi1>, vector<16xi32>
        %swap3A_93 = arith.index_cast %add3A_58 : i32 to index
        %swap3A_94 = arith.constant 16 : index
        %swap3A_95 = tpu.vector_load %arg6[%swap3A_93, %swap3A_94] {strides = array<i32>} : memref<25x80xi32, #tpu.memory_space<vmem>>, vector<1x16xi32>,
        %swap3A_96 = vector.shape_cast %swap3A_95 : vector<1x16xi32> to vector<16xi32>
        %swap3A_97 = vector.shape_cast %select_n3A_92 : vector<16xi32> to vector<1x16xi32>
        tpu.vector_store %arg6[%swap3A_93, %swap3A_94], %swap3A_97 {strides = array<i32>} : memref<25x80xi32, #tpu.memory_space<vmem>>, vector<1x16xi32>,
        %mul3A_98 = arith.constant 80 : i32
        %mul3A_99 = arith.muli %add3A_58, %mul3A_98 : i32
        %add3A_100 = arith.constant 32 : i32
        %add3A_101 = arith.addi %mul3A_99, %add3A_100 : i32
        %get3A_102 = arith.index_cast %add3A_101 : i32 to index
        %get3A_103 = tpu.vector_load %arg5[%get3A_102] {strides = array<i32>} : memref<2000xi32, #tpu.memory_space<vmem>>, vector<16xi32>,
        %get3A_104 = vector.shape_cast %get3A_103 : vector<16xi32> to vector<16xi32>
        %sub3A_105 = vector.broadcast %mul3A_0 : i32 to vector<16xi32>
        %sub3A_106 = arith.subi %get3A_104, %sub3A_105 : vector<16xi32>
        %lt3A_107 = arith.constant 0 : i32
        %lt3A_108 = vector.broadcast %lt3A_107 : i32 to vector<16xi32>
        %lt3A_109 = arith.cmpi slt, %sub3A_106, %lt3A_108 : vector<16xi32>
        %ge3A_110 = arith.constant 25088 : i32
        %ge3A_111 = vector.broadcast %ge3A_110 : i32 to vector<16xi32>
        %ge3A_112 = arith.cmpi sge, %sub3A_106, %ge3A_111 : vector<16xi32>
        %or3A_113 = arith.ori %lt3A_109, %ge3A_112 : vector<16xi1>
        %jit3A_114 = arith.constant 25103 : i32
        %broadcast_in_dim3A_115 = vector.broadcast %jit3A_114 : i32 to vector<16xi32>
        %select_n3A_116 = arith.select %or3A_113, %broadcast_in_dim3A_115, %sub3A_106 : vector<16xi1>, vector<16xi32>
        %swap3A_117 = arith.index_cast %add3A_58 : i32 to index
        %swap3A_118 = arith.constant 32 : index
        %swap3A_119 = tpu.vector_load %arg6[%swap3A_117, %swap3A_118] {strides = array<i32>} : memref<25x80xi32, #tpu.memory_space<vmem>>, vector<1x16xi32>,
        %swap3A_120 = vector.shape_cast %swap3A_119 : vector<1x16xi32> to vector<16xi32>
        %swap3A_121 = vector.shape_cast %select_n3A_116 : vector<16xi32> to vector<1x16xi32>
        tpu.vector_store %arg6[%swap3A_117, %swap3A_118], %swap3A_121 {strides = array<i32>} : memref<25x80xi32, #tpu.memory_space<vmem>>, vector<1x16xi32>,
        %mul3A_122 = arith.constant 80 : i32
        %mul3A_123 = arith.muli %add3A_58, %mul3A_122 : i32
        %add3A_124 = arith.constant 48 : i32
        %add3A_125 = arith.addi %mul3A_123, %add3A_124 : i32
        %get3A_126 = arith.index_cast %add3A_125 : i32 to index
        %get3A_127 = tpu.vector_load %arg5[%get3A_126] {strides = array<i32>} : memref<2000xi32, #tpu.memory_space<vmem>>, vector<16xi32>,
        %get3A_128 = vector.shape_cast %get3A_127 : vector<16xi32> to vector<16xi32>
        %sub3A_129 = vector.broadcast %mul3A_0 : i32 to vector<16xi32>
        %sub3A_130 = arith.subi %get3A_128, %sub3A_129 : vector<16xi32>
        %lt3A_131 = arith.constant 0 : i32
        %lt3A_132 = vector.broadcast %lt3A_131 : i32 to vector<16xi32>
        %lt3A_133 = arith.cmpi slt, %sub3A_130, %lt3A_132 : vector<16xi32>
        %ge3A_134 = arith.constant 25088 : i32
        %ge3A_135 = vector.broadcast %ge3A_134 : i32 to vector<16xi32>
        %ge3A_136 = arith.cmpi sge, %sub3A_130, %ge3A_135 : vector<16xi32>
        %or3A_137 = arith.ori %lt3A_133, %ge3A_136 : vector<16xi1>
        %jit3A_138 = arith.constant 25103 : i32
        %broadcast_in_dim3A_139 = vector.broadcast %jit3A_138 : i32 to vector<16xi32>
        %select_n3A_140 = arith.select %or3A_137, %broadcast_in_dim3A_139, %sub3A_130 : vector<16xi1>, vector<16xi32>
        %swap3A_141 = arith.index_cast %add3A_58 : i32 to index
        %swap3A_142 = arith.constant 48 : index
        %swap3A_143 = tpu.vector_load %arg6[%swap3A_141, %swap3A_142] {strides = array<i32>} : memref<25x80xi32, #tpu.memory_space<vmem>>, vector<1x16xi32>,
        %swap3A_144 = vector.shape_cast %swap3A_143 : vector<1x16xi32> to vector<16xi32>
        %swap3A_145 = vector.shape_cast %select_n3A_140 : vector<16xi32> to vector<1x16xi32>
        tpu.vector_store %arg6[%swap3A_141, %swap3A_142], %swap3A_145 {strides = array<i32>} : memref<25x80xi32, #tpu.memory_space<vmem>>, vector<1x16xi32>,
        %mul3A_146 = arith.constant 80 : i32
        %mul3A_147 = arith.muli %add3A_58, %mul3A_146 : i32
        %add3A_148 = arith.constant 64 : i32
        %add3A_149 = arith.addi %mul3A_147, %add3A_148 : i32
        %get3A_150 = arith.index_cast %add3A_149 : i32 to index
        %get3A_151 = tpu.vector_load %arg5[%get3A_150] {strides = array<i32>} : memref<2000xi32, #tpu.memory_space<vmem>>, vector<16xi32>,
        %get3A_152 = vector.shape_cast %get3A_151 : vector<16xi32> to vector<16xi32>
        %sub3A_153 = vector.broadcast %mul3A_0 : i32 to vector<16xi32>
        %sub3A_154 = arith.subi %get3A_152, %sub3A_153 : vector<16xi32>
        %lt3A_155 = arith.constant 0 : i32
        %lt3A_156 = vector.broadcast %lt3A_155 : i32 to vector<16xi32>
        %lt3A_157 = arith.cmpi slt, %sub3A_154, %lt3A_156 : vector<16xi32>
        %ge3A_158 = arith.constant 25088 : i32
        %ge3A_159 = vector.broadcast %ge3A_158 : i32 to vector<16xi32>
        %ge3A_160 = arith.cmpi sge, %sub3A_154, %ge3A_159 : vector<16xi32>
        %or3A_161 = arith.ori %lt3A_157, %ge3A_160 : vector<16xi1>
        %jit3A_162 = arith.constant 25103 : i32
        %broadcast_in_dim3A_163 = vector.broadcast %jit3A_162 : i32 to vector<16xi32>
        %select_n3A_164 = arith.select %or3A_161, %broadcast_in_dim3A_163, %sub3A_154 : vector<16xi1>, vector<16xi32>
        %swap3A_165 = arith.index_cast %add3A_58 : i32 to index
        %swap3A_166 = arith.constant 64 : index
        %swap3A_167 = tpu.vector_load %arg6[%swap3A_165, %swap3A_166] {strides = array<i32>} : memref<25x80xi32, #tpu.memory_space<vmem>>, vector<1x16xi32>,
        %swap3A_168 = vector.shape_cast %swap3A_167 : vector<1x16xi32> to vector<16xi32>
        %swap3A_169 = vector.shape_cast %select_n3A_164 : vector<16xi32> to vector<1x16xi32>
        tpu.vector_store %arg6[%swap3A_165, %swap3A_166], %swap3A_169 {strides = array<i32>} : memref<25x80xi32, #tpu.memory_space<vmem>>, vector<1x16xi32>,
      }
      %scan3A_44 = arith.constant 25 : i32
      %mul3A_45 = arith.constant 64 : i32
      %mul3A_46 = arith.muli %add3A_39, %mul3A_45 : i32
      %multiple_of3A_47 = tpu.assume_multiple %mul3A_46, 8 : i32
      %dma_start3A = tpu.memref_slice %arg2[%multiple_of3A_47] : memref<51200000xf32, #tpu.memory_space<hbm>> -> memref<5120xf32, #tpu.memory_space<hbm>>
      %dma_start3A_48 = tpu.memref_slice %arg2[%multiple_of3A_47] : memref<51200000xf32, #tpu.memory_space<hbm>> -> memref<5120xf32, #tpu.memory_space<hbm>>
      tpu.enqueue_dma source(%dma_start3A_48 : memref<5120xf32, #tpu.memory_space<hbm>>) target(%arg7 : memref<5120xf32, #tpu.memory_space<vmem>>) target_semaphore(%arg11 : memref<!tpu.dma_semaphore, #tpu.memory_space<semaphore_mem>>)
      %scan3A_49 = arith.constant 0 : i32
      %scan3A_50 = arith.constant 25 : i32
      %scan3A_51 = arith.addi %scan3A_49, %scan3A_50 : i32
      %scan3A_52 = arith.constant 1 : i32
      scf.for %scan3A_54 = %scan3A_49 to %scan3A_51 step %scan3A_52  : i32 {
        %mul3A_55 = arith.constant 1 : i32
        %mul3A_56 = arith.muli %scan3A_54, %mul3A_55 : i32
        %add3A_57 = arith.constant 0 : i32
        %add3A_58 = arith.addi %add3A_57, %mul3A_56 : i32
        %mul3A_59 = arith.constant 80 : i32
        %mul3A_60 = arith.muli %add3A_58, %mul3A_59 : i32
        %add3A_61 = arith.addi %add3A_39, %mul3A_60 : i32
        %mul3A_62 = arith.constant 64 : i32
        %mul3A_63 = arith.muli %add3A_61, %mul3A_62 : i32
        %multiple_of3A_64 = tpu.assume_multiple %mul3A_63, 8 : i32
        %jit3A = arith.constant 2 : i32
        %eq3A = arith.constant 0 : i32
        %eq3A_65 = arith.cmpi eq, %jit3A, %eq3A : i32
        %jit3A_66 = arith.constant 1 : i32
        %select_n3A = arith.select %eq3A_65, %jit3A_66, %jit3A : i32
        %rem3A = arith.remsi %add3A_58, %select_n3A : i32
        %ne3A = arith.constant 0 : i32
        %ne3A_67 = arith.cmpi ne, %rem3A, %ne3A : i32
        %lt3A = arith.constant 0 : i32
        %lt3A_68 = arith.cmpi slt, %rem3A, %lt3A : i32
        %lt3A_69 = arith.constant 0 : i32
        %lt3A_70 = arith.cmpi slt, %select_n3A, %lt3A_69 : i32
        %ne3A_71 = arith.xori %lt3A_68, %lt3A_70 : i1
        %and3A = arith.andi %ne3A_71, %ne3A_67 : i1
        %add3A_72 = arith.addi %rem3A, %select_n3A : i32
        %select_n3A_73 = arith.select %and3A, %add3A_72, %rem3A : i32
        %eq3A_74 = arith.constant 0 : i32
        %eq3A_75 = arith.cmpi eq, %select_n3A_73, %eq3A_74 : i32
        %add3A_76 = arith.constant 1 : i32
        %add3A_77 = arith.addi %add3A_58, %add3A_76 : i32
        %lt3A_78 = arith.constant 25 : i32
        %lt3A_79 = arith.cmpi slt, %add3A_77, %lt3A_78 : i32
        %and3A_80 = arith.andi %lt3A_79, %eq3A_75 : i1
        %convert_element_type3A = arith.extui %and3A_80 : i1 to i32
        %cond3A = arith.constant 0 : i32
        %cond3A_81 = arith.cmpi ne, %convert_element_type3A, %cond3A : i32
        scf.if %cond3A_81 {
          %add3A_99 = arith.constant 5120 : i32
          %add3A_100 = arith.addi %multiple_of3A_64, %add3A_99 : i32
          %dma_start3A_101 = tpu.memref_slice %arg2[%add3A_100] : memref<51200000xf32, #tpu.memory_space<hbm>> -> memref<5120xf32, #tpu.memory_space<hbm>>
          %dma_start3A_102 = tpu.memref_slice %arg2[%add3A_100] : memref<51200000xf32, #tpu.memory_space<hbm>> -> memref<5120xf32, #tpu.memory_space<hbm>>
          tpu.enqueue_dma source(%dma_start3A_102 : memref<5120xf32, #tpu.memory_space<hbm>>) target(%arg8 : memref<5120xf32, #tpu.memory_space<vmem>>) target_semaphore(%arg12 : memref<!tpu.dma_semaphore, #tpu.memory_space<semaphore_mem>>)
        } else {
        }
        %add3A_82 = arith.constant 1 : i32
        %add3A_83 = arith.addi %add3A_58, %add3A_82 : i32
        %lt3A_84 = arith.constant 25 : i32
        %lt3A_85 = arith.cmpi slt, %add3A_83, %lt3A_84 : i32
        %not3A = arith.constant true
        %not3A_86 = arith.xori %eq3A_75, %not3A : i1
        %and3A_87 = arith.andi %lt3A_85, %not3A_86 : i1
        %convert_element_type3A_88 = arith.extui %and3A_87 : i1 to i32
        %cond3A_89 = arith.constant 0 : i32
        %cond3A_90 = arith.cmpi ne, %convert_element_type3A_88, %cond3A_89 : i32
        scf.if %cond3A_90 {
          %add3A_99 = arith.constant 5120 : i32
          %add3A_100 = arith.addi %multiple_of3A_64, %add3A_99 : i32
          %dma_start3A_101 = tpu.memref_slice %arg2[%add3A_100] : memref<51200000xf32, #tpu.memory_space<hbm>> -> memref<5120xf32, #tpu.memory_space<hbm>>
          %dma_start3A_102 = tpu.memref_slice %arg2[%add3A_100] : memref<51200000xf32, #tpu.memory_space<hbm>> -> memref<5120xf32, #tpu.memory_space<hbm>>
          tpu.enqueue_dma source(%dma_start3A_102 : memref<5120xf32, #tpu.memory_space<hbm>>) target(%arg7 : memref<5120xf32, #tpu.memory_space<vmem>>) target_semaphore(%arg11 : memref<!tpu.dma_semaphore, #tpu.memory_space<semaphore_mem>>)
        } else {
        }
        %convert_element_type3A_91 = arith.extui %eq3A_75 : i1 to i32
        %cond3A_92 = arith.constant 0 : i32
        %cond3A_93 = arith.cmpi ne, %convert_element_type3A_91, %cond3A_92 : i32
        scf.if %cond3A_93 {
          %dma_wait3A = arith.constant 0 : i32
          %dma_wait3A_99 = tpu.memref_slice %arg2[%dma_wait3A] : memref<51200000xf32, #tpu.memory_space<hbm>> -> memref<5120xf32, #tpu.memory_space<hbm>>
          %dma_wait3A_100 = arith.constant 0 : i32
          %dma_wait3A_101 = tpu.memref_slice %arg2[%dma_wait3A_100] : memref<51200000xf32, #tpu.memory_space<hbm>> -> memref<5120xf32, #tpu.memory_space<hbm>>
          tpu.wait_dma2 semaphore(%arg11 : memref<!tpu.dma_semaphore, #tpu.memory_space<semaphore_mem>>) src(%dma_wait3A_101 : memref<5120xf32, #tpu.memory_space<hbm>>) dst(%arg7 : memref<5120xf32, #tpu.memory_space<vmem>>)
          %scan3A_102 = arith.constant 0 : i32
          %scan3A_103 = arith.constant 80 : i32
          %scan3A_104 = arith.addi %scan3A_102, %scan3A_103 : i32
          %scan3A_105 = arith.constant 1 : i32
          scf.for %scan3A_107 = %scan3A_102 to %scan3A_104 step %scan3A_105  : i32 {
            %mul3A_108 = arith.constant 1 : i32
            %mul3A_109 = arith.muli %scan3A_107, %mul3A_108 : i32
            %add3A_110 = arith.constant 0 : i32
            %add3A_111 = arith.addi %add3A_110, %mul3A_109 : i32
            %mul3A_112 = arith.constant 64 : i32
            %mul3A_113 = arith.muli %add3A_111, %mul3A_112 : i32
            %add3A_114 = arith.constant 0 : i32
            %add3A_115 = arith.addi %mul3A_113, %add3A_114 : i32
            %get3A = arith.index_cast %add3A_115 : i32 to index
            %get3A_116 = tpu.vector_load %arg7[%get3A] {strides = array<i32>} : memref<5120xf32, #tpu.memory_space<vmem>>, vector<16xf32>,
            %get3A_117 = vector.shape_cast %get3A_116 : vector<16xf32> to vector<16xf32>
            %swap3A = arith.index_cast %add3A_111 : i32 to index
            %swap3A_118 = arith.constant 0 : index
            %swap3A_119 = tpu.vector_load %arg9[%swap3A, %swap3A_118] {strides = array<i32>} : memref<80x64xf32, #tpu.memory_space<vmem>>, vector<1x16xf32>,
            %swap3A_120 = vector.shape_cast %swap3A_119 : vector<1x16xf32> to vector<16xf32>
            %swap3A_121 = vector.shape_cast %get3A_117 : vector<16xf32> to vector<1x16xf32>
            tpu.vector_store %arg9[%swap3A, %swap3A_118], %swap3A_121 {strides = array<i32>} : memref<80x64xf32, #tpu.memory_space<vmem>>, vector<1x16xf32>,
            %mul3A_122 = arith.constant 64 : i32
            %mul3A_123 = arith.muli %add3A_111, %mul3A_122 : i32
            %add3A_124 = arith.constant 16 : i32
            %add3A_125 = arith.addi %mul3A_123, %add3A_124 : i32
            %get3A_126 = arith.index_cast %add3A_125 : i32 to index
            %get3A_127 = tpu.vector_load %arg7[%get3A_126] {strides = array<i32>} : memref<5120xf32, #tpu.memory_space<vmem>>, vector<16xf32>,
            %get3A_128 = vector.shape_cast %get3A_127 : vector<16xf32> to vector<16xf32>
            %swap3A_129 = arith.index_cast %add3A_111 : i32 to index
            %swap3A_130 = arith.constant 16 : index
            %swap3A_131 = tpu.vector_load %arg9[%swap3A_129, %swap3A_130] {strides = array<i32>} : memref<80x64xf32, #tpu.memory_space<vmem>>, vector<1x16xf32>,
            %swap3A_132 = vector.shape_cast %swap3A_131 : vector<1x16xf32> to vector<16xf32>
            %swap3A_133 = vector.shape_cast %get3A_128 : vector<16xf32> to vector<1x16xf32>
            tpu.vector_store %arg9[%swap3A_129, %swap3A_130], %swap3A_133 {strides = array<i32>} : memref<80x64xf32, #tpu.memory_space<vmem>>, vector<1x16xf32>,
            %mul3A_134 = arith.constant 64 : i32
            %mul3A_135 = arith.muli %add3A_111, %mul3A_134 : i32
            %add3A_136 = arith.constant 32 : i32
            %add3A_137 = arith.addi %mul3A_135, %add3A_136 : i32
            %get3A_138 = arith.index_cast %add3A_137 : i32 to index
            %get3A_139 = tpu.vector_load %arg7[%get3A_138] {strides = array<i32>} : memref<5120xf32, #tpu.memory_space<vmem>>, vector<16xf32>,
            %get3A_140 = vector.shape_cast %get3A_139 : vector<16xf32> to vector<16xf32>
            %swap3A_141 = arith.index_cast %add3A_111 : i32 to index
            %swap3A_142 = arith.constant 32 : index
            %swap3A_143 = tpu.vector_load %arg9[%swap3A_141, %swap3A_142] {strides = array<i32>} : memref<80x64xf32, #tpu.memory_space<vmem>>, vector<1x16xf32>,
            %swap3A_144 = vector.shape_cast %swap3A_143 : vector<1x16xf32> to vector<16xf32>
            %swap3A_145 = vector.shape_cast %get3A_140 : vector<16xf32> to vector<1x16xf32>
            tpu.vector_store %arg9[%swap3A_141, %swap3A_142], %swap3A_145 {strides = array<i32>} : memref<80x64xf32, #tpu.memory_space<vmem>>, vector<1x16xf32>,
            %mul3A_146 = arith.constant 64 : i32
            %mul3A_147 = arith.muli %add3A_111, %mul3A_146 : i32
            %add3A_148 = arith.constant 48 : i32
            %add3A_149 = arith.addi %mul3A_147, %add3A_148 : i32
            %get3A_150 = arith.index_cast %add3A_149 : i32 to index
            %get3A_151 = tpu.vector_load %arg7[%get3A_150] {strides = array<i32>} : memref<5120xf32, #tpu.memory_space<vmem>>, vector<16xf32>,
            %get3A_152 = vector.shape_cast %get3A_151 : vector<16xf32> to vector<16xf32>
            %swap3A_153 = arith.index_cast %add3A_111 : i32 to index
            %swap3A_154 = arith.constant 48 : index
            %swap3A_155 = tpu.vector_load %arg9[%swap3A_153, %swap3A_154] {strides = array<i32>} : memref<80x64xf32, #tpu.memory_space<vmem>>, vector<1x16xf32>,
            %swap3A_156 = vector.shape_cast %swap3A_155 : vector<1x16xf32> to vector<16xf32>
            %swap3A_157 = vector.shape_cast %get3A_152 : vector<16xf32> to vector<1x16xf32>
            tpu.vector_store %arg9[%swap3A_153, %swap3A_154], %swap3A_157 {strides = array<i32>} : memref<80x64xf32, #tpu.memory_space<vmem>>, vector<1x16xf32>,
          }
          %scan3A_106 = arith.constant 80 : i32
          "tpu.region"() ({
            %run_scoped3A = tpu.sem_alloc : memref<!tpu.dma_semaphore, #tpu.memory_space<semaphore_mem>>
            %dma_start3A_107 = arith.constant 0 : i32
            %dma_start3A_108 = tpu.memref_slice %arg6[%add3A_58, %dma_start3A_107] : memref<25x80xi32, #tpu.memory_space<vmem>> -> memref<1x80xi32, #tpu.memory_space<vmem>>
            %dma_start3A_109 = tpu.memref_squeeze %dma_start3A_108 : memref<1x80xi32, #tpu.memory_space<vmem>> -> memref<80xi32, #tpu.memory_space<vmem>>
            %dma_start3A_110 = arith.constant 0 : i32
            %dma_start3A_111 = arith.constant 0 : i32
            %dma_start3A_112 = tpu.memref_slice %arg10[%dma_start3A_110, %dma_start3A_111] : memref<25104x64xf32, #tpu.memory_space<vmem_shared>> -> memref<25104x64xf32, #tpu.memory_space<vmem_shared>>
            tpu.enqueue_indirect_dma source(%arg9 : memref<80x64xf32, #tpu.memory_space<vmem>>) target(%dma_start3A_112 : memref<25104x64xf32, #tpu.memory_space<vmem_shared>>) offsets(%dma_start3A_109 : memref<80xi32, #tpu.memory_space<vmem>>) semaphore(%run_scoped3A : memref<!tpu.dma_semaphore, #tpu.memory_space<semaphore_mem>>) {add = true}
            %dma_wait3A_113 = arith.constant 0 : i32
            %dma_wait3A_114 = tpu.memref_slice %arg6[%add3A_58, %dma_wait3A_113] : memref<25x80xi32, #tpu.memory_space<vmem>> -> memref<1x80xi32, #tpu.memory_space<vmem>>
            %dma_wait3A_115 = tpu.memref_squeeze %dma_wait3A_114 : memref<1x80xi32, #tpu.memory_space<vmem>> -> memref<80xi32, #tpu.memory_space<vmem>>
            %dma_wait3A_116 = arith.constant 0 : i32
            %dma_wait3A_117 = arith.constant 0 : i32
            %dma_wait3A_118 = tpu.memref_slice %arg10[%dma_wait3A_116, %dma_wait3A_117] : memref<25104x64xf32, #tpu.memory_space<vmem_shared>> -> memref<25104x64xf32, #tpu.memory_space<vmem_shared>>
            tpu.wait_indirect_dma semaphore(%run_scoped3A : memref<!tpu.dma_semaphore, #tpu.memory_space<semaphore_mem>>) src(%arg9 : memref<80x64xf32, #tpu.memory_space<vmem>>) dst(%dma_wait3A_118 : memref<25104x64xf32, #tpu.memory_space<vmem_shared>>)
            tpu.yield
          }) : () -> ()
        } else {
        }
        %not3A_94 = arith.constant true
        %not3A_95 = arith.xori %eq3A_75, %not3A_94 : i1
        %convert_element_type3A_96 = arith.extui %not3A_95 : i1 to i32
        %cond3A_97 = arith.constant 0 : i32
        %cond3A_98 = arith.cmpi ne, %convert_element_type3A_96, %cond3A_97 : i32
        scf.if %cond3A_98 {
          %dma_wait3A = arith.constant 0 : i32
          %dma_wait3A_99 = tpu.memref_slice %arg2[%dma_wait3A] : memref<51200000xf32, #tpu.memory_space<hbm>> -> memref<5120xf32, #tpu.memory_space<hbm>>
          %dma_wait3A_100 = arith.constant 0 : i32
          %dma_wait3A_101 = tpu.memref_slice %arg2[%dma_wait3A_100] : memref<51200000xf32, #tpu.memory_space<hbm>> -> memref<5120xf32, #tpu.memory_space<hbm>>
          tpu.wait_dma2 semaphore(%arg12 : memref<!tpu.dma_semaphore, #tpu.memory_space<semaphore_mem>>) src(%dma_wait3A_101 : memref<5120xf32, #tpu.memory_space<hbm>>) dst(%arg8 : memref<5120xf32, #tpu.memory_space<vmem>>)
          %scan3A_102 = arith.constant 0 : i32
          %scan3A_103 = arith.constant 80 : i32
          %scan3A_104 = arith.addi %scan3A_102, %scan3A_103 : i32
          %scan3A_105 = arith.constant 1 : i32
          scf.for %scan3A_107 = %scan3A_102 to %scan3A_104 step %scan3A_105  : i32 {
            %mul3A_108 = arith.constant 1 : i32
            %mul3A_109 = arith.muli %scan3A_107, %mul3A_108 : i32
            %add3A_110 = arith.constant 0 : i32
            %add3A_111 = arith.addi %add3A_110, %mul3A_109 : i32
            %mul3A_112 = arith.constant 64 : i32
            %mul3A_113 = arith.muli %add3A_111, %mul3A_112 : i32
            %add3A_114 = arith.constant 0 : i32
            %add3A_115 = arith.addi %mul3A_113, %add3A_114 : i32
            %get3A = arith.index_cast %add3A_115 : i32 to index
            %get3A_116 = tpu.vector_load %arg8[%get3A] {strides = array<i32>} : memref<5120xf32, #tpu.memory_space<vmem>>, vector<16xf32>,
            %get3A_117 = vector.shape_cast %get3A_116 : vector<16xf32> to vector<16xf32>
            %swap3A = arith.index_cast %add3A_111 : i32 to index
            %swap3A_118 = arith.constant 0 : index
            %swap3A_119 = tpu.vector_load %arg9[%swap3A, %swap3A_118] {strides = array<i32>} : memref<80x64xf32, #tpu.memory_space<vmem>>, vector<1x16xf32>,
            %swap3A_120 = vector.shape_cast %swap3A_119 : vector<1x16xf32> to vector<16xf32>
            %swap3A_121 = vector.shape_cast %get3A_117 : vector<16xf32> to vector<1x16xf32>
            tpu.vector_store %arg9[%swap3A, %swap3A_118], %swap3A_121 {strides = array<i32>} : memref<80x64xf32, #tpu.memory_space<vmem>>, vector<1x16xf32>,
            %mul3A_122 = arith.constant 64 : i32
            %mul3A_123 = arith.muli %add3A_111, %mul3A_122 : i32
            %add3A_124 = arith.constant 16 : i32
            %add3A_125 = arith.addi %mul3A_123, %add3A_124 : i32
            %get3A_126 = arith.index_cast %add3A_125 : i32 to index
            %get3A_127 = tpu.vector_load %arg8[%get3A_126] {strides = array<i32>} : memref<5120xf32, #tpu.memory_space<vmem>>, vector<16xf32>,
            %get3A_128 = vector.shape_cast %get3A_127 : vector<16xf32> to vector<16xf32>
            %swap3A_129 = arith.index_cast %add3A_111 : i32 to index
            %swap3A_130 = arith.constant 16 : index
            %swap3A_131 = tpu.vector_load %arg9[%swap3A_129, %swap3A_130] {strides = array<i32>} : memref<80x64xf32, #tpu.memory_space<vmem>>, vector<1x16xf32>,
            %swap3A_132 = vector.shape_cast %swap3A_131 : vector<1x16xf32> to vector<16xf32>
            %swap3A_133 = vector.shape_cast %get3A_128 : vector<16xf32> to vector<1x16xf32>
            tpu.vector_store %arg9[%swap3A_129, %swap3A_130], %swap3A_133 {strides = array<i32>} : memref<80x64xf32, #tpu.memory_space<vmem>>, vector<1x16xf32>,
            %mul3A_134 = arith.constant 64 : i32
            %mul3A_135 = arith.muli %add3A_111, %mul3A_134 : i32
            %add3A_136 = arith.constant 32 : i32
            %add3A_137 = arith.addi %mul3A_135, %add3A_136 : i32
            %get3A_138 = arith.index_cast %add3A_137 : i32 to index
            %get3A_139 = tpu.vector_load %arg8[%get3A_138] {strides = array<i32>} : memref<5120xf32, #tpu.memory_space<vmem>>, vector<16xf32>,
            %get3A_140 = vector.shape_cast %get3A_139 : vector<16xf32> to vector<16xf32>
            %swap3A_141 = arith.index_cast %add3A_111 : i32 to index
            %swap3A_142 = arith.constant 32 : index
            %swap3A_143 = tpu.vector_load %arg9[%swap3A_141, %swap3A_142] {strides = array<i32>} : memref<80x64xf32, #tpu.memory_space<vmem>>, vector<1x16xf32>,
            %swap3A_144 = vector.shape_cast %swap3A_143 : vector<1x16xf32> to vector<16xf32>
            %swap3A_145 = vector.shape_cast %get3A_140 : vector<16xf32> to vector<1x16xf32>
            tpu.vector_store %arg9[%swap3A_141, %swap3A_142], %swap3A_145 {strides = array<i32>} : memref<80x64xf32, #tpu.memory_space<vmem>>, vector<1x16xf32>,
            %mul3A_146 = arith.constant 64 : i32
            %mul3A_147 = arith.muli %add3A_111, %mul3A_146 : i32
            %add3A_148 = arith.constant 48 : i32
            %add3A_149 = arith.addi %mul3A_147, %add3A_148 : i32
            %get3A_150 = arith.index_cast %add3A_149 : i32 to index
            %get3A_151 = tpu.vector_load %arg8[%get3A_150] {strides = array<i32>} : memref<5120xf32, #tpu.memory_space<vmem>>, vector<16xf32>,
            %get3A_152 = vector.shape_cast %get3A_151 : vector<16xf32> to vector<16xf32>
            %swap3A_153 = arith.index_cast %add3A_111 : i32 to index
            %swap3A_154 = arith.constant 48 : index
            %swap3A_155 = tpu.vector_load %arg9[%swap3A_153, %swap3A_154] {strides = array<i32>} : memref<80x64xf32, #tpu.memory_space<vmem>>, vector<1x16xf32>,
            %swap3A_156 = vector.shape_cast %swap3A_155 : vector<1x16xf32> to vector<16xf32>
            %swap3A_157 = vector.shape_cast %get3A_152 : vector<16xf32> to vector<1x16xf32>
            tpu.vector_store %arg9[%swap3A_153, %swap3A_154], %swap3A_157 {strides = array<i32>} : memref<80x64xf32, #tpu.memory_space<vmem>>, vector<1x16xf32>,
          }
          %scan3A_106 = arith.constant 80 : i32
          "tpu.region"() ({
            %run_scoped3A = tpu.sem_alloc : memref<!tpu.dma_semaphore, #tpu.memory_space<semaphore_mem>>
            %dma_start3A_107 = arith.constant 0 : i32
            %dma_start3A_108 = tpu.memref_slice %arg6[%add3A_58, %dma_start3A_107] : memref<25x80xi32, #tpu.memory_space<vmem>> -> memref<1x80xi32, #tpu.memory_space<vmem>>
            %dma_start3A_109 = tpu.memref_squeeze %dma_start3A_108 : memref<1x80xi32, #tpu.memory_space<vmem>> -> memref<80xi32, #tpu.memory_space<vmem>>
            %dma_start3A_110 = arith.constant 0 : i32
            %dma_start3A_111 = arith.constant 0 : i32
            %dma_start3A_112 = tpu.memref_slice %arg10[%dma_start3A_110, %dma_start3A_111] : memref<25104x64xf32, #tpu.memory_space<vmem_shared>> -> memref<25104x64xf32, #tpu.memory_space<vmem_shared>>
            tpu.enqueue_indirect_dma source(%arg9 : memref<80x64xf32, #tpu.memory_space<vmem>>) target(%dma_start3A_112 : memref<25104x64xf32, #tpu.memory_space<vmem_shared>>) offsets(%dma_start3A_109 : memref<80xi32, #tpu.memory_space<vmem>>) semaphore(%run_scoped3A : memref<!tpu.dma_semaphore, #tpu.memory_space<semaphore_mem>>) {add = true}
            %dma_wait3A_113 = arith.constant 0 : i32
            %dma_wait3A_114 = tpu.memref_slice %arg6[%add3A_58, %dma_wait3A_113] : memref<25x80xi32, #tpu.memory_space<vmem>> -> memref<1x80xi32, #tpu.memory_space<vmem>>
            %dma_wait3A_115 = tpu.memref_squeeze %dma_wait3A_114 : memref<1x80xi32, #tpu.memory_space<vmem>> -> memref<80xi32, #tpu.memory_space<vmem>>
            %dma_wait3A_116 = arith.constant 0 : i32
            %dma_wait3A_117 = arith.constant 0 : i32
            %dma_wait3A_118 = tpu.memref_slice %arg10[%dma_wait3A_116, %dma_wait3A_117] : memref<25104x64xf32, #tpu.memory_space<vmem_shared>> -> memref<25104x64xf32, #tpu.memory_space<vmem_shared>>
            tpu.wait_indirect_dma semaphore(%run_scoped3A : memref<!tpu.dma_semaphore, #tpu.memory_space<semaphore_mem>>) src(%arg9 : memref<80x64xf32, #tpu.memory_space<vmem>>) dst(%dma_wait3A_118 : memref<25104x64xf32, #tpu.memory_space<vmem_shared>>)
            tpu.yield
          }) : () -> ()
        } else {
        }
      }
      %scan3A_53 = arith.constant 25 : i32
    }
    %scan3A_19 = arith.constant 25 : i32
    %barrier3A_20 = arith.constant 0 : index
    tpu.barrier barrier_id(%barrier3A_20)
    %mul3A_21 = arith.constant 1568 : i32
    %mul3A_22 = arith.muli %arg1, %mul3A_21 : i32
    %scan3A_23 = arith.constant 0 : i32
    %scan3A_24 = arith.constant 19 : i32
    %scan3A_25 = arith.addi %scan3A_23, %scan3A_24 : i32
    %scan3A_26 = arith.constant 1 : i32
    scf.for %scan3A_32 = %scan3A_23 to %scan3A_25 step %scan3A_26  : i32 {
      %mul3A_33 = arith.constant 1 : i32
      %mul3A_34 = arith.muli %scan3A_32, %mul3A_33 : i32
      %add3A_35 = arith.constant 0 : i32
      %add3A_36 = arith.addi %add3A_35, %mul3A_34 : i32
      %mul3A_37 = arith.constant 80 : i32
      %mul3A_38 = arith.muli %add3A_36, %mul3A_37 : i32
      %add3A_39 = arith.addi %mul3A_22, %mul3A_38 : i32
      %multiple_of3A_40 = tpu.assume_multiple %add3A_39, 8 : i32
      "tpu.region"() ({
        %run_scoped3A = tpu.sem_alloc : memref<!tpu.dma_semaphore, #tpu.memory_space<semaphore_mem>>
        %dma_start3A = arith.constant 0 : i32
        %dma_start3A_43 = tpu.memref_slice %arg10[%multiple_of3A_40, %dma_start3A] : memref<25104x64xf32, #tpu.memory_space<vmem_shared>> -> memref<80x64xf32, #tpu.memory_space<vmem_shared>>
        %dma_start3A_44 = arith.constant 0 : i32
        %dma_start3A_45 = tpu.memref_slice %arg10[%multiple_of3A_40, %dma_start3A_44] : memref<25104x64xf32, #tpu.memory_space<vmem_shared>> -> memref<80x64xf32, #tpu.memory_space<vmem_shared>>
        tpu.enqueue_dma source(%dma_start3A_45 : memref<80x64xf32, #tpu.memory_space<vmem_shared>>) target(%arg9 : memref<80x64xf32, #tpu.memory_space<vmem>>) target_semaphore(%run_scoped3A : memref<!tpu.dma_semaphore, #tpu.memory_space<semaphore_mem>>)
        %dma_wait3A = arith.constant 0 : i32
        %dma_wait3A_46 = tpu.memref_slice %arg10[%multiple_of3A_40, %dma_wait3A] : memref<25104x64xf32, #tpu.memory_space<vmem_shared>> -> memref<80x64xf32, #tpu.memory_space<vmem_shared>>
        %dma_wait3A_47 = arith.constant 0 : i32
        %dma_wait3A_48 = tpu.memref_slice %arg10[%multiple_of3A_40, %dma_wait3A_47] : memref<25104x64xf32, #tpu.memory_space<vmem_shared>> -> memref<80x64xf32, #tpu.memory_space<vmem_shared>>
        tpu.wait_dma2 semaphore(%run_scoped3A : memref<!tpu.dma_semaphore, #tpu.memory_space<semaphore_mem>>) src(%dma_wait3A_48 : memref<80x64xf32, #tpu.memory_space<vmem_shared>>) dst(%arg9 : memref<80x64xf32, #tpu.memory_space<vmem>>)
        tpu.yield
      }) : () -> ()
      %add3A_41 = arith.addi %mul3A_0, %multiple_of3A_40 : i32
      %multiple_of3A_42 = tpu.assume_multiple %add3A_41, 8 : i32
      "tpu.region"() ({
        %run_scoped3A = tpu.sem_alloc : memref<!tpu.dma_semaphore, #tpu.memory_space<semaphore_mem>>
        %dma_start3A = arith.constant 0 : i32
        %dma_start3A_43 = tpu.memref_slice %arg4[%multiple_of3A_42, %dma_start3A] : memref<50176x64xf32, #tpu.memory_space<hbm>> -> memref<80x64xf32, #tpu.memory_space<hbm>>
        %dma_start3A_44 = arith.constant 0 : i32
        %dma_start3A_45 = tpu.memref_slice %arg4[%multiple_of3A_42, %dma_start3A_44] : memref<50176x64xf32, #tpu.memory_space<hbm>> -> memref<80x64xf32, #tpu.memory_space<hbm>>
        tpu.enqueue_dma source(%arg9 : memref<80x64xf32, #tpu.memory_space<vmem>>) target(%dma_start3A_45 : memref<80x64xf32, #tpu.memory_space<hbm>>) target_semaphore(%run_scoped3A : memref<!tpu.dma_semaphore, #tpu.memory_space<semaphore_mem>>)
        %dma_wait3A = arith.constant 0 : i32
        %dma_wait3A_46 = tpu.memref_slice %arg4[%multiple_of3A_42, %dma_wait3A] : memref<50176x64xf32, #tpu.memory_space<hbm>> -> memref<80x64xf32, #tpu.memory_space<hbm>>
        %dma_wait3A_47 = arith.constant 0 : i32
        %dma_wait3A_48 = tpu.memref_slice %arg4[%multiple_of3A_42, %dma_wait3A_47] : memref<50176x64xf32, #tpu.memory_space<hbm>> -> memref<80x64xf32, #tpu.memory_space<hbm>>
        tpu.wait_dma2 semaphore(%run_scoped3A : memref<!tpu.dma_semaphore, #tpu.memory_space<semaphore_mem>>) src(%arg9 : memref<80x64xf32, #tpu.memory_space<vmem>>) dst(%dma_wait3A_48 : memref<80x64xf32, #tpu.memory_space<hbm>>)
        tpu.yield
      }) : () -> ()
    }
    %scan3A_27 = arith.constant 19 : i32
    %add3A_28 = arith.constant 1520 : i32
    %add3A_29 = arith.addi %mul3A_22, %add3A_28 : i32
    %multiple_of3A = tpu.assume_multiple %add3A_29, 8 : i32
    "tpu.region"() ({
      %run_scoped3A = tpu.sem_alloc : memref<!tpu.dma_semaphore, #tpu.memory_space<semaphore_mem>>
      %dma_start3A = arith.constant 0 : i32
      %dma_start3A_32 = arith.constant 0 : i32
      %dma_start3A_33 = tpu.memref_slice %arg9[%dma_start3A, %dma_start3A_32] : memref<80x64xf32, #tpu.memory_space<vmem>> -> memref<48x64xf32, #tpu.memory_space<vmem>>
      %dma_start3A_34 = arith.constant 0 : i32
      %dma_start3A_35 = tpu.memref_slice %arg10[%multiple_of3A, %dma_start3A_34] : memref<25104x64xf32, #tpu.memory_space<vmem_shared>> -> memref<48x64xf32, #tpu.memory_space<vmem_shared>>
      %dma_start3A_36 = arith.constant 0 : i32
      %dma_start3A_37 = arith.constant 0 : i32
      %dma_start3A_38 = tpu.memref_slice %arg9[%dma_start3A_36, %dma_start3A_37] : memref<80x64xf32, #tpu.memory_space<vmem>> -> memref<48x64xf32, #tpu.memory_space<vmem>>
      %dma_start3A_39 = arith.constant 0 : i32
      %dma_start3A_40 = tpu.memref_slice %arg10[%multiple_of3A, %dma_start3A_39] : memref<25104x64xf32, #tpu.memory_space<vmem_shared>> -> memref<48x64xf32, #tpu.memory_space<vmem_shared>>
      tpu.enqueue_dma source(%dma_start3A_40 : memref<48x64xf32, #tpu.memory_space<vmem_shared>>) target(%dma_start3A_38 : memref<48x64xf32, #tpu.memory_space<vmem>>) target_semaphore(%run_scoped3A : memref<!tpu.dma_semaphore, #tpu.memory_space<semaphore_mem>>)
      %dma_wait3A = arith.constant 0 : i32
      %dma_wait3A_41 = arith.constant 0 : i32
      %dma_wait3A_42 = tpu.memref_slice %arg9[%dma_wait3A, %dma_wait3A_41] : memref<80x64xf32, #tpu.memory_space<vmem>> -> memref<48x64xf32, #tpu.memory_space<vmem>>
      %dma_wait3A_43 = arith.constant 0 : i32
      %dma_wait3A_44 = tpu.memref_slice %arg10[%multiple_of3A, %dma_wait3A_43] : memref<25104x64xf32, #tpu.memory_space<vmem_shared>> -> memref<48x64xf32, #tpu.memory_space<vmem_shared>>
      %dma_wait3A_45 = arith.constant 0 : i32
      %dma_wait3A_46 = arith.constant 0 : i32
      %dma_wait3A_47 = tpu.memref_slice %arg9[%dma_wait3A_45, %dma_wait3A_46] : memref<80x64xf32, #tpu.memory_space<vmem>> -> memref<48x64xf32, #tpu.memory_space<vmem>>
      %dma_wait3A_48 = arith.constant 0 : i32
      %dma_wait3A_49 = tpu.memref_slice %arg10[%multiple_of3A, %dma_wait3A_48] : memref<25104x64xf32, #tpu.memory_space<vmem_shared>> -> memref<48x64xf32, #tpu.memory_space<vmem_shared>>
      tpu.wait_dma2 semaphore(%run_scoped3A : memref<!tpu.dma_semaphore, #tpu.memory_space<semaphore_mem>>) src(%dma_wait3A_49 : memref<48x64xf32, #tpu.memory_space<vmem_shared>>) dst(%dma_wait3A_47 : memref<48x64xf32, #tpu.memory_space<vmem>>)
      tpu.yield
    }) : () -> ()
    %add3A_30 = arith.addi %mul3A_0, %multiple_of3A : i32
    %multiple_of3A_31 = tpu.assume_multiple %add3A_30, 8 : i32
    "tpu.region"() ({
      %run_scoped3A = tpu.sem_alloc : memref<!tpu.dma_semaphore, #tpu.memory_space<semaphore_mem>>
      %dma_start3A = arith.constant 0 : i32
      %dma_start3A_32 = arith.constant 0 : i32
      %dma_start3A_33 = tpu.memref_slice %arg9[%dma_start3A, %dma_start3A_32] : memref<80x64xf32, #tpu.memory_space<vmem>> -> memref<48x64xf32, #tpu.memory_space<vmem>>
      %dma_start3A_34 = arith.constant 0 : i32
      %dma_start3A_35 = tpu.memref_slice %arg4[%multiple_of3A_31, %dma_start3A_34] : memref<50176x64xf32, #tpu.memory_space<hbm>> -> memref<48x64xf32, #tpu.memory_space<hbm>>
      %dma_start3A_36 = arith.constant 0 : i32
      %dma_start3A_37 = tpu.memref_slice %arg4[%multiple_of3A_31, %dma_start3A_36] : memref<50176x64xf32, #tpu.memory_space<hbm>> -> memref<48x64xf32, #tpu.memory_space<hbm>>
      %dma_start3A_38 = arith.constant 0 : i32
      %dma_start3A_39 = arith.constant 0 : i32
      %dma_start3A_40 = tpu.memref_slice %arg9[%dma_start3A_38, %dma_start3A_39] : memref<80x64xf32, #tpu.memory_space<vmem>> -> memref<48x64xf32, #tpu.memory_space<vmem>>
      tpu.enqueue_dma source(%dma_start3A_40 : memref<48x64xf32, #tpu.memory_space<vmem>>) target(%dma_start3A_37 : memref<48x64xf32, #tpu.memory_space<hbm>>) target_semaphore(%run_scoped3A : memref<!tpu.dma_semaphore, #tpu.memory_space<semaphore_mem>>)
      %dma_wait3A = arith.constant 0 : i32
      %dma_wait3A_41 = arith.constant 0 : i32
      %dma_wait3A_42 = tpu.memref_slice %arg9[%dma_wait3A, %dma_wait3A_41] : memref<80x64xf32, #tpu.memory_space<vmem>> -> memref<48x64xf32, #tpu.memory_space<vmem>>
      %dma_wait3A_43 = arith.constant 0 : i32
      %dma_wait3A_44 = tpu.memref_slice %arg4[%multiple_of3A_31, %dma_wait3A_43] : memref<50176x64xf32, #tpu.memory_space<hbm>> -> memref<48x64xf32, #tpu.memory_space<hbm>>
      %dma_wait3A_45 = arith.constant 0 : i32
      %dma_wait3A_46 = tpu.memref_slice %arg4[%multiple_of3A_31, %dma_wait3A_45] : memref<50176x64xf32, #tpu.memory_space<hbm>> -> memref<48x64xf32, #tpu.memory_space<hbm>>
      %dma_wait3A_47 = arith.constant 0 : i32
      %dma_wait3A_48 = arith.constant 0 : i32
      %dma_wait3A_49 = tpu.memref_slice %arg9[%dma_wait3A_47, %dma_wait3A_48] : memref<80x64xf32, #tpu.memory_space<vmem>> -> memref<48x64xf32, #tpu.memory_space<vmem>>
      tpu.wait_dma2 semaphore(%run_scoped3A : memref<!tpu.dma_semaphore, #tpu.memory_space<semaphore_mem>>) src(%dma_wait3A_49 : memref<48x64xf32, #tpu.memory_space<vmem>>) dst(%dma_wait3A_46 : memref<48x64xf32, #tpu.memory_space<hbm>>)
      tpu.yield
    }) : () -> ()
    return
  }
}

#map = affine_map<(d0, d1) -> (0, 0)>
#map1 = affine_map<(d0, d1) -> (0)>
module attributes {stable_mosaic.version = 14 : i64} {
  func.func @_sc_pair_body(%arg0: i32, %arg1: i32, %arg2: memref<50176x128xf32, #tpu.memory_space<hbm>>, %arg3: memref<800000xi32, #tpu.memory_space<hbm>>, %arg4: memref<800000xi32, #tpu.memory_space<hbm>>, %arg5: memref<800000x64xf32, #tpu.memory_space<hbm>>, %arg6: memref<800000x64xf32, #tpu.memory_space<hbm>>, %arg7: memref<1000xi32, #tpu.memory_space<vmem>>, %arg8: memref<40x128xf32, #tpu.memory_space<vmem>>, %arg9: memref<40x128xf32, #tpu.memory_space<vmem>>, %arg10: memref<40x64xf32, #tpu.memory_space<vmem>>, %arg11: memref<40x64xf32, #tpu.memory_space<vmem>>, %arg12: memref<!tpu.dma_semaphore, #tpu.memory_space<semaphore_mem>>, %arg13: memref<!tpu.dma_semaphore, #tpu.memory_space<semaphore_mem>>, %arg14: memref<!tpu.dma_semaphore, #tpu.memory_space<semaphore_mem>>, %arg15: memref<!tpu.dma_semaphore, #tpu.memory_space<semaphore_mem>>) attributes {dimension_semantics = [#tpu.dimension_semantics<core_parallel>, #tpu.dimension_semantics<subcore_parallel>], iteration_bounds = array<i64: 2, 16>, scalar_prefetch = 0 : i64, scratch_operands = 9 : i64, tpu.core_type = #tpu.core_type<sc_vector_subcore>, window_params = [{transform_indices = #map}, {transform_indices = #map1}, {transform_indices = #map1}, {transform_indices = #map}, {transform_indices = #map}]} {
    %mul3A = arith.constant 50000 : i32
    %mul3A_0 = arith.muli %arg1, %mul3A : i32
    %eq3A = arith.constant 0 : i32
    %eq3A_1 = arith.cmpi eq, %arg0, %eq3A : i32
    %convert_element_type3A = arith.extui %eq3A_1 : i1 to i32
    %cond3A = arith.constant 0 : i32
    %cond3A_2 = arith.cmpi ne, %convert_element_type3A, %cond3A : i32
    scf.if %cond3A_2 {
      %scan3A = arith.constant 0 : i32
      %scan3A_8 = arith.constant 50 : i32
      %scan3A_9 = arith.addi %scan3A, %scan3A_8 : i32
      %scan3A_10 = arith.constant 1 : i32
      scf.for %scan3A_12 = %scan3A to %scan3A_9 step %scan3A_10  : i32 {
        %mul3A_13 = arith.constant 1 : i32
        %mul3A_14 = arith.muli %scan3A_12, %mul3A_13 : i32
        %add3A = arith.constant 0 : i32
        %add3A_15 = arith.addi %add3A, %mul3A_14 : i32
        %mul3A_16 = arith.constant 1000 : i32
        %mul3A_17 = arith.muli %add3A_15, %mul3A_16 : i32
        %add3A_18 = arith.addi %mul3A_0, %mul3A_17 : i32
        "tpu.region"() ({
          %run_scoped3A = tpu.sem_alloc : memref<!tpu.dma_semaphore, #tpu.memory_space<semaphore_mem>>
          %dma_start3A_39 = tpu.memref_slice %arg3[%add3A_18] : memref<800000xi32, #tpu.memory_space<hbm>> -> memref<1000xi32, #tpu.memory_space<hbm>>
          %dma_start3A_40 = tpu.memref_slice %arg3[%add3A_18] : memref<800000xi32, #tpu.memory_space<hbm>> -> memref<1000xi32, #tpu.memory_space<hbm>>
          tpu.enqueue_dma source(%dma_start3A_40 : memref<1000xi32, #tpu.memory_space<hbm>>) target(%arg7 : memref<1000xi32, #tpu.memory_space<vmem>>) target_semaphore(%run_scoped3A : memref<!tpu.dma_semaphore, #tpu.memory_space<semaphore_mem>>)
          %dma_wait3A_41 = tpu.memref_slice %arg3[%add3A_18] : memref<800000xi32, #tpu.memory_space<hbm>> -> memref<1000xi32, #tpu.memory_space<hbm>>
          %dma_wait3A_42 = tpu.memref_slice %arg3[%add3A_18] : memref<800000xi32, #tpu.memory_space<hbm>> -> memref<1000xi32, #tpu.memory_space<hbm>>
          tpu.wait_dma2 semaphore(%run_scoped3A : memref<!tpu.dma_semaphore, #tpu.memory_space<semaphore_mem>>) src(%dma_wait3A_42 : memref<1000xi32, #tpu.memory_space<hbm>>) dst(%arg7 : memref<1000xi32, #tpu.memory_space<vmem>>)
          tpu.yield
        }) : () -> ()
        %dma_start3A = arith.constant 0 : i32
        %dma_start3A_19 = tpu.memref_slice %arg7[%dma_start3A] : memref<1000xi32, #tpu.memory_space<vmem>> -> memref<40xi32, #tpu.memory_space<vmem>>
        %dma_start3A_20 = arith.constant 0 : i32
        %dma_start3A_21 = arith.constant 0 : i32
        %dma_start3A_22 = tpu.memref_slice %arg2[%dma_start3A_20, %dma_start3A_21] : memref<50176x128xf32, #tpu.memory_space<hbm>> -> memref<50176x128xf32, #tpu.memory_space<hbm>>
        tpu.enqueue_indirect_dma source(%dma_start3A_22 : memref<50176x128xf32, #tpu.memory_space<hbm>>) target(%arg8 : memref<40x128xf32, #tpu.memory_space<vmem>>) offsets(%dma_start3A_19 : memref<40xi32, #tpu.memory_space<vmem>>) semaphore(%arg12 : memref<!tpu.dma_semaphore, #tpu.memory_space<semaphore_mem>>)
        %scan3A_23 = arith.constant 0 : i32
        %scan3A_24 = arith.constant 25 : i32
        %scan3A_25 = arith.addi %scan3A_23, %scan3A_24 : i32
        %scan3A_26 = arith.constant 1 : i32
        scf.for %scan3A_39 = %scan3A_23 to %scan3A_25 step %scan3A_26  : i32 {
          %mul3A_40 = arith.constant 1 : i32
          %mul3A_41 = arith.muli %scan3A_39, %mul3A_40 : i32
          %add3A_42 = arith.constant 0 : i32
          %add3A_43 = arith.addi %add3A_42, %mul3A_41 : i32
          %mul3A_44 = arith.constant 40 : i32
          %mul3A_45 = arith.muli %add3A_43, %mul3A_44 : i32
          %add3A_46 = arith.addi %add3A_18, %mul3A_45 : i32
          %multiple_of3A = tpu.assume_multiple %add3A_46, 8 : i32
          %jit3A = arith.constant 2 : i32
          %eq3A_47 = arith.constant 0 : i32
          %eq3A_48 = arith.cmpi eq, %jit3A, %eq3A_47 : i32
          %jit3A_49 = arith.constant 1 : i32
          %select_n3A = arith.select %eq3A_48, %jit3A_49, %jit3A : i32
          %rem3A = arith.remsi %add3A_43, %select_n3A : i32
          %ne3A = arith.constant 0 : i32
          %ne3A_50 = arith.cmpi ne, %rem3A, %ne3A : i32
          %lt3A = arith.constant 0 : i32
          %lt3A_51 = arith.cmpi slt, %rem3A, %lt3A : i32
          %lt3A_52 = arith.constant 0 : i32
          %lt3A_53 = arith.cmpi slt, %select_n3A, %lt3A_52 : i32
          %ne3A_54 = arith.xori %lt3A_51, %lt3A_53 : i1
          %and3A = arith.andi %ne3A_54, %ne3A_50 : i1
          %add3A_55 = arith.addi %rem3A, %select_n3A : i32
          %select_n3A_56 = arith.select %and3A, %add3A_55, %rem3A : i32
          %eq3A_57 = arith.constant 0 : i32
          %eq3A_58 = arith.cmpi eq, %select_n3A_56, %eq3A_57 : i32
          %add3A_59 = arith.constant 1 : i32
          %add3A_60 = arith.addi %add3A_43, %add3A_59 : i32
          %lt3A_61 = arith.constant 25 : i32
          %lt3A_62 = arith.cmpi slt, %add3A_60, %lt3A_61 : i32
          %and3A_63 = arith.andi %lt3A_62, %eq3A_58 : i1
          %convert_element_type3A_64 = arith.extui %and3A_63 : i1 to i32
          %cond3A_65 = arith.constant 0 : i32
          %cond3A_66 = arith.cmpi ne, %convert_element_type3A_64, %cond3A_65 : i32
          scf.if %cond3A_66 {
            %add3A_84 = arith.constant 1 : i32
            %add3A_85 = arith.addi %add3A_43, %add3A_84 : i32
            %mul3A_86 = arith.constant 40 : i32
            %mul3A_87 = arith.muli %add3A_85, %mul3A_86 : i32
            %dma_start3A_88 = tpu.memref_slice %arg7[%mul3A_87] : memref<1000xi32, #tpu.memory_space<vmem>> -> memref<40xi32, #tpu.memory_space<vmem>>
            %dma_start3A_89 = arith.constant 0 : i32
            %dma_start3A_90 = arith.constant 0 : i32
            %dma_start3A_91 = tpu.memref_slice %arg2[%dma_start3A_89, %dma_start3A_90] : memref<50176x128xf32, #tpu.memory_space<hbm>> -> memref<50176x128xf32, #tpu.memory_space<hbm>>
            tpu.enqueue_indirect_dma source(%dma_start3A_91 : memref<50176x128xf32, #tpu.memory_space<hbm>>) target(%arg9 : memref<40x128xf32, #tpu.memory_space<vmem>>) offsets(%dma_start3A_88 : memref<40xi32, #tpu.memory_space<vmem>>) semaphore(%arg13 : memref<!tpu.dma_semaphore, #tpu.memory_space<semaphore_mem>>)
          } else {
          }
          %add3A_67 = arith.constant 1 : i32
          %add3A_68 = arith.addi %add3A_43, %add3A_67 : i32
          %lt3A_69 = arith.constant 25 : i32
          %lt3A_70 = arith.cmpi slt, %add3A_68, %lt3A_69 : i32
          %not3A = arith.constant true
          %not3A_71 = arith.xori %eq3A_58, %not3A : i1
          %and3A_72 = arith.andi %lt3A_70, %not3A_71 : i1
          %convert_element_type3A_73 = arith.extui %and3A_72 : i1 to i32
          %cond3A_74 = arith.constant 0 : i32
          %cond3A_75 = arith.cmpi ne, %convert_element_type3A_73, %cond3A_74 : i32
          scf.if %cond3A_75 {
            %add3A_84 = arith.constant 1 : i32
            %add3A_85 = arith.addi %add3A_43, %add3A_84 : i32
            %mul3A_86 = arith.constant 40 : i32
            %mul3A_87 = arith.muli %add3A_85, %mul3A_86 : i32
            %dma_start3A_88 = tpu.memref_slice %arg7[%mul3A_87] : memref<1000xi32, #tpu.memory_space<vmem>> -> memref<40xi32, #tpu.memory_space<vmem>>
            %dma_start3A_89 = arith.constant 0 : i32
            %dma_start3A_90 = arith.constant 0 : i32
            %dma_start3A_91 = tpu.memref_slice %arg2[%dma_start3A_89, %dma_start3A_90] : memref<50176x128xf32, #tpu.memory_space<hbm>> -> memref<50176x128xf32, #tpu.memory_space<hbm>>
            tpu.enqueue_indirect_dma source(%dma_start3A_91 : memref<50176x128xf32, #tpu.memory_space<hbm>>) target(%arg8 : memref<40x128xf32, #tpu.memory_space<vmem>>) offsets(%dma_start3A_88 : memref<40xi32, #tpu.memory_space<vmem>>) semaphore(%arg12 : memref<!tpu.dma_semaphore, #tpu.memory_space<semaphore_mem>>)
          } else {
          }
          %convert_element_type3A_76 = arith.extui %eq3A_58 : i1 to i32
          %cond3A_77 = arith.constant 0 : i32
          %cond3A_78 = arith.cmpi ne, %convert_element_type3A_76, %cond3A_77 : i32
          scf.if %cond3A_78 {
            %dma_wait3A_84 = arith.constant 0 : i32
            %dma_wait3A_85 = tpu.memref_slice %arg7[%dma_wait3A_84] : memref<1000xi32, #tpu.memory_space<vmem>> -> memref<40xi32, #tpu.memory_space<vmem>>
            %dma_wait3A_86 = arith.constant 0 : i32
            %dma_wait3A_87 = arith.constant 0 : i32
            %dma_wait3A_88 = tpu.memref_slice %arg2[%dma_wait3A_86, %dma_wait3A_87] : memref<50176x128xf32, #tpu.memory_space<hbm>> -> memref<50176x128xf32, #tpu.memory_space<hbm>>
            tpu.wait_indirect_dma semaphore(%arg12 : memref<!tpu.dma_semaphore, #tpu.memory_space<semaphore_mem>>) src(%dma_wait3A_88 : memref<50176x128xf32, #tpu.memory_space<hbm>>) dst(%arg8 : memref<40x128xf32, #tpu.memory_space<vmem>>)
            %ge3A = arith.constant 2 : i32
            %ge3A_89 = arith.cmpi sge, %add3A_43, %ge3A : i32
            %convert_element_type3A_90 = arith.extui %ge3A_89 : i1 to i32
            %cond3A_91 = arith.constant 0 : i32
            %cond3A_92 = arith.cmpi ne, %convert_element_type3A_90, %cond3A_91 : i32
            scf.if %cond3A_92 {
              %dma_wait3A_102 = arith.constant 0 : i32
              %dma_wait3A_103 = arith.constant 0 : i32
              %dma_wait3A_104 = tpu.memref_slice %arg5[%dma_wait3A_102, %dma_wait3A_103] : memref<800000x64xf32, #tpu.memory_space<hbm>> -> memref<40x64xf32, #tpu.memory_space<hbm>>
              %dma_wait3A_105 = arith.constant 0 : i32
              %dma_wait3A_106 = arith.constant 0 : i32
              %dma_wait3A_107 = tpu.memref_slice %arg5[%dma_wait3A_105, %dma_wait3A_106] : memref<800000x64xf32, #tpu.memory_space<hbm>> -> memref<40x64xf32, #tpu.memory_space<hbm>>
              tpu.wait_dma2 semaphore(%arg14 : memref<!tpu.dma_semaphore, #tpu.memory_space<semaphore_mem>>) src(%arg10 : memref<40x64xf32, #tpu.memory_space<vmem>>) dst(%dma_wait3A_107 : memref<40x64xf32, #tpu.memory_space<hbm>>)
            } else {
            }
            %scan3A_93 = arith.constant 0 : i32
            %scan3A_94 = arith.constant 40 : i32
            %scan3A_95 = arith.addi %scan3A_93, %scan3A_94 : i32
            %scan3A_96 = arith.constant 1 : i32
            scf.for %scan3A_102 = %scan3A_93 to %scan3A_95 step %scan3A_96  : i32 {
              %mul3A_103 = arith.constant 1 : i32
              %mul3A_104 = arith.muli %scan3A_102, %mul3A_103 : i32
              %add3A_105 = arith.constant 0 : i32
              %add3A_106 = arith.addi %add3A_105, %mul3A_104 : i32
              %get3A = arith.index_cast %add3A_106 : i32 to index
              %get3A_107 = arith.constant 0 : index
              %get3A_108 = tpu.vector_load %arg8[%get3A, %get3A_107] {strides = array<i32>} : memref<40x128xf32, #tpu.memory_space<vmem>>, vector<1x16xf32>,
              %get3A_109 = vector.shape_cast %get3A_108 : vector<1x16xf32> to vector<16xf32>
              %swap3A = arith.index_cast %add3A_106 : i32 to index
              %swap3A_110 = arith.constant 0 : index
              %swap3A_111 = tpu.vector_load %arg10[%swap3A, %swap3A_110] {strides = array<i32>} : memref<40x64xf32, #tpu.memory_space<vmem>>, vector<1x16xf32>,
              %swap3A_112 = vector.shape_cast %swap3A_111 : vector<1x16xf32> to vector<16xf32>
              %swap3A_113 = vector.shape_cast %get3A_109 : vector<16xf32> to vector<1x16xf32>
              tpu.vector_store %arg10[%swap3A, %swap3A_110], %swap3A_113 {strides = array<i32>} : memref<40x64xf32, #tpu.memory_space<vmem>>, vector<1x16xf32>,
              %get3A_114 = arith.index_cast %add3A_106 : i32 to index
              %get3A_115 = arith.constant 16 : index
              %get3A_116 = tpu.vector_load %arg8[%get3A_114, %get3A_115] {strides = array<i32>} : memref<40x128xf32, #tpu.memory_space<vmem>>, vector<1x16xf32>,
              %get3A_117 = vector.shape_cast %get3A_116 : vector<1x16xf32> to vector<16xf32>
              %swap3A_118 = arith.index_cast %add3A_106 : i32 to index
              %swap3A_119 = arith.constant 16 : index
              %swap3A_120 = tpu.vector_load %arg10[%swap3A_118, %swap3A_119] {strides = array<i32>} : memref<40x64xf32, #tpu.memory_space<vmem>>, vector<1x16xf32>,
              %swap3A_121 = vector.shape_cast %swap3A_120 : vector<1x16xf32> to vector<16xf32>
              %swap3A_122 = vector.shape_cast %get3A_117 : vector<16xf32> to vector<1x16xf32>
              tpu.vector_store %arg10[%swap3A_118, %swap3A_119], %swap3A_122 {strides = array<i32>} : memref<40x64xf32, #tpu.memory_space<vmem>>, vector<1x16xf32>,
              %get3A_123 = arith.index_cast %add3A_106 : i32 to index
              %get3A_124 = arith.constant 32 : index
              %get3A_125 = tpu.vector_load %arg8[%get3A_123, %get3A_124] {strides = array<i32>} : memref<40x128xf32, #tpu.memory_space<vmem>>, vector<1x16xf32>,
              %get3A_126 = vector.shape_cast %get3A_125 : vector<1x16xf32> to vector<16xf32>
              %swap3A_127 = arith.index_cast %add3A_106 : i32 to index
              %swap3A_128 = arith.constant 32 : index
              %swap3A_129 = tpu.vector_load %arg10[%swap3A_127, %swap3A_128] {strides = array<i32>} : memref<40x64xf32, #tpu.memory_space<vmem>>, vector<1x16xf32>,
              %swap3A_130 = vector.shape_cast %swap3A_129 : vector<1x16xf32> to vector<16xf32>
              %swap3A_131 = vector.shape_cast %get3A_126 : vector<16xf32> to vector<1x16xf32>
              tpu.vector_store %arg10[%swap3A_127, %swap3A_128], %swap3A_131 {strides = array<i32>} : memref<40x64xf32, #tpu.memory_space<vmem>>, vector<1x16xf32>,
              %get3A_132 = arith.index_cast %add3A_106 : i32 to index
              %get3A_133 = arith.constant 48 : index
              %get3A_134 = tpu.vector_load %arg8[%get3A_132, %get3A_133] {strides = array<i32>} : memref<40x128xf32, #tpu.memory_space<vmem>>, vector<1x16xf32>,
              %get3A_135 = vector.shape_cast %get3A_134 : vector<1x16xf32> to vector<16xf32>
              %swap3A_136 = arith.index_cast %add3A_106 : i32 to index
              %swap3A_137 = arith.constant 48 : index
              %swap3A_138 = tpu.vector_load %arg10[%swap3A_136, %swap3A_137] {strides = array<i32>} : memref<40x64xf32, #tpu.memory_space<vmem>>, vector<1x16xf32>,
              %swap3A_139 = vector.shape_cast %swap3A_138 : vector<1x16xf32> to vector<16xf32>
              %swap3A_140 = vector.shape_cast %get3A_135 : vector<16xf32> to vector<1x16xf32>
              tpu.vector_store %arg10[%swap3A_136, %swap3A_137], %swap3A_140 {strides = array<i32>} : memref<40x64xf32, #tpu.memory_space<vmem>>, vector<1x16xf32>,
            }
            %scan3A_97 = arith.constant 40 : i32
            %dma_start3A_98 = arith.constant 0 : i32
            %dma_start3A_99 = tpu.memref_slice %arg5[%multiple_of3A, %dma_start3A_98] : memref<800000x64xf32, #tpu.memory_space<hbm>> -> memref<40x64xf32, #tpu.memory_space<hbm>>
            %dma_start3A_100 = arith.constant 0 : i32
            %dma_start3A_101 = tpu.memref_slice %arg5[%multiple_of3A, %dma_start3A_100] : memref<800000x64xf32, #tpu.memory_space<hbm>> -> memref<40x64xf32, #tpu.memory_space<hbm>>
            tpu.enqueue_dma source(%arg10 : memref<40x64xf32, #tpu.memory_space<vmem>>) target(%dma_start3A_101 : memref<40x64xf32, #tpu.memory_space<hbm>>) target_semaphore(%arg14 : memref<!tpu.dma_semaphore, #tpu.memory_space<semaphore_mem>>)
          } else {
          }
          %not3A_79 = arith.constant true
          %not3A_80 = arith.xori %eq3A_58, %not3A_79 : i1
          %convert_element_type3A_81 = arith.extui %not3A_80 : i1 to i32
          %cond3A_82 = arith.constant 0 : i32
          %cond3A_83 = arith.cmpi ne, %convert_element_type3A_81, %cond3A_82 : i32
          scf.if %cond3A_83 {
            %dma_wait3A_84 = arith.constant 0 : i32
            %dma_wait3A_85 = tpu.memref_slice %arg7[%dma_wait3A_84] : memref<1000xi32, #tpu.memory_space<vmem>> -> memref<40xi32, #tpu.memory_space<vmem>>
            %dma_wait3A_86 = arith.constant 0 : i32
            %dma_wait3A_87 = arith.constant 0 : i32
            %dma_wait3A_88 = tpu.memref_slice %arg2[%dma_wait3A_86, %dma_wait3A_87] : memref<50176x128xf32, #tpu.memory_space<hbm>> -> memref<50176x128xf32, #tpu.memory_space<hbm>>
            tpu.wait_indirect_dma semaphore(%arg13 : memref<!tpu.dma_semaphore, #tpu.memory_space<semaphore_mem>>) src(%dma_wait3A_88 : memref<50176x128xf32, #tpu.memory_space<hbm>>) dst(%arg9 : memref<40x128xf32, #tpu.memory_space<vmem>>)
            %ge3A = arith.constant 2 : i32
            %ge3A_89 = arith.cmpi sge, %add3A_43, %ge3A : i32
            %convert_element_type3A_90 = arith.extui %ge3A_89 : i1 to i32
            %cond3A_91 = arith.constant 0 : i32
            %cond3A_92 = arith.cmpi ne, %convert_element_type3A_90, %cond3A_91 : i32
            scf.if %cond3A_92 {
              %dma_wait3A_102 = arith.constant 0 : i32
              %dma_wait3A_103 = arith.constant 0 : i32
              %dma_wait3A_104 = tpu.memref_slice %arg5[%dma_wait3A_102, %dma_wait3A_103] : memref<800000x64xf32, #tpu.memory_space<hbm>> -> memref<40x64xf32, #tpu.memory_space<hbm>>
              %dma_wait3A_105 = arith.constant 0 : i32
              %dma_wait3A_106 = arith.constant 0 : i32
              %dma_wait3A_107 = tpu.memref_slice %arg5[%dma_wait3A_105, %dma_wait3A_106] : memref<800000x64xf32, #tpu.memory_space<hbm>> -> memref<40x64xf32, #tpu.memory_space<hbm>>
              tpu.wait_dma2 semaphore(%arg15 : memref<!tpu.dma_semaphore, #tpu.memory_space<semaphore_mem>>) src(%arg11 : memref<40x64xf32, #tpu.memory_space<vmem>>) dst(%dma_wait3A_107 : memref<40x64xf32, #tpu.memory_space<hbm>>)
            } else {
            }
            %scan3A_93 = arith.constant 0 : i32
            %scan3A_94 = arith.constant 40 : i32
            %scan3A_95 = arith.addi %scan3A_93, %scan3A_94 : i32
            %scan3A_96 = arith.constant 1 : i32
            scf.for %scan3A_102 = %scan3A_93 to %scan3A_95 step %scan3A_96  : i32 {
              %mul3A_103 = arith.constant 1 : i32
              %mul3A_104 = arith.muli %scan3A_102, %mul3A_103 : i32
              %add3A_105 = arith.constant 0 : i32
              %add3A_106 = arith.addi %add3A_105, %mul3A_104 : i32
              %get3A = arith.index_cast %add3A_106 : i32 to index
              %get3A_107 = arith.constant 0 : index
              %get3A_108 = tpu.vector_load %arg9[%get3A, %get3A_107] {strides = array<i32>} : memref<40x128xf32, #tpu.memory_space<vmem>>, vector<1x16xf32>,
              %get3A_109 = vector.shape_cast %get3A_108 : vector<1x16xf32> to vector<16xf32>
              %swap3A = arith.index_cast %add3A_106 : i32 to index
              %swap3A_110 = arith.constant 0 : index
              %swap3A_111 = tpu.vector_load %arg11[%swap3A, %swap3A_110] {strides = array<i32>} : memref<40x64xf32, #tpu.memory_space<vmem>>, vector<1x16xf32>,
              %swap3A_112 = vector.shape_cast %swap3A_111 : vector<1x16xf32> to vector<16xf32>
              %swap3A_113 = vector.shape_cast %get3A_109 : vector<16xf32> to vector<1x16xf32>
              tpu.vector_store %arg11[%swap3A, %swap3A_110], %swap3A_113 {strides = array<i32>} : memref<40x64xf32, #tpu.memory_space<vmem>>, vector<1x16xf32>,
              %get3A_114 = arith.index_cast %add3A_106 : i32 to index
              %get3A_115 = arith.constant 16 : index
              %get3A_116 = tpu.vector_load %arg9[%get3A_114, %get3A_115] {strides = array<i32>} : memref<40x128xf32, #tpu.memory_space<vmem>>, vector<1x16xf32>,
              %get3A_117 = vector.shape_cast %get3A_116 : vector<1x16xf32> to vector<16xf32>
              %swap3A_118 = arith.index_cast %add3A_106 : i32 to index
              %swap3A_119 = arith.constant 16 : index
              %swap3A_120 = tpu.vector_load %arg11[%swap3A_118, %swap3A_119] {strides = array<i32>} : memref<40x64xf32, #tpu.memory_space<vmem>>, vector<1x16xf32>,
              %swap3A_121 = vector.shape_cast %swap3A_120 : vector<1x16xf32> to vector<16xf32>
              %swap3A_122 = vector.shape_cast %get3A_117 : vector<16xf32> to vector<1x16xf32>
              tpu.vector_store %arg11[%swap3A_118, %swap3A_119], %swap3A_122 {strides = array<i32>} : memref<40x64xf32, #tpu.memory_space<vmem>>, vector<1x16xf32>,
              %get3A_123 = arith.index_cast %add3A_106 : i32 to index
              %get3A_124 = arith.constant 32 : index
              %get3A_125 = tpu.vector_load %arg9[%get3A_123, %get3A_124] {strides = array<i32>} : memref<40x128xf32, #tpu.memory_space<vmem>>, vector<1x16xf32>,
              %get3A_126 = vector.shape_cast %get3A_125 : vector<1x16xf32> to vector<16xf32>
              %swap3A_127 = arith.index_cast %add3A_106 : i32 to index
              %swap3A_128 = arith.constant 32 : index
              %swap3A_129 = tpu.vector_load %arg11[%swap3A_127, %swap3A_128] {strides = array<i32>} : memref<40x64xf32, #tpu.memory_space<vmem>>, vector<1x16xf32>,
              %swap3A_130 = vector.shape_cast %swap3A_129 : vector<1x16xf32> to vector<16xf32>
              %swap3A_131 = vector.shape_cast %get3A_126 : vector<16xf32> to vector<1x16xf32>
              tpu.vector_store %arg11[%swap3A_127, %swap3A_128], %swap3A_131 {strides = array<i32>} : memref<40x64xf32, #tpu.memory_space<vmem>>, vector<1x16xf32>,
              %get3A_132 = arith.index_cast %add3A_106 : i32 to index
              %get3A_133 = arith.constant 48 : index
              %get3A_134 = tpu.vector_load %arg9[%get3A_132, %get3A_133] {strides = array<i32>} : memref<40x128xf32, #tpu.memory_space<vmem>>, vector<1x16xf32>,
              %get3A_135 = vector.shape_cast %get3A_134 : vector<1x16xf32> to vector<16xf32>
              %swap3A_136 = arith.index_cast %add3A_106 : i32 to index
              %swap3A_137 = arith.constant 48 : index
              %swap3A_138 = tpu.vector_load %arg11[%swap3A_136, %swap3A_137] {strides = array<i32>} : memref<40x64xf32, #tpu.memory_space<vmem>>, vector<1x16xf32>,
              %swap3A_139 = vector.shape_cast %swap3A_138 : vector<1x16xf32> to vector<16xf32>
              %swap3A_140 = vector.shape_cast %get3A_135 : vector<16xf32> to vector<1x16xf32>
              tpu.vector_store %arg11[%swap3A_136, %swap3A_137], %swap3A_140 {strides = array<i32>} : memref<40x64xf32, #tpu.memory_space<vmem>>, vector<1x16xf32>,
            }
            %scan3A_97 = arith.constant 40 : i32
            %dma_start3A_98 = arith.constant 0 : i32
            %dma_start3A_99 = tpu.memref_slice %arg5[%multiple_of3A, %dma_start3A_98] : memref<800000x64xf32, #tpu.memory_space<hbm>> -> memref<40x64xf32, #tpu.memory_space<hbm>>
            %dma_start3A_100 = arith.constant 0 : i32
            %dma_start3A_101 = tpu.memref_slice %arg5[%multiple_of3A, %dma_start3A_100] : memref<800000x64xf32, #tpu.memory_space<hbm>> -> memref<40x64xf32, #tpu.memory_space<hbm>>
            tpu.enqueue_dma source(%arg11 : memref<40x64xf32, #tpu.memory_space<vmem>>) target(%dma_start3A_101 : memref<40x64xf32, #tpu.memory_space<hbm>>) target_semaphore(%arg15 : memref<!tpu.dma_semaphore, #tpu.memory_space<semaphore_mem>>)
          } else {
          }
        }
        %scan3A_27 = arith.constant 25 : i32
        %dma_wait3A = arith.constant 0 : i32
        %dma_wait3A_28 = arith.constant 0 : i32
        %dma_wait3A_29 = tpu.memref_slice %arg5[%dma_wait3A, %dma_wait3A_28] : memref<800000x64xf32, #tpu.memory_space<hbm>> -> memref<40x64xf32, #tpu.memory_space<hbm>>
        %dma_wait3A_30 = arith.constant 0 : i32
        %dma_wait3A_31 = arith.constant 0 : i32
        %dma_wait3A_32 = tpu.memref_slice %arg5[%dma_wait3A_30, %dma_wait3A_31] : memref<800000x64xf32, #tpu.memory_space<hbm>> -> memref<40x64xf32, #tpu.memory_space<hbm>>
        tpu.wait_dma2 semaphore(%arg15 : memref<!tpu.dma_semaphore, #tpu.memory_space<semaphore_mem>>) src(%arg11 : memref<40x64xf32, #tpu.memory_space<vmem>>) dst(%dma_wait3A_32 : memref<40x64xf32, #tpu.memory_space<hbm>>)
        %dma_wait3A_33 = arith.constant 0 : i32
        %dma_wait3A_34 = arith.constant 0 : i32
        %dma_wait3A_35 = tpu.memref_slice %arg5[%dma_wait3A_33, %dma_wait3A_34] : memref<800000x64xf32, #tpu.memory_space<hbm>> -> memref<40x64xf32, #tpu.memory_space<hbm>>
        %dma_wait3A_36 = arith.constant 0 : i32
        %dma_wait3A_37 = arith.constant 0 : i32
        %dma_wait3A_38 = tpu.memref_slice %arg5[%dma_wait3A_36, %dma_wait3A_37] : memref<800000x64xf32, #tpu.memory_space<hbm>> -> memref<40x64xf32, #tpu.memory_space<hbm>>
        tpu.wait_dma2 semaphore(%arg14 : memref<!tpu.dma_semaphore, #tpu.memory_space<semaphore_mem>>) src(%arg10 : memref<40x64xf32, #tpu.memory_space<vmem>>) dst(%dma_wait3A_38 : memref<40x64xf32, #tpu.memory_space<hbm>>)
      }
      %scan3A_11 = arith.constant 50 : i32
    } else {
    }
    %eq3A_3 = arith.constant 1 : i32
    %eq3A_4 = arith.cmpi eq, %arg0, %eq3A_3 : i32
    %convert_element_type3A_5 = arith.extui %eq3A_4 : i1 to i32
    %cond3A_6 = arith.constant 0 : i32
    %cond3A_7 = arith.cmpi ne, %convert_element_type3A_5, %cond3A_6 : i32
    scf.if %cond3A_7 {
      %scan3A = arith.constant 0 : i32
      %scan3A_8 = arith.constant 50 : i32
      %scan3A_9 = arith.addi %scan3A, %scan3A_8 : i32
      %scan3A_10 = arith.constant 1 : i32
      scf.for %scan3A_12 = %scan3A to %scan3A_9 step %scan3A_10  : i32 {
        %mul3A_13 = arith.constant 1 : i32
        %mul3A_14 = arith.muli %scan3A_12, %mul3A_13 : i32
        %add3A = arith.constant 0 : i32
        %add3A_15 = arith.addi %add3A, %mul3A_14 : i32
        %mul3A_16 = arith.constant 1000 : i32
        %mul3A_17 = arith.muli %add3A_15, %mul3A_16 : i32
        %add3A_18 = arith.addi %mul3A_0, %mul3A_17 : i32
        "tpu.region"() ({
          %run_scoped3A = tpu.sem_alloc : memref<!tpu.dma_semaphore, #tpu.memory_space<semaphore_mem>>
          %dma_start3A_39 = tpu.memref_slice %arg4[%add3A_18] : memref<800000xi32, #tpu.memory_space<hbm>> -> memref<1000xi32, #tpu.memory_space<hbm>>
          %dma_start3A_40 = tpu.memref_slice %arg4[%add3A_18] : memref<800000xi32, #tpu.memory_space<hbm>> -> memref<1000xi32, #tpu.memory_space<hbm>>
          tpu.enqueue_dma source(%dma_start3A_40 : memref<1000xi32, #tpu.memory_space<hbm>>) target(%arg7 : memref<1000xi32, #tpu.memory_space<vmem>>) target_semaphore(%run_scoped3A : memref<!tpu.dma_semaphore, #tpu.memory_space<semaphore_mem>>)
          %dma_wait3A_41 = tpu.memref_slice %arg4[%add3A_18] : memref<800000xi32, #tpu.memory_space<hbm>> -> memref<1000xi32, #tpu.memory_space<hbm>>
          %dma_wait3A_42 = tpu.memref_slice %arg4[%add3A_18] : memref<800000xi32, #tpu.memory_space<hbm>> -> memref<1000xi32, #tpu.memory_space<hbm>>
          tpu.wait_dma2 semaphore(%run_scoped3A : memref<!tpu.dma_semaphore, #tpu.memory_space<semaphore_mem>>) src(%dma_wait3A_42 : memref<1000xi32, #tpu.memory_space<hbm>>) dst(%arg7 : memref<1000xi32, #tpu.memory_space<vmem>>)
          tpu.yield
        }) : () -> ()
        %dma_start3A = arith.constant 0 : i32
        %dma_start3A_19 = tpu.memref_slice %arg7[%dma_start3A] : memref<1000xi32, #tpu.memory_space<vmem>> -> memref<40xi32, #tpu.memory_space<vmem>>
        %dma_start3A_20 = arith.constant 0 : i32
        %dma_start3A_21 = arith.constant 0 : i32
        %dma_start3A_22 = tpu.memref_slice %arg2[%dma_start3A_20, %dma_start3A_21] : memref<50176x128xf32, #tpu.memory_space<hbm>> -> memref<50176x128xf32, #tpu.memory_space<hbm>>
        tpu.enqueue_indirect_dma source(%dma_start3A_22 : memref<50176x128xf32, #tpu.memory_space<hbm>>) target(%arg8 : memref<40x128xf32, #tpu.memory_space<vmem>>) offsets(%dma_start3A_19 : memref<40xi32, #tpu.memory_space<vmem>>) semaphore(%arg12 : memref<!tpu.dma_semaphore, #tpu.memory_space<semaphore_mem>>)
        %scan3A_23 = arith.constant 0 : i32
        %scan3A_24 = arith.constant 25 : i32
        %scan3A_25 = arith.addi %scan3A_23, %scan3A_24 : i32
        %scan3A_26 = arith.constant 1 : i32
        scf.for %scan3A_39 = %scan3A_23 to %scan3A_25 step %scan3A_26  : i32 {
          %mul3A_40 = arith.constant 1 : i32
          %mul3A_41 = arith.muli %scan3A_39, %mul3A_40 : i32
          %add3A_42 = arith.constant 0 : i32
          %add3A_43 = arith.addi %add3A_42, %mul3A_41 : i32
          %mul3A_44 = arith.constant 40 : i32
          %mul3A_45 = arith.muli %add3A_43, %mul3A_44 : i32
          %add3A_46 = arith.addi %add3A_18, %mul3A_45 : i32
          %multiple_of3A = tpu.assume_multiple %add3A_46, 8 : i32
          %jit3A = arith.constant 2 : i32
          %eq3A_47 = arith.constant 0 : i32
          %eq3A_48 = arith.cmpi eq, %jit3A, %eq3A_47 : i32
          %jit3A_49 = arith.constant 1 : i32
          %select_n3A = arith.select %eq3A_48, %jit3A_49, %jit3A : i32
          %rem3A = arith.remsi %add3A_43, %select_n3A : i32
          %ne3A = arith.constant 0 : i32
          %ne3A_50 = arith.cmpi ne, %rem3A, %ne3A : i32
          %lt3A = arith.constant 0 : i32
          %lt3A_51 = arith.cmpi slt, %rem3A, %lt3A : i32
          %lt3A_52 = arith.constant 0 : i32
          %lt3A_53 = arith.cmpi slt, %select_n3A, %lt3A_52 : i32
          %ne3A_54 = arith.xori %lt3A_51, %lt3A_53 : i1
          %and3A = arith.andi %ne3A_54, %ne3A_50 : i1
          %add3A_55 = arith.addi %rem3A, %select_n3A : i32
          %select_n3A_56 = arith.select %and3A, %add3A_55, %rem3A : i32
          %eq3A_57 = arith.constant 0 : i32
          %eq3A_58 = arith.cmpi eq, %select_n3A_56, %eq3A_57 : i32
          %add3A_59 = arith.constant 1 : i32
          %add3A_60 = arith.addi %add3A_43, %add3A_59 : i32
          %lt3A_61 = arith.constant 25 : i32
          %lt3A_62 = arith.cmpi slt, %add3A_60, %lt3A_61 : i32
          %and3A_63 = arith.andi %lt3A_62, %eq3A_58 : i1
          %convert_element_type3A_64 = arith.extui %and3A_63 : i1 to i32
          %cond3A_65 = arith.constant 0 : i32
          %cond3A_66 = arith.cmpi ne, %convert_element_type3A_64, %cond3A_65 : i32
          scf.if %cond3A_66 {
            %add3A_84 = arith.constant 1 : i32
            %add3A_85 = arith.addi %add3A_43, %add3A_84 : i32
            %mul3A_86 = arith.constant 40 : i32
            %mul3A_87 = arith.muli %add3A_85, %mul3A_86 : i32
            %dma_start3A_88 = tpu.memref_slice %arg7[%mul3A_87] : memref<1000xi32, #tpu.memory_space<vmem>> -> memref<40xi32, #tpu.memory_space<vmem>>
            %dma_start3A_89 = arith.constant 0 : i32
            %dma_start3A_90 = arith.constant 0 : i32
            %dma_start3A_91 = tpu.memref_slice %arg2[%dma_start3A_89, %dma_start3A_90] : memref<50176x128xf32, #tpu.memory_space<hbm>> -> memref<50176x128xf32, #tpu.memory_space<hbm>>
            tpu.enqueue_indirect_dma source(%dma_start3A_91 : memref<50176x128xf32, #tpu.memory_space<hbm>>) target(%arg9 : memref<40x128xf32, #tpu.memory_space<vmem>>) offsets(%dma_start3A_88 : memref<40xi32, #tpu.memory_space<vmem>>) semaphore(%arg13 : memref<!tpu.dma_semaphore, #tpu.memory_space<semaphore_mem>>)
          } else {
          }
          %add3A_67 = arith.constant 1 : i32
          %add3A_68 = arith.addi %add3A_43, %add3A_67 : i32
          %lt3A_69 = arith.constant 25 : i32
          %lt3A_70 = arith.cmpi slt, %add3A_68, %lt3A_69 : i32
          %not3A = arith.constant true
          %not3A_71 = arith.xori %eq3A_58, %not3A : i1
          %and3A_72 = arith.andi %lt3A_70, %not3A_71 : i1
          %convert_element_type3A_73 = arith.extui %and3A_72 : i1 to i32
          %cond3A_74 = arith.constant 0 : i32
          %cond3A_75 = arith.cmpi ne, %convert_element_type3A_73, %cond3A_74 : i32
          scf.if %cond3A_75 {
            %add3A_84 = arith.constant 1 : i32
            %add3A_85 = arith.addi %add3A_43, %add3A_84 : i32
            %mul3A_86 = arith.constant 40 : i32
            %mul3A_87 = arith.muli %add3A_85, %mul3A_86 : i32
            %dma_start3A_88 = tpu.memref_slice %arg7[%mul3A_87] : memref<1000xi32, #tpu.memory_space<vmem>> -> memref<40xi32, #tpu.memory_space<vmem>>
            %dma_start3A_89 = arith.constant 0 : i32
            %dma_start3A_90 = arith.constant 0 : i32
            %dma_start3A_91 = tpu.memref_slice %arg2[%dma_start3A_89, %dma_start3A_90] : memref<50176x128xf32, #tpu.memory_space<hbm>> -> memref<50176x128xf32, #tpu.memory_space<hbm>>
            tpu.enqueue_indirect_dma source(%dma_start3A_91 : memref<50176x128xf32, #tpu.memory_space<hbm>>) target(%arg8 : memref<40x128xf32, #tpu.memory_space<vmem>>) offsets(%dma_start3A_88 : memref<40xi32, #tpu.memory_space<vmem>>) semaphore(%arg12 : memref<!tpu.dma_semaphore, #tpu.memory_space<semaphore_mem>>)
          } else {
          }
          %convert_element_type3A_76 = arith.extui %eq3A_58 : i1 to i32
          %cond3A_77 = arith.constant 0 : i32
          %cond3A_78 = arith.cmpi ne, %convert_element_type3A_76, %cond3A_77 : i32
          scf.if %cond3A_78 {
            %dma_wait3A_84 = arith.constant 0 : i32
            %dma_wait3A_85 = tpu.memref_slice %arg7[%dma_wait3A_84] : memref<1000xi32, #tpu.memory_space<vmem>> -> memref<40xi32, #tpu.memory_space<vmem>>
            %dma_wait3A_86 = arith.constant 0 : i32
            %dma_wait3A_87 = arith.constant 0 : i32
            %dma_wait3A_88 = tpu.memref_slice %arg2[%dma_wait3A_86, %dma_wait3A_87] : memref<50176x128xf32, #tpu.memory_space<hbm>> -> memref<50176x128xf32, #tpu.memory_space<hbm>>
            tpu.wait_indirect_dma semaphore(%arg12 : memref<!tpu.dma_semaphore, #tpu.memory_space<semaphore_mem>>) src(%dma_wait3A_88 : memref<50176x128xf32, #tpu.memory_space<hbm>>) dst(%arg8 : memref<40x128xf32, #tpu.memory_space<vmem>>)
            %ge3A = arith.constant 2 : i32
            %ge3A_89 = arith.cmpi sge, %add3A_43, %ge3A : i32
            %convert_element_type3A_90 = arith.extui %ge3A_89 : i1 to i32
            %cond3A_91 = arith.constant 0 : i32
            %cond3A_92 = arith.cmpi ne, %convert_element_type3A_90, %cond3A_91 : i32
            scf.if %cond3A_92 {
              %dma_wait3A_102 = arith.constant 0 : i32
              %dma_wait3A_103 = arith.constant 0 : i32
              %dma_wait3A_104 = tpu.memref_slice %arg6[%dma_wait3A_102, %dma_wait3A_103] : memref<800000x64xf32, #tpu.memory_space<hbm>> -> memref<40x64xf32, #tpu.memory_space<hbm>>
              %dma_wait3A_105 = arith.constant 0 : i32
              %dma_wait3A_106 = arith.constant 0 : i32
              %dma_wait3A_107 = tpu.memref_slice %arg6[%dma_wait3A_105, %dma_wait3A_106] : memref<800000x64xf32, #tpu.memory_space<hbm>> -> memref<40x64xf32, #tpu.memory_space<hbm>>
              tpu.wait_dma2 semaphore(%arg14 : memref<!tpu.dma_semaphore, #tpu.memory_space<semaphore_mem>>) src(%arg10 : memref<40x64xf32, #tpu.memory_space<vmem>>) dst(%dma_wait3A_107 : memref<40x64xf32, #tpu.memory_space<hbm>>)
            } else {
            }
            %scan3A_93 = arith.constant 0 : i32
            %scan3A_94 = arith.constant 40 : i32
            %scan3A_95 = arith.addi %scan3A_93, %scan3A_94 : i32
            %scan3A_96 = arith.constant 1 : i32
            scf.for %scan3A_102 = %scan3A_93 to %scan3A_95 step %scan3A_96  : i32 {
              %mul3A_103 = arith.constant 1 : i32
              %mul3A_104 = arith.muli %scan3A_102, %mul3A_103 : i32
              %add3A_105 = arith.constant 0 : i32
              %add3A_106 = arith.addi %add3A_105, %mul3A_104 : i32
              %get3A = arith.index_cast %add3A_106 : i32 to index
              %get3A_107 = arith.constant 0 : index
              %get3A_108 = tpu.vector_load %arg8[%get3A, %get3A_107] {strides = array<i32>} : memref<40x128xf32, #tpu.memory_space<vmem>>, vector<1x16xf32>,
              %get3A_109 = vector.shape_cast %get3A_108 : vector<1x16xf32> to vector<16xf32>
              %swap3A = arith.index_cast %add3A_106 : i32 to index
              %swap3A_110 = arith.constant 0 : index
              %swap3A_111 = tpu.vector_load %arg10[%swap3A, %swap3A_110] {strides = array<i32>} : memref<40x64xf32, #tpu.memory_space<vmem>>, vector<1x16xf32>,
              %swap3A_112 = vector.shape_cast %swap3A_111 : vector<1x16xf32> to vector<16xf32>
              %swap3A_113 = vector.shape_cast %get3A_109 : vector<16xf32> to vector<1x16xf32>
              tpu.vector_store %arg10[%swap3A, %swap3A_110], %swap3A_113 {strides = array<i32>} : memref<40x64xf32, #tpu.memory_space<vmem>>, vector<1x16xf32>,
              %get3A_114 = arith.index_cast %add3A_106 : i32 to index
              %get3A_115 = arith.constant 16 : index
              %get3A_116 = tpu.vector_load %arg8[%get3A_114, %get3A_115] {strides = array<i32>} : memref<40x128xf32, #tpu.memory_space<vmem>>, vector<1x16xf32>,
              %get3A_117 = vector.shape_cast %get3A_116 : vector<1x16xf32> to vector<16xf32>
              %swap3A_118 = arith.index_cast %add3A_106 : i32 to index
              %swap3A_119 = arith.constant 16 : index
              %swap3A_120 = tpu.vector_load %arg10[%swap3A_118, %swap3A_119] {strides = array<i32>} : memref<40x64xf32, #tpu.memory_space<vmem>>, vector<1x16xf32>,
              %swap3A_121 = vector.shape_cast %swap3A_120 : vector<1x16xf32> to vector<16xf32>
              %swap3A_122 = vector.shape_cast %get3A_117 : vector<16xf32> to vector<1x16xf32>
              tpu.vector_store %arg10[%swap3A_118, %swap3A_119], %swap3A_122 {strides = array<i32>} : memref<40x64xf32, #tpu.memory_space<vmem>>, vector<1x16xf32>,
              %get3A_123 = arith.index_cast %add3A_106 : i32 to index
              %get3A_124 = arith.constant 32 : index
              %get3A_125 = tpu.vector_load %arg8[%get3A_123, %get3A_124] {strides = array<i32>} : memref<40x128xf32, #tpu.memory_space<vmem>>, vector<1x16xf32>,
              %get3A_126 = vector.shape_cast %get3A_125 : vector<1x16xf32> to vector<16xf32>
              %swap3A_127 = arith.index_cast %add3A_106 : i32 to index
              %swap3A_128 = arith.constant 32 : index
              %swap3A_129 = tpu.vector_load %arg10[%swap3A_127, %swap3A_128] {strides = array<i32>} : memref<40x64xf32, #tpu.memory_space<vmem>>, vector<1x16xf32>,
              %swap3A_130 = vector.shape_cast %swap3A_129 : vector<1x16xf32> to vector<16xf32>
              %swap3A_131 = vector.shape_cast %get3A_126 : vector<16xf32> to vector<1x16xf32>
              tpu.vector_store %arg10[%swap3A_127, %swap3A_128], %swap3A_131 {strides = array<i32>} : memref<40x64xf32, #tpu.memory_space<vmem>>, vector<1x16xf32>,
              %get3A_132 = arith.index_cast %add3A_106 : i32 to index
              %get3A_133 = arith.constant 48 : index
              %get3A_134 = tpu.vector_load %arg8[%get3A_132, %get3A_133] {strides = array<i32>} : memref<40x128xf32, #tpu.memory_space<vmem>>, vector<1x16xf32>,
              %get3A_135 = vector.shape_cast %get3A_134 : vector<1x16xf32> to vector<16xf32>
              %swap3A_136 = arith.index_cast %add3A_106 : i32 to index
              %swap3A_137 = arith.constant 48 : index
              %swap3A_138 = tpu.vector_load %arg10[%swap3A_136, %swap3A_137] {strides = array<i32>} : memref<40x64xf32, #tpu.memory_space<vmem>>, vector<1x16xf32>,
              %swap3A_139 = vector.shape_cast %swap3A_138 : vector<1x16xf32> to vector<16xf32>
              %swap3A_140 = vector.shape_cast %get3A_135 : vector<16xf32> to vector<1x16xf32>
              tpu.vector_store %arg10[%swap3A_136, %swap3A_137], %swap3A_140 {strides = array<i32>} : memref<40x64xf32, #tpu.memory_space<vmem>>, vector<1x16xf32>,
            }
            %scan3A_97 = arith.constant 40 : i32
            %dma_start3A_98 = arith.constant 0 : i32
            %dma_start3A_99 = tpu.memref_slice %arg6[%multiple_of3A, %dma_start3A_98] : memref<800000x64xf32, #tpu.memory_space<hbm>> -> memref<40x64xf32, #tpu.memory_space<hbm>>
            %dma_start3A_100 = arith.constant 0 : i32
            %dma_start3A_101 = tpu.memref_slice %arg6[%multiple_of3A, %dma_start3A_100] : memref<800000x64xf32, #tpu.memory_space<hbm>> -> memref<40x64xf32, #tpu.memory_space<hbm>>
            tpu.enqueue_dma source(%arg10 : memref<40x64xf32, #tpu.memory_space<vmem>>) target(%dma_start3A_101 : memref<40x64xf32, #tpu.memory_space<hbm>>) target_semaphore(%arg14 : memref<!tpu.dma_semaphore, #tpu.memory_space<semaphore_mem>>)
          } else {
          }
          %not3A_79 = arith.constant true
          %not3A_80 = arith.xori %eq3A_58, %not3A_79 : i1
          %convert_element_type3A_81 = arith.extui %not3A_80 : i1 to i32
          %cond3A_82 = arith.constant 0 : i32
          %cond3A_83 = arith.cmpi ne, %convert_element_type3A_81, %cond3A_82 : i32
          scf.if %cond3A_83 {
            %dma_wait3A_84 = arith.constant 0 : i32
            %dma_wait3A_85 = tpu.memref_slice %arg7[%dma_wait3A_84] : memref<1000xi32, #tpu.memory_space<vmem>> -> memref<40xi32, #tpu.memory_space<vmem>>
            %dma_wait3A_86 = arith.constant 0 : i32
            %dma_wait3A_87 = arith.constant 0 : i32
            %dma_wait3A_88 = tpu.memref_slice %arg2[%dma_wait3A_86, %dma_wait3A_87] : memref<50176x128xf32, #tpu.memory_space<hbm>> -> memref<50176x128xf32, #tpu.memory_space<hbm>>
            tpu.wait_indirect_dma semaphore(%arg13 : memref<!tpu.dma_semaphore, #tpu.memory_space<semaphore_mem>>) src(%dma_wait3A_88 : memref<50176x128xf32, #tpu.memory_space<hbm>>) dst(%arg9 : memref<40x128xf32, #tpu.memory_space<vmem>>)
            %ge3A = arith.constant 2 : i32
            %ge3A_89 = arith.cmpi sge, %add3A_43, %ge3A : i32
            %convert_element_type3A_90 = arith.extui %ge3A_89 : i1 to i32
            %cond3A_91 = arith.constant 0 : i32
            %cond3A_92 = arith.cmpi ne, %convert_element_type3A_90, %cond3A_91 : i32
            scf.if %cond3A_92 {
              %dma_wait3A_102 = arith.constant 0 : i32
              %dma_wait3A_103 = arith.constant 0 : i32
              %dma_wait3A_104 = tpu.memref_slice %arg6[%dma_wait3A_102, %dma_wait3A_103] : memref<800000x64xf32, #tpu.memory_space<hbm>> -> memref<40x64xf32, #tpu.memory_space<hbm>>
              %dma_wait3A_105 = arith.constant 0 : i32
              %dma_wait3A_106 = arith.constant 0 : i32
              %dma_wait3A_107 = tpu.memref_slice %arg6[%dma_wait3A_105, %dma_wait3A_106] : memref<800000x64xf32, #tpu.memory_space<hbm>> -> memref<40x64xf32, #tpu.memory_space<hbm>>
              tpu.wait_dma2 semaphore(%arg15 : memref<!tpu.dma_semaphore, #tpu.memory_space<semaphore_mem>>) src(%arg11 : memref<40x64xf32, #tpu.memory_space<vmem>>) dst(%dma_wait3A_107 : memref<40x64xf32, #tpu.memory_space<hbm>>)
            } else {
            }
            %scan3A_93 = arith.constant 0 : i32
            %scan3A_94 = arith.constant 40 : i32
            %scan3A_95 = arith.addi %scan3A_93, %scan3A_94 : i32
            %scan3A_96 = arith.constant 1 : i32
            scf.for %scan3A_102 = %scan3A_93 to %scan3A_95 step %scan3A_96  : i32 {
              %mul3A_103 = arith.constant 1 : i32
              %mul3A_104 = arith.muli %scan3A_102, %mul3A_103 : i32
              %add3A_105 = arith.constant 0 : i32
              %add3A_106 = arith.addi %add3A_105, %mul3A_104 : i32
              %get3A = arith.index_cast %add3A_106 : i32 to index
              %get3A_107 = arith.constant 0 : index
              %get3A_108 = tpu.vector_load %arg9[%get3A, %get3A_107] {strides = array<i32>} : memref<40x128xf32, #tpu.memory_space<vmem>>, vector<1x16xf32>,
              %get3A_109 = vector.shape_cast %get3A_108 : vector<1x16xf32> to vector<16xf32>
              %swap3A = arith.index_cast %add3A_106 : i32 to index
              %swap3A_110 = arith.constant 0 : index
              %swap3A_111 = tpu.vector_load %arg11[%swap3A, %swap3A_110] {strides = array<i32>} : memref<40x64xf32, #tpu.memory_space<vmem>>, vector<1x16xf32>,
              %swap3A_112 = vector.shape_cast %swap3A_111 : vector<1x16xf32> to vector<16xf32>
              %swap3A_113 = vector.shape_cast %get3A_109 : vector<16xf32> to vector<1x16xf32>
              tpu.vector_store %arg11[%swap3A, %swap3A_110], %swap3A_113 {strides = array<i32>} : memref<40x64xf32, #tpu.memory_space<vmem>>, vector<1x16xf32>,
              %get3A_114 = arith.index_cast %add3A_106 : i32 to index
              %get3A_115 = arith.constant 16 : index
              %get3A_116 = tpu.vector_load %arg9[%get3A_114, %get3A_115] {strides = array<i32>} : memref<40x128xf32, #tpu.memory_space<vmem>>, vector<1x16xf32>,
              %get3A_117 = vector.shape_cast %get3A_116 : vector<1x16xf32> to vector<16xf32>
              %swap3A_118 = arith.index_cast %add3A_106 : i32 to index
              %swap3A_119 = arith.constant 16 : index
              %swap3A_120 = tpu.vector_load %arg11[%swap3A_118, %swap3A_119] {strides = array<i32>} : memref<40x64xf32, #tpu.memory_space<vmem>>, vector<1x16xf32>,
              %swap3A_121 = vector.shape_cast %swap3A_120 : vector<1x16xf32> to vector<16xf32>
              %swap3A_122 = vector.shape_cast %get3A_117 : vector<16xf32> to vector<1x16xf32>
              tpu.vector_store %arg11[%swap3A_118, %swap3A_119], %swap3A_122 {strides = array<i32>} : memref<40x64xf32, #tpu.memory_space<vmem>>, vector<1x16xf32>,
              %get3A_123 = arith.index_cast %add3A_106 : i32 to index
              %get3A_124 = arith.constant 32 : index
              %get3A_125 = tpu.vector_load %arg9[%get3A_123, %get3A_124] {strides = array<i32>} : memref<40x128xf32, #tpu.memory_space<vmem>>, vector<1x16xf32>,
              %get3A_126 = vector.shape_cast %get3A_125 : vector<1x16xf32> to vector<16xf32>
              %swap3A_127 = arith.index_cast %add3A_106 : i32 to index
              %swap3A_128 = arith.constant 32 : index
              %swap3A_129 = tpu.vector_load %arg11[%swap3A_127, %swap3A_128] {strides = array<i32>} : memref<40x64xf32, #tpu.memory_space<vmem>>, vector<1x16xf32>,
              %swap3A_130 = vector.shape_cast %swap3A_129 : vector<1x16xf32> to vector<16xf32>
              %swap3A_131 = vector.shape_cast %get3A_126 : vector<16xf32> to vector<1x16xf32>
              tpu.vector_store %arg11[%swap3A_127, %swap3A_128], %swap3A_131 {strides = array<i32>} : memref<40x64xf32, #tpu.memory_space<vmem>>, vector<1x16xf32>,
              %get3A_132 = arith.index_cast %add3A_106 : i32 to index
              %get3A_133 = arith.constant 48 : index
              %get3A_134 = tpu.vector_load %arg9[%get3A_132, %get3A_133] {strides = array<i32>} : memref<40x128xf32, #tpu.memory_space<vmem>>, vector<1x16xf32>,
              %get3A_135 = vector.shape_cast %get3A_134 : vector<1x16xf32> to vector<16xf32>
              %swap3A_136 = arith.index_cast %add3A_106 : i32 to index
              %swap3A_137 = arith.constant 48 : index
              %swap3A_138 = tpu.vector_load %arg11[%swap3A_136, %swap3A_137] {strides = array<i32>} : memref<40x64xf32, #tpu.memory_space<vmem>>, vector<1x16xf32>,
              %swap3A_139 = vector.shape_cast %swap3A_138 : vector<1x16xf32> to vector<16xf32>
              %swap3A_140 = vector.shape_cast %get3A_135 : vector<16xf32> to vector<1x16xf32>
              tpu.vector_store %arg11[%swap3A_136, %swap3A_137], %swap3A_140 {strides = array<i32>} : memref<40x64xf32, #tpu.memory_space<vmem>>, vector<1x16xf32>,
            }
            %scan3A_97 = arith.constant 40 : i32
            %dma_start3A_98 = arith.constant 0 : i32
            %dma_start3A_99 = tpu.memref_slice %arg6[%multiple_of3A, %dma_start3A_98] : memref<800000x64xf32, #tpu.memory_space<hbm>> -> memref<40x64xf32, #tpu.memory_space<hbm>>
            %dma_start3A_100 = arith.constant 0 : i32
            %dma_start3A_101 = tpu.memref_slice %arg6[%multiple_of3A, %dma_start3A_100] : memref<800000x64xf32, #tpu.memory_space<hbm>> -> memref<40x64xf32, #tpu.memory_space<hbm>>
            tpu.enqueue_dma source(%arg11 : memref<40x64xf32, #tpu.memory_space<vmem>>) target(%dma_start3A_101 : memref<40x64xf32, #tpu.memory_space<hbm>>) target_semaphore(%arg15 : memref<!tpu.dma_semaphore, #tpu.memory_space<semaphore_mem>>)
          } else {
          }
        }
        %scan3A_27 = arith.constant 25 : i32
        %dma_wait3A = arith.constant 0 : i32
        %dma_wait3A_28 = arith.constant 0 : i32
        %dma_wait3A_29 = tpu.memref_slice %arg6[%dma_wait3A, %dma_wait3A_28] : memref<800000x64xf32, #tpu.memory_space<hbm>> -> memref<40x64xf32, #tpu.memory_space<hbm>>
        %dma_wait3A_30 = arith.constant 0 : i32
        %dma_wait3A_31 = arith.constant 0 : i32
        %dma_wait3A_32 = tpu.memref_slice %arg6[%dma_wait3A_30, %dma_wait3A_31] : memref<800000x64xf32, #tpu.memory_space<hbm>> -> memref<40x64xf32, #tpu.memory_space<hbm>>
        tpu.wait_dma2 semaphore(%arg15 : memref<!tpu.dma_semaphore, #tpu.memory_space<semaphore_mem>>) src(%arg11 : memref<40x64xf32, #tpu.memory_space<vmem>>) dst(%dma_wait3A_32 : memref<40x64xf32, #tpu.memory_space<hbm>>)
        %dma_wait3A_33 = arith.constant 0 : i32
        %dma_wait3A_34 = arith.constant 0 : i32
        %dma_wait3A_35 = tpu.memref_slice %arg6[%dma_wait3A_33, %dma_wait3A_34] : memref<800000x64xf32, #tpu.memory_space<hbm>> -> memref<40x64xf32, #tpu.memory_space<hbm>>
        %dma_wait3A_36 = arith.constant 0 : i32
        %dma_wait3A_37 = arith.constant 0 : i32
        %dma_wait3A_38 = tpu.memref_slice %arg6[%dma_wait3A_36, %dma_wait3A_37] : memref<800000x64xf32, #tpu.memory_space<hbm>> -> memref<40x64xf32, #tpu.memory_space<hbm>>
        tpu.wait_dma2 semaphore(%arg14 : memref<!tpu.dma_semaphore, #tpu.memory_space<semaphore_mem>>) src(%arg10 : memref<40x64xf32, #tpu.memory_space<vmem>>) dst(%dma_wait3A_38 : memref<40x64xf32, #tpu.memory_space<hbm>>)
      }
      %scan3A_11 = arith.constant 50 : i32
    } else {
    }
    return
  }
}

module attributes {stable_mosaic.version = 14 : i64} {
  func.func @_enc_body(%arg0: i32, %arg1: memref<1280x8xf32, #tpu.memory_space<vmem>>, %arg2: memref<8x64xf32, #tpu.memory_space<vmem>>, %arg3: memref<1x64xf32, #tpu.memory_space<vmem>>, %arg4: memref<64x64xf32, #tpu.memory_space<vmem>>, %arg5: memref<1x64xf32, #tpu.memory_space<vmem>>, %arg6: memref<1x64xf32, #tpu.memory_space<vmem>>, %arg7: memref<1x64xf32, #tpu.memory_space<vmem>>, %arg8: memref<1280x64xf32, #tpu.memory_space<vmem>>) attributes {dimension_semantics = [#tpu.dimension_semantics<arbitrary>], iteration_bounds = array<i64: 625>, scalar_prefetch = 0 : i64, scratch_operands = 0 : i64, tpu.core_type = #tpu.core_type<tc>, window_params = [{transform_indices = @transform_0, window_bounds = array<i64: 1280, 8>}, {pipeline_mode = #tpu.pipeline_mode<synchronous>, transform_indices = @transform_1, window_bounds = array<i64: 8, 64>}, {pipeline_mode = #tpu.pipeline_mode<synchronous>, transform_indices = @transform_2, window_bounds = array<i64: 1, 64>}, {pipeline_mode = #tpu.pipeline_mode<synchronous>, transform_indices = @transform_3, window_bounds = array<i64: 64, 64>}, {pipeline_mode = #tpu.pipeline_mode<synchronous>, transform_indices = @transform_4, window_bounds = array<i64: 1, 64>}, {pipeline_mode = #tpu.pipeline_mode<synchronous>, transform_indices = @transform_5, window_bounds = array<i64: 1, 64>}, {pipeline_mode = #tpu.pipeline_mode<synchronous>, transform_indices = @transform_6, window_bounds = array<i64: 1, 64>}, {transform_indices = @transform_7, window_bounds = array<i64: 1280, 64>}]} {
    %get3A = arith.constant 0 : index
    %get3A_0 = arith.constant 0 : index
    %get3A_1 = vector.load %arg1[%get3A, %get3A_0] : memref<1280x8xf32, #tpu.memory_space<vmem>>, vector<1280x8xf32>
    %get3A_2 = arith.constant 0 : index
    %get3A_3 = arith.constant 0 : index
    %get3A_4 = vector.load %arg2[%get3A_2, %get3A_3] : memref<8x64xf32, #tpu.memory_space<vmem>>, vector<8x64xf32>
    %dot_general3A = arith.constant dense<0.000000e+00> : vector<1280x64xf32>
    %dot_general3A_5 = tpu.matmul %get3A_1, %get3A_4, %dot_general3A {dimension_numbers = #tpu.dot_dimension_numbers<[1], [0], [0], [1], [0, 0, 1, 1], [], []>, transpose_lhs_hint = false} : vector<1280x8xf32>, vector<8x64xf32>, vector<1280x64xf32> -> vector<1280x64xf32>
    %get3A_6 = arith.constant 0 : index
    %get3A_7 = arith.constant 0 : index
    %get3A_8 = vector.load %arg3[%get3A_6, %get3A_7] : memref<1x64xf32, #tpu.memory_space<vmem>>, vector<1x64xf32>
    %add3A = vector.broadcast %get3A_8 : vector<1x64xf32> to vector<1280x64xf32>
    %add3A_9 = arith.addf %dot_general3A_5, %add3A : vector<1280x64xf32>
    %max3A = arith.constant 0.000000e+00 : f32
    %max3A_10 = vector.broadcast %max3A : f32 to vector<1280x64xf32>
    %max3A_11 = arith.maximumf %add3A_9, %max3A_10 : vector<1280x64xf32>
    %get3A_12 = arith.constant 0 : index
    %get3A_13 = arith.constant 0 : index
    %get3A_14 = vector.load %arg4[%get3A_12, %get3A_13] : memref<64x64xf32, #tpu.memory_space<vmem>>, vector<64x64xf32>
    %dot_general3A_15 = arith.constant dense<0.000000e+00> : vector<1280x64xf32>
    %dot_general3A_16 = tpu.matmul %max3A_11, %get3A_14, %dot_general3A_15 {dimension_numbers = #tpu.dot_dimension_numbers<[1], [0], [0], [1], [0, 0, 1, 1], [], []>, transpose_lhs_hint = false} : vector<1280x64xf32>, vector<64x64xf32>, vector<1280x64xf32> -> vector<1280x64xf32>
    %get3A_17 = arith.constant 0 : index
    %get3A_18 = arith.constant 0 : index
    %get3A_19 = vector.load %arg5[%get3A_17, %get3A_18] : memref<1x64xf32, #tpu.memory_space<vmem>>, vector<1x64xf32>
    %add3A_20 = vector.broadcast %get3A_19 : vector<1x64xf32> to vector<1280x64xf32>
    %add3A_21 = arith.addf %dot_general3A_16, %add3A_20 : vector<1280x64xf32>
    %reduce_sum3A = arith.constant dense<0.000000e+00> : vector<1280xf32>
    %reduce_sum3A_22 = vector.multi_reduction <add>, %add3A_21, %reduce_sum3A [1] : vector<1280x64xf32> to vector<1280xf32>
    %broadcast_in_dim3A = vector.shape_cast %reduce_sum3A_22 : vector<1280xf32> to vector<1280x1xf32>
    %div3A = arith.constant 6.400000e+01 : f32
    %div3A_23 = vector.broadcast %div3A : f32 to vector<1280x1xf32>
    %div3A_24 = arith.divf %broadcast_in_dim3A, %div3A_23 : vector<1280x1xf32>
    %sub3A = vector.broadcast %div3A_24 : vector<1280x1xf32> to vector<1280x64xf32>
    %sub3A_25 = arith.subf %add3A_21, %sub3A : vector<1280x64xf32>
    %sub3A_26 = vector.broadcast %div3A_24 : vector<1280x1xf32> to vector<1280x64xf32>
    %sub3A_27 = arith.subf %add3A_21, %sub3A_26 : vector<1280x64xf32>
    %mul3A = arith.mulf %sub3A_25, %sub3A_27 : vector<1280x64xf32>
    %reduce_sum3A_28 = arith.constant dense<0.000000e+00> : vector<1280xf32>
    %reduce_sum3A_29 = vector.multi_reduction <add>, %mul3A, %reduce_sum3A_28 [1] : vector<1280x64xf32> to vector<1280xf32>
    %broadcast_in_dim3A_30 = vector.shape_cast %reduce_sum3A_29 : vector<1280xf32> to vector<1280x1xf32>
    %div3A_31 = arith.constant 6.400000e+01 : f32
    %div3A_32 = vector.broadcast %div3A_31 : f32 to vector<1280x1xf32>
    %div3A_33 = arith.divf %broadcast_in_dim3A_30, %div3A_32 : vector<1280x1xf32>
    %sub3A_34 = vector.broadcast %div3A_24 : vector<1280x1xf32> to vector<1280x64xf32>
    %sub3A_35 = arith.subf %add3A_21, %sub3A_34 : vector<1280x64xf32>
    %add3A_36 = arith.constant 9.99999974E-6 : f32
    %add3A_37 = vector.broadcast %add3A_36 : f32 to vector<1280x1xf32>
    %add3A_38 = arith.addf %div3A_33, %add3A_37 : vector<1280x1xf32>
    %rsqrt3A = math.rsqrt %add3A_38 : vector<1280x1xf32>
    %mul3A_39 = vector.broadcast %rsqrt3A : vector<1280x1xf32> to vector<1280x64xf32>
    %mul3A_40 = arith.mulf %sub3A_35, %mul3A_39 : vector<1280x64xf32>
    %get3A_41 = arith.constant 0 : index
    %get3A_42 = arith.constant 0 : index
    %get3A_43 = vector.load %arg6[%get3A_41, %get3A_42] : memref<1x64xf32, #tpu.memory_space<vmem>>, vector<1x64xf32>
    %mul3A_44 = vector.broadcast %get3A_43 : vector<1x64xf32> to vector<1280x64xf32>
    %mul3A_45 = arith.mulf %mul3A_40, %mul3A_44 : vector<1280x64xf32>
    %get3A_46 = arith.constant 0 : index
    %get3A_47 = arith.constant 0 : index
    %get3A_48 = vector.load %arg7[%get3A_46, %get3A_47] : memref<1x64xf32, #tpu.memory_space<vmem>>, vector<1x64xf32>
    %add3A_49 = vector.broadcast %get3A_48 : vector<1x64xf32> to vector<1280x64xf32>
    %add3A_50 = arith.addf %mul3A_45, %add3A_49 : vector<1280x64xf32>
    %swap3A = arith.constant 0 : index
    %swap3A_51 = arith.constant 0 : index
    %swap3A_52 = vector.load %arg8[%swap3A, %swap3A_51] : memref<1280x64xf32, #tpu.memory_space<vmem>>, vector<1280x64xf32>
    tpu.vector_store %arg8[%swap3A, %swap3A_51], %add3A_50 {strides = array<i32>} : memref<1280x64xf32, #tpu.memory_space<vmem>>, vector<1280x64xf32>,
    return
  }
  func.func @transform_0(%arg0: i32) -> (i32, i32) {
    %c0_i32 = arith.constant 0 : i32
    %c0_i32_0 = arith.constant 0 : i32
    return %arg0, %c0_i32 : i32, i32
  }
  func.func @transform_1(%arg0: i32) -> (i32, i32) {
    %c0_i32 = arith.constant 0 : i32
    %c0_i32_0 = arith.constant 0 : i32
    %c0_i32_1 = arith.constant 0 : i32
    return %c0_i32, %c0_i32_0 : i32, i32
  }
  func.func @transform_2(%arg0: i32) -> (i32, i32) {
    %c0_i32 = arith.constant 0 : i32
    %c0_i32_0 = arith.constant 0 : i32
    %c0_i32_1 = arith.constant 0 : i32
    return %c0_i32, %c0_i32_0 : i32, i32
  }
  func.func @transform_3(%arg0: i32) -> (i32, i32) {
    %c0_i32 = arith.constant 0 : i32
    %c0_i32_0 = arith.constant 0 : i32
    %c0_i32_1 = arith.constant 0 : i32
    return %c0_i32, %c0_i32_0 : i32, i32
  }
  func.func @transform_4(%arg0: i32) -> (i32, i32) {
    %c0_i32 = arith.constant 0 : i32
    %c0_i32_0 = arith.constant 0 : i32
    %c0_i32_1 = arith.constant 0 : i32
    return %c0_i32, %c0_i32_0 : i32, i32
  }
  func.func @transform_5(%arg0: i32) -> (i32, i32) {
    %c0_i32 = arith.constant 0 : i32
    %c0_i32_0 = arith.constant 0 : i32
    %c0_i32_1 = arith.constant 0 : i32
    return %c0_i32, %c0_i32_0 : i32, i32
  }
  func.func @transform_6(%arg0: i32) -> (i32, i32) {
    %c0_i32 = arith.constant 0 : i32
    %c0_i32_0 = arith.constant 0 : i32
    %c0_i32_1 = arith.constant 0 : i32
    return %c0_i32, %c0_i32_0 : i32, i32
  }
  func.func @transform_7(%arg0: i32) -> (i32, i32) {
    %c0_i32 = arith.constant 0 : i32
    %c0_i32_0 = arith.constant 0 : i32
    return %arg0, %c0_i32 : i32, i32
  }
}

module attributes {stable_mosaic.version = 14 : i64} {
  func.func @_enc_body(%arg0: i32, %arg1: memref<1024x8xf32, #tpu.memory_space<vmem>>, %arg2: memref<8x64xf32, #tpu.memory_space<vmem>>, %arg3: memref<1x64xf32, #tpu.memory_space<vmem>>, %arg4: memref<64x128xf32, #tpu.memory_space<vmem>>, %arg5: memref<1x128xf32, #tpu.memory_space<vmem>>, %arg6: memref<1x128xf32, #tpu.memory_space<vmem>>, %arg7: memref<1x128xf32, #tpu.memory_space<vmem>>, %arg8: memref<1024x128xf32, #tpu.memory_space<vmem>>) attributes {dimension_semantics = [#tpu.dimension_semantics<arbitrary>], iteration_bounds = array<i64: 49>, scalar_prefetch = 0 : i64, scratch_operands = 0 : i64, tpu.core_type = #tpu.core_type<tc>, window_params = [{transform_indices = @transform_0, window_bounds = array<i64: 1024, 8>}, {pipeline_mode = #tpu.pipeline_mode<synchronous>, transform_indices = @transform_1, window_bounds = array<i64: 8, 64>}, {pipeline_mode = #tpu.pipeline_mode<synchronous>, transform_indices = @transform_2, window_bounds = array<i64: 1, 64>}, {pipeline_mode = #tpu.pipeline_mode<synchronous>, transform_indices = @transform_3, window_bounds = array<i64: 64, 128>}, {pipeline_mode = #tpu.pipeline_mode<synchronous>, transform_indices = @transform_4, window_bounds = array<i64: 1, 128>}, {pipeline_mode = #tpu.pipeline_mode<synchronous>, transform_indices = @transform_5, window_bounds = array<i64: 1, 128>}, {pipeline_mode = #tpu.pipeline_mode<synchronous>, transform_indices = @transform_6, window_bounds = array<i64: 1, 128>}, {transform_indices = @transform_7, window_bounds = array<i64: 1024, 128>}]} {
    %get3A = arith.constant 0 : index
    %get3A_0 = arith.constant 0 : index
    %get3A_1 = vector.load %arg1[%get3A, %get3A_0] : memref<1024x8xf32, #tpu.memory_space<vmem>>, vector<1024x8xf32>
    %get3A_2 = arith.constant 0 : index
    %get3A_3 = arith.constant 0 : index
    %get3A_4 = vector.load %arg2[%get3A_2, %get3A_3] : memref<8x64xf32, #tpu.memory_space<vmem>>, vector<8x64xf32>
    %dot_general3A = arith.constant dense<0.000000e+00> : vector<1024x64xf32>
    %dot_general3A_5 = tpu.matmul %get3A_1, %get3A_4, %dot_general3A {dimension_numbers = #tpu.dot_dimension_numbers<[1], [0], [0], [1], [0, 0, 1, 1], [], []>, transpose_lhs_hint = false} : vector<1024x8xf32>, vector<8x64xf32>, vector<1024x64xf32> -> vector<1024x64xf32>
    %get3A_6 = arith.constant 0 : index
    %get3A_7 = arith.constant 0 : index
    %get3A_8 = vector.load %arg3[%get3A_6, %get3A_7] : memref<1x64xf32, #tpu.memory_space<vmem>>, vector<1x64xf32>
    %add3A = vector.broadcast %get3A_8 : vector<1x64xf32> to vector<1024x64xf32>
    %add3A_9 = arith.addf %dot_general3A_5, %add3A : vector<1024x64xf32>
    %max3A = arith.constant 0.000000e+00 : f32
    %max3A_10 = vector.broadcast %max3A : f32 to vector<1024x64xf32>
    %max3A_11 = arith.maximumf %add3A_9, %max3A_10 : vector<1024x64xf32>
    %get3A_12 = arith.constant 0 : index
    %get3A_13 = arith.constant 0 : index
    %get3A_14 = vector.load %arg4[%get3A_12, %get3A_13] : memref<64x128xf32, #tpu.memory_space<vmem>>, vector<64x128xf32>
    %dot_general3A_15 = arith.constant dense<0.000000e+00> : vector<1024x128xf32>
    %dot_general3A_16 = tpu.matmul %max3A_11, %get3A_14, %dot_general3A_15 {dimension_numbers = #tpu.dot_dimension_numbers<[1], [0], [0], [1], [0, 0, 1, 1], [], []>, transpose_lhs_hint = false} : vector<1024x64xf32>, vector<64x128xf32>, vector<1024x128xf32> -> vector<1024x128xf32>
    %get3A_17 = arith.constant 0 : index
    %get3A_18 = arith.constant 0 : index
    %get3A_19 = vector.load %arg5[%get3A_17, %get3A_18] : memref<1x128xf32, #tpu.memory_space<vmem>>, vector<1x128xf32>
    %add3A_20 = vector.broadcast %get3A_19 : vector<1x128xf32> to vector<1024x128xf32>
    %add3A_21 = arith.addf %dot_general3A_16, %add3A_20 : vector<1024x128xf32>
    %get3A_22 = arith.constant 0 : index
    %get3A_23 = arith.constant 0 : index
    %get3A_24 = vector.load %arg6[%get3A_22, %get3A_23] : memref<1x128xf32, #tpu.memory_space<vmem>>, vector<1x128xf32>
    %get3A_25 = arith.constant 0 : index
    %get3A_26 = arith.constant 0 : index
    %get3A_27 = vector.load %arg7[%get3A_25, %get3A_26] : memref<1x128xf32, #tpu.memory_space<vmem>>, vector<1x128xf32>
    %iota3A = tpu.iota {dimensions = array<i32: 1>} : vector<1x128xi32>
    %lt3A = arith.constant 64 : i32
    %lt3A_28 = vector.broadcast %lt3A : i32 to vector<1x128xi32>
    %lt3A_29 = arith.cmpi slt, %iota3A, %lt3A_28 : vector<1x128xi32>
    %convert_element_type3A = arith.extui %lt3A_29 : vector<1x128xi1> to vector<1x128xi32>
    %convert_element_type3A_30 = arith.sitofp %convert_element_type3A : vector<1x128xi32> to vector<1x128xf32>
    %reduce_sum3A = arith.constant dense<0.000000e+00> : vector<1024xf32>
    %reduce_sum3A_31 = vector.multi_reduction <add>, %add3A_21, %reduce_sum3A [1] : vector<1024x128xf32> to vector<1024xf32>
    %broadcast_in_dim3A = vector.shape_cast %reduce_sum3A_31 : vector<1024xf32> to vector<1024x1xf32>
    %mul3A = arith.constant 1.562500e-02 : f32
    %mul3A_32 = vector.broadcast %mul3A : f32 to vector<1024x1xf32>
    %mul3A_33 = arith.mulf %broadcast_in_dim3A, %mul3A_32 : vector<1024x1xf32>
    %sub3A = vector.broadcast %mul3A_33 : vector<1024x1xf32> to vector<1024x128xf32>
    %sub3A_34 = arith.subf %add3A_21, %sub3A : vector<1024x128xf32>
    %mul3A_35 = vector.broadcast %convert_element_type3A_30 : vector<1x128xf32> to vector<1024x128xf32>
    %mul3A_36 = arith.mulf %sub3A_34, %mul3A_35 : vector<1024x128xf32>
    %mul3A_37 = arith.mulf %mul3A_36, %mul3A_36 : vector<1024x128xf32>
    %reduce_sum3A_38 = arith.constant dense<0.000000e+00> : vector<1024xf32>
    %reduce_sum3A_39 = vector.multi_reduction <add>, %mul3A_37, %reduce_sum3A_38 [1] : vector<1024x128xf32> to vector<1024xf32>
    %broadcast_in_dim3A_40 = vector.shape_cast %reduce_sum3A_39 : vector<1024xf32> to vector<1024x1xf32>
    %mul3A_41 = arith.constant 1.562500e-02 : f32
    %mul3A_42 = vector.broadcast %mul3A_41 : f32 to vector<1024x1xf32>
    %mul3A_43 = arith.mulf %broadcast_in_dim3A_40, %mul3A_42 : vector<1024x1xf32>
    %add3A_44 = arith.constant 9.99999974E-6 : f32
    %add3A_45 = vector.broadcast %add3A_44 : f32 to vector<1024x1xf32>
    %add3A_46 = arith.addf %mul3A_43, %add3A_45 : vector<1024x1xf32>
    %rsqrt3A = math.rsqrt %add3A_46 : vector<1024x1xf32>
    %mul3A_47 = vector.broadcast %rsqrt3A : vector<1024x1xf32> to vector<1024x128xf32>
    %mul3A_48 = arith.mulf %mul3A_36, %mul3A_47 : vector<1024x128xf32>
    %mul3A_49 = vector.broadcast %get3A_24 : vector<1x128xf32> to vector<1024x128xf32>
    %mul3A_50 = arith.mulf %mul3A_48, %mul3A_49 : vector<1024x128xf32>
    %add3A_51 = vector.broadcast %get3A_27 : vector<1x128xf32> to vector<1024x128xf32>
    %add3A_52 = arith.addf %mul3A_50, %add3A_51 : vector<1024x128xf32>
    %swap3A = arith.constant 0 : index
    %swap3A_53 = arith.constant 0 : index
    %swap3A_54 = vector.load %arg8[%swap3A, %swap3A_53] : memref<1024x128xf32, #tpu.memory_space<vmem>>, vector<1024x128xf32>
    tpu.vector_store %arg8[%swap3A, %swap3A_53], %add3A_52 {strides = array<i32>} : memref<1024x128xf32, #tpu.memory_space<vmem>>, vector<1024x128xf32>,
    return
  }
  func.func @transform_0(%arg0: i32) -> (i32, i32) {
    %c0_i32 = arith.constant 0 : i32
    %c0_i32_0 = arith.constant 0 : i32
    return %arg0, %c0_i32 : i32, i32
  }
  func.func @transform_1(%arg0: i32) -> (i32, i32) {
    %c0_i32 = arith.constant 0 : i32
    %c0_i32_0 = arith.constant 0 : i32
    %c0_i32_1 = arith.constant 0 : i32
    return %c0_i32, %c0_i32_0 : i32, i32
  }
  func.func @transform_2(%arg0: i32) -> (i32, i32) {
    %c0_i32 = arith.constant 0 : i32
    %c0_i32_0 = arith.constant 0 : i32
    %c0_i32_1 = arith.constant 0 : i32
    return %c0_i32, %c0_i32_0 : i32, i32
  }
  func.func @transform_3(%arg0: i32) -> (i32, i32) {
    %c0_i32 = arith.constant 0 : i32
    %c0_i32_0 = arith.constant 0 : i32
    %c0_i32_1 = arith.constant 0 : i32
    return %c0_i32, %c0_i32_0 : i32, i32
  }
  func.func @transform_4(%arg0: i32) -> (i32, i32) {
    %c0_i32 = arith.constant 0 : i32
    %c0_i32_0 = arith.constant 0 : i32
    %c0_i32_1 = arith.constant 0 : i32
    return %c0_i32, %c0_i32_0 : i32, i32
  }
  func.func @transform_5(%arg0: i32) -> (i32, i32) {
    %c0_i32 = arith.constant 0 : i32
    %c0_i32_0 = arith.constant 0 : i32
    %c0_i32_1 = arith.constant 0 : i32
    return %c0_i32, %c0_i32_0 : i32, i32
  }
  func.func @transform_6(%arg0: i32) -> (i32, i32) {
    %c0_i32 = arith.constant 0 : i32
    %c0_i32_0 = arith.constant 0 : i32
    %c0_i32_1 = arith.constant 0 : i32
    return %c0_i32, %c0_i32_0 : i32, i32
  }
  func.func @transform_7(%arg0: i32) -> (i32, i32) {
    %c0_i32 = arith.constant 0 : i32
    %c0_i32_0 = arith.constant 0 : i32
    return %arg0, %c0_i32 : i32, i32
  }
}

module attributes {stable_mosaic.version = 14 : i64} {
  func.func @_gin_body(%arg0: i32, %arg1: memref<1024x128xf32, #tpu.memory_space<vmem>>, %arg2: memref<1024x64xf32, #tpu.memory_space<vmem>>, %arg3: memref<1x1xf32, #tpu.memory_space<vmem>>, %arg4: memref<64x64xf32, #tpu.memory_space<vmem>>, %arg5: memref<1x64xf32, #tpu.memory_space<vmem>>, %arg6: memref<64x128xf32, #tpu.memory_space<vmem>>, %arg7: memref<1x128xf32, #tpu.memory_space<vmem>>, %arg8: memref<1x128xf32, #tpu.memory_space<vmem>>, %arg9: memref<1x128xf32, #tpu.memory_space<vmem>>, %arg10: memref<1024x128xf32, #tpu.memory_space<vmem>>) attributes {dimension_semantics = [#tpu.dimension_semantics<arbitrary>], iteration_bounds = array<i64: 49>, scalar_prefetch = 0 : i64, scratch_operands = 0 : i64, tpu.core_type = #tpu.core_type<tc>, window_params = [{transform_indices = @transform_0, window_bounds = array<i64: 1024, 128>}, {transform_indices = @transform_1, window_bounds = array<i64: 1024, 64>}, {pipeline_mode = #tpu.pipeline_mode<synchronous>, transform_indices = @transform_2, window_bounds = array<i64: 1, 1>}, {pipeline_mode = #tpu.pipeline_mode<synchronous>, transform_indices = @transform_3, window_bounds = array<i64: 64, 64>}, {pipeline_mode = #tpu.pipeline_mode<synchronous>, transform_indices = @transform_4, window_bounds = array<i64: 1, 64>}, {pipeline_mode = #tpu.pipeline_mode<synchronous>, transform_indices = @transform_5, window_bounds = array<i64: 64, 128>}, {pipeline_mode = #tpu.pipeline_mode<synchronous>, transform_indices = @transform_6, window_bounds = array<i64: 1, 128>}, {pipeline_mode = #tpu.pipeline_mode<synchronous>, transform_indices = @transform_7, window_bounds = array<i64: 1, 128>}, {pipeline_mode = #tpu.pipeline_mode<synchronous>, transform_indices = @transform_8, window_bounds = array<i64: 1, 128>}, {transform_indices = @transform_9, window_bounds = array<i64: 1024, 128>}]} {
    %get3A = arith.constant 0 : index
    %get3A_0 = arith.constant 0 : index
    %get3A_1 = vector.load %arg1[%get3A, %get3A_0] : memref<1024x128xf32, #tpu.memory_space<vmem>>, vector<1024x64xf32>
    %get3A_2 = arith.constant 0 : index
    %get3A_3 = arith.constant 0 : index
    %get3A_4 = vector.load %arg3[%get3A_2, %get3A_3] : memref<1x1xf32, #tpu.memory_space<vmem>>, vector<1x1xf32>
    %add3A = arith.constant 1.000000e+00 : f32
    %add3A_5 = vector.broadcast %add3A : f32 to vector<1x1xf32>
    %add3A_6 = arith.addf %add3A_5, %get3A_4 : vector<1x1xf32>
    %mul3A = vector.broadcast %add3A_6 : vector<1x1xf32> to vector<1024x64xf32>
    %mul3A_7 = arith.mulf %get3A_1, %mul3A : vector<1024x64xf32>
    %get3A_8 = arith.constant 0 : index
    %get3A_9 = arith.constant 0 : index
    %get3A_10 = vector.load %arg2[%get3A_8, %get3A_9] : memref<1024x64xf32, #tpu.memory_space<vmem>>, vector<1024x64xf32>
    %add3A_11 = arith.addf %mul3A_7, %get3A_10 : vector<1024x64xf32>
    %get3A_12 = arith.constant 0 : index
    %get3A_13 = arith.constant 0 : index
    %get3A_14 = vector.load %arg4[%get3A_12, %get3A_13] : memref<64x64xf32, #tpu.memory_space<vmem>>, vector<64x64xf32>
    %dot_general3A = arith.constant dense<0.000000e+00> : vector<1024x64xf32>
    %dot_general3A_15 = tpu.matmul %add3A_11, %get3A_14, %dot_general3A {dimension_numbers = #tpu.dot_dimension_numbers<[1], [0], [0], [1], [0, 0, 1, 1], [], []>, transpose_lhs_hint = false} : vector<1024x64xf32>, vector<64x64xf32>, vector<1024x64xf32> -> vector<1024x64xf32>
    %get3A_16 = arith.constant 0 : index
    %get3A_17 = arith.constant 0 : index
    %get3A_18 = vector.load %arg5[%get3A_16, %get3A_17] : memref<1x64xf32, #tpu.memory_space<vmem>>, vector<1x64xf32>
    %add3A_19 = vector.broadcast %get3A_18 : vector<1x64xf32> to vector<1024x64xf32>
    %add3A_20 = arith.addf %dot_general3A_15, %add3A_19 : vector<1024x64xf32>
    %max3A = arith.constant 0.000000e+00 : f32
    %max3A_21 = vector.broadcast %max3A : f32 to vector<1024x64xf32>
    %max3A_22 = arith.maximumf %add3A_20, %max3A_21 : vector<1024x64xf32>
    %get3A_23 = arith.constant 0 : index
    %get3A_24 = arith.constant 0 : index
    %get3A_25 = vector.load %arg6[%get3A_23, %get3A_24] : memref<64x128xf32, #tpu.memory_space<vmem>>, vector<64x128xf32>
    %dot_general3A_26 = arith.constant dense<0.000000e+00> : vector<1024x128xf32>
    %dot_general3A_27 = tpu.matmul %max3A_22, %get3A_25, %dot_general3A_26 {dimension_numbers = #tpu.dot_dimension_numbers<[1], [0], [0], [1], [0, 0, 1, 1], [], []>, transpose_lhs_hint = false} : vector<1024x64xf32>, vector<64x128xf32>, vector<1024x128xf32> -> vector<1024x128xf32>
    %get3A_28 = arith.constant 0 : index
    %get3A_29 = arith.constant 0 : index
    %get3A_30 = vector.load %arg7[%get3A_28, %get3A_29] : memref<1x128xf32, #tpu.memory_space<vmem>>, vector<1x128xf32>
    %add3A_31 = vector.broadcast %get3A_30 : vector<1x128xf32> to vector<1024x128xf32>
    %add3A_32 = arith.addf %dot_general3A_27, %add3A_31 : vector<1024x128xf32>
    %get3A_33 = arith.constant 0 : index
    %get3A_34 = arith.constant 0 : index
    %get3A_35 = vector.load %arg8[%get3A_33, %get3A_34] : memref<1x128xf32, #tpu.memory_space<vmem>>, vector<1x128xf32>
    %get3A_36 = arith.constant 0 : index
    %get3A_37 = arith.constant 0 : index
    %get3A_38 = vector.load %arg9[%get3A_36, %get3A_37] : memref<1x128xf32, #tpu.memory_space<vmem>>, vector<1x128xf32>
    %iota3A = tpu.iota {dimensions = array<i32: 1>} : vector<1x128xi32>
    %lt3A = arith.constant 64 : i32
    %lt3A_39 = vector.broadcast %lt3A : i32 to vector<1x128xi32>
    %lt3A_40 = arith.cmpi slt, %iota3A, %lt3A_39 : vector<1x128xi32>
    %convert_element_type3A = arith.extui %lt3A_40 : vector<1x128xi1> to vector<1x128xi32>
    %convert_element_type3A_41 = arith.sitofp %convert_element_type3A : vector<1x128xi32> to vector<1x128xf32>
    %reduce_sum3A = arith.constant dense<0.000000e+00> : vector<1024xf32>
    %reduce_sum3A_42 = vector.multi_reduction <add>, %add3A_32, %reduce_sum3A [1] : vector<1024x128xf32> to vector<1024xf32>
    %broadcast_in_dim3A = vector.shape_cast %reduce_sum3A_42 : vector<1024xf32> to vector<1024x1xf32>
    %mul3A_43 = arith.constant 1.562500e-02 : f32
    %mul3A_44 = vector.broadcast %mul3A_43 : f32 to vector<1024x1xf32>
    %mul3A_45 = arith.mulf %broadcast_in_dim3A, %mul3A_44 : vector<1024x1xf32>
    %sub3A = vector.broadcast %mul3A_45 : vector<1024x1xf32> to vector<1024x128xf32>
    %sub3A_46 = arith.subf %add3A_32, %sub3A : vector<1024x128xf32>
    %mul3A_47 = vector.broadcast %convert_element_type3A_41 : vector<1x128xf32> to vector<1024x128xf32>
    %mul3A_48 = arith.mulf %sub3A_46, %mul3A_47 : vector<1024x128xf32>
    %mul3A_49 = arith.mulf %mul3A_48, %mul3A_48 : vector<1024x128xf32>
    %reduce_sum3A_50 = arith.constant dense<0.000000e+00> : vector<1024xf32>
    %reduce_sum3A_51 = vector.multi_reduction <add>, %mul3A_49, %reduce_sum3A_50 [1] : vector<1024x128xf32> to vector<1024xf32>
    %broadcast_in_dim3A_52 = vector.shape_cast %reduce_sum3A_51 : vector<1024xf32> to vector<1024x1xf32>
    %mul3A_53 = arith.constant 1.562500e-02 : f32
    %mul3A_54 = vector.broadcast %mul3A_53 : f32 to vector<1024x1xf32>
    %mul3A_55 = arith.mulf %broadcast_in_dim3A_52, %mul3A_54 : vector<1024x1xf32>
    %add3A_56 = arith.constant 9.99999974E-6 : f32
    %add3A_57 = vector.broadcast %add3A_56 : f32 to vector<1024x1xf32>
    %add3A_58 = arith.addf %mul3A_55, %add3A_57 : vector<1024x1xf32>
    %rsqrt3A = math.rsqrt %add3A_58 : vector<1024x1xf32>
    %mul3A_59 = vector.broadcast %rsqrt3A : vector<1024x1xf32> to vector<1024x128xf32>
    %mul3A_60 = arith.mulf %mul3A_48, %mul3A_59 : vector<1024x128xf32>
    %mul3A_61 = vector.broadcast %get3A_35 : vector<1x128xf32> to vector<1024x128xf32>
    %mul3A_62 = arith.mulf %mul3A_60, %mul3A_61 : vector<1024x128xf32>
    %add3A_63 = vector.broadcast %get3A_38 : vector<1x128xf32> to vector<1024x128xf32>
    %add3A_64 = arith.addf %mul3A_62, %add3A_63 : vector<1024x128xf32>
    %max3A_65 = arith.constant 0.000000e+00 : f32
    %max3A_66 = vector.broadcast %max3A_65 : f32 to vector<1024x128xf32>
    %max3A_67 = arith.maximumf %add3A_64, %max3A_66 : vector<1024x128xf32>
    %swap3A = arith.constant 0 : index
    %swap3A_68 = arith.constant 0 : index
    %swap3A_69 = vector.load %arg10[%swap3A, %swap3A_68] : memref<1024x128xf32, #tpu.memory_space<vmem>>, vector<1024x128xf32>
    tpu.vector_store %arg10[%swap3A, %swap3A_68], %max3A_67 {strides = array<i32>} : memref<1024x128xf32, #tpu.memory_space<vmem>>, vector<1024x128xf32>,
    return
  }
  func.func @transform_0(%arg0: i32) -> (i32, i32) {
    %c0_i32 = arith.constant 0 : i32
    %c0_i32_0 = arith.constant 0 : i32
    return %arg0, %c0_i32 : i32, i32
  }
  func.func @transform_1(%arg0: i32) -> (i32, i32) {
    %c0_i32 = arith.constant 0 : i32
    %c0_i32_0 = arith.constant 0 : i32
    return %arg0, %c0_i32 : i32, i32
  }
  func.func @transform_2(%arg0: i32) -> (i32, i32) {
    %c0_i32 = arith.constant 0 : i32
    %c0_i32_0 = arith.constant 0 : i32
    %c0_i32_1 = arith.constant 0 : i32
    return %c0_i32, %c0_i32_0 : i32, i32
  }
  func.func @transform_3(%arg0: i32) -> (i32, i32) {
    %c0_i32 = arith.constant 0 : i32
    %c0_i32_0 = arith.constant 0 : i32
    %c0_i32_1 = arith.constant 0 : i32
    return %c0_i32, %c0_i32_0 : i32, i32
  }
  func.func @transform_4(%arg0: i32) -> (i32, i32) {
    %c0_i32 = arith.constant 0 : i32
    %c0_i32_0 = arith.constant 0 : i32
    %c0_i32_1 = arith.constant 0 : i32
    return %c0_i32, %c0_i32_0 : i32, i32
  }
  func.func @transform_5(%arg0: i32) -> (i32, i32) {
    %c0_i32 = arith.constant 0 : i32
    %c0_i32_0 = arith.constant 0 : i32
    %c0_i32_1 = arith.constant 0 : i32
    return %c0_i32, %c0_i32_0 : i32, i32
  }
  func.func @transform_6(%arg0: i32) -> (i32, i32) {
    %c0_i32 = arith.constant 0 : i32
    %c0_i32_0 = arith.constant 0 : i32
    %c0_i32_1 = arith.constant 0 : i32
    return %c0_i32, %c0_i32_0 : i32, i32
  }
  func.func @transform_7(%arg0: i32) -> (i32, i32) {
    %c0_i32 = arith.constant 0 : i32
    %c0_i32_0 = arith.constant 0 : i32
    %c0_i32_1 = arith.constant 0 : i32
    return %c0_i32, %c0_i32_0 : i32, i32
  }
  func.func @transform_8(%arg0: i32) -> (i32, i32) {
    %c0_i32 = arith.constant 0 : i32
    %c0_i32_0 = arith.constant 0 : i32
    %c0_i32_1 = arith.constant 0 : i32
    return %c0_i32, %c0_i32_0 : i32, i32
  }
  func.func @transform_9(%arg0: i32) -> (i32, i32) {
    %c0_i32 = arith.constant 0 : i32
    %c0_i32_0 = arith.constant 0 : i32
    return %arg0, %c0_i32 : i32, i32
  }
}

module attributes {stable_mosaic.version = 14 : i64} {
  func.func @_gin_body(%arg0: i32, %arg1: memref<1024x128xf32, #tpu.memory_space<vmem>>, %arg2: memref<1024x64xf32, #tpu.memory_space<vmem>>, %arg3: memref<1x1xf32, #tpu.memory_space<vmem>>, %arg4: memref<64x64xf32, #tpu.memory_space<vmem>>, %arg5: memref<1x64xf32, #tpu.memory_space<vmem>>, %arg6: memref<64x128xf32, #tpu.memory_space<vmem>>, %arg7: memref<1x128xf32, #tpu.memory_space<vmem>>, %arg8: memref<1x128xf32, #tpu.memory_space<vmem>>, %arg9: memref<1x128xf32, #tpu.memory_space<vmem>>, %arg10: memref<1024x128xf32, #tpu.memory_space<vmem>>) attributes {dimension_semantics = [#tpu.dimension_semantics<arbitrary>], iteration_bounds = array<i64: 49>, scalar_prefetch = 0 : i64, scratch_operands = 0 : i64, tpu.core_type = #tpu.core_type<tc>, window_params = [{transform_indices = @transform_0, window_bounds = array<i64: 1024, 128>}, {transform_indices = @transform_1, window_bounds = array<i64: 1024, 64>}, {pipeline_mode = #tpu.pipeline_mode<synchronous>, transform_indices = @transform_2, window_bounds = array<i64: 1, 1>}, {pipeline_mode = #tpu.pipeline_mode<synchronous>, transform_indices = @transform_3, window_bounds = array<i64: 64, 64>}, {pipeline_mode = #tpu.pipeline_mode<synchronous>, transform_indices = @transform_4, window_bounds = array<i64: 1, 64>}, {pipeline_mode = #tpu.pipeline_mode<synchronous>, transform_indices = @transform_5, window_bounds = array<i64: 64, 128>}, {pipeline_mode = #tpu.pipeline_mode<synchronous>, transform_indices = @transform_6, window_bounds = array<i64: 1, 128>}, {pipeline_mode = #tpu.pipeline_mode<synchronous>, transform_indices = @transform_7, window_bounds = array<i64: 1, 128>}, {pipeline_mode = #tpu.pipeline_mode<synchronous>, transform_indices = @transform_8, window_bounds = array<i64: 1, 128>}, {transform_indices = @transform_9, window_bounds = array<i64: 1024, 128>}]} {
    %get3A = arith.constant 0 : index
    %get3A_0 = arith.constant 0 : index
    %get3A_1 = vector.load %arg1[%get3A, %get3A_0] : memref<1024x128xf32, #tpu.memory_space<vmem>>, vector<1024x64xf32>
    %get3A_2 = arith.constant 0 : index
    %get3A_3 = arith.constant 0 : index
    %get3A_4 = vector.load %arg3[%get3A_2, %get3A_3] : memref<1x1xf32, #tpu.memory_space<vmem>>, vector<1x1xf32>
    %add3A = arith.constant 1.000000e+00 : f32
    %add3A_5 = vector.broadcast %add3A : f32 to vector<1x1xf32>
    %add3A_6 = arith.addf %add3A_5, %get3A_4 : vector<1x1xf32>
    %mul3A = vector.broadcast %add3A_6 : vector<1x1xf32> to vector<1024x64xf32>
    %mul3A_7 = arith.mulf %get3A_1, %mul3A : vector<1024x64xf32>
    %get3A_8 = arith.constant 0 : index
    %get3A_9 = arith.constant 0 : index
    %get3A_10 = vector.load %arg2[%get3A_8, %get3A_9] : memref<1024x64xf32, #tpu.memory_space<vmem>>, vector<1024x64xf32>
    %add3A_11 = arith.addf %mul3A_7, %get3A_10 : vector<1024x64xf32>
    %get3A_12 = arith.constant 0 : index
    %get3A_13 = arith.constant 0 : index
    %get3A_14 = vector.load %arg4[%get3A_12, %get3A_13] : memref<64x64xf32, #tpu.memory_space<vmem>>, vector<64x64xf32>
    %dot_general3A = arith.constant dense<0.000000e+00> : vector<1024x64xf32>
    %dot_general3A_15 = tpu.matmul %add3A_11, %get3A_14, %dot_general3A {dimension_numbers = #tpu.dot_dimension_numbers<[1], [0], [0], [1], [0, 0, 1, 1], [], []>, transpose_lhs_hint = false} : vector<1024x64xf32>, vector<64x64xf32>, vector<1024x64xf32> -> vector<1024x64xf32>
    %get3A_16 = arith.constant 0 : index
    %get3A_17 = arith.constant 0 : index
    %get3A_18 = vector.load %arg5[%get3A_16, %get3A_17] : memref<1x64xf32, #tpu.memory_space<vmem>>, vector<1x64xf32>
    %add3A_19 = vector.broadcast %get3A_18 : vector<1x64xf32> to vector<1024x64xf32>
    %add3A_20 = arith.addf %dot_general3A_15, %add3A_19 : vector<1024x64xf32>
    %max3A = arith.constant 0.000000e+00 : f32
    %max3A_21 = vector.broadcast %max3A : f32 to vector<1024x64xf32>
    %max3A_22 = arith.maximumf %add3A_20, %max3A_21 : vector<1024x64xf32>
    %get3A_23 = arith.constant 0 : index
    %get3A_24 = arith.constant 0 : index
    %get3A_25 = vector.load %arg6[%get3A_23, %get3A_24] : memref<64x128xf32, #tpu.memory_space<vmem>>, vector<64x128xf32>
    %dot_general3A_26 = arith.constant dense<0.000000e+00> : vector<1024x128xf32>
    %dot_general3A_27 = tpu.matmul %max3A_22, %get3A_25, %dot_general3A_26 {dimension_numbers = #tpu.dot_dimension_numbers<[1], [0], [0], [1], [0, 0, 1, 1], [], []>, transpose_lhs_hint = false} : vector<1024x64xf32>, vector<64x128xf32>, vector<1024x128xf32> -> vector<1024x128xf32>
    %get3A_28 = arith.constant 0 : index
    %get3A_29 = arith.constant 0 : index
    %get3A_30 = vector.load %arg7[%get3A_28, %get3A_29] : memref<1x128xf32, #tpu.memory_space<vmem>>, vector<1x128xf32>
    %add3A_31 = vector.broadcast %get3A_30 : vector<1x128xf32> to vector<1024x128xf32>
    %add3A_32 = arith.addf %dot_general3A_27, %add3A_31 : vector<1024x128xf32>
    %get3A_33 = arith.constant 0 : index
    %get3A_34 = arith.constant 0 : index
    %get3A_35 = vector.load %arg8[%get3A_33, %get3A_34] : memref<1x128xf32, #tpu.memory_space<vmem>>, vector<1x128xf32>
    %get3A_36 = arith.constant 0 : index
    %get3A_37 = arith.constant 0 : index
    %get3A_38 = vector.load %arg9[%get3A_36, %get3A_37] : memref<1x128xf32, #tpu.memory_space<vmem>>, vector<1x128xf32>
    %iota3A = tpu.iota {dimensions = array<i32: 1>} : vector<1x128xi32>
    %lt3A = arith.constant 64 : i32
    %lt3A_39 = vector.broadcast %lt3A : i32 to vector<1x128xi32>
    %lt3A_40 = arith.cmpi slt, %iota3A, %lt3A_39 : vector<1x128xi32>
    %convert_element_type3A = arith.extui %lt3A_40 : vector<1x128xi1> to vector<1x128xi32>
    %convert_element_type3A_41 = arith.sitofp %convert_element_type3A : vector<1x128xi32> to vector<1x128xf32>
    %reduce_sum3A = arith.constant dense<0.000000e+00> : vector<1024xf32>
    %reduce_sum3A_42 = vector.multi_reduction <add>, %add3A_32, %reduce_sum3A [1] : vector<1024x128xf32> to vector<1024xf32>
    %broadcast_in_dim3A = vector.shape_cast %reduce_sum3A_42 : vector<1024xf32> to vector<1024x1xf32>
    %mul3A_43 = arith.constant 1.562500e-02 : f32
    %mul3A_44 = vector.broadcast %mul3A_43 : f32 to vector<1024x1xf32>
    %mul3A_45 = arith.mulf %broadcast_in_dim3A, %mul3A_44 : vector<1024x1xf32>
    %sub3A = vector.broadcast %mul3A_45 : vector<1024x1xf32> to vector<1024x128xf32>
    %sub3A_46 = arith.subf %add3A_32, %sub3A : vector<1024x128xf32>
    %mul3A_47 = vector.broadcast %convert_element_type3A_41 : vector<1x128xf32> to vector<1024x128xf32>
    %mul3A_48 = arith.mulf %sub3A_46, %mul3A_47 : vector<1024x128xf32>
    %mul3A_49 = arith.mulf %mul3A_48, %mul3A_48 : vector<1024x128xf32>
    %reduce_sum3A_50 = arith.constant dense<0.000000e+00> : vector<1024xf32>
    %reduce_sum3A_51 = vector.multi_reduction <add>, %mul3A_49, %reduce_sum3A_50 [1] : vector<1024x128xf32> to vector<1024xf32>
    %broadcast_in_dim3A_52 = vector.shape_cast %reduce_sum3A_51 : vector<1024xf32> to vector<1024x1xf32>
    %mul3A_53 = arith.constant 1.562500e-02 : f32
    %mul3A_54 = vector.broadcast %mul3A_53 : f32 to vector<1024x1xf32>
    %mul3A_55 = arith.mulf %broadcast_in_dim3A_52, %mul3A_54 : vector<1024x1xf32>
    %add3A_56 = arith.constant 9.99999974E-6 : f32
    %add3A_57 = vector.broadcast %add3A_56 : f32 to vector<1024x1xf32>
    %add3A_58 = arith.addf %mul3A_55, %add3A_57 : vector<1024x1xf32>
    %rsqrt3A = math.rsqrt %add3A_58 : vector<1024x1xf32>
    %mul3A_59 = vector.broadcast %rsqrt3A : vector<1024x1xf32> to vector<1024x128xf32>
    %mul3A_60 = arith.mulf %mul3A_48, %mul3A_59 : vector<1024x128xf32>
    %mul3A_61 = vector.broadcast %get3A_35 : vector<1x128xf32> to vector<1024x128xf32>
    %mul3A_62 = arith.mulf %mul3A_60, %mul3A_61 : vector<1024x128xf32>
    %add3A_63 = vector.broadcast %get3A_38 : vector<1x128xf32> to vector<1024x128xf32>
    %add3A_64 = arith.addf %mul3A_62, %add3A_63 : vector<1024x128xf32>
    %swap3A = arith.constant 0 : index
    %swap3A_65 = arith.constant 0 : index
    %swap3A_66 = vector.load %arg10[%swap3A, %swap3A_65] : memref<1024x128xf32, #tpu.memory_space<vmem>>, vector<1024x128xf32>
    tpu.vector_store %arg10[%swap3A, %swap3A_65], %add3A_64 {strides = array<i32>} : memref<1024x128xf32, #tpu.memory_space<vmem>>, vector<1024x128xf32>,
    return
  }
  func.func @transform_0(%arg0: i32) -> (i32, i32) {
    %c0_i32 = arith.constant 0 : i32
    %c0_i32_0 = arith.constant 0 : i32
    return %arg0, %c0_i32 : i32, i32
  }
  func.func @transform_1(%arg0: i32) -> (i32, i32) {
    %c0_i32 = arith.constant 0 : i32
    %c0_i32_0 = arith.constant 0 : i32
    return %arg0, %c0_i32 : i32, i32
  }
  func.func @transform_2(%arg0: i32) -> (i32, i32) {
    %c0_i32 = arith.constant 0 : i32
    %c0_i32_0 = arith.constant 0 : i32
    %c0_i32_1 = arith.constant 0 : i32
    return %c0_i32, %c0_i32_0 : i32, i32
  }
  func.func @transform_3(%arg0: i32) -> (i32, i32) {
    %c0_i32 = arith.constant 0 : i32
    %c0_i32_0 = arith.constant 0 : i32
    %c0_i32_1 = arith.constant 0 : i32
    return %c0_i32, %c0_i32_0 : i32, i32
  }
  func.func @transform_4(%arg0: i32) -> (i32, i32) {
    %c0_i32 = arith.constant 0 : i32
    %c0_i32_0 = arith.constant 0 : i32
    %c0_i32_1 = arith.constant 0 : i32
    return %c0_i32, %c0_i32_0 : i32, i32
  }
  func.func @transform_5(%arg0: i32) -> (i32, i32) {
    %c0_i32 = arith.constant 0 : i32
    %c0_i32_0 = arith.constant 0 : i32
    %c0_i32_1 = arith.constant 0 : i32
    return %c0_i32, %c0_i32_0 : i32, i32
  }
  func.func @transform_6(%arg0: i32) -> (i32, i32) {
    %c0_i32 = arith.constant 0 : i32
    %c0_i32_0 = arith.constant 0 : i32
    %c0_i32_1 = arith.constant 0 : i32
    return %c0_i32, %c0_i32_0 : i32, i32
  }
  func.func @transform_7(%arg0: i32) -> (i32, i32) {
    %c0_i32 = arith.constant 0 : i32
    %c0_i32_0 = arith.constant 0 : i32
    %c0_i32_1 = arith.constant 0 : i32
    return %c0_i32, %c0_i32_0 : i32, i32
  }
  func.func @transform_8(%arg0: i32) -> (i32, i32) {
    %c0_i32 = arith.constant 0 : i32
    %c0_i32_0 = arith.constant 0 : i32
    %c0_i32_1 = arith.constant 0 : i32
    return %c0_i32, %c0_i32_0 : i32, i32
  }
  func.func @transform_9(%arg0: i32) -> (i32, i32) {
    %c0_i32 = arith.constant 0 : i32
    %c0_i32_0 = arith.constant 0 : i32
    return %arg0, %c0_i32 : i32, i32
  }
}

module attributes {stable_mosaic.version = 14 : i64} {
  func.func @_edge_body(%arg0: i32, %arg1: memref<1280x64xf32, #tpu.memory_space<vmem>>, %arg2: memref<1280x64xf32, #tpu.memory_space<vmem>>, %arg3: memref<1280x64xf32, #tpu.memory_space<vmem>>, %arg4: memref<1x1x1280xi32, #tpu.memory_space<vmem>>, %arg5: memref<1x8xi32, #tpu.memory_space<vmem>>, %arg6: memref<8x64xf32, #tpu.memory_space<vmem>>, %arg7: memref<64x128xf32, #tpu.memory_space<vmem>>, %arg8: memref<64x128xf32, #tpu.memory_space<vmem>>, %arg9: memref<64x128xf32, #tpu.memory_space<vmem>>, %arg10: memref<64x128xf32, #tpu.memory_space<vmem>>, %arg11: memref<1x128xf32, #tpu.memory_space<vmem>>, %arg12: memref<128x64xf32, #tpu.memory_space<vmem>>, %arg13: memref<1x64xf32, #tpu.memory_space<vmem>>, %arg14: memref<64x1xf32, #tpu.memory_space<vmem>>, %arg15: memref<1x1xf32, #tpu.memory_space<vmem>>, %arg16: memref<1280x1xf32, #tpu.memory_space<vmem>>) attributes {dimension_semantics = [#tpu.dimension_semantics<arbitrary>], iteration_bounds = array<i64: 625>, scalar_prefetch = 0 : i64, scratch_operands = 0 : i64, tpu.core_type = #tpu.core_type<tc>, window_params = [{transform_indices = @transform_0, window_bounds = array<i64: 1280, 64>}, {transform_indices = @transform_1, window_bounds = array<i64: 1280, 64>}, {transform_indices = @transform_2, window_bounds = array<i64: 1280, 64>}, {transform_indices = @transform_3, window_bounds = array<i64: 1, 1, 1280>}, {pipeline_mode = #tpu.pipeline_mode<synchronous>, transform_indices = @transform_4, window_bounds = array<i64: 1, 8>}, {pipeline_mode = #tpu.pipeline_mode<synchronous>, transform_indices = @transform_5, window_bounds = array<i64: 8, 64>}, {pipeline_mode = #tpu.pipeline_mode<synchronous>, transform_indices = @transform_6, window_bounds = array<i64: 64, 128>}, {pipeline_mode = #tpu.pipeline_mode<synchronous>, transform_indices = @transform_7, window_bounds = array<i64: 64, 128>}, {pipeline_mode = #tpu.pipeline_mode<synchronous>, transform_indices = @transform_8, window_bounds = array<i64: 64, 128>}, {pipeline_mode = #tpu.pipeline_mode<synchronous>, transform_indices = @transform_9, window_bounds = array<i64: 64, 128>}, {pipeline_mode = #tpu.pipeline_mode<synchronous>, transform_indices = @transform_10, window_bounds = array<i64: 1, 128>}, {pipeline_mode = #tpu.pipeline_mode<synchronous>, transform_indices = @transform_11, window_bounds = array<i64: 128, 64>}, {pipeline_mode = #tpu.pipeline_mode<synchronous>, transform_indices = @transform_12, window_bounds = array<i64: 1, 64>}, {pipeline_mode = #tpu.pipeline_mode<synchronous>, transform_indices = @transform_13, window_bounds = array<i64: 64, 1>}, {pipeline_mode = #tpu.pipeline_mode<synchronous>, transform_indices = @transform_14, window_bounds = array<i64: 1, 1>}, {transform_indices = @transform_15, window_bounds = array<i64: 1280, 1>}]} {
    %get3A = arith.constant 0 : index
    %get3A_0 = arith.constant 0 : index
    %get3A_1 = arith.constant 0 : index
    %get3A_2 = vector.load %arg4[%get3A, %get3A_0, %get3A_1] : memref<1x1x1280xi32, #tpu.memory_space<vmem>>, vector<1x1x1280xi32>
    %get3A_3 = vector.shape_cast %get3A_2 : vector<1x1x1280xi32> to vector<1280xi32>
    %get3A_4 = arith.constant 0 : index
    %get3A_5 = arith.constant 0 : index
    %get3A_6 = vector.load %arg5[%get3A_4, %get3A_5] : memref<1x8xi32, #tpu.memory_space<vmem>>, vector<1x8xi32>
    %get3A_7 = vector.shape_cast %get3A_6 : vector<1x8xi32> to vector<8xi32>
    %broadcast_in_dim3A = vector.shape_cast %get3A_3 : vector<1280xi32> to vector<1280x1xi32>
    %broadcast_in_dim3A_8 = vector.shape_cast %get3A_7 : vector<8xi32> to vector<1x8xi32>
    %ge3A = vector.broadcast %broadcast_in_dim3A : vector<1280x1xi32> to vector<1280x8xi32>
    %ge3A_9 = vector.broadcast %broadcast_in_dim3A_8 : vector<1x8xi32> to vector<1280x8xi32>
    %ge3A_10 = arith.cmpi sge, %ge3A, %ge3A_9 : vector<1280x8xi32>
    %convert_element_type3A = arith.extui %ge3A_10 : vector<1280x8xi1> to vector<1280x8xi32>
    %reduce_sum3A = arith.constant dense<0> : vector<1280xi32>
    %reduce_sum3A_11 = vector.multi_reduction <add>, %convert_element_type3A, %reduce_sum3A [1] : vector<1280x8xi32> to vector<1280xi32>
    %sub3A = arith.constant 1 : i32
    %sub3A_12 = vector.broadcast %sub3A : i32 to vector<1280xi32>
    %sub3A_13 = arith.subi %reduce_sum3A_11, %sub3A_12 : vector<1280xi32>
    %broadcast_in_dim3A_14 = vector.shape_cast %sub3A_13 : vector<1280xi32> to vector<1280x1xi32>
    %iota3A = tpu.iota {dimensions = array<i32: 1>} : vector<1280x8xi32>
    %eq3A = vector.broadcast %broadcast_in_dim3A_14 : vector<1280x1xi32> to vector<1280x8xi32>
    %eq3A_15 = arith.cmpi eq, %eq3A, %iota3A : vector<1280x8xi32>
    %convert_element_type3A_16 = arith.extui %eq3A_15 : vector<1280x8xi1> to vector<1280x8xi32>
    %convert_element_type3A_17 = arith.sitofp %convert_element_type3A_16 : vector<1280x8xi32> to vector<1280x8xf32>
    %get3A_18 = arith.constant 0 : index
    %get3A_19 = arith.constant 0 : index
    %get3A_20 = vector.load %arg6[%get3A_18, %get3A_19] : memref<8x64xf32, #tpu.memory_space<vmem>>, vector<8x64xf32>
    %get3A_21 = arith.constant 0 : index
    %get3A_22 = arith.constant 0 : index
    %get3A_23 = vector.load %arg9[%get3A_21, %get3A_22] : memref<64x128xf32, #tpu.memory_space<vmem>>, vector<64x128xf32>
    %dot_general3A = arith.constant dense<0.000000e+00> : vector<8x128xf32>
    %dot_general3A_24 = tpu.matmul %get3A_20, %get3A_23, %dot_general3A {dimension_numbers = #tpu.dot_dimension_numbers<[1], [0], [0], [1], [0, 0, 1, 1], [], []>, transpose_lhs_hint = false} : vector<8x64xf32>, vector<64x128xf32>, vector<8x128xf32> -> vector<8x128xf32>
    %get3A_25 = arith.constant 0 : index
    %get3A_26 = arith.constant 0 : index
    %get3A_27 = vector.load %arg1[%get3A_25, %get3A_26] : memref<1280x64xf32, #tpu.memory_space<vmem>>, vector<1280x64xf32>
    %get3A_28 = arith.constant 0 : index
    %get3A_29 = arith.constant 0 : index
    %get3A_30 = vector.load %arg7[%get3A_28, %get3A_29] : memref<64x128xf32, #tpu.memory_space<vmem>>, vector<64x128xf32>
    %dot_general3A_31 = arith.constant dense<0.000000e+00> : vector<1280x128xf32>
    %dot_general3A_32 = tpu.matmul %get3A_27, %get3A_30, %dot_general3A_31 {dimension_numbers = #tpu.dot_dimension_numbers<[1], [0], [0], [1], [0, 0, 1, 1], [], []>, transpose_lhs_hint = false} : vector<1280x64xf32>, vector<64x128xf32>, vector<1280x128xf32> -> vector<1280x128xf32>
    %get3A_33 = arith.constant 0 : index
    %get3A_34 = arith.constant 0 : index
    %get3A_35 = vector.load %arg2[%get3A_33, %get3A_34] : memref<1280x64xf32, #tpu.memory_space<vmem>>, vector<1280x64xf32>
    %get3A_36 = arith.constant 0 : index
    %get3A_37 = arith.constant 0 : index
    %get3A_38 = vector.load %arg8[%get3A_36, %get3A_37] : memref<64x128xf32, #tpu.memory_space<vmem>>, vector<64x128xf32>
    %dot_general3A_39 = arith.constant dense<0.000000e+00> : vector<1280x128xf32>
    %dot_general3A_40 = tpu.matmul %get3A_35, %get3A_38, %dot_general3A_39 {dimension_numbers = #tpu.dot_dimension_numbers<[1], [0], [0], [1], [0, 0, 1, 1], [], []>, transpose_lhs_hint = false} : vector<1280x64xf32>, vector<64x128xf32>, vector<1280x128xf32> -> vector<1280x128xf32>
    %add3A = arith.addf %dot_general3A_32, %dot_general3A_40 : vector<1280x128xf32>
    %get3A_41 = arith.constant 0 : index
    %get3A_42 = arith.constant 0 : index
    %get3A_43 = vector.load %arg3[%get3A_41, %get3A_42] : memref<1280x64xf32, #tpu.memory_space<vmem>>, vector<1280x64xf32>
    %get3A_44 = arith.constant 0 : index
    %get3A_45 = arith.constant 0 : index
    %get3A_46 = vector.load %arg10[%get3A_44, %get3A_45] : memref<64x128xf32, #tpu.memory_space<vmem>>, vector<64x128xf32>
    %dot_general3A_47 = arith.constant dense<0.000000e+00> : vector<1280x128xf32>
    %dot_general3A_48 = tpu.matmul %get3A_43, %get3A_46, %dot_general3A_47 {dimension_numbers = #tpu.dot_dimension_numbers<[1], [0], [0], [1], [0, 0, 1, 1], [], []>, transpose_lhs_hint = false} : vector<1280x64xf32>, vector<64x128xf32>, vector<1280x128xf32> -> vector<1280x128xf32>
    %add3A_49 = arith.addf %add3A, %dot_general3A_48 : vector<1280x128xf32>
    %dot_general3A_50 = arith.constant dense<0.000000e+00> : vector<1280x128xf32>
    %dot_general3A_51 = tpu.matmul %convert_element_type3A_17, %dot_general3A_24, %dot_general3A_50 {dimension_numbers = #tpu.dot_dimension_numbers<[1], [0], [0], [1], [0, 0, 1, 1], [], []>, transpose_lhs_hint = false} : vector<1280x8xf32>, vector<8x128xf32>, vector<1280x128xf32> -> vector<1280x128xf32>
    %add3A_52 = arith.addf %add3A_49, %dot_general3A_51 : vector<1280x128xf32>
    %get3A_53 = arith.constant 0 : index
    %get3A_54 = arith.constant 0 : index
    %get3A_55 = vector.load %arg11[%get3A_53, %get3A_54] : memref<1x128xf32, #tpu.memory_space<vmem>>, vector<1x128xf32>
    %add3A_56 = vector.broadcast %get3A_55 : vector<1x128xf32> to vector<1280x128xf32>
    %add3A_57 = arith.addf %add3A_52, %add3A_56 : vector<1280x128xf32>
    %tanh3A = math.tanh %add3A_57 : vector<1280x128xf32>
    %get3A_58 = arith.constant 0 : index
    %get3A_59 = arith.constant 0 : index
    %get3A_60 = vector.load %arg12[%get3A_58, %get3A_59] : memref<128x64xf32, #tpu.memory_space<vmem>>, vector<128x64xf32>
    %dot_general3A_61 = arith.constant dense<0.000000e+00> : vector<1280x64xf32>
    %dot_general3A_62 = tpu.matmul %tanh3A, %get3A_60, %dot_general3A_61 {dimension_numbers = #tpu.dot_dimension_numbers<[1], [0], [0], [1], [0, 0, 1, 1], [], []>, transpose_lhs_hint = false} : vector<1280x128xf32>, vector<128x64xf32>, vector<1280x64xf32> -> vector<1280x64xf32>
    %get3A_63 = arith.constant 0 : index
    %get3A_64 = arith.constant 0 : index
    %get3A_65 = vector.load %arg13[%get3A_63, %get3A_64] : memref<1x64xf32, #tpu.memory_space<vmem>>, vector<1x64xf32>
    %add3A_66 = vector.broadcast %get3A_65 : vector<1x64xf32> to vector<1280x64xf32>
    %add3A_67 = arith.addf %dot_general3A_62, %add3A_66 : vector<1280x64xf32>
    %tanh3A_68 = math.tanh %add3A_67 : vector<1280x64xf32>
    %get3A_69 = arith.constant 0 : index
    %get3A_70 = arith.constant 0 : index
    %get3A_71 = vector.load %arg14[%get3A_69, %get3A_70] : memref<64x1xf32, #tpu.memory_space<vmem>>, vector<64x1xf32>
    %dot_general3A_72 = arith.constant dense<0.000000e+00> : vector<1280x1xf32>
    %dot_general3A_73 = tpu.matmul %tanh3A_68, %get3A_71, %dot_general3A_72 {dimension_numbers = #tpu.dot_dimension_numbers<[1], [0], [0], [1], [0, 0, 1, 1], [], []>, transpose_lhs_hint = false} : vector<1280x64xf32>, vector<64x1xf32>, vector<1280x1xf32> -> vector<1280x1xf32>
    %get3A_74 = arith.constant 0 : index
    %get3A_75 = arith.constant 0 : index
    %get3A_76 = vector.load %arg15[%get3A_74, %get3A_75] : memref<1x1xf32, #tpu.memory_space<vmem>>, vector<1x1xf32>
    %add3A_77 = vector.broadcast %get3A_76 : vector<1x1xf32> to vector<1280x1xf32>
    %add3A_78 = arith.addf %dot_general3A_73, %add3A_77 : vector<1280x1xf32>
    %neg3A = arith.constant 0.000000e+00 : f32
    %neg3A_79 = vector.broadcast %neg3A : f32 to vector<1280x1xf32>
    %neg3A_80 = arith.subf %neg3A_79, %add3A_78 : vector<1280x1xf32>
    %exp3A = math.exp %neg3A_80 : vector<1280x1xf32>
    %add3A_81 = arith.constant 1.000000e+00 : f32
    %add3A_82 = vector.broadcast %add3A_81 : f32 to vector<1280x1xf32>
    %add3A_83 = arith.addf %add3A_82, %exp3A : vector<1280x1xf32>
    %div3A = arith.constant 1.000000e+00 : f32
    %div3A_84 = vector.broadcast %div3A : f32 to vector<1280x1xf32>
    %div3A_85 = arith.divf %div3A_84, %add3A_83 : vector<1280x1xf32>
    %swap3A = arith.constant 0 : index
    %swap3A_86 = arith.constant 0 : index
    %swap3A_87 = vector.load %arg16[%swap3A, %swap3A_86] : memref<1280x1xf32, #tpu.memory_space<vmem>>, vector<1280x1xf32>
    tpu.vector_store %arg16[%swap3A, %swap3A_86], %div3A_85 {strides = array<i32>} : memref<1280x1xf32, #tpu.memory_space<vmem>>, vector<1280x1xf32>,
    return
  }
  func.func @transform_0(%arg0: i32) -> (i32, i32) {
    %c0_i32 = arith.constant 0 : i32
    %c0_i32_0 = arith.constant 0 : i32
    return %arg0, %c0_i32 : i32, i32
  }
  func.func @transform_1(%arg0: i32) -> (i32, i32) {
    %c0_i32 = arith.constant 0 : i32
    %c0_i32_0 = arith.constant 0 : i32
    return %arg0, %c0_i32 : i32, i32
  }
  func.func @transform_2(%arg0: i32) -> (i32, i32) {
    %c0_i32 = arith.constant 0 : i32
    %c0_i32_0 = arith.constant 0 : i32
    return %arg0, %c0_i32 : i32, i32
  }
  func.func @transform_3(%arg0: i32) -> (i32, i32, i32) {
    %c0_i32 = arith.constant 0 : i32
    %c0_i32_0 = arith.constant 0 : i32
    %c0_i32_1 = arith.constant 0 : i32
    return %arg0, %c0_i32, %c0_i32_0 : i32, i32, i32
  }
  func.func @transform_4(%arg0: i32) -> (i32, i32) {
    %c0_i32 = arith.constant 0 : i32
    %c0_i32_0 = arith.constant 0 : i32
    %c0_i32_1 = arith.constant 0 : i32
    return %c0_i32, %c0_i32_0 : i32, i32
  }
  func.func @transform_5(%arg0: i32) -> (i32, i32) {
    %c0_i32 = arith.constant 0 : i32
    %c0_i32_0 = arith.constant 0 : i32
    %c0_i32_1 = arith.constant 0 : i32
    return %c0_i32, %c0_i32_0 : i32, i32
  }
  func.func @transform_6(%arg0: i32) -> (i32, i32) {
    %c0_i32 = arith.constant 0 : i32
    %c0_i32_0 = arith.constant 0 : i32
    %c0_i32_1 = arith.constant 0 : i32
    return %c0_i32, %c0_i32_0 : i32, i32
  }
  func.func @transform_7(%arg0: i32) -> (i32, i32) {
    %c0_i32 = arith.constant 0 : i32
    %c0_i32_0 = arith.constant 0 : i32
    %c0_i32_1 = arith.constant 0 : i32
    return %c0_i32, %c0_i32_0 : i32, i32
  }
  func.func @transform_8(%arg0: i32) -> (i32, i32) {
    %c0_i32 = arith.constant 0 : i32
    %c0_i32_0 = arith.constant 0 : i32
    %c0_i32_1 = arith.constant 0 : i32
    return %c0_i32, %c0_i32_0 : i32, i32
  }
  func.func @transform_9(%arg0: i32) -> (i32, i32) {
    %c0_i32 = arith.constant 0 : i32
    %c0_i32_0 = arith.constant 0 : i32
    %c0_i32_1 = arith.constant 0 : i32
    return %c0_i32, %c0_i32_0 : i32, i32
  }
  func.func @transform_10(%arg0: i32) -> (i32, i32) {
    %c0_i32 = arith.constant 0 : i32
    %c0_i32_0 = arith.constant 0 : i32
    %c0_i32_1 = arith.constant 0 : i32
    return %c0_i32, %c0_i32_0 : i32, i32
  }
  func.func @transform_11(%arg0: i32) -> (i32, i32) {
    %c0_i32 = arith.constant 0 : i32
    %c0_i32_0 = arith.constant 0 : i32
    %c0_i32_1 = arith.constant 0 : i32
    return %c0_i32, %c0_i32_0 : i32, i32
  }
  func.func @transform_12(%arg0: i32) -> (i32, i32) {
    %c0_i32 = arith.constant 0 : i32
    %c0_i32_0 = arith.constant 0 : i32
    %c0_i32_1 = arith.constant 0 : i32
    return %c0_i32, %c0_i32_0 : i32, i32
  }
  func.func @transform_13(%arg0: i32) -> (i32, i32) {
    %c0_i32 = arith.constant 0 : i32
    %c0_i32_0 = arith.constant 0 : i32
    %c0_i32_1 = arith.constant 0 : i32
    return %c0_i32, %c0_i32_0 : i32, i32
  }
  func.func @transform_14(%arg0: i32) -> (i32, i32) {
    %c0_i32 = arith.constant 0 : i32
    %c0_i32_0 = arith.constant 0 : i32
    %c0_i32_1 = arith.constant 0 : i32
    return %c0_i32, %c0_i32_0 : i32, i32
  }
  func.func @transform_15(%arg0: i32) -> (i32, i32) {
    %c0_i32 = arith.constant 0 : i32
    %c0_i32_0 = arith.constant 0 : i32
    return %arg0, %c0_i32 : i32, i32
  }
}

module attributes {stable_mosaic.version = 14 : i64} {
  func.func @_pool_body(%arg0: i32, %arg1: memref<1024x128xf32, #tpu.memory_space<vmem>>, %arg2: memref<1x1x1024xi32, #tpu.memory_space<vmem>>, %arg3: memref<64x64xf32, #tpu.memory_space<vmem>>, %arg4: memref<1x64xf32, #tpu.memory_space<vmem>>, %arg5: memref<1x64xf32, #tpu.memory_space<vmem>>, %arg6: memref<1x64xf32, #tpu.memory_space<vmem>>, %arg7: memref<8x64xf32, #tpu.memory_space<vmem>>, %arg8: memref<1x8xi32, #tpu.memory_space<vmem>>, %arg9: memref<8x64xf32, #tpu.memory_space<vmem>>, %arg10: memref<8x1xf32, #tpu.memory_space<vmem>>) attributes {dimension_semantics = [#tpu.dimension_semantics<arbitrary>], iteration_bounds = array<i64: 49>, scalar_prefetch = 0 : i64, scratch_operands = 2 : i64, tpu.core_type = #tpu.core_type<tc>, window_params = [{transform_indices = @transform_0, window_bounds = array<i64: 1024, 128>}, {transform_indices = @transform_1, window_bounds = array<i64: 1, 1, 1024>}, {pipeline_mode = #tpu.pipeline_mode<synchronous>, transform_indices = @transform_2, window_bounds = array<i64: 64, 64>}, {pipeline_mode = #tpu.pipeline_mode<synchronous>, transform_indices = @transform_3, window_bounds = array<i64: 1, 64>}, {pipeline_mode = #tpu.pipeline_mode<synchronous>, transform_indices = @transform_4, window_bounds = array<i64: 1, 64>}, {pipeline_mode = #tpu.pipeline_mode<synchronous>, transform_indices = @transform_5, window_bounds = array<i64: 1, 64>}, {pipeline_mode = #tpu.pipeline_mode<synchronous>, transform_indices = @transform_6, window_bounds = array<i64: 8, 64>}, {pipeline_mode = #tpu.pipeline_mode<synchronous>, transform_indices = @transform_7, window_bounds = array<i64: 1, 8>}]} {
    %eq3A = arith.constant 0 : i32
    %eq3A_0 = arith.cmpi eq, %arg0, %eq3A : i32
    %convert_element_type3A = arith.extui %eq3A_0 : i1 to i32
    %cond3A = arith.constant 0 : i32
    %cond3A_1 = arith.cmpi ne, %convert_element_type3A, %cond3A : i32
    scf.if %cond3A_1 {
      %broadcast_in_dim3A_42 = arith.constant 0.000000e+00 : f32
      %broadcast_in_dim3A_43 = vector.broadcast %broadcast_in_dim3A_42 : f32 to vector<8x64xf32>
      %swap3A_44 = arith.constant 0 : index
      %swap3A_45 = arith.constant 0 : index
      %swap3A_46 = vector.load %arg9[%swap3A_44, %swap3A_45] : memref<8x64xf32, #tpu.memory_space<vmem>>, vector<8x64xf32>
      tpu.vector_store %arg9[%swap3A_44, %swap3A_45], %broadcast_in_dim3A_43 {strides = array<i32>} : memref<8x64xf32, #tpu.memory_space<vmem>>, vector<8x64xf32>,
      %broadcast_in_dim3A_47 = arith.constant 0.000000e+00 : f32
      %broadcast_in_dim3A_48 = vector.broadcast %broadcast_in_dim3A_47 : f32 to vector<8x1xf32>
      %swap3A_49 = arith.constant 0 : index
      %swap3A_50 = arith.constant 0 : index
      %swap3A_51 = vector.load %arg10[%swap3A_49, %swap3A_50] : memref<8x1xf32, #tpu.memory_space<vmem>>, vector<8x1xf32>
      tpu.vector_store %arg10[%swap3A_49, %swap3A_50], %broadcast_in_dim3A_48 {strides = array<i32>} : memref<8x1xf32, #tpu.memory_space<vmem>>, vector<8x1xf32>,
    } else {
    }
    %mul3A = arith.constant 1024 : i32
    %mul3A_2 = arith.muli %arg0, %mul3A : i32
    %iota3A = tpu.iota {dimensions = array<i32: 0>} : vector<1024x1xi32>
    %add3A = vector.broadcast %mul3A_2 : i32 to vector<1024x1xi32>
    %add3A_3 = arith.addi %add3A, %iota3A : vector<1024x1xi32>
    %lt3A = arith.constant 50000 : i32
    %lt3A_4 = vector.broadcast %lt3A : i32 to vector<1024x1xi32>
    %lt3A_5 = arith.cmpi slt, %add3A_3, %lt3A_4 : vector<1024x1xi32>
    %get3A = arith.constant 0 : index
    %get3A_6 = arith.constant 0 : index
    %get3A_7 = vector.load %arg1[%get3A, %get3A_6] : memref<1024x128xf32, #tpu.memory_space<vmem>>, vector<1024x64xf32>
    %jit3A = arith.constant 0.000000e+00 : f32
    %broadcast_in_dim3A = vector.shape_cast %lt3A_5 : vector<1024x1xi1> to vector<1024x1xi1>
    %broadcast_in_dim3A_8 = vector.broadcast %broadcast_in_dim3A : vector<1024x1xi1> to vector<1024x64xi1>
    %broadcast_in_dim3A_9 = vector.broadcast %jit3A : f32 to vector<1024x64xf32>
    %select_n3A = arith.select %broadcast_in_dim3A_8, %get3A_7, %broadcast_in_dim3A_9 : vector<1024x64xi1>, vector<1024x64xf32>
    %get3A_10 = arith.constant 0 : index
    %get3A_11 = arith.constant 0 : index
    %get3A_12 = arith.constant 0 : index
    %get3A_13 = vector.load %arg2[%get3A_10, %get3A_11, %get3A_12] : memref<1x1x1024xi32, #tpu.memory_space<vmem>>, vector<1x1x1024xi32>
    %get3A_14 = vector.shape_cast %get3A_13 : vector<1x1x1024xi32> to vector<1024xi32>
    %broadcast_in_dim3A_15 = vector.shape_cast %get3A_14 : vector<1024xi32> to vector<1x1024xi32>
    %iota3A_16 = tpu.iota {dimensions = array<i32: 0>} : vector<8x1024xi32>
    %eq3A_17 = vector.broadcast %broadcast_in_dim3A_15 : vector<1x1024xi32> to vector<8x1024xi32>
    %eq3A_18 = arith.cmpi eq, %eq3A_17, %iota3A_16 : vector<8x1024xi32>
    %convert_element_type3A_19 = arith.extui %eq3A_18 : vector<8x1024xi1> to vector<8x1024xi32>
    %convert_element_type3A_20 = arith.sitofp %convert_element_type3A_19 : vector<8x1024xi32> to vector<8x1024xf32>
    %get3A_21 = arith.constant 0 : index
    %get3A_22 = arith.constant 0 : index
    %get3A_23 = vector.load %arg9[%get3A_21, %get3A_22] : memref<8x64xf32, #tpu.memory_space<vmem>>, vector<8x64xf32>
    %dot_general3A = arith.constant dense<0.000000e+00> : vector<8x64xf32>
    %dot_general3A_24 = tpu.matmul %convert_element_type3A_20, %select_n3A, %dot_general3A {dimension_numbers = #tpu.dot_dimension_numbers<[1], [0], [0], [1], [0, 0, 1, 1], [], []>, transpose_lhs_hint = false} : vector<8x1024xf32>, vector<1024x64xf32>, vector<8x64xf32> -> vector<8x64xf32>
    %add3A_25 = arith.addf %get3A_23, %dot_general3A_24 : vector<8x64xf32>
    %swap3A = arith.constant 0 : index
    %swap3A_26 = arith.constant 0 : index
    %swap3A_27 = vector.load %arg9[%swap3A, %swap3A_26] : memref<8x64xf32, #tpu.memory_space<vmem>>, vector<8x64xf32>
    tpu.vector_store %arg9[%swap3A, %swap3A_26], %add3A_25 {strides = array<i32>} : memref<8x64xf32, #tpu.memory_space<vmem>>, vector<8x64xf32>,
    %get3A_28 = arith.constant 0 : index
    %get3A_29 = arith.constant 0 : index
    %get3A_30 = vector.load %arg10[%get3A_28, %get3A_29] : memref<8x1xf32, #tpu.memory_space<vmem>>, vector<8x1xf32>
    %reduce_sum3A = arith.constant dense<0.000000e+00> : vector<8xf32>
    %reduce_sum3A_31 = vector.multi_reduction <add>, %convert_element_type3A_20, %reduce_sum3A [1] : vector<8x1024xf32> to vector<8xf32>
    %broadcast_in_dim3A_32 = vector.shape_cast %reduce_sum3A_31 : vector<8xf32> to vector<8x1xf32>
    %add3A_33 = arith.addf %get3A_30, %broadcast_in_dim3A_32 : vector<8x1xf32>
    %swap3A_34 = arith.constant 0 : index
    %swap3A_35 = arith.constant 0 : index
    %swap3A_36 = vector.load %arg10[%swap3A_34, %swap3A_35] : memref<8x1xf32, #tpu.memory_space<vmem>>, vector<8x1xf32>
    tpu.vector_store %arg10[%swap3A_34, %swap3A_35], %add3A_33 {strides = array<i32>} : memref<8x1xf32, #tpu.memory_space<vmem>>, vector<8x1xf32>,
    %eq3A_37 = arith.constant 48 : i32
    %eq3A_38 = arith.cmpi eq, %arg0, %eq3A_37 : i32
    %convert_element_type3A_39 = arith.extui %eq3A_38 : i1 to i32
    %cond3A_40 = arith.constant 0 : i32
    %cond3A_41 = arith.cmpi ne, %convert_element_type3A_39, %cond3A_40 : i32
    scf.if %cond3A_41 {
      %get3A_42 = arith.constant 0 : index
      %get3A_43 = arith.constant 0 : index
      %get3A_44 = vector.load %arg10[%get3A_42, %get3A_43] : memref<8x1xf32, #tpu.memory_space<vmem>>, vector<8x1xf32>
      %get3A_45 = arith.constant 0 : index
      %get3A_46 = arith.constant 0 : index
      %get3A_47 = vector.load %arg9[%get3A_45, %get3A_46] : memref<8x64xf32, #tpu.memory_space<vmem>>, vector<8x64xf32>
      %max3A = arith.constant 1.000000e+00 : f32
      %max3A_48 = vector.broadcast %max3A : f32 to vector<8x1xf32>
      %max3A_49 = arith.maximumf %get3A_44, %max3A_48 : vector<8x1xf32>
      %div3A = vector.broadcast %max3A_49 : vector<8x1xf32> to vector<8x64xf32>
      %div3A_50 = arith.divf %get3A_47, %div3A : vector<8x64xf32>
      %get3A_51 = arith.constant 0 : index
      %get3A_52 = arith.constant 0 : index
      %get3A_53 = vector.load %arg3[%get3A_51, %get3A_52] : memref<64x64xf32, #tpu.memory_space<vmem>>, vector<64x64xf32>
      %dot_general3A_54 = arith.constant dense<0.000000e+00> : vector<8x64xf32>
      %dot_general3A_55 = tpu.matmul %div3A_50, %get3A_53, %dot_general3A_54 {dimension_numbers = #tpu.dot_dimension_numbers<[1], [0], [0], [1], [0, 0, 1, 1], [], []>, transpose_lhs_hint = false} : vector<8x64xf32>, vector<64x64xf32>, vector<8x64xf32> -> vector<8x64xf32>
      %get3A_56 = arith.constant 0 : index
      %get3A_57 = arith.constant 0 : index
      %get3A_58 = vector.load %arg4[%get3A_56, %get3A_57] : memref<1x64xf32, #tpu.memory_space<vmem>>, vector<1x64xf32>
      %add3A_59 = vector.broadcast %get3A_58 : vector<1x64xf32> to vector<8x64xf32>
      %add3A_60 = arith.addf %dot_general3A_55, %add3A_59 : vector<8x64xf32>
      %max3A_61 = arith.constant 0.000000e+00 : f32
      %max3A_62 = vector.broadcast %max3A_61 : f32 to vector<8x64xf32>
      %max3A_63 = arith.maximumf %add3A_60, %max3A_62 : vector<8x64xf32>
      %reduce_sum3A_64 = arith.constant dense<0.000000e+00> : vector<8xf32>
      %reduce_sum3A_65 = vector.multi_reduction <add>, %max3A_63, %reduce_sum3A_64 [1] : vector<8x64xf32> to vector<8xf32>
      %broadcast_in_dim3A_66 = vector.shape_cast %reduce_sum3A_65 : vector<8xf32> to vector<8x1xf32>
      %div3A_67 = arith.constant 6.400000e+01 : f32
      %div3A_68 = vector.broadcast %div3A_67 : f32 to vector<8x1xf32>
      %div3A_69 = arith.divf %broadcast_in_dim3A_66, %div3A_68 : vector<8x1xf32>
      %sub3A = vector.broadcast %div3A_69 : vector<8x1xf32> to vector<8x64xf32>
      %sub3A_70 = arith.subf %max3A_63, %sub3A : vector<8x64xf32>
      %sub3A_71 = vector.broadcast %div3A_69 : vector<8x1xf32> to vector<8x64xf32>
      %sub3A_72 = arith.subf %max3A_63, %sub3A_71 : vector<8x64xf32>
      %mul3A_73 = arith.mulf %sub3A_70, %sub3A_72 : vector<8x64xf32>
      %reduce_sum3A_74 = arith.constant dense<0.000000e+00> : vector<8xf32>
      %reduce_sum3A_75 = vector.multi_reduction <add>, %mul3A_73, %reduce_sum3A_74 [1] : vector<8x64xf32> to vector<8xf32>
      %broadcast_in_dim3A_76 = vector.shape_cast %reduce_sum3A_75 : vector<8xf32> to vector<8x1xf32>
      %div3A_77 = arith.constant 6.400000e+01 : f32
      %div3A_78 = vector.broadcast %div3A_77 : f32 to vector<8x1xf32>
      %div3A_79 = arith.divf %broadcast_in_dim3A_76, %div3A_78 : vector<8x1xf32>
      %sub3A_80 = vector.broadcast %div3A_69 : vector<8x1xf32> to vector<8x64xf32>
      %sub3A_81 = arith.subf %max3A_63, %sub3A_80 : vector<8x64xf32>
      %add3A_82 = arith.constant 9.99999974E-6 : f32
      %add3A_83 = vector.broadcast %add3A_82 : f32 to vector<8x1xf32>
      %add3A_84 = arith.addf %div3A_79, %add3A_83 : vector<8x1xf32>
      %rsqrt3A = math.rsqrt %add3A_84 : vector<8x1xf32>
      %mul3A_85 = vector.broadcast %rsqrt3A : vector<8x1xf32> to vector<8x64xf32>
      %mul3A_86 = arith.mulf %sub3A_81, %mul3A_85 : vector<8x64xf32>
      %get3A_87 = arith.constant 0 : index
      %get3A_88 = arith.constant 0 : index
      %get3A_89 = vector.load %arg5[%get3A_87, %get3A_88] : memref<1x64xf32, #tpu.memory_space<vmem>>, vector<1x64xf32>
      %mul3A_90 = vector.broadcast %get3A_89 : vector<1x64xf32> to vector<8x64xf32>
      %mul3A_91 = arith.mulf %mul3A_86, %mul3A_90 : vector<8x64xf32>
      %get3A_92 = arith.constant 0 : index
      %get3A_93 = arith.constant 0 : index
      %get3A_94 = vector.load %arg6[%get3A_92, %get3A_93] : memref<1x64xf32, #tpu.memory_space<vmem>>, vector<1x64xf32>
      %add3A_95 = vector.broadcast %get3A_94 : vector<1x64xf32> to vector<8x64xf32>
      %add3A_96 = arith.addf %mul3A_91, %add3A_95 : vector<8x64xf32>
      %swap3A_97 = arith.constant 0 : index
      %swap3A_98 = arith.constant 0 : index
      %swap3A_99 = vector.load %arg7[%swap3A_97, %swap3A_98] : memref<8x64xf32, #tpu.memory_space<vmem>>, vector<8x64xf32>
      tpu.vector_store %arg7[%swap3A_97, %swap3A_98], %add3A_96 {strides = array<i32>} : memref<8x64xf32, #tpu.memory_space<vmem>>, vector<8x64xf32>,
      %iota3A_100 = tpu.iota {dimensions = array<i32: 0>} : vector<8x8xi32>
      %iota3A_101 = tpu.iota {dimensions = array<i32: 1>} : vector<8x8xi32>
      %lt3A_102 = arith.cmpi slt, %iota3A_101, %iota3A_100 : vector<8x8xi32>
      %convert_element_type3A_103 = arith.extui %lt3A_102 : vector<8x8xi1> to vector<8x8xi32>
      %convert_element_type3A_104 = arith.sitofp %convert_element_type3A_103 : vector<8x8xi32> to vector<8x8xf32>
      %squeeze3A = vector.shape_cast %get3A_44 : vector<8x1xf32> to vector<8xf32>
      %broadcast_in_dim3A_105 = vector.shape_cast %squeeze3A : vector<8xf32> to vector<1x8xf32>
      %mul3A_106 = vector.broadcast %broadcast_in_dim3A_105 : vector<1x8xf32> to vector<8x8xf32>
      %mul3A_107 = arith.mulf %convert_element_type3A_104, %mul3A_106 : vector<8x8xf32>
      %reduce_sum3A_108 = arith.constant dense<0.000000e+00> : vector<8xf32>
      %reduce_sum3A_109 = vector.multi_reduction <add>, %mul3A_107, %reduce_sum3A_108 [1] : vector<8x8xf32> to vector<8xf32>
      %broadcast_in_dim3A_110 = vector.shape_cast %reduce_sum3A_109 : vector<8xf32> to vector<1x8xf32>
      %convert_element_type3A_111 = arith.fptosi %broadcast_in_dim3A_110 : vector<1x8xf32> to vector<1x8xi32>
      %swap3A_112 = arith.constant 0 : index
      %swap3A_113 = arith.constant 0 : index
      %swap3A_114 = vector.load %arg8[%swap3A_112, %swap3A_113] : memref<1x8xi32, #tpu.memory_space<vmem>>, vector<1x8xi32>
      tpu.vector_store %arg8[%swap3A_112, %swap3A_113], %convert_element_type3A_111 {strides = array<i32>} : memref<1x8xi32, #tpu.memory_space<vmem>>, vector<1x8xi32>,
    } else {
    }
    return
  }
  func.func @transform_0(%arg0: i32) -> (i32, i32) {
    %c0_i32 = arith.constant 0 : i32
    %c0_i32_0 = arith.constant 0 : i32
    return %arg0, %c0_i32 : i32, i32
  }
  func.func @transform_1(%arg0: i32) -> (i32, i32, i32) {
    %c0_i32 = arith.constant 0 : i32
    %c0_i32_0 = arith.constant 0 : i32
    %c0_i32_1 = arith.constant 0 : i32
    return %arg0, %c0_i32, %c0_i32_0 : i32, i32, i32
  }
  func.func @transform_2(%arg0: i32) -> (i32, i32) {
    %c0_i32 = arith.constant 0 : i32
    %c0_i32_0 = arith.constant 0 : i32
    %c0_i32_1 = arith.constant 0 : i32
    return %c0_i32, %c0_i32_0 : i32, i32
  }
  func.func @transform_3(%arg0: i32) -> (i32, i32) {
    %c0_i32 = arith.constant 0 : i32
    %c0_i32_0 = arith.constant 0 : i32
    %c0_i32_1 = arith.constant 0 : i32
    return %c0_i32, %c0_i32_0 : i32, i32
  }
  func.func @transform_4(%arg0: i32) -> (i32, i32) {
    %c0_i32 = arith.constant 0 : i32
    %c0_i32_0 = arith.constant 0 : i32
    %c0_i32_1 = arith.constant 0 : i32
    return %c0_i32, %c0_i32_0 : i32, i32
  }
  func.func @transform_5(%arg0: i32) -> (i32, i32) {
    %c0_i32 = arith.constant 0 : i32
    %c0_i32_0 = arith.constant 0 : i32
    %c0_i32_1 = arith.constant 0 : i32
    return %c0_i32, %c0_i32_0 : i32, i32
  }
  func.func @transform_6(%arg0: i32) -> (i32, i32) {
    %c0_i32 = arith.constant 0 : i32
    %c0_i32_0 = arith.constant 0 : i32
    %c0_i32_1 = arith.constant 0 : i32
    return %c0_i32, %c0_i32_0 : i32, i32
  }
  func.func @transform_7(%arg0: i32) -> (i32, i32) {
    %c0_i32 = arith.constant 0 : i32
    %c0_i32_0 = arith.constant 0 : i32
    %c0_i32_1 = arith.constant 0 : i32
    return %c0_i32, %c0_i32_0 : i32, i32
  }
}

</mosaic_0001>

<sc_bundles>
// kernel: kernel.13.cloned.1.call-start
scs
__scs_entry_jumppad:
0x0: {  	(pc) =	sbr.rel $0x88, $3  }
0x1: {  	(tag) =	ssettag $0x0;
	lr =	simm.s32 $0x1  }
0x2: {  	[smem:$0x3F79] =	sst lr;
	_ =	strace $0xD0000000  }
0x3: {  	_ = 	snop  }
0x4: {  	_ = 	snop  }
0x5: {  	_ = 	snop  }
0x6: {  	_ = 	snop  }
0x7: {  	_ = 	snop  }
__scs_overlays_trampoline_lowered:
0x8: {  	[smem:$0x3F88] =	sst s0  }
0x9: {  	[smem:$0x3F89] =	sst s1  }
0xa: {  	[smem:$0x3F8A] =	sst s2  }
0xb: {  	[smem:$0x3F8B] =	sst s3  }
0xc: {  	[smem:$0x3F8C] =	sst s4  }
0xd: {  	[smem:$0x3F8D] =	sst s5  }
0xe: {  	[smem:$0x3F8E] =	sst s6  }
0xf: {  	[smem:$0x3F8F] =	sst s7  }
0x10: {  	[smem:$0x3F90] =	sst s8  }
0x11: {  	[smem:$0x3F91] =	sst s9;
	s0 =	simm.s32 @!p0 $0x0  }
0x12: {  	s1 =	sld [smem:$0x3F77];
	s0 =	simm.s32 @p0 $0x1  }
0x13: {  	[smem:$0x3F92] =	sst s0;
	s0 =	simm.s32 @!p1 $0x0  }
0x14: {  	s2 =	sld [smem:$0x3F76];
	s0 =	simm.s32 @p1 $0x1  }
0x15: {  	[smem:$0x3F93] =	sst s0;
	s0 =	simm.s32 @!p2 $0x0  }
0x16: {  	s3 =	sld [smem:$0x3FDB];
	s0 =	simm.s32 @p2 $0x1  }
0x17: {  	s4 =	simm.s32 $0x1BF5;
	[smem:$0x3F95] =	sst s0  }
0x18: {  	s0 =	sld [smem:$0x3F78];
	_ =	swait.ge [sflag:s4], $0x0  }
0x19: {  	s7 =	sld [smem:$0x3F79]  }
0x1a: {  	s8 =	sadd.s32 $0xFFFFE003, lr  }
0x1b: {  	s9 =	sadd.s32 $0xFFFFFEF7, lr;
	s5 =	simm.s32 $0xFFFFFFFF;
	p2 =	slt.u32 s8, $0xFFFFF086  }
0x1c: {  	p1 =	slt.u32 s9, $0xF7A;
	s5 =	simm.s32 @!p2 $0x0  }
0x1d: {  	s5 =	simm.s32 @p1 $0x1;
	p0 =	seq.s32 s7, s2  }
0x1e: {  	s7 =	smul.u32 @!p0 $0xF7A, s2;
	p2 =	seq.s32 @!p0 s5, $0x0  }
0x1f: {  	s9 =	smul.u32 $0xF7A, s1;
	s8 =	simm.s32 @!p0 $0x1BF5;
	p2 =	por !p2, p0  }
0x20: {  	[sflag:s8] =	ssyncset.s32 @!p0 $0xFFFFF086;
	s6 =	sadd.s32 @!p0 s3, s7;
	s7 =	simm.s32 @!p0 $0x108  }
0x21: {  	s3 =	sadd.s32 s3, s9;
	s6 =	sadd.s32 @!p0 $0x88, s6;
	s7 =	simm.s32 @p2 $0x1082  }
0x22: {  	[simem:s7], [sflag:s8] =	dma.local @!p0 [hbm:s6], $0xF7A  }
0x23: {  	s9 =	sor.u32 $0xD0000000, s2;
	s6 =	simm.s32 $0x108;
	_ =	swait.ge @!p0 [sflag:s8], $0x0  }
0x24: {  	s3 =	sadd.s32 $0x88, s3;
	s6 =	simm.s32 @!p1 $0x1082;
	[sflag:s4] =	ssyncset.s32 $0xFFFFF086  }
0x25: {  	[simem:s6], [sflag:s4] =	dma.local [hbm:s3], $0xF7A  }
0x26: {  	[smem:$0x3F79] =	sst s1;
	(tag) =	ssettag s2;
	_ =	strace s9  }
0x27: {  	s1 =	sld [smem:$0x3F89]  }
0x28: {  	s2 =	sld [smem:$0x3F8A]  }
0x29: {  	s4 =	sld [smem:$0x3F8C]  }
0x2a: {  	p0 =	seq.s32 s5, $0x0;
	s5 =	sld [smem:$0x3F8D]  }
0x2b: {  	s6 =	sld [smem:$0x3F8E]  }
0x2c: {  	s7 =	sld [smem:$0x3F8F]  }
0x2d: {  	s3 =	simm.s32 $0x108;
	s8 =	sld [smem:$0x3F90]  }
0x2e: {  	s3 =	simm.s32 @!p0 $0x1082;
	s9 =	sld [smem:$0x3F91]  }
0x2f: {  	lr =	sadd.s32 s0, s3;
	s0 =	sld [smem:$0x3F88]  }
0x30: {  	s3 =	sld [smem:$0x3F8B]  }
0x31: {  	[smem:$0x3F94] =	sst s10  }
0x32: {  	s10 =	sld [smem:$0x3F92];
	_ =	sdelay $0x3  }
0x33: {  	p0 =	seq.s32 s10, $0x1;
	s10 =	sld [smem:$0x3F94];
	_ =	sdelay $0x3  }
0x34: {  	[smem:$0x3F94] =	sst s10  }
0x35: {  	s10 =	sld [smem:$0x3F93];
	_ =	sdelay $0x3  }
0x36: {  	p1 =	seq.s32 s10, $0x1;
	s10 =	sld [smem:$0x3F94];
	_ =	sdelay $0x3  }
0x37: {  	[smem:$0x3F94] =	sst s10  }
0x38: {  	s10 =	sld [smem:$0x3F95]  }
0x39: {  	_ = 	snop;
	(pc) =	sbr.ind lr, $3  }
0x3a: {  	_ = 	snop  }
0x3b: {  	_ = 	snop  }
0x3c: {  	p2 =	seq.s32 s10, $0x1;
	s10 =	sld [smem:$0x3F94]  }
0x3d: {  	_ =	shalt  }
0x3e: {  	_ =	shalt  }
0x3f: {  	_ =	shalt  }
0x40: {  	_ =	shalt  }
0x41: {  	_ =	shalt  }
0x42: {  	_ =	shalt  }
0x43: {  	_ =	shalt  }
0x44: {  	_ =	shalt  }
0x45: {  	_ =	shalt  }
0x46: {  	_ =	shalt  }
0x47: {  	_ =	shalt  }
0x48: {  	_ =	shalt  }
0x49: {  	_ =	shalt  }
0x4a: {  	_ =	shalt  }
0x4b: {  	_ =	shalt  }
0x4c: {  	_ =	shalt  }
0x4d: {  	_ =	shalt  }
0x4e: {  	_ =	shalt  }
0x4f: {  	_ =	shalt  }
0x50: {  	_ =	shalt  }
0x51: {  	_ =	shalt  }
0x52: {  	_ =	shalt  }
0x53: {  	_ =	shalt  }
0x54: {  	_ =	shalt  }
0x55: {  	_ =	shalt  }
0x56: {  	_ =	shalt  }
0x57: {  	_ =	shalt  }
0x58: {  	_ =	shalt  }
0x59: {  	_ =	shalt  }
0x5a: {  	_ =	shalt  }
0x5b: {  	_ =	shalt  }
0x5c: {  	_ =	shalt  }
0x5d: {  	_ =	shalt  }
0x5e: {  	_ =	shalt  }
0x5f: {  	_ =	shalt  }
0x60: {  	_ =	shalt  }
0x61: {  	_ =	shalt  }
0x62: {  	_ =	shalt  }
0x63: {  	_ =	shalt  }
0x64: {  	_ =	shalt  }
0x65: {  	_ =	shalt  }
0x66: {  	_ =	shalt  }
0x67: {  	_ =	shalt  }
0x68: {  	_ =	shalt  }
0x69: {  	_ =	shalt  }
0x6a: {  	_ =	shalt  }
0x6b: {  	_ =	shalt  }
0x6c: {  	_ =	shalt  }
0x6d: {  	_ =	shalt  }
0x6e: {  	_ =	shalt  }
0x6f: {  	_ =	shalt  }
0x70: {  	_ =	shalt  }
0x71: {  	_ =	shalt  }
0x72: {  	_ =	shalt  }
0x73: {  	_ =	shalt  }
0x74: {  	_ =	shalt  }
0x75: {  	_ =	shalt  }
0x76: {  	_ =	shalt  }
0x77: {  	_ =	shalt  }
0x78: {  	_ =	shalt  }
0x79: {  	_ =	shalt  }
0x7a: {  	_ =	shalt  }
0x7b: {  	_ =	shalt  }
0x7c: {  	_ =	shalt  }
0x7d: {  	_ =	shalt  }
0x7e: {  	_ =	shalt  }
0x7f: {  	_ =	shalt  }
0x80: {  	_ =	shalt  }
0x81: {  	_ =	shalt  }
0x82: {  	_ =	shalt  }
0x83: {  	_ =	shalt  }
0x84: {  	_ =	shalt  }
0x85: {  	_ =	shalt  }
0x86: {  	_ =	shalt  }
0x87: {  	_ =	shalt  }
.Lfunc_end0:
.L_simem_size_0:
called_computation_lowered:
.L_overlay_start_0:
0x88: {  	s2 =	sld [smem:$0x3FD9]  }
0x89: {  	s3 =	sld [smem:$0x3FFE];
	_ =	sdelay $0x1  }
0x8a: {  	s1 =	srdreg.scid  }
0x8b: {  	s0 =	sand.u32 $0x1, s1  }
0x8c: {  	s16 =	sshll.u32 s0, $0xA;
	s2 =	sadd.s32 s3, s2  }
0x8d: {  	s2 =	sadd.s32 s2, s16  }
0x8e: {  	[smem:$0x3FA0] =	sst s2  }
0x8f: {  	_ = 	snop  }
0x90: {  	(tm) =	ssettm $0x1  }
0x91: {  	s17 =	sld [smem:$0x3FFB];
	_ =	sdelay $0x3  }
0x92: {  	_ =	strace s17  }
0x93: {  	s2 =	sld [smem:$0x3FFC];
	_ =	sdelay $0x3  }
0x94: {  	_ =	strace s2  }
0x95: {  	s2 =	sld [smem:$0x3FFD];
	_ =	sdelay $0x3  }
0x96: {  	_ =	strace s2  }
0x97: {  	_ =	strace $0x8FFFFFFF  }
0x98: {  	s18 =	sld [smem:$0x3FDB];
	_ =	sdelay $0x1  }
0x99: {  	s19 =	simm.s32 $_scs_section_size  }
0x9a: {  	s4 =	simm.s32 $_size__tile_overlayer_lowered;
	s5 =	simm.s32 $_tile_overlayer_lowered  }
0x9b: {  	s22 =	simm.s32 $0x1BFF;
	s21 =	sshll.u32 s5, $0x1;
	s2 =	sadd.s32 s19, s18  }
0x9c: {  	s6 =	simm.s32 $0x0;
	s20 =	sshll.u32 s4, $0x1;
	s4 =	sadd.s32 s21, s2  }
0x9d: {  	[timem:s6], [sflag:s22] =	dma.local [hbm:s4], s20  }
0x9e: {  	_ =	swait.ge [sflag:s22], s20  }
0x9f: {  	s3 =	ssub.s32 $0x0, s20;
	[sflag:s22] =	ssyncset.done $0x0  }
0xa0: {  	[sflag:s22] =	ssyncadd.s32 s3;
	_ =	sdelay $0x1  }
0xa1: {  	s23 =	simm.s32 $0x1B8B  }
0xa2: {  	_ =	swait.ge [sflag:s23], $0x1  }
0xa3: {  	[sflag:s23] =	ssyncset.done $0x0  }
0xa4: {  	s25 =	simm.s32 $0x1B8E;
	s24 =	sld [smem:$0x3FFE];
	[sflag:s23] =	ssyncadd.s32 $0xFFFFFFFF  }
0xa5: {  	s26 =	simm.s32 $execute0_lowered;
	[smem:$0x3FD2] =	sst s25  }
0xa6: {  	s4 =	sshll.u32 s26, $0x1;
	_ =	strace $0x80000046;
	[dreg:$0x1] =	wrdreg $0xFFFFFFFF  }
0xa7: {  	s28 =	simm.s32 $_size_execute0_lowered;
	s2 =	sadd.s32 s2, s4;
	[dreg:$0x0] =	wrdreg $0x0  }
0xa8: {  	s4 =	sshll.u32 s28, $0x1;
	[dreg:$0x2] =	wrdreg s2  }
0xa9: {  	[dreg:$0x3] =	wrdreg s4  }
0xaa: {  	[dreg:$0x4] =	wrdreg $0xC0  }
0xab: {  	_ =	task [dreg:s6], $0x5FFFF  }
0xac: {  	[dreg:$0x1] =	wrdreg $0xFFFFFFFF  }
0xad: {  	[dreg:$0x0] =	wrdreg $0x60  }
0xae: {  	[dreg:$0x2] =	wrdreg s24  }
0xaf: {  	[dreg:$0x3] =	wrdreg $0x9  }
0xb0: {  	_ =	task.clear_ibuf [dreg:s6], $0x4FFFF;
	_ =	strace $0x90000046  }
0xb1: {  	s29 =	simm.s32 $0x9;
	_ =	strace $0x80000048  }
0xb2: {  	_ =	swait.ge [sflag:s29], $0x1  }
0xb3: {  	[sflag:s29] =	ssyncadd.s32 $0xFFFFFFFF  }
0xb4: {  	_ =	strace $0x90000048  }
0xb5: {  	_ =	sfence  }
0xb6: {  	s30 =	sld [smem:$0x0];
	_ =	sdelay $0x2  }
0xb7: {  	s31 =	sshll.u32 s1, $0xD;
	s1 =	sshrl.u32 s1, $0x2  }
0xb8: {  	s3 =	sand.u32 $0x4000, s31;
	s1 =	sadd.s32 s1, s30  }
0xb9: {  	s0 =	sor.u32 s3, s0;
	s1 =	sshll.u32 s1, $0x11  }
0xba: {  	s0 =	sor.u32 s1, s0  }
0xbb: {  	s0 =	sadd.s32 $0x8F2B, s0  }
0xbc: {  	[sflag:s0] =	ssyncadd.remote.s32 $0x1  }
0xbd: {  	_ =	sfence.sel $0xFFFF  }
0xbe: {  	[dreg:$0x0] =	wrdreg $0xFFFFFFFF;
	(pc) =	sbr.abs _section_cstart, $3  }
0xbf: {  	[dreg:$0x1] =	wrdreg $0xFFFFFFFF  }
0xc0: {  	_ =	task.clear_ibuf [dreg:s6], $0x2FFFF;
	_ =	strace $0x9FFFFFFF  }
0xc1: {  	(tm) =	ssettm $0x7FFFFFFF  }
tec
execute0_lowered:
.L_overlay_start_1:
0x0: {  	(tag) =	ssettag $0x1  }
0x1: {  	s0 =	rddreg [dreg:$0x0];
	s1 =	simm.s32 $0x0;
	s4 =	srdreg.scid  }
0x2: {  	s2 =	stileid.u32;
	s10 =	simm.s32 $0x7;
	s11 =	simm.s32 $0x28  }
0x3: {  	s12 =	simm.s32 $0x400;
	s13 =	simm.s32 $0x2C00;
	s14 =	simm.s32 $0x1  }
0x4: {  	s15 =	simm.s32 $0x3;
	s16 =	simm.s32 $0x5400;
	s17 =	simm.s32 $0x2  }
0x5: {  	s18 =	simm.s32 $0x4;
	s19 =	simm.s32 $0x5E00;
	s20 =	simm.s32 $0x6  }
0x6: {  	s21 =	simm.s32 $0x5;
	s22 =	simm.s32 $0x0;
	[smem:$0x7FF] =	sst s1  }
.Ltmp0:
0x7: {  	s3 =	sadd.s32 $0xFB800, s0;
	s6 =	sand.u32 $0x1, s4;
	(pc) =	sbr.rel .LBB2_1-.Ltmp0, $4  }
0x8: {  	s4 =	sadd.s32 $0x1965800, s0;
	s8 =	sshll.u32 s2, $0x1;
	s7 =	ssub.s32 $0x2, s6  }
0x9: {  	s5 =	sadd.s32 $0x1F000, s0;
	_ =	strace $0x80000047;
	s9 =	sshrl.u32 s7, $0x1  }
0xa: {  	s8 =	sor.u32 s6, s8;
	s6 =	sadd.s32 $0x1BF800, s0;
	s9 =	ssub.s32 s7, s9  }
0xb: {  	s7 =	smul.u32 $0x61A8, s8;
	s8 =	sadd.s32 $0x1965A80, s0;
	s9 =	smax.u32 s9, $0x1  }
.LBB2_13:
0xc: {  	s22 =	sadd.s32 $0x1, s22  }
0xd: {  	p0 =	sne.s32 s22, s9  }
.Ltmp1:
0xe: {  	_ = 	snop;
	(pc) =	sbr.rel @!p0 .LBB2_14-.Ltmp1, $1  }
0xf: {  	_ =	sdelay $0x3  }
.LBB2_1:
.Ltmp2:
0x10: {  	(pc) =	sbr.rel .LBB2_2-.Ltmp2, $2  }
0x11: {  	_ =	sdelay $0x2  }
0x12: {  	s23 =	simm.s32 $0x0  }
.LBB2_12:
0x13: {  	s23 =	sadd.s32 $0x1, s23  }
0x14: {  	_ =	swait.ge [sflag:s20], $0xA00;
	p0 =	sne.s32 s23, $0x19  }
.Ltmp3:
0x15: {  	[sflag:s20] =	ssyncset.done $0x0;
	(pc) =	sbr.rel @!p0 .LBB2_13-.Ltmp3, $4  }
0x16: {  	[sflag:s20] =	ssyncadd.s32 $0xFFFFF600  }
0x17: {  	_ =	swait.ge [sflag:s21], $0xA00  }
0x18: {  	[sflag:s21] =	ssyncset.done $0x0  }
0x19: {  	[sflag:s21] =	ssyncadd.s32 $0xFFFFF600  }
.LBB2_2:
0x1a: {  	s0 =	smul.u32 $0x3E8, s23;
	_ =	sdelay $0x1  }
0x1b: {  	s24 =	sadd.s32 s7, s0  }
0x1c: {  	s0 =	sshrl.u32 s24, $0x3  }
0x1d: {  	s28 =	simm.s32 $0x0;
	s0 =	sadd.s32 s5, s0  }
0x1e: {  	[tilespmem:s28], [sflag:$0x7] =	stream.linear.gather [hbm4b:s0+s28], $0x3E8, $0x38;
	[tilespmem:$0x6800] =	vst v63  }
0x1f: {  	_ =	swait.ge [sflag:s10], $0x3E8  }
.Ltmp4:
0x20: {  	[sflag:s10] =	ssyncset.done $0x0;
	(pc) =	sbr.rel .LBB2_3-.Ltmp4, $4  }
0x21: {  	s31 =	sshll.u32 s24, $0x4;
	[sflag:s10] =	ssyncadd.s32 $0xFFFFFC18  }
0x22: {  	[tilespmem:s12], [sflag:$0x1] =	stream.indirect.gather [hbm4b:s3+s11], $0x80, s28, s11, $0xb8;
	[tilespmem:$0x6800] =	vst v63  }
0x23: {  	s0 =	sadd.s32 s4, s31  }
0x24: {  	[tilespmem:s13], [sflag:$0x3] =	stream.linear.gather [hbm4b:s0+s28], $0x1400, $0x38;
	[tilespmem:$0x6800] =	vst v63  }
.LBB2_10:
0x25: {  	v0 =	vadd.f32 v1, v0;
	_ =	sdelay $0x1  }
0x26: {  	s0 =	sshll.u32 s26, $0x3;
	v0 =	vmax.f32 v0, $0.0e+00  }
0x27: {  	s0 =	sadd.s32 s6, s0;
	[tilespmem:s29+$0x10] =	vst v0  }
0x28: {  	[hbm4b:s0+s1] =	stream.linear.scatter [tilespmem:s19], [sflag:$0x6], $0xA00, $0x38;
	[tilespmem:$0x6800] =	vst v63  }
.LBB2_11:
0x29: {  	p0 =	sne.s32 s25, $0x19  }
.Ltmp5:
0x2a: {  	_ = 	snop;
	(pc) =	sbr.rel @!p0 .LBB2_12-.Ltmp5, $2  }
0x2b: {  	_ =	sdelay $0x2  }
0x2c: {  	s28 =	smov.u32 s25  }
.LBB2_3:
0x2d: {  	s29 =	sand.u32 $0x1, s28;
	p0 =	seq.s32 s28, $0x18  }
0x2e: {  	p1 =	sne.s32 @!p0 s29, $0x0  }
0x2f: {  	s0 =	smul.u32 $0x28, s28;
	s25 =	sadd.s32 $0x1, s28;
	p0 =	por p1, p0  }
0x30: {  	s30 =	smul.u32 @!p0 $0xA0, s25  }
0x31: {  	s26 =	sadd.s32 s24, s0;
	p1 =	seq.s32 s29, $0x0  }
0x32: {  	s31 =	simm.s32 @!p0 $0x1800;
	s0 =	sshra.s32 @!p0 s30, $0x2;
	s30 =	simm.s32 @!p0 $0x28  }
0x33: {  	[tilespmem:s31], [sflag:$0x2] =	stream.indirect.gather @!p0 [hbm4b:s3+s30], $0x80, s0, s30, $0xb8;
	[tilespmem:$0x6800] =	vst v63  }
0x34: {  	s2 =	smul.u32 @!p1 $0xA0, s25;
	s0 =	sshll.u32 @!p0 s26, $0x4  }
0x35: {  	s30 =	simm.s32 @!p0 $0x0;
	s31 =	simm.s32 @!p0 $0x4000;
	s0 =	sadd.s32 @!p0 s0, s8  }
0x36: {  	[tilespmem:s31], [sflag:$0x4] =	stream.linear.gather @!p0 [hbm4b:s0+s30], $0x1400, $0x38;
	[tilespmem:$0x6800] =	vst v63  }
0x37: {  	s0 =	sshra.s32 @!p1 s2, $0x2;
	p0 =	sne.s32 s29, $0x0  }
.Ltmp6:
0x38: {  	s2 =	simm.s32 @!p1 $0x28;
	s30 =	simm.s32 @!p1 $0x400;
	(pc) =	sbr.rel @p0 .LBB2_7-.Ltmp6, $4  }
0x39: {  	[tilespmem:s30], [sflag:$0x1] =	stream.indirect.gather @!p1 [hbm4b:s3+s2], $0x80, s0, s2, $0xb8;
	[tilespmem:$0x6800] =	vst v63  }
0x3a: {  	s0 =	sshll.u32 @!p1 s26, $0x4  }
0x3b: {  	s2 =	simm.s32 @!p1 $0x0;
	s30 =	simm.s32 @!p1 $0x2C00;
	s0 =	sadd.s32 @!p1 s0, s8  }
0x3c: {  	[tilespmem:s30], [sflag:$0x3] =	stream.linear.gather @!p1 [hbm4b:s0+s2], $0x1400, $0x38;
	[tilespmem:$0x6800] =	vst v63  }
0x3d: {  	_ =	swait.ge [sflag:s14], $0x1400  }
0x3e: {  	[sflag:s14] =	ssyncset.done $0x0  }
0x3f: {  	[sflag:s14] =	ssyncadd.s32 $0xFFFFEC00  }
0x40: {  	_ =	swait.ge [sflag:s15], $0x1400  }
0x41: {  	p0 =	slt.u32 s28, $0x2;
	[sflag:s15] =	ssyncset.done $0x0  }
0x42: {  	s0 =	simm.s32 @!p0 $0x5;
	[sflag:s15] =	ssyncadd.s32 $0xFFFFEC00  }
0x43: {  	_ =	swait.ge @!p0 [sflag:s0], $0xA00  }
0x44: {  	[sflag:s0] =	ssyncset.done @!p0 $0x0  }
0x45: {  	s2 =	simm.s32 $0x0;
	[sflag:s0] =	ssyncadd.s32 @!p0 $0xFFFFF600  }
0x46: {  	v0 =	vld [tilespmem:s2+$0x400]  }
0x47: {  	v1 =	vld [tilespmem:s2+$0x2C00];
	_ =	sdelay $0x4  }
0x48: {  	v0 =	vadd.f32 v1, v0;
	_ =	sdelay $0x1  }
0x49: {  	s30 =	simm.s32 $0x5420;
	v0 =	vmax.f32 v0, $0.0e+00  }
0x4a: {  	[tilespmem:s30+$0xFFFFFFE0] =	vst v0  }
0x4b: {  	v0 =	vld [tilespmem:s2+$0x410]  }
0x4c: {  	v1 =	vld [tilespmem:s2+$0x2C10];
	_ =	sdelay $0x4  }
0x4d: {  	v0 =	vadd.f32 v1, v0;
	_ =	sdelay $0x1  }
0x4e: {  	v0 =	vmax.f32 v0, $0.0e+00  }
0x4f: {  	[tilespmem:s30+$0xFFFFFFF0] =	vst v0  }
0x50: {  	v0 =	vld [tilespmem:s2+$0x420]  }
0x51: {  	v1 =	vld [tilespmem:s2+$0x2C20];
	_ =	sdelay $0x4  }
0x52: {  	v0 =	vadd.f32 v1, v0;
	_ =	sdelay $0x1  }
0x53: {  	v0 =	vmax.f32 v0, $0.0e+00  }
0x54: {  	[tilespmem:s30+$0x0] =	vst v0  }
0x55: {  	v0 =	vld [tilespmem:s2+$0x430]  }
0x56: {  	s31 =	simm.s32 $0x5420;
	s0 =	simm.s32 $0x200;
	v1 =	vld [tilespmem:s2+$0x2C30]  }
.LBB2_5:
0x57: {  	_ =	sdelay $0x1  }
0x58: {  	p0 =	sne.s32 s0, $0x4E00  }
0x59: {  	s30 =	sadd.s32 $0x40, s30;
	s2 =	smov.u32 s0;
	s0 =	sadd.s32 $0x200, s0  }
0x5a: {  	v0 =	vadd.f32 v1, v0;
	_ =	sdelay $0x1  }
0x5b: {  	v0 =	vmax.f32 v0, $0.0e+00  }
0x5c: {  	s2 =	sshra.s32 s2, $0x2;
	[tilespmem:s31+$0x10] =	vst v0;
	s31 =	smov.u32 s30  }
0x5d: {  	v0 =	vld [tilespmem:s2+$0x400]  }
0x5e: {  	v1 =	vld [tilespmem:s2+$0x2C00];
	_ =	sdelay $0x4  }
0x5f: {  	v0 =	vadd.f32 v1, v0;
	_ =	sdelay $0x1  }
0x60: {  	v0 =	vmax.f32 v0, $0.0e+00  }
0x61: {  	[tilespmem:s30+$0xFFFFFFE0] =	vst v0  }
0x62: {  	v0 =	vld [tilespmem:s2+$0x410]  }
0x63: {  	v1 =	vld [tilespmem:s2+$0x2C10];
	_ =	sdelay $0x4  }
0x64: {  	v0 =	vadd.f32 v1, v0;
	_ =	sdelay $0x1  }
0x65: {  	v0 =	vmax.f32 v0, $0.0e+00  }
0x66: {  	[tilespmem:s30+$0xFFFFFFF0] =	vst v0  }
0x67: {  	v0 =	vld [tilespmem:s2+$0x420]  }
0x68: {  	v1 =	vld [tilespmem:s2+$0x2C20];
	_ =	sdelay $0x4  }
0x69: {  	v0 =	vadd.f32 v1, v0  }
.Ltmp7:
0x6a: {  	(pc) =	sbr.rel @p0 .LBB2_5-.Ltmp7, $4  }
0x6b: {  	v0 =	vmax.f32 v0, $0.0e+00  }
0x6c: {  	[tilespmem:s30+$0x0] =	vst v0  }
0x6d: {  	v0 =	vld [tilespmem:s2+$0x430]  }
0x6e: {  	v1 =	vld [tilespmem:s2+$0x2C30]  }
0x6f: {  	_ =	sdelay $0x3  }
0x70: {  	v0 =	vadd.f32 v1, v0;
	_ =	sdelay $0x1  }
0x71: {  	s0 =	sshll.u32 s26, $0x3;
	v0 =	vmax.f32 v0, $0.0e+00  }
0x72: {  	s0 =	sadd.s32 s6, s0;
	[tilespmem:s31+$0x10] =	vst v0  }
0x73: {  	[hbm4b:s0+s1] =	stream.linear.scatter [tilespmem:s16], [sflag:$0x5], $0xA00, $0x38;
	[tilespmem:$0x6800] =	vst v63  }
.LBB2_7:
0x74: {  	p0 =	seq.s32 s29, $0x1  }
.Ltmp8:
0x75: {  	_ = 	snop;
	(pc) =	sbr.rel @!p0 .LBB2_11-.Ltmp8, $1  }
0x76: {  	_ =	sdelay $0x3  }
0x77: {  	_ =	swait.ge [sflag:s17], $0x1400  }
0x78: {  	[sflag:s17] =	ssyncset.done $0x0  }
0x79: {  	[sflag:s17] =	ssyncadd.s32 $0xFFFFEC00  }
0x7a: {  	_ =	swait.ge [sflag:s18], $0x1400  }
0x7b: {  	p0 =	slt.u32 s28, $0x2;
	[sflag:s18] =	ssyncset.done $0x0  }
0x7c: {  	s0 =	simm.s32 @!p0 $0x6;
	[sflag:s18] =	ssyncadd.s32 $0xFFFFEC00  }
0x7d: {  	_ =	swait.ge @!p0 [sflag:s0], $0xA00  }
0x7e: {  	[sflag:s0] =	ssyncset.done @!p0 $0x0  }
0x7f: {  	s2 =	simm.s32 $0x0;
	[sflag:s0] =	ssyncadd.s32 @!p0 $0xFFFFF600  }
0x80: {  	v0 =	vld [tilespmem:s2+$0x1800]  }
0x81: {  	v1 =	vld [tilespmem:s2+$0x4000];
	_ =	sdelay $0x4  }
0x82: {  	v0 =	vadd.f32 v1, v0;
	_ =	sdelay $0x1  }
0x83: {  	s28 =	simm.s32 $0x5E20;
	v0 =	vmax.f32 v0, $0.0e+00  }
0x84: {  	[tilespmem:s28+$0xFFFFFFE0] =	vst v0  }
0x85: {  	v0 =	vld [tilespmem:s2+$0x1810]  }
0x86: {  	v1 =	vld [tilespmem:s2+$0x4010];
	_ =	sdelay $0x4  }
0x87: {  	v0 =	vadd.f32 v1, v0;
	_ =	sdelay $0x1  }
0x88: {  	v0 =	vmax.f32 v0, $0.0e+00  }
0x89: {  	[tilespmem:s28+$0xFFFFFFF0] =	vst v0  }
0x8a: {  	v0 =	vld [tilespmem:s2+$0x1820]  }
0x8b: {  	v1 =	vld [tilespmem:s2+$0x4020];
	_ =	sdelay $0x4  }
0x8c: {  	v0 =	vadd.f32 v1, v0;
	_ =	sdelay $0x1  }
0x8d: {  	v0 =	vmax.f32 v0, $0.0e+00  }
0x8e: {  	[tilespmem:s28+$0x0] =	vst v0  }
0x8f: {  	v0 =	vld [tilespmem:s2+$0x1830]  }
0x90: {  	v1 =	vld [tilespmem:s2+$0x4030];
	_ =	sdelay $0x1  }
0x91: {  	s29 =	simm.s32 $0x5E20;
	s0 =	simm.s32 $0x200  }
.LBB2_9:
0x92: {  	p0 =	sne.s32 s0, $0x4E00  }
0x93: {  	s28 =	sadd.s32 $0x40, s28;
	s2 =	smov.u32 s0;
	s0 =	sadd.s32 $0x200, s0  }
0x94: {  	v0 =	vadd.f32 v1, v0;
	_ =	sdelay $0x1  }
0x95: {  	v0 =	vmax.f32 v0, $0.0e+00  }
0x96: {  	s2 =	sshra.s32 s2, $0x2;
	[tilespmem:s29+$0x10] =	vst v0;
	s29 =	smov.u32 s28  }
0x97: {  	v0 =	vld [tilespmem:s2+$0x1800]  }
0x98: {  	v1 =	vld [tilespmem:s2+$0x4000];
	_ =	sdelay $0x4  }
0x99: {  	v0 =	vadd.f32 v1, v0;
	_ =	sdelay $0x1  }
0x9a: {  	v0 =	vmax.f32 v0, $0.0e+00  }
0x9b: {  	[tilespmem:s28+$0xFFFFFFE0] =	vst v0  }
0x9c: {  	v0 =	vld [tilespmem:s2+$0x1810]  }
0x9d: {  	v1 =	vld [tilespmem:s2+$0x4010];
	_ =	sdelay $0x4  }
0x9e: {  	v0 =	vadd.f32 v1, v0;
	_ =	sdelay $0x1  }
0x9f: {  	v0 =	vmax.f32 v0, $0.0e+00  }
0xa0: {  	[tilespmem:s28+$0xFFFFFFF0] =	vst v0  }
0xa1: {  	v0 =	vld [tilespmem:s2+$0x1820]  }
0xa2: {  	v1 =	vld [tilespmem:s2+$0x4020];
	_ =	sdelay $0x4  }
0xa3: {  	v0 =	vadd.f32 v1, v0  }
.Ltmp9:
0xa4: {  	(pc) =	sbr.rel @p0 .LBB2_9-.Ltmp9, $4  }
0xa5: {  	v0 =	vmax.f32 v0, $0.0e+00  }
0xa6: {  	[tilespmem:s28+$0x0] =	vst v0  }
0xa7: {  	v0 =	vld [tilespmem:s2+$0x1830]  }
0xa8: {  	v1 =	vld [tilespmem:s2+$0x4030]  }
.Ltmp10:
0xa9: {  	_ = 	snop;
	(pc) =	sbr.rel .LBB2_10-.Ltmp10, $1  }
0xaa: {  	_ =	sdelay $0x3  }
.LBB2_14:
0xab: {  	_ =	sfence.sel $0x180000  }
0xac: {  	[bflag:$0x0] =	sbarrier.arrive $0xFFFF  }
0xad: {  	_ =	strace $0x90000047  }
0xae: {  	s0 =	stileid.u32;
	[bflag:$0x2] =	sbarrier.arrive $0xFFFF  }
0xaf: {  	p0 =	sne.s32 s0, $0x0;
	s0 =	rddreg [dreg:$0x1]  }
0xb0: {  	s0 =	sadd.s32 @!p0 $0x100000, s0  }
0xb1: {  	[sflag:s0] =	ssyncadd.tile.s32 @!p0 $0x1;
	_ =	shalt  }
.Lfunc_end2:
_tile_overlayer_lowered:
.L_overlay_start_2:
0xb2: {  	(tag) =	ssettag $0x2  }
0xb3: {  	s0 =	rddreg [dreg:$0x0];
	s2 =	stileid.u32  }
0xb4: {  	s1 =	rddreg [dreg:$0x1];
	p0 =	sne.s32 s2, $0x0  }
0xb5: {  	s3 =	rddreg [dreg:$0x2];
	[bflag:$0x3] =	sbarrier.arrive $0xFFFF;
	s2 =	simm.s32 @!p0 $0x1C07  }
0xb6: {  	[timem:s3], [sflag:s2] =	dma.local @!p0 [hbm:s0], s1  }
0xb7: {  	s0 =	simm.s32 @!p0 $0x7  }
0xb8: {  	_ =	swait.ge @!p0 [sflag:s0], s1  }
0xb9: {  	s1 =	ssub.s32 @!p0 $0x0, s1;
	[sflag:s0] =	ssyncset.done @!p0 $0x0  }
0xba: {  	[sflag:s0] =	ssyncadd.s32 @!p0 s1  }
0xbb: {  	[bflag:$0x3] =	sbarrier.arrive $0xFFFF  }
0xbc: {  	_ =	shalt  }

// kernel: kernel.16.cloned.1.call-start
scs
__scs_entry_jumppad:
0x0: {  	(pc) =	sbr.rel $0x88, $3  }
0x1: {  	(tag) =	ssettag $0x0;
	lr =	simm.s32 $0x1  }
0x2: {  	[smem:$0x3F79] =	sst lr;
	_ =	strace $0xD0000000  }
0x3: {  	_ = 	snop  }
0x4: {  	_ = 	snop  }
0x5: {  	_ = 	snop  }
0x6: {  	_ = 	snop  }
0x7: {  	_ = 	snop  }
__scs_overlays_trampoline_lowered:
0x8: {  	[smem:$0x3F88] =	sst s0  }
0x9: {  	[smem:$0x3F89] =	sst s1  }
0xa: {  	[smem:$0x3F8A] =	sst s2  }
0xb: {  	[smem:$0x3F8B] =	sst s3  }
0xc: {  	[smem:$0x3F8C] =	sst s4  }
0xd: {  	[smem:$0x3F8D] =	sst s5  }
0xe: {  	[smem:$0x3F8E] =	sst s6  }
0xf: {  	[smem:$0x3F8F] =	sst s7  }
0x10: {  	[smem:$0x3F90] =	sst s8  }
0x11: {  	[smem:$0x3F91] =	sst s9;
	s0 =	simm.s32 @!p0 $0x0  }
0x12: {  	s1 =	sld [smem:$0x3F77];
	s0 =	simm.s32 @p0 $0x1  }
0x13: {  	[smem:$0x3F92] =	sst s0;
	s0 =	simm.s32 @!p1 $0x0  }
0x14: {  	s2 =	sld [smem:$0x3F76];
	s0 =	simm.s32 @p1 $0x1  }
0x15: {  	[smem:$0x3F93] =	sst s0;
	s0 =	simm.s32 @!p2 $0x0  }
0x16: {  	s3 =	sld [smem:$0x3FDB];
	s0 =	simm.s32 @p2 $0x1  }
0x17: {  	s4 =	simm.s32 $0x1BF5;
	[smem:$0x3F95] =	sst s0  }
0x18: {  	s0 =	sld [smem:$0x3F78];
	_ =	swait.ge [sflag:s4], $0x0  }
0x19: {  	s7 =	sld [smem:$0x3F79]  }
0x1a: {  	s8 =	sadd.s32 $0xFFFFE003, lr  }
0x1b: {  	s9 =	sadd.s32 $0xFFFFFEF7, lr;
	s5 =	simm.s32 $0xFFFFFFFF;
	p2 =	slt.u32 s8, $0xFFFFF086  }
0x1c: {  	p1 =	slt.u32 s9, $0xF7A;
	s5 =	simm.s32 @!p2 $0x0  }
0x1d: {  	s5 =	simm.s32 @p1 $0x1;
	p0 =	seq.s32 s7, s2  }
0x1e: {  	s7 =	smul.u32 @!p0 $0xF7A, s2;
	p2 =	seq.s32 @!p0 s5, $0x0  }
0x1f: {  	s9 =	smul.u32 $0xF7A, s1;
	s8 =	simm.s32 @!p0 $0x1BF5;
	p2 =	por !p2, p0  }
0x20: {  	[sflag:s8] =	ssyncset.s32 @!p0 $0xFFFFF086;
	s6 =	sadd.s32 @!p0 s3, s7;
	s7 =	simm.s32 @!p0 $0x108  }
0x21: {  	s3 =	sadd.s32 s3, s9;
	s6 =	sadd.s32 @!p0 $0x88, s6;
	s7 =	simm.s32 @p2 $0x1082  }
0x22: {  	[simem:s7], [sflag:s8] =	dma.local @!p0 [hbm:s6], $0xF7A  }
0x23: {  	s9 =	sor.u32 $0xD0000000, s2;
	s6 =	simm.s32 $0x108;
	_ =	swait.ge @!p0 [sflag:s8], $0x0  }
0x24: {  	s3 =	sadd.s32 $0x88, s3;
	s6 =	simm.s32 @!p1 $0x1082;
	[sflag:s4] =	ssyncset.s32 $0xFFFFF086  }
0x25: {  	[simem:s6], [sflag:s4] =	dma.local [hbm:s3], $0xF7A  }
0x26: {  	[smem:$0x3F79] =	sst s1;
	(tag) =	ssettag s2;
	_ =	strace s9  }
0x27: {  	s1 =	sld [smem:$0x3F89]  }
0x28: {  	s2 =	sld [smem:$0x3F8A]  }
0x29: {  	s4 =	sld [smem:$0x3F8C]  }
0x2a: {  	p0 =	seq.s32 s5, $0x0;
	s5 =	sld [smem:$0x3F8D]  }
0x2b: {  	s6 =	sld [smem:$0x3F8E]  }
0x2c: {  	s7 =	sld [smem:$0x3F8F]  }
0x2d: {  	s3 =	simm.s32 $0x108;
	s8 =	sld [smem:$0x3F90]  }
0x2e: {  	s3 =	simm.s32 @!p0 $0x1082;
	s9 =	sld [smem:$0x3F91]  }
0x2f: {  	lr =	sadd.s32 s0, s3;
	s0 =	sld [smem:$0x3F88]  }
0x30: {  	s3 =	sld [smem:$0x3F8B]  }
0x31: {  	[smem:$0x3F94] =	sst s10  }
0x32: {  	s10 =	sld [smem:$0x3F92];
	_ =	sdelay $0x3  }
0x33: {  	p0 =	seq.s32 s10, $0x1;
	s10 =	sld [smem:$0x3F94];
	_ =	sdelay $0x3  }
0x34: {  	[smem:$0x3F94] =	sst s10  }
0x35: {  	s10 =	sld [smem:$0x3F93];
	_ =	sdelay $0x3  }
0x36: {  	p1 =	seq.s32 s10, $0x1;
	s10 =	sld [smem:$0x3F94];
	_ =	sdelay $0x3  }
0x37: {  	[smem:$0x3F94] =	sst s10  }
0x38: {  	s10 =	sld [smem:$0x3F95]  }
0x39: {  	_ = 	snop;
	(pc) =	sbr.ind lr, $3  }
0x3a: {  	_ = 	snop  }
0x3b: {  	_ = 	snop  }
0x3c: {  	p2 =	seq.s32 s10, $0x1;
	s10 =	sld [smem:$0x3F94]  }
0x3d: {  	_ =	shalt  }
0x3e: {  	_ =	shalt  }
0x3f: {  	_ =	shalt  }
0x40: {  	_ =	shalt  }
0x41: {  	_ =	shalt  }
0x42: {  	_ =	shalt  }
0x43: {  	_ =	shalt  }
0x44: {  	_ =	shalt  }
0x45: {  	_ =	shalt  }
0x46: {  	_ =	shalt  }
0x47: {  	_ =	shalt  }
0x48: {  	_ =	shalt  }
0x49: {  	_ =	shalt  }
0x4a: {  	_ =	shalt  }
0x4b: {  	_ =	shalt  }
0x4c: {  	_ =	shalt  }
0x4d: {  	_ =	shalt  }
0x4e: {  	_ =	shalt  }
0x4f: {  	_ =	shalt  }
0x50: {  	_ =	shalt  }
0x51: {  	_ =	shalt  }
0x52: {  	_ =	shalt  }
0x53: {  	_ =	shalt  }
0x54: {  	_ =	shalt  }
0x55: {  	_ =	shalt  }
0x56: {  	_ =	shalt  }
0x57: {  	_ =	shalt  }
0x58: {  	_ =	shalt  }
0x59: {  	_ =	shalt  }
0x5a: {  	_ =	shalt  }
0x5b: {  	_ =	shalt  }
0x5c: {  	_ =	shalt  }
0x5d: {  	_ =	shalt  }
0x5e: {  	_ =	shalt  }
0x5f: {  	_ =	shalt  }
0x60: {  	_ =	shalt  }
0x61: {  	_ =	shalt  }
0x62: {  	_ =	shalt  }
0x63: {  	_ =	shalt  }
0x64: {  	_ =	shalt  }
0x65: {  	_ =	shalt  }
0x66: {  	_ =	shalt  }
0x67: {  	_ =	shalt  }
0x68: {  	_ =	shalt  }
0x69: {  	_ =	shalt  }
0x6a: {  	_ =	shalt  }
0x6b: {  	_ =	shalt  }
0x6c: {  	_ =	shalt  }
0x6d: {  	_ =	shalt  }
0x6e: {  	_ =	shalt  }
0x6f: {  	_ =	shalt  }
0x70: {  	_ =	shalt  }
0x71: {  	_ =	shalt  }
0x72: {  	_ =	shalt  }
0x73: {  	_ =	shalt  }
0x74: {  	_ =	shalt  }
0x75: {  	_ =	shalt  }
0x76: {  	_ =	shalt  }
0x77: {  	_ =	shalt  }
0x78: {  	_ =	shalt  }
0x79: {  	_ =	shalt  }
0x7a: {  	_ =	shalt  }
0x7b: {  	_ =	shalt  }
0x7c: {  	_ =	shalt  }
0x7d: {  	_ =	shalt  }
0x7e: {  	_ =	shalt  }
0x7f: {  	_ =	shalt  }
0x80: {  	_ =	shalt  }
0x81: {  	_ =	shalt  }
0x82: {  	_ =	shalt  }
0x83: {  	_ =	shalt  }
0x84: {  	_ =	shalt  }
0x85: {  	_ =	shalt  }
0x86: {  	_ =	shalt  }
0x87: {  	_ =	shalt  }
.Lfunc_end0:
.L_simem_size_0:
called_computation.1_lowered:
.L_overlay_start_0:
0x88: {  	s2 =	sld [smem:$0x3FD9]  }
0x89: {  	s3 =	sld [smem:$0x3FFE];
	_ =	sdelay $0x1  }
0x8a: {  	s1 =	srdreg.scid  }
0x8b: {  	s0 =	sand.u32 $0x1, s1  }
0x8c: {  	s16 =	sshll.u32 s0, $0xA;
	s2 =	sadd.s32 s3, s2  }
0x8d: {  	s2 =	sadd.s32 s2, s16  }
0x8e: {  	[smem:$0x3FA0] =	sst s2  }
0x8f: {  	_ = 	snop  }
0x90: {  	(tm) =	ssettm $0x1  }
0x91: {  	s17 =	sld [smem:$0x3FFB];
	_ =	sdelay $0x3  }
0x92: {  	_ =	strace s17  }
0x93: {  	s2 =	sld [smem:$0x3FFC];
	_ =	sdelay $0x3  }
0x94: {  	_ =	strace s2  }
0x95: {  	s2 =	sld [smem:$0x3FFD];
	_ =	sdelay $0x3  }
0x96: {  	_ =	strace s2  }
0x97: {  	_ =	strace $0x8FFFFFFF  }
0x98: {  	s18 =	sld [smem:$0x3FDB];
	_ =	sdelay $0x1  }
0x99: {  	s19 =	simm.s32 $_scs_section_size  }
0x9a: {  	s4 =	simm.s32 $_size__tile_overlayer_lowered;
	s5 =	simm.s32 $_tile_overlayer_lowered  }
0x9b: {  	s22 =	simm.s32 $0x1BFF;
	s21 =	sshll.u32 s5, $0x1;
	s2 =	sadd.s32 s19, s18  }
0x9c: {  	s6 =	simm.s32 $0x0;
	s20 =	sshll.u32 s4, $0x1;
	s4 =	sadd.s32 s21, s2  }
0x9d: {  	[timem:s6], [sflag:s22] =	dma.local [hbm:s4], s20  }
0x9e: {  	_ =	swait.ge [sflag:s22], s20  }
0x9f: {  	s3 =	ssub.s32 $0x0, s20;
	[sflag:s22] =	ssyncset.done $0x0  }
0xa0: {  	[sflag:s22] =	ssyncadd.s32 s3;
	_ =	sdelay $0x1  }
0xa1: {  	s23 =	simm.s32 $0x1B8B  }
0xa2: {  	_ =	swait.ge [sflag:s23], $0x1  }
0xa3: {  	[sflag:s23] =	ssyncset.done $0x0  }
0xa4: {  	s25 =	simm.s32 $0x1B8E;
	s24 =	sld [smem:$0x3FFE];
	[sflag:s23] =	ssyncadd.s32 $0xFFFFFFFF  }
0xa5: {  	s26 =	simm.s32 $execute0_lowered;
	[smem:$0x3FD2] =	sst s25  }
0xa6: {  	s4 =	sshll.u32 s26, $0x1;
	_ =	strace $0x80000049;
	[dreg:$0x1] =	wrdreg $0xFFFFFFFF  }
0xa7: {  	s28 =	simm.s32 $_size_execute0_lowered;
	s2 =	sadd.s32 s2, s4;
	[dreg:$0x0] =	wrdreg $0x0  }
0xa8: {  	s4 =	sshll.u32 s28, $0x1;
	[dreg:$0x2] =	wrdreg s2  }
0xa9: {  	[dreg:$0x3] =	wrdreg s4  }
0xaa: {  	[dreg:$0x4] =	wrdreg $0xC0  }
0xab: {  	_ =	task [dreg:s6], $0x5FFFF  }
0xac: {  	[dreg:$0x1] =	wrdreg $0xFFFFFFFF  }
0xad: {  	[dreg:$0x0] =	wrdreg $0x60  }
0xae: {  	[dreg:$0x2] =	wrdreg s24  }
0xaf: {  	[dreg:$0x3] =	wrdreg $0x4BA00  }
0xb0: {  	[dreg:$0x4] =	wrdreg $0x9  }
0xb1: {  	_ =	task.clear_ibuf [dreg:s6], $0x5FFFF;
	_ =	strace $0x90000049  }
0xb2: {  	s29 =	simm.s32 $0x9;
	_ =	strace $0x8000004B  }
0xb3: {  	_ =	swait.ge [sflag:s29], $0x1  }
0xb4: {  	[sflag:s29] =	ssyncadd.s32 $0xFFFFFFFF  }
0xb5: {  	_ =	strace $0x9000004B  }
0xb6: {  	_ =	sfence  }
0xb7: {  	s30 =	sld [smem:$0x0];
	_ =	sdelay $0x2  }
0xb8: {  	s31 =	sshll.u32 s1, $0xD;
	s1 =	sshrl.u32 s1, $0x2  }
0xb9: {  	s3 =	sand.u32 $0x4000, s31;
	s1 =	sadd.s32 s1, s30  }
0xba: {  	s0 =	sor.u32 s3, s0;
	s1 =	sshll.u32 s1, $0x11  }
0xbb: {  	s0 =	sor.u32 s1, s0  }
0xbc: {  	s0 =	sadd.s32 $0x8F2B, s0  }
0xbd: {  	[sflag:s0] =	ssyncadd.remote.s32 $0x1  }
0xbe: {  	_ =	sfence.sel $0xFFFF  }
0xbf: {  	[dreg:$0x0] =	wrdreg $0xFFFFFFFF;
	(pc) =	sbr.abs _section_cstart, $3  }
0xc0: {  	[dreg:$0x1] =	wrdreg $0xFFFFFFFF  }
0xc1: {  	_ =	task.clear_ibuf [dreg:s6], $0x2FFFF;
	_ =	strace $0x9FFFFFFF  }
0xc2: {  	(tm) =	ssettm $0x7FFFFFFF  }
0xc3: {  	_ =	shalt  }
tec
execute0_lowered:
.L_overlay_start_1:
0x0: {  	(tag) =	ssettag $0x1  }
0x1: {  	s6 =	rddreg [dreg:$0x0]  }
0x2: {  	s1 =	rddreg [dreg:$0x1];
	s3 =	simm.s32 $0x0;
	s5 =	srdreg.scid  }
0x3: {  	s2 =	stileid.u32;
	s16 =	simm.s32 $0xFA0;
	s17 =	simm.s32 $0x1  }
0x4: {  	s18 =	simm.s32 $0x50;
	s20 =	simm.s32 $0x2;
	s7 =	smul.u32 $0x62100, s2  }
0x5: {  	s21 =	simm.s32 $0x0;
	[smem:$0x7FF] =	sst s3;
	s9 =	smul.u32 $0x620, s2  }
0x6: {  	s4 =	sadd.s32 $0x1BF800, s6;
	s10 =	sand.u32 $0x1, s5;
	s15 =	smul.u32 $0x62000, s2  }
0x7: {  	s5 =	sadd.s32 $0x6800, s6;
	s13 =	sadd.s32 $0x37800, s6;
	s31 =	smul.u32 $0x3100, s2  }
0x8: {  	_ =	strace $0x8000004A;
	s26 =	ssub.s32 $0x2, s10;
	s19 =	smul.u32 $0x6200, s10  }
0x9: {  	s29 =	smul.u32 $0x31000, s10;
	s8 =	sshrl.u32 s26, $0x1;
	s7 =	sshrl.u32 s7, $0x2  }
0xa: {  	s9 =	sadd.s32 $0x5F0, s9;
	s30 =	sshrl.u32 s15, $0x2;
	s15 =	simm.s32 $0x3  }
0xb: {  	s11 =	ssub.s32 s26, s8;
	s6 =	sadd.s32 s7, s1;
	s8 =	smul.u32 $0xC350, s2  }
0xc: {  	s12 =	sshll.u32 s9, $0x6;
	s14 =	sadd.s32 s19, s9;
	v0 =	vmov s19;
	s19 =	simm.s32 $0x4  }
0xd: {  	s7 =	sadd.s32 $0x17C00, s6;
	s9 =	sadd.s32 s12, s1;
	s28 =	sshll.u32 s14, $0x3  }
0xe: {  	s11 =	smax.u32 s11, $0x1;
	s10 =	sadd.s32 s13, s28;
	s13 =	sadd.s32 s29, s13  }
0xf: {  	v1 =	vimm.f32 $0.0e+00;
	s12 =	sadd.s32 s30, s1;
	s14 =	simm.s32 $0x37A0;
	s13 =	sadd.s32 s31, s13  }
.LBB2_1:
0x10: {  	s22 =	simm.s32 $0x0  }
.LBB2_2:
0x11: {  	p0 =	sne.s32 s22, $0x4F00  }
.Ltmp0:
0x12: {  	s23 =	sshra.s32 s22, $0x2;
	(pc) =	sbr.rel @p0 .LBB2_2-.Ltmp0, $4  }
0x13: {  	[tilespmem:s23+$0x37A0] =	vst v1  }
0x14: {  	[tilespmem:s23+$0x37B0] =	vst v1  }
0x15: {  	[tilespmem:s23+$0x37C0] =	vst v1  }
0x16: {  	s22 =	sadd.s32 $0x100, s22;
	[tilespmem:s23+$0x37D0] =	vst v1  }
0x17: {  	s22 =	sadd.s32 $0x0, s6  }
0x18: {  	[spmem:s22] =	stream.linear.scatter [tilespmem:s14], [sflag:$0x3], $0x1400, $0x38;
	[tilespmem:$0x1D3E0] =	vst v63  }
0x19: {  	s22 =	simm.s32 $0x5000;
	_ =	swait.ge [sflag:s15], $0x1400  }
.LBB2_4:
0x1a: {  	s23 =	sshra.s32 s22, $0x2;
	[sflag:s15] =	ssyncset.done $0x0;
	p0 =	sne.s32 s22, $0x5A000  }
.Ltmp1:
0x1b: {  	s23 =	sadd.s32 s23, s6;
	[sflag:s15] =	ssyncadd.s32 $0xFFFFEC00;
	(pc) =	sbr.rel @p0 .LBB2_4-.Ltmp1, $3  }
0x1c: {  	[spmem:s23] =	stream.linear.scatter [tilespmem:s14], [sflag:$0x3], $0x1400, $0x38;
	[tilespmem:$0x1D3E0] =	vst v63  }
0x1d: {  	s22 =	sadd.s32 $0x5000, s22;
	_ =	sdelay $0x1  }
0x1e: {  	_ =	swait.ge [sflag:s15], $0x1400  }
0x1f: {  	[sflag:s15] =	ssyncset.done $0x0  }
0x20: {  	[sflag:s15] =	ssyncadd.s32 $0xFFFFEC00  }
0x21: {  	[spmem:s7] =	stream.linear.scatter [tilespmem:s14], [sflag:$0x3], $0xC40, $0x38;
	[tilespmem:$0x1D3E0] =	vst v63  }
.Ltmp2:
0x22: {  	_ =	swait.ge [sflag:s15], $0xC40;
	(pc) =	sbr.rel .LBB2_6-.Ltmp2, $4  }
0x23: {  	[sflag:s15] =	ssyncset.done $0x0  }
0x24: {  	[sflag:s15] =	ssyncadd.s32 $0xFFFFF3C0  }
0x25: {  	[bflag:$0x0] =	sbarrier.arrive $0xFFFF  }
0x26: {  	s22 =	simm.s32 $0x0;
	s23 =	simm.s32 $0x0  }
.LBB2_18:
0x27: {  	s23 =	sadd.s32 $0x1, s23  }
0x28: {  	p0 =	sne.s32 s23, $0x19  }
.Ltmp3:
0x29: {  	_ = 	snop;
	(pc) =	sbr.rel @!p0 .LBB2_19-.Ltmp3, $1  }
0x2a: {  	_ =	sdelay $0x3  }
.LBB2_6:
0x2b: {  	s24 =	smul.u32 $0x7D0, s23;
	_ =	sdelay $0x1  }
0x2c: {  	s24 =	sadd.s32 s8, s24  }
0x2d: {  	s25 =	sshrl.u32 s24, $0x3  }
0x2e: {  	s25 =	sadd.s32 s5, s25  }
0x2f: {  	[tilespmem:s22], [sflag:$0x3] =	stream.linear.gather [hbm4b:s25+s22], $0x7D0, $0x38;
	[tilespmem:$0x1D3E0] =	vst v63  }
0x30: {  	_ =	swait.ge [sflag:s15], $0x7D0  }
0x31: {  	[sflag:s15] =	ssyncset.done $0x0  }
0x32: {  	s26 =	simm.s32 $0x0;
	[sflag:s15] =	ssyncadd.s32 $0xFFFFF830  }
0x33: {  	v2 =	vld [tilespmem:s26+$0x40]  }
0x34: {  	v3 =	vld [tilespmem:s26+$0x0]  }
0x35: {  	v4 =	vld [tilespmem:s26+$0x10]  }
0x36: {  	v7 =	vld [tilespmem:s26+$0x20]  }
0x37: {  	v8 =	vld [tilespmem:s26+$0x30]  }
0x38: {  	s25 =	simm.s32 $0x50;
	v2 =	vsub.s32 v2, v0  }
0x39: {  	v5 =	vld [tilespmem:s25+$0x40];
	v3 =	vsub.s32 v3, v0;
	vm0 =	vgt.u32 v2, $0x61FF  }
0x3a: {  	v6 =	vld [tilespmem:s25+$0x0];
	v4 =	vsub.s32 v4, v0;
	v9 =	vsel vm0, $0x620F, v2;
	vm0 =	vgt.u32 v3, $0x61FF  }
0x3b: {  	v10 =	vsub.s32 v7, v0;
	v2 =	vld [tilespmem:s25+$0x10];
	[tilespmem:s26+$0x810] =	vst v9;
	v9 =	vsel vm0, $0x620F, v3;
	vm0 =	vgt.u32 v4, $0x61FF  }
0x3c: {  	v7 =	vsub.s32 v8, v0;
	v3 =	vld [tilespmem:s25+$0x20];
	[tilespmem:s26+$0x7D0] =	vst v9;
	v9 =	vsel vm0, $0x620F, v4;
	vm0 =	vgt.u32 v10, $0x61FF  }
0x3d: {  	s28 =	simm.s32 $0x280;
	v4 =	vld [tilespmem:s25+$0x30];
	[tilespmem:s26+$0x7E0] =	vst v9;
	v8 =	vsel vm0, $0x620F, v10;
	vm0 =	vgt.u32 v7, $0x61FF  }
.LBB2_7:
0x3e: {  	s29 =	sshra.s32 s28, $0x2;
	p0 =	sne.s32 s28, $0x1E00;
	s28 =	sadd.s32 $0x140, s28;
	v9 =	vsub.s32 v5, v0;
	[tilespmem:s26+$0x7F0] =	vst v8;
	v7 =	vsel vm0, $0x620F, v7  }
.Ltmp4:
0x3f: {  	v5 =	vld [tilespmem:s29+$0x40];
	v8 =	vsub.s32 v6, v0;
	vm0 =	vgt.u32 v9, $0x61FF;
	[tilespmem:s26+$0x800] =	vst v7;
	s26 =	smov.u32 s25;
	s25 =	smov.u32 s29;
	(pc) =	sbr.rel @p0 .LBB2_7-.Ltmp4, $4  }
0x40: {  	v6 =	vld [tilespmem:s25+$0x0];
	vm1 =	vgt.u32 v8, $0x61FF;
	v7 =	vsub.s32 v2, v0;
	v9 =	vsel vm0, $0x620F, v9  }
0x41: {  	v2 =	vld [tilespmem:s25+$0x10];
	v8 =	vsel vm1, $0x620F, v8;
	vm0 =	vgt.u32 v7, $0x61FF;
	v10 =	vsub.s32 v3, v0;
	[tilespmem:s26+$0x810] =	vst v9  }
0x42: {  	v3 =	vld [tilespmem:s25+$0x20];
	[tilespmem:s26+$0x7D0] =	vst v8;
	v8 =	vsel vm0, $0x620F, v7;
	vm0 =	vgt.u32 v10, $0x61FF;
	v7 =	vsub.s32 v4, v0  }
0x43: {  	v4 =	vld [tilespmem:s25+$0x30];
	[tilespmem:s26+$0x7E0] =	vst v8;
	v8 =	vsel vm0, $0x620F, v10;
	vm0 =	vgt.u32 v7, $0x61FF  }
0x44: {  	v5 =	vsub.s32 v5, v0  }
0x45: {  	[tilespmem:s26+$0x7F0] =	vst v8;
	v7 =	vsel vm0, $0x620F, v7;
	v6 =	vsub.s32 v6, v0;
	vm12 =	vgt.u32 v5, $0x61FF  }
0x46: {  	[tilespmem:s26+$0x800] =	vst v7;
	vm1 =	vgt.u32 v6, $0x61FF;
	v2 =	vsub.s32 v2, v0;
	v5 =	vsel vm12, $0x620F, v5  }
0x47: {  	v6 =	vsel vm1, $0x620F, v6;
	vm13 =	vgt.u32 v2, $0x61FF;
	v3 =	vsub.s32 v3, v0;
	[tilespmem:s25+$0x810] =	vst v5  }
.Ltmp5:
0x48: {  	[tilespmem:s25+$0x7D0] =	vst v6;
	v2 =	vsel vm13, $0x620F, v2;
	vm14 =	vgt.u32 v3, $0x61FF;
	v4 =	vsub.s32 v4, v0;
	(pc) =	sbr.rel .LBB2_9-.Ltmp5, $4  }
0x49: {  	[tilespmem:s25+$0x7E0] =	vst v2;
	v2 =	vsel vm14, $0x620F, v3;
	vm15 =	vgt.u32 v4, $0x61FF  }
0x4a: {  	s31 =	sshll.u32 s24, $0x3;
	[tilespmem:s25+$0x7F0] =	vst v2;
	v2 =	vsel vm15, $0x620F, v4  }
0x4b: {  	s26 =	sadd.s32 s4, s31;
	[tilespmem:s25+$0x800] =	vst v2;
	s25 =	simm.s32 $0x0  }
0x4c: {  	[tilespmem:s16], [sflag:$0x1] =	stream.linear.gather [hbm4b:s26+s25], $0x1400, $0x38;
	[tilespmem:$0x1D3E0] =	vst v63  }
.LBB2_16:
0x4d: {  	[tilespmem:s28+$0x37D0] =	vst v2  }
0x4e: {  	[tilespmem:s28+$0x37A0] =	vst v3  }
0x4f: {  	[tilespmem:s28+$0x37B0] =	vst v4  }
0x50: {  	[tilespmem:s28+$0x37C0] =	vst v5;
	s0 =	sadd.s32 $0x7D0, s26  }
0x51: {  	[spmem:s1] =	stream.indirect.scatter.add.f32 [tilespmem:s14], [sflag:$0x3], $0x40, s0, s18, $0xb8;
	[tilespmem:$0x1D3E0] =	vst v63  }
0x52: {  	_ =	swait.ge [sflag:s15], $0x1400  }
0x53: {  	[sflag:s15] =	ssyncset.done $0x0  }
0x54: {  	[sflag:s15] =	ssyncadd.s32 $0xFFFFEC00  }
.LBB2_17:
0x55: {  	s25 =	sadd.s32 $0x1, s25  }
0x56: {  	p0 =	sne.s32 s25, $0x19  }
.Ltmp6:
0x57: {  	_ = 	snop;
	(pc) =	sbr.rel @!p0 .LBB2_18-.Ltmp6, $1  }
0x58: {  	_ =	sdelay $0x3  }
.LBB2_9:
0x59: {  	s26 =	smul.u32 $0x50, s25  }
0x5a: {  	s28 =	sand.u32 $0x1, s25;
	p0 =	seq.s32 s25, $0x18  }
0x5b: {  	p1 =	sne.s32 @!p0 s28, $0x0;
	s29 =	sadd.s32 s24, s26  }
0x5c: {  	p0 =	por p1, p0;
	s29 =	sshll.u32 s29, $0x6  }
0x5d: {  	s30 =	sshrl.u32 @!p0 s29, $0x3  }
0x5e: {  	s30 =	sadd.s32 @!p0 s4, s30  }
0x5f: {  	s31 =	simm.s32 @!p0 $0x0;
	s0 =	simm.s32 @!p0 $0x23A0;
	s30 =	sadd.s32 @!p0 $0x280, s30  }
0x60: {  	[tilespmem:s0], [sflag:$0x2] =	stream.linear.gather @!p0 [hbm4b:s30+s31], $0x1400, $0x38;
	[tilespmem:$0x1D3E0] =	vst v63  }
0x61: {  	p0 =	seq.s32 s28, $0x0  }
0x62: {  	s0 =	sshrl.u32 @!p0 s29, $0x3  }
0x63: {  	s0 =	sadd.s32 @!p0 s4, s0  }
0x64: {  	s29 =	simm.s32 @!p0 $0x0;
	s30 =	simm.s32 @!p0 $0xFA0;
	s0 =	sadd.s32 @!p0 $0x280, s0  }
0x65: {  	[tilespmem:s30], [sflag:$0x1] =	stream.linear.gather @!p0 [hbm4b:s0+s29], $0x1400, $0x38;
	[tilespmem:$0x1D3E0] =	vst v63  }
0x66: {  	p0 =	sne.s32 s28, $0x0  }
.Ltmp7:
0x67: {  	_ = 	snop;
	(pc) =	sbr.rel @p0 .LBB2_13-.Ltmp7, $1  }
0x68: {  	_ =	sdelay $0x3  }
0x69: {  	_ =	swait.ge [sflag:s17], $0x1400  }
0x6a: {  	[sflag:s17] =	ssyncset.done $0x0  }
0x6b: {  	s29 =	simm.s32 $0x0;
	[sflag:s17] =	ssyncadd.s32 $0xFFFFEC00  }
0x6c: {  	v2 =	vld [tilespmem:s29+$0xFD0]  }
0x6d: {  	v3 =	vld [tilespmem:s29+$0xFA0]  }
0x6e: {  	v4 =	vld [tilespmem:s29+$0xFB0]  }
0x6f: {  	s30 =	simm.s32 $0x100;
	v5 =	vld [tilespmem:s29+$0xFC0]  }
.LBB2_11:
0x70: {  	p0 =	sne.s32 s30, $0x4F00  }
.Ltmp8:
0x71: {  	s0 =	sshra.s32 s30, $0x2;
	s30 =	sadd.s32 $0x100, s30;
	[tilespmem:s29+$0x37D0] =	vst v2;
	(pc) =	sbr.rel @p0 .LBB2_11-.Ltmp8, $4  }
0x72: {  	v2 =	vld [tilespmem:s0+$0xFD0];
	[tilespmem:s29+$0x37A0] =	vst v3  }
0x73: {  	v3 =	vld [tilespmem:s0+$0xFA0];
	[tilespmem:s29+$0x37B0] =	vst v4  }
0x74: {  	v4 =	vld [tilespmem:s0+$0xFB0];
	[tilespmem:s29+$0x37C0] =	vst v5;
	s29 =	smov.u32 s0  }
0x75: {  	v5 =	vld [tilespmem:s29+$0xFC0]  }
0x76: {  	_ = 	snop  }
0x77: {  	[tilespmem:s29+$0x37D0] =	vst v2  }
0x78: {  	[tilespmem:s29+$0x37A0] =	vst v3  }
0x79: {  	[tilespmem:s29+$0x37B0] =	vst v4  }
0x7a: {  	s0 =	sadd.s32 $0x7D0, s26;
	[tilespmem:s29+$0x37C0] =	vst v5  }
0x7b: {  	[spmem:s1] =	stream.indirect.scatter.add.f32 [tilespmem:s14], [sflag:$0x4], $0x40, s0, s18, $0xb8;
	[tilespmem:$0x1D3E0] =	vst v63  }
0x7c: {  	_ =	swait.ge [sflag:s19], $0x1400  }
0x7d: {  	[sflag:s19] =	ssyncset.done $0x0  }
0x7e: {  	[sflag:s19] =	ssyncadd.s32 $0xFFFFEC00  }
.LBB2_13:
0x7f: {  	p0 =	seq.s32 s28, $0x1  }
.Ltmp9:
0x80: {  	_ = 	snop;
	(pc) =	sbr.rel @!p0 .LBB2_17-.Ltmp9, $1  }
0x81: {  	_ =	sdelay $0x3  }
0x82: {  	_ =	swait.ge [sflag:s20], $0x1400  }
0x83: {  	[sflag:s20] =	ssyncset.done $0x0  }
0x84: {  	s28 =	simm.s32 $0x0;
	[sflag:s20] =	ssyncadd.s32 $0xFFFFEC00  }
0x85: {  	v2 =	vld [tilespmem:s28+$0x23D0]  }
0x86: {  	v3 =	vld [tilespmem:s28+$0x23A0]  }
0x87: {  	v4 =	vld [tilespmem:s28+$0x23B0]  }
0x88: {  	s29 =	simm.s32 $0x100;
	v5 =	vld [tilespmem:s28+$0x23C0]  }
.LBB2_15:
0x89: {  	p0 =	sne.s32 s29, $0x4F00  }
.Ltmp10:
0x8a: {  	s0 =	sshra.s32 s29, $0x2;
	s29 =	sadd.s32 $0x100, s29;
	[tilespmem:s28+$0x37D0] =	vst v2;
	(pc) =	sbr.rel @p0 .LBB2_15-.Ltmp10, $4  }
0x8b: {  	v2 =	vld [tilespmem:s0+$0x23D0];
	[tilespmem:s28+$0x37A0] =	vst v3  }
0x8c: {  	v3 =	vld [tilespmem:s0+$0x23A0];
	[tilespmem:s28+$0x37B0] =	vst v4  }
0x8d: {  	v4 =	vld [tilespmem:s0+$0x23B0];
	[tilespmem:s28+$0x37C0] =	vst v5;
	s28 =	smov.u32 s0  }
0x8e: {  	v5 =	vld [tilespmem:s28+$0x23C0]  }
.Ltmp11:
0x8f: {  	_ = 	snop;
	(pc) =	sbr.rel .LBB2_16-.Ltmp11, $1  }
0x90: {  	_ =	sdelay $0x3  }
.LBB2_19:
0x91: {  	[bflag:$0x0] =	sbarrier.arrive $0xFFFF  }
0x92: {  	[tilespmem:s14], [sflag:$0x3] =	stream.linear.gather [spmem:s12], $0x1400, $0x38;
	[tilespmem:$0x1D3E0] =	vst v63  }
0x93: {  	_ =	swait.ge [sflag:s15], $0x1400  }
0x94: {  	[sflag:s15] =	ssyncset.done $0x0  }
0x95: {  	s0 =	sadd.s32 $0x0, s13;
	[sflag:s15] =	ssyncadd.s32 $0xFFFFEC00  }
0x96: {  	[hbm4b:s0+s3] =	stream.linear.scatter [tilespmem:s14], [sflag:$0x3], $0x1400, $0x38;
	[tilespmem:$0x1D3E0] =	vst v63  }
0x97: {  	_ =	swait.ge [sflag:s15], $0x1400  }
0x98: {  	s22 =	simm.s32 $0x280;
	s23 =	smov.u32 s12;
	[sflag:s15] =	ssyncset.done $0x0  }
.LBB2_20:
0x99: {  	p0 =	sne.s32 s22, $0x2D00;
	[sflag:s15] =	ssyncadd.s32 $0xFFFFEC00;
	s23 =	sadd.s32 $0x1400, s23  }
0x9a: {  	[tilespmem:s14], [sflag:$0x3] =	stream.linear.gather [spmem:s23], $0x1400, $0x38;
	[tilespmem:$0x1D3E0] =	vst v63  }
0x9b: {  	s0 =	smov.u32 s22;
	s22 =	sadd.s32 $0x280, s22;
	_ =	swait.ge [sflag:s15], $0x1400  }
.Ltmp12:
0x9c: {  	[sflag:s15] =	ssyncset.done $0x0;
	(pc) =	sbr.rel @p0 .LBB2_20-.Ltmp12, $4  }
0x9d: {  	s0 =	sadd.s32 s0, s13;
	[sflag:s15] =	ssyncadd.s32 $0xFFFFEC00  }
0x9e: {  	[hbm4b:s0+s3] =	stream.linear.scatter [tilespmem:s14], [sflag:$0x3], $0x1400, $0x38;
	[tilespmem:$0x1D3E0] =	vst v63  }
0x9f: {  	_ =	swait.ge [sflag:s15], $0x1400  }
0xa0: {  	[sflag:s15] =	ssyncset.done $0x0  }
0xa1: {  	[sflag:s15] =	ssyncadd.s32 $0xFFFFEC00  }
0xa2: {  	[tilespmem:s14], [sflag:$0x3] =	stream.linear.gather [spmem:s9], $0xC00, $0x38;
	[tilespmem:$0x1D3E0] =	vst v63  }
0xa3: {  	s21 =	sadd.s32 $0x1, s21;
	_ =	swait.ge [sflag:s15], $0xC00  }
0xa4: {  	p0 =	sne.s32 s21, s11;
	[sflag:s15] =	ssyncset.done $0x0  }
.Ltmp13:
0xa5: {  	[sflag:s15] =	ssyncadd.s32 $0xFFFFF400;
	(pc) =	sbr.rel @p0 .LBB2_1-.Ltmp13, $4  }
0xa6: {  	[hbm4b:s10+s3] =	stream.linear.scatter [tilespmem:s14], [sflag:$0x3], $0xC00, $0x38;
	[tilespmem:$0x1D3E0] =	vst v63  }
0xa7: {  	_ =	swait.ge [sflag:s15], $0xC00  }
0xa8: {  	[sflag:s15] =	ssyncset.done $0x0  }
0xa9: {  	[sflag:s15] =	ssyncadd.s32 $0xFFFFF400  }
0xaa: {  	_ =	sfence.sel $0x180000  }
0xab: {  	[bflag:$0x0] =	sbarrier.arrive $0xFFFF  }
0xac: {  	_ =	strace $0x9000004A  }
0xad: {  	[bflag:$0x2] =	sbarrier.arrive $0xFFFF  }
0xae: {  	p0 =	sne.s32 s2, $0x0;
	s0 =	rddreg [dreg:$0x2]  }
0xaf: {  	s0 =	sadd.s32 @!p0 $0x100000, s0  }
0xb0: {  	[sflag:s0] =	ssyncadd.tile.s32 @!p0 $0x1;
	_ =	shalt  }
.Lfunc_end2:
_tile_overlayer_lowered:
.L_overlay_start_2:
0xb1: {  	(tag) =	ssettag $0x2  }
0xb2: {  	s0 =	rddreg [dreg:$0x0];
	s2 =	stileid.u32  }
0xb3: {  	s1 =	rddreg [dreg:$0x1];
	p0 =	sne.s32 s2, $0x0  }
0xb4: {  	s3 =	rddreg [dreg:$0x2];
	[bflag:$0x3] =	sbarrier.arrive $0xFFFF;
	s2 =	simm.s32 @!p0 $0x1C03  }
0xb5: {  	[timem:s3], [sflag:s2] =	dma.local @!p0 [hbm:s0], s1  }
0xb6: {  	s0 =	simm.s32 @!p0 $0x3  }
0xb7: {  	_ =	swait.ge @!p0 [sflag:s0], s1  }
0xb8: {  	s1 =	ssub.s32 @!p0 $0x0, s1;
	[sflag:s0] =	ssyncset.done @!p0 $0x0  }
0xb9: {  	[sflag:s0] =	ssyncadd.s32 @!p0 s1  }
0xba: {  	[bflag:$0x3] =	sbarrier.arrive $0xFFFF  }
0xbb: {  	_ =	shalt  }

// kernel: kernel.19.cloned.1.call-start
scs
__scs_entry_jumppad:
0x0: {  	(pc) =	sbr.rel $0x88, $3  }
0x1: {  	(tag) =	ssettag $0x0;
	lr =	simm.s32 $0x1  }
0x2: {  	[smem:$0x3F79] =	sst lr;
	_ =	strace $0xD0000000  }
0x3: {  	_ = 	snop  }
0x4: {  	_ = 	snop  }
0x5: {  	_ = 	snop  }
0x6: {  	_ = 	snop  }
0x7: {  	_ = 	snop  }
__scs_overlays_trampoline_lowered:
0x8: {  	[smem:$0x3F88] =	sst s0  }
0x9: {  	[smem:$0x3F89] =	sst s1  }
0xa: {  	[smem:$0x3F8A] =	sst s2  }
0xb: {  	[smem:$0x3F8B] =	sst s3  }
0xc: {  	[smem:$0x3F8C] =	sst s4  }
0xd: {  	[smem:$0x3F8D] =	sst s5  }
0xe: {  	[smem:$0x3F8E] =	sst s6  }
0xf: {  	[smem:$0x3F8F] =	sst s7  }
0x10: {  	[smem:$0x3F90] =	sst s8  }
0x11: {  	[smem:$0x3F91] =	sst s9;
	s0 =	simm.s32 @!p0 $0x0  }
0x12: {  	s1 =	sld [smem:$0x3F77];
	s0 =	simm.s32 @p0 $0x1  }
0x13: {  	[smem:$0x3F92] =	sst s0;
	s0 =	simm.s32 @!p1 $0x0  }
0x14: {  	s2 =	sld [smem:$0x3F76];
	s0 =	simm.s32 @p1 $0x1  }
0x15: {  	[smem:$0x3F93] =	sst s0;
	s0 =	simm.s32 @!p2 $0x0  }
0x16: {  	s3 =	sld [smem:$0x3FDB];
	s0 =	simm.s32 @p2 $0x1  }
0x17: {  	s4 =	simm.s32 $0x1BF5;
	[smem:$0x3F95] =	sst s0  }
0x18: {  	s0 =	sld [smem:$0x3F78];
	_ =	swait.ge [sflag:s4], $0x0  }
0x19: {  	s7 =	sld [smem:$0x3F79]  }
0x1a: {  	s8 =	sadd.s32 $0xFFFFE003, lr  }
0x1b: {  	s9 =	sadd.s32 $0xFFFFFEF7, lr;
	s5 =	simm.s32 $0xFFFFFFFF;
	p2 =	slt.u32 s8, $0xFFFFF086  }
0x1c: {  	p1 =	slt.u32 s9, $0xF7A;
	s5 =	simm.s32 @!p2 $0x0  }
0x1d: {  	s5 =	simm.s32 @p1 $0x1;
	p0 =	seq.s32 s7, s2  }
0x1e: {  	s7 =	smul.u32 @!p0 $0xF7A, s2;
	p2 =	seq.s32 @!p0 s5, $0x0  }
0x1f: {  	s9 =	smul.u32 $0xF7A, s1;
	s8 =	simm.s32 @!p0 $0x1BF5;
	p2 =	por !p2, p0  }
0x20: {  	[sflag:s8] =	ssyncset.s32 @!p0 $0xFFFFF086;
	s6 =	sadd.s32 @!p0 s3, s7;
	s7 =	simm.s32 @!p0 $0x108  }
0x21: {  	s3 =	sadd.s32 s3, s9;
	s6 =	sadd.s32 @!p0 $0x88, s6;
	s7 =	simm.s32 @p2 $0x1082  }
0x22: {  	[simem:s7], [sflag:s8] =	dma.local @!p0 [hbm:s6], $0xF7A  }
0x23: {  	s9 =	sor.u32 $0xD0000000, s2;
	s6 =	simm.s32 $0x108;
	_ =	swait.ge @!p0 [sflag:s8], $0x0  }
0x24: {  	s3 =	sadd.s32 $0x88, s3;
	s6 =	simm.s32 @!p1 $0x1082;
	[sflag:s4] =	ssyncset.s32 $0xFFFFF086  }
0x25: {  	[simem:s6], [sflag:s4] =	dma.local [hbm:s3], $0xF7A  }
0x26: {  	[smem:$0x3F79] =	sst s1;
	(tag) =	ssettag s2;
	_ =	strace s9  }
0x27: {  	s1 =	sld [smem:$0x3F89]  }
0x28: {  	s2 =	sld [smem:$0x3F8A]  }
0x29: {  	s4 =	sld [smem:$0x3F8C]  }
0x2a: {  	p0 =	seq.s32 s5, $0x0;
	s5 =	sld [smem:$0x3F8D]  }
0x2b: {  	s6 =	sld [smem:$0x3F8E]  }
0x2c: {  	s7 =	sld [smem:$0x3F8F]  }
0x2d: {  	s3 =	simm.s32 $0x108;
	s8 =	sld [smem:$0x3F90]  }
0x2e: {  	s3 =	simm.s32 @!p0 $0x1082;
	s9 =	sld [smem:$0x3F91]  }
0x2f: {  	lr =	sadd.s32 s0, s3;
	s0 =	sld [smem:$0x3F88]  }
0x30: {  	s3 =	sld [smem:$0x3F8B]  }
0x31: {  	[smem:$0x3F94] =	sst s10  }
0x32: {  	s10 =	sld [smem:$0x3F92];
	_ =	sdelay $0x3  }
0x33: {  	p0 =	seq.s32 s10, $0x1;
	s10 =	sld [smem:$0x3F94];
	_ =	sdelay $0x3  }
0x34: {  	[smem:$0x3F94] =	sst s10  }
0x35: {  	s10 =	sld [smem:$0x3F93];
	_ =	sdelay $0x3  }
0x36: {  	p1 =	seq.s32 s10, $0x1;
	s10 =	sld [smem:$0x3F94];
	_ =	sdelay $0x3  }
0x37: {  	[smem:$0x3F94] =	sst s10  }
0x38: {  	s10 =	sld [smem:$0x3F95]  }
0x39: {  	_ = 	snop;
	(pc) =	sbr.ind lr, $3  }
0x3a: {  	_ = 	snop  }
0x3b: {  	_ = 	snop  }
0x3c: {  	p2 =	seq.s32 s10, $0x1;
	s10 =	sld [smem:$0x3F94]  }
0x3d: {  	_ =	shalt  }
0x3e: {  	_ =	shalt  }
0x3f: {  	_ =	shalt  }
0x40: {  	_ =	shalt  }
0x41: {  	_ =	shalt  }
0x42: {  	_ =	shalt  }
0x43: {  	_ =	shalt  }
0x44: {  	_ =	shalt  }
0x45: {  	_ =	shalt  }
0x46: {  	_ =	shalt  }
0x47: {  	_ =	shalt  }
0x48: {  	_ =	shalt  }
0x49: {  	_ =	shalt  }
0x4a: {  	_ =	shalt  }
0x4b: {  	_ =	shalt  }
0x4c: {  	_ =	shalt  }
0x4d: {  	_ =	shalt  }
0x4e: {  	_ =	shalt  }
0x4f: {  	_ =	shalt  }
0x50: {  	_ =	shalt  }
0x51: {  	_ =	shalt  }
0x52: {  	_ =	shalt  }
0x53: {  	_ =	shalt  }
0x54: {  	_ =	shalt  }
0x55: {  	_ =	shalt  }
0x56: {  	_ =	shalt  }
0x57: {  	_ =	shalt  }
0x58: {  	_ =	shalt  }
0x59: {  	_ =	shalt  }
0x5a: {  	_ =	shalt  }
0x5b: {  	_ =	shalt  }
0x5c: {  	_ =	shalt  }
0x5d: {  	_ =	shalt  }
0x5e: {  	_ =	shalt  }
0x5f: {  	_ =	shalt  }
0x60: {  	_ =	shalt  }
0x61: {  	_ =	shalt  }
0x62: {  	_ =	shalt  }
0x63: {  	_ =	shalt  }
0x64: {  	_ =	shalt  }
0x65: {  	_ =	shalt  }
0x66: {  	_ =	shalt  }
0x67: {  	_ =	shalt  }
0x68: {  	_ =	shalt  }
0x69: {  	_ =	shalt  }
0x6a: {  	_ =	shalt  }
0x6b: {  	_ =	shalt  }
0x6c: {  	_ =	shalt  }
0x6d: {  	_ =	shalt  }
0x6e: {  	_ =	shalt  }
0x6f: {  	_ =	shalt  }
0x70: {  	_ =	shalt  }
0x71: {  	_ =	shalt  }
0x72: {  	_ =	shalt  }
0x73: {  	_ =	shalt  }
0x74: {  	_ =	shalt  }
0x75: {  	_ =	shalt  }
0x76: {  	_ =	shalt  }
0x77: {  	_ =	shalt  }
0x78: {  	_ =	shalt  }
0x79: {  	_ =	shalt  }
0x7a: {  	_ =	shalt  }
0x7b: {  	_ =	shalt  }
0x7c: {  	_ =	shalt  }
0x7d: {  	_ =	shalt  }
0x7e: {  	_ =	shalt  }
0x7f: {  	_ =	shalt  }
0x80: {  	_ =	shalt  }
0x81: {  	_ =	shalt  }
0x82: {  	_ =	shalt  }
0x83: {  	_ =	shalt  }
0x84: {  	_ =	shalt  }
0x85: {  	_ =	shalt  }
0x86: {  	_ =	shalt  }
0x87: {  	_ =	shalt  }
.Lfunc_end0:
.L_simem_size_0:
called_computation.2_lowered:
.L_overlay_start_0:
0x88: {  	s2 =	sld [smem:$0x3FD9]  }
0x89: {  	s3 =	sld [smem:$0x3FFE];
	_ =	sdelay $0x1  }
0x8a: {  	s1 =	srdreg.scid  }
0x8b: {  	s0 =	sand.u32 $0x1, s1  }
0x8c: {  	s16 =	sshll.u32 s0, $0xA;
	s2 =	sadd.s32 s3, s2  }
0x8d: {  	s2 =	sadd.s32 s2, s16  }
0x8e: {  	[smem:$0x3FA0] =	sst s2  }
0x8f: {  	_ = 	snop  }
0x90: {  	(tm) =	ssettm $0x1  }
0x91: {  	s17 =	sld [smem:$0x3FFB];
	_ =	sdelay $0x3  }
0x92: {  	_ =	strace s17  }
0x93: {  	s2 =	sld [smem:$0x3FFC];
	_ =	sdelay $0x3  }
0x94: {  	_ =	strace s2  }
0x95: {  	s2 =	sld [smem:$0x3FFD];
	_ =	sdelay $0x3  }
0x96: {  	_ =	strace s2  }
0x97: {  	_ =	strace $0x8FFFFFFF  }
0x98: {  	s18 =	sld [smem:$0x3FDB];
	_ =	sdelay $0x1  }
0x99: {  	s19 =	simm.s32 $_scs_section_size  }
0x9a: {  	s4 =	simm.s32 $_size__tile_overlayer_lowered;
	s5 =	simm.s32 $_tile_overlayer_lowered  }
0x9b: {  	s22 =	simm.s32 $0x1BFF;
	s21 =	sshll.u32 s5, $0x1;
	s2 =	sadd.s32 s19, s18  }
0x9c: {  	s6 =	simm.s32 $0x0;
	s20 =	sshll.u32 s4, $0x1;
	s4 =	sadd.s32 s21, s2  }
0x9d: {  	[timem:s6], [sflag:s22] =	dma.local [hbm:s4], s20  }
0x9e: {  	_ =	swait.ge [sflag:s22], s20  }
0x9f: {  	s3 =	ssub.s32 $0x0, s20;
	[sflag:s22] =	ssyncset.done $0x0  }
0xa0: {  	[sflag:s22] =	ssyncadd.s32 s3;
	_ =	sdelay $0x1  }
0xa1: {  	s23 =	simm.s32 $0x1B8B  }
0xa2: {  	_ =	swait.ge [sflag:s23], $0x1  }
0xa3: {  	[sflag:s23] =	ssyncset.done $0x0  }
0xa4: {  	s25 =	simm.s32 $0x1B8E;
	s24 =	sld [smem:$0x3FFE];
	[sflag:s23] =	ssyncadd.s32 $0xFFFFFFFF  }
0xa5: {  	s26 =	simm.s32 $execute0_lowered;
	[smem:$0x3FD2] =	sst s25  }
0xa6: {  	s4 =	sshll.u32 s26, $0x1;
	_ =	strace $0x8000004C;
	[dreg:$0x1] =	wrdreg $0xFFFFFFFF  }
0xa7: {  	s28 =	simm.s32 $_size_execute0_lowered;
	s2 =	sadd.s32 s2, s4;
	[dreg:$0x0] =	wrdreg $0x0  }
0xa8: {  	s4 =	sshll.u32 s28, $0x1;
	[dreg:$0x2] =	wrdreg s2  }
0xa9: {  	[dreg:$0x3] =	wrdreg s4  }
0xaa: {  	[dreg:$0x4] =	wrdreg $0xC0  }
0xab: {  	_ =	task [dreg:s6], $0x5FFFF  }
0xac: {  	[dreg:$0x1] =	wrdreg $0xFFFFFFFF  }
0xad: {  	[dreg:$0x0] =	wrdreg $0x60  }
0xae: {  	[dreg:$0x2] =	wrdreg s24  }
0xaf: {  	[dreg:$0x3] =	wrdreg $0x9  }
0xb0: {  	_ =	task.clear_ibuf [dreg:s6], $0x4FFFF;
	_ =	strace $0x9000004C  }
0xb1: {  	s29 =	simm.s32 $0x9;
	_ =	strace $0x8000004E  }
0xb2: {  	_ =	swait.ge [sflag:s29], $0x1  }
0xb3: {  	[sflag:s29] =	ssyncadd.s32 $0xFFFFFFFF  }
0xb4: {  	_ =	strace $0x9000004E  }
0xb5: {  	_ =	sfence  }
0xb6: {  	s30 =	sld [smem:$0x0];
	_ =	sdelay $0x2  }
0xb7: {  	s31 =	sshll.u32 s1, $0xD;
	s1 =	sshrl.u32 s1, $0x2  }
0xb8: {  	s3 =	sand.u32 $0x4000, s31;
	s1 =	sadd.s32 s1, s30  }
0xb9: {  	s0 =	sor.u32 s3, s0;
	s1 =	sshll.u32 s1, $0x11  }
0xba: {  	s0 =	sor.u32 s1, s0  }
0xbb: {  	s0 =	sadd.s32 $0x8F2B, s0  }
0xbc: {  	[sflag:s0] =	ssyncadd.remote.s32 $0x1  }
0xbd: {  	_ =	sfence.sel $0xFFFF  }
0xbe: {  	[dreg:$0x0] =	wrdreg $0xFFFFFFFF;
	(pc) =	sbr.abs _section_cstart, $3  }
0xbf: {  	[dreg:$0x1] =	wrdreg $0xFFFFFFFF  }
0xc0: {  	_ =	task.clear_ibuf [dreg:s6], $0x2FFFF;
	_ =	strace $0x9FFFFFFF  }
0xc1: {  	(tm) =	ssettm $0x7FFFFFFF  }
tec
execute0_lowered:
.L_overlay_start_1:
0x0: {  	(tag) =	ssettag $0x1  }
0x1: {  	s0 =	rddreg [dreg:$0x0];
	s1 =	simm.s32 $0x0;
	s4 =	srdreg.scid  }
0x2: {  	s2 =	stileid.u32;
	s10 =	simm.s32 $0x7;
	s11 =	simm.s32 $0x28  }
0x3: {  	s12 =	simm.s32 $0x400;
	s13 =	simm.s32 $0x2C00;
	s14 =	simm.s32 $0x1  }
0x4: {  	s15 =	simm.s32 $0x3;
	s16 =	simm.s32 $0x5400;
	s17 =	simm.s32 $0x2  }
0x5: {  	s18 =	simm.s32 $0x4;
	s19 =	simm.s32 $0x5E00;
	s20 =	simm.s32 $0x6  }
0x6: {  	s21 =	simm.s32 $0x5;
	s22 =	simm.s32 $0x0;
	[smem:$0x7FF] =	sst s1  }
.Ltmp0:
0x7: {  	s3 =	sadd.s32 $0x37800, s0;
	s6 =	sand.u32 $0x1, s4;
	(pc) =	sbr.rel .LBB2_1-.Ltmp0, $4  }
0x8: {  	s4 =	sadd.s32 $0x1965800, s0;
	s8 =	sshll.u32 s2, $0x1;
	s7 =	ssub.s32 $0x2, s6  }
0x9: {  	s5 =	sadd.s32 $0x1F000, s0;
	_ =	strace $0x8000004D;
	s9 =	sshrl.u32 s7, $0x1  }
0xa: {  	s8 =	sor.u32 s6, s8;
	s6 =	sadd.s32 $0xFB800, s0;
	s9 =	ssub.s32 s7, s9  }
0xb: {  	s7 =	smul.u32 $0x61A8, s8;
	s8 =	sadd.s32 $0x1965A80, s0;
	s9 =	smax.u32 s9, $0x1  }
.LBB2_13:
0xc: {  	s22 =	sadd.s32 $0x1, s22  }
0xd: {  	p0 =	sne.s32 s22, s9  }
.Ltmp1:
0xe: {  	_ = 	snop;
	(pc) =	sbr.rel @!p0 .LBB2_14-.Ltmp1, $1  }
0xf: {  	_ =	sdelay $0x3  }
.LBB2_1:
.Ltmp2:
0x10: {  	(pc) =	sbr.rel .LBB2_2-.Ltmp2, $2  }
0x11: {  	_ =	sdelay $0x2  }
0x12: {  	s23 =	simm.s32 $0x0  }
.LBB2_12:
0x13: {  	s23 =	sadd.s32 $0x1, s23  }
0x14: {  	_ =	swait.ge [sflag:s20], $0xA00;
	p0 =	sne.s32 s23, $0x19  }
.Ltmp3:
0x15: {  	[sflag:s20] =	ssyncset.done $0x0;
	(pc) =	sbr.rel @!p0 .LBB2_13-.Ltmp3, $4  }
0x16: {  	[sflag:s20] =	ssyncadd.s32 $0xFFFFF600  }
0x17: {  	_ =	swait.ge [sflag:s21], $0xA00  }
0x18: {  	[sflag:s21] =	ssyncset.done $0x0  }
0x19: {  	[sflag:s21] =	ssyncadd.s32 $0xFFFFF600  }
.LBB2_2:
0x1a: {  	s0 =	smul.u32 $0x3E8, s23;
	_ =	sdelay $0x1  }
0x1b: {  	s24 =	sadd.s32 s7, s0  }
0x1c: {  	s0 =	sshrl.u32 s24, $0x3  }
0x1d: {  	s28 =	simm.s32 $0x0;
	s0 =	sadd.s32 s5, s0  }
0x1e: {  	[tilespmem:s28], [sflag:$0x7] =	stream.linear.gather [hbm4b:s0+s28], $0x3E8, $0x38;
	[tilespmem:$0x6800] =	vst v63  }
0x1f: {  	_ =	swait.ge [sflag:s10], $0x3E8  }
.Ltmp4:
0x20: {  	[sflag:s10] =	ssyncset.done $0x0;
	(pc) =	sbr.rel .LBB2_3-.Ltmp4, $4  }
0x21: {  	s31 =	sshll.u32 s24, $0x4;
	[sflag:s10] =	ssyncadd.s32 $0xFFFFFC18  }
0x22: {  	[tilespmem:s12], [sflag:$0x1] =	stream.indirect.gather [hbm4b:s3+s11], $0x80, s28, s11, $0xb8;
	[tilespmem:$0x6800] =	vst v63  }
0x23: {  	s0 =	sadd.s32 s4, s31  }
0x24: {  	[tilespmem:s13], [sflag:$0x3] =	stream.linear.gather [hbm4b:s0+s28], $0x1400, $0x38;
	[tilespmem:$0x6800] =	vst v63  }
.LBB2_10:
0x25: {  	v0 =	vadd.f32 v1, v0;
	_ =	sdelay $0x1  }
0x26: {  	s0 =	sshll.u32 s26, $0x3;
	v0 =	vmax.f32 v0, $0.0e+00  }
0x27: {  	s0 =	sadd.s32 s6, s0;
	[tilespmem:s29+$0x10] =	vst v0  }
0x28: {  	[hbm4b:s0+s1] =	stream.linear.scatter [tilespmem:s19], [sflag:$0x6], $0xA00, $0x38;
	[tilespmem:$0x6800] =	vst v63  }
.LBB2_11:
0x29: {  	p0 =	sne.s32 s25, $0x19  }
.Ltmp5:
0x2a: {  	_ = 	snop;
	(pc) =	sbr.rel @!p0 .LBB2_12-.Ltmp5, $2  }
0x2b: {  	_ =	sdelay $0x2  }
0x2c: {  	s28 =	smov.u32 s25  }
.LBB2_3:
0x2d: {  	s29 =	sand.u32 $0x1, s28;
	p0 =	seq.s32 s28, $0x18  }
0x2e: {  	p1 =	sne.s32 @!p0 s29, $0x0  }
0x2f: {  	s0 =	smul.u32 $0x28, s28;
	s25 =	sadd.s32 $0x1, s28;
	p0 =	por p1, p0  }
0x30: {  	s30 =	smul.u32 @!p0 $0xA0, s25  }
0x31: {  	s26 =	sadd.s32 s24, s0;
	p1 =	seq.s32 s29, $0x0  }
0x32: {  	s31 =	simm.s32 @!p0 $0x1800;
	s0 =	sshra.s32 @!p0 s30, $0x2;
	s30 =	simm.s32 @!p0 $0x28  }
0x33: {  	[tilespmem:s31], [sflag:$0x2] =	stream.indirect.gather @!p0 [hbm4b:s3+s30], $0x80, s0, s30, $0xb8;
	[tilespmem:$0x6800] =	vst v63  }
0x34: {  	s2 =	smul.u32 @!p1 $0xA0, s25;
	s0 =	sshll.u32 @!p0 s26, $0x4  }
0x35: {  	s30 =	simm.s32 @!p0 $0x0;
	s31 =	simm.s32 @!p0 $0x4000;
	s0 =	sadd.s32 @!p0 s0, s8  }
0x36: {  	[tilespmem:s31], [sflag:$0x4] =	stream.linear.gather @!p0 [hbm4b:s0+s30], $0x1400, $0x38;
	[tilespmem:$0x6800] =	vst v63  }
0x37: {  	s0 =	sshra.s32 @!p1 s2, $0x2;
	p0 =	sne.s32 s29, $0x0  }
.Ltmp6:
0x38: {  	s2 =	simm.s32 @!p1 $0x28;
	s30 =	simm.s32 @!p1 $0x400;
	(pc) =	sbr.rel @p0 .LBB2_7-.Ltmp6, $4  }
0x39: {  	[tilespmem:s30], [sflag:$0x1] =	stream.indirect.gather @!p1 [hbm4b:s3+s2], $0x80, s0, s2, $0xb8;
	[tilespmem:$0x6800] =	vst v63  }
0x3a: {  	s0 =	sshll.u32 @!p1 s26, $0x4  }
0x3b: {  	s2 =	simm.s32 @!p1 $0x0;
	s30 =	simm.s32 @!p1 $0x2C00;
	s0 =	sadd.s32 @!p1 s0, s8  }
0x3c: {  	[tilespmem:s30], [sflag:$0x3] =	stream.linear.gather @!p1 [hbm4b:s0+s2], $0x1400, $0x38;
	[tilespmem:$0x6800] =	vst v63  }
0x3d: {  	_ =	swait.ge [sflag:s14], $0x1400  }
0x3e: {  	[sflag:s14] =	ssyncset.done $0x0  }
0x3f: {  	[sflag:s14] =	ssyncadd.s32 $0xFFFFEC00  }
0x40: {  	_ =	swait.ge [sflag:s15], $0x1400  }
0x41: {  	p0 =	slt.u32 s28, $0x2;
	[sflag:s15] =	ssyncset.done $0x0  }
0x42: {  	s0 =	simm.s32 @!p0 $0x5;
	[sflag:s15] =	ssyncadd.s32 $0xFFFFEC00  }
0x43: {  	_ =	swait.ge @!p0 [sflag:s0], $0xA00  }
0x44: {  	[sflag:s0] =	ssyncset.done @!p0 $0x0  }
0x45: {  	s2 =	simm.s32 $0x0;
	[sflag:s0] =	ssyncadd.s32 @!p0 $0xFFFFF600  }
0x46: {  	v0 =	vld [tilespmem:s2+$0x400]  }
0x47: {  	v1 =	vld [tilespmem:s2+$0x2C00];
	_ =	sdelay $0x4  }
0x48: {  	v0 =	vadd.f32 v1, v0;
	_ =	sdelay $0x1  }
0x49: {  	s30 =	simm.s32 $0x5420;
	v0 =	vmax.f32 v0, $0.0e+00  }
0x4a: {  	[tilespmem:s30+$0xFFFFFFE0] =	vst v0  }
0x4b: {  	v0 =	vld [tilespmem:s2+$0x410]  }
0x4c: {  	v1 =	vld [tilespmem:s2+$0x2C10];
	_ =	sdelay $0x4  }
0x4d: {  	v0 =	vadd.f32 v1, v0;
	_ =	sdelay $0x1  }
0x4e: {  	v0 =	vmax.f32 v0, $0.0e+00  }
0x4f: {  	[tilespmem:s30+$0xFFFFFFF0] =	vst v0  }
0x50: {  	v0 =	vld [tilespmem:s2+$0x420]  }
0x51: {  	v1 =	vld [tilespmem:s2+$0x2C20];
	_ =	sdelay $0x4  }
0x52: {  	v0 =	vadd.f32 v1, v0;
	_ =	sdelay $0x1  }
0x53: {  	v0 =	vmax.f32 v0, $0.0e+00  }
0x54: {  	[tilespmem:s30+$0x0] =	vst v0  }
0x55: {  	v0 =	vld [tilespmem:s2+$0x430]  }
0x56: {  	s31 =	simm.s32 $0x5420;
	s0 =	simm.s32 $0x200;
	v1 =	vld [tilespmem:s2+$0x2C30]  }
.LBB2_5:
0x57: {  	_ =	sdelay $0x1  }
0x58: {  	p0 =	sne.s32 s0, $0x4E00  }
0x59: {  	s30 =	sadd.s32 $0x40, s30;
	s2 =	smov.u32 s0;
	s0 =	sadd.s32 $0x200, s0  }
0x5a: {  	v0 =	vadd.f32 v1, v0;
	_ =	sdelay $0x1  }
0x5b: {  	v0 =	vmax.f32 v0, $0.0e+00  }
0x5c: {  	s2 =	sshra.s32 s2, $0x2;
	[tilespmem:s31+$0x10] =	vst v0;
	s31 =	smov.u32 s30  }
0x5d: {  	v0 =	vld [tilespmem:s2+$0x400]  }
0x5e: {  	v1 =	vld [tilespmem:s2+$0x2C00];
	_ =	sdelay $0x4  }
0x5f: {  	v0 =	vadd.f32 v1, v0;
	_ =	sdelay $0x1  }
0x60: {  	v0 =	vmax.f32 v0, $0.0e+00  }
0x61: {  	[tilespmem:s30+$0xFFFFFFE0] =	vst v0  }
0x62: {  	v0 =	vld [tilespmem:s2+$0x410]  }
0x63: {  	v1 =	vld [tilespmem:s2+$0x2C10];
	_ =	sdelay $0x4  }
0x64: {  	v0 =	vadd.f32 v1, v0;
	_ =	sdelay $0x1  }
0x65: {  	v0 =	vmax.f32 v0, $0.0e+00  }
0x66: {  	[tilespmem:s30+$0xFFFFFFF0] =	vst v0  }
0x67: {  	v0 =	vld [tilespmem:s2+$0x420]  }
0x68: {  	v1 =	vld [tilespmem:s2+$0x2C20];
	_ =	sdelay $0x4  }
0x69: {  	v0 =	vadd.f32 v1, v0  }
.Ltmp7:
0x6a: {  	(pc) =	sbr.rel @p0 .LBB2_5-.Ltmp7, $4  }
0x6b: {  	v0 =	vmax.f32 v0, $0.0e+00  }
0x6c: {  	[tilespmem:s30+$0x0] =	vst v0  }
0x6d: {  	v0 =	vld [tilespmem:s2+$0x430]  }
0x6e: {  	v1 =	vld [tilespmem:s2+$0x2C30]  }
0x6f: {  	_ =	sdelay $0x3  }
0x70: {  	v0 =	vadd.f32 v1, v0;
	_ =	sdelay $0x1  }
0x71: {  	s0 =	sshll.u32 s26, $0x3;
	v0 =	vmax.f32 v0, $0.0e+00  }
0x72: {  	s0 =	sadd.s32 s6, s0;
	[tilespmem:s31+$0x10] =	vst v0  }
0x73: {  	[hbm4b:s0+s1] =	stream.linear.scatter [tilespmem:s16], [sflag:$0x5], $0xA00, $0x38;
	[tilespmem:$0x6800] =	vst v63  }
.LBB2_7:
0x74: {  	p0 =	seq.s32 s29, $0x1  }
.Ltmp8:
0x75: {  	_ = 	snop;
	(pc) =	sbr.rel @!p0 .LBB2_11-.Ltmp8, $1  }
0x76: {  	_ =	sdelay $0x3  }
0x77: {  	_ =	swait.ge [sflag:s17], $0x1400  }
0x78: {  	[sflag:s17] =	ssyncset.done $0x0  }
0x79: {  	[sflag:s17] =	ssyncadd.s32 $0xFFFFEC00  }
0x7a: {  	_ =	swait.ge [sflag:s18], $0x1400  }
0x7b: {  	p0 =	slt.u32 s28, $0x2;
	[sflag:s18] =	ssyncset.done $0x0  }
0x7c: {  	s0 =	simm.s32 @!p0 $0x6;
	[sflag:s18] =	ssyncadd.s32 $0xFFFFEC00  }
0x7d: {  	_ =	swait.ge @!p0 [sflag:s0], $0xA00  }
0x7e: {  	[sflag:s0] =	ssyncset.done @!p0 $0x0  }
0x7f: {  	s2 =	simm.s32 $0x0;
	[sflag:s0] =	ssyncadd.s32 @!p0 $0xFFFFF600  }
0x80: {  	v0 =	vld [tilespmem:s2+$0x1800]  }
0x81: {  	v1 =	vld [tilespmem:s2+$0x4000];
	_ =	sdelay $0x4  }
0x82: {  	v0 =	vadd.f32 v1, v0;
	_ =	sdelay $0x1  }
0x83: {  	s28 =	simm.s32 $0x5E20;
	v0 =	vmax.f32 v0, $0.0e+00  }
0x84: {  	[tilespmem:s28+$0xFFFFFFE0] =	vst v0  }
0x85: {  	v0 =	vld [tilespmem:s2+$0x1810]  }
0x86: {  	v1 =	vld [tilespmem:s2+$0x4010];
	_ =	sdelay $0x4  }
0x87: {  	v0 =	vadd.f32 v1, v0;
	_ =	sdelay $0x1  }
0x88: {  	v0 =	vmax.f32 v0, $0.0e+00  }
0x89: {  	[tilespmem:s28+$0xFFFFFFF0] =	vst v0  }
0x8a: {  	v0 =	vld [tilespmem:s2+$0x1820]  }
0x8b: {  	v1 =	vld [tilespmem:s2+$0x4020];
	_ =	sdelay $0x4  }
0x8c: {  	v0 =	vadd.f32 v1, v0;
	_ =	sdelay $0x1  }
0x8d: {  	v0 =	vmax.f32 v0, $0.0e+00  }
0x8e: {  	[tilespmem:s28+$0x0] =	vst v0  }
0x8f: {  	v0 =	vld [tilespmem:s2+$0x1830]  }
0x90: {  	v1 =	vld [tilespmem:s2+$0x4030];
	_ =	sdelay $0x1  }
0x91: {  	s29 =	simm.s32 $0x5E20;
	s0 =	simm.s32 $0x200  }
.LBB2_9:
0x92: {  	p0 =	sne.s32 s0, $0x4E00  }
0x93: {  	s28 =	sadd.s32 $0x40, s28;
	s2 =	smov.u32 s0;
	s0 =	sadd.s32 $0x200, s0  }
0x94: {  	v0 =	vadd.f32 v1, v0;
	_ =	sdelay $0x1  }
0x95: {  	v0 =	vmax.f32 v0, $0.0e+00  }
0x96: {  	s2 =	sshra.s32 s2, $0x2;
	[tilespmem:s29+$0x10] =	vst v0;
	s29 =	smov.u32 s28  }
0x97: {  	v0 =	vld [tilespmem:s2+$0x1800]  }
0x98: {  	v1 =	vld [tilespmem:s2+$0x4000];
	_ =	sdelay $0x4  }
0x99: {  	v0 =	vadd.f32 v1, v0;
	_ =	sdelay $0x1  }
0x9a: {  	v0 =	vmax.f32 v0, $0.0e+00  }
0x9b: {  	[tilespmem:s28+$0xFFFFFFE0] =	vst v0  }
0x9c: {  	v0 =	vld [tilespmem:s2+$0x1810]  }
0x9d: {  	v1 =	vld [tilespmem:s2+$0x4010];
	_ =	sdelay $0x4  }
0x9e: {  	v0 =	vadd.f32 v1, v0;
	_ =	sdelay $0x1  }
0x9f: {  	v0 =	vmax.f32 v0, $0.0e+00  }
0xa0: {  	[tilespmem:s28+$0xFFFFFFF0] =	vst v0  }
0xa1: {  	v0 =	vld [tilespmem:s2+$0x1820]  }
0xa2: {  	v1 =	vld [tilespmem:s2+$0x4020];
	_ =	sdelay $0x4  }
0xa3: {  	v0 =	vadd.f32 v1, v0  }
.Ltmp9:
0xa4: {  	(pc) =	sbr.rel @p0 .LBB2_9-.Ltmp9, $4  }
0xa5: {  	v0 =	vmax.f32 v0, $0.0e+00  }
0xa6: {  	[tilespmem:s28+$0x0] =	vst v0  }
0xa7: {  	v0 =	vld [tilespmem:s2+$0x1830]  }
0xa8: {  	v1 =	vld [tilespmem:s2+$0x4030]  }
.Ltmp10:
0xa9: {  	_ = 	snop;
	(pc) =	sbr.rel .LBB2_10-.Ltmp10, $1  }
0xaa: {  	_ =	sdelay $0x3  }
.LBB2_14:
0xab: {  	_ =	sfence.sel $0x180000  }
0xac: {  	[bflag:$0x0] =	sbarrier.arrive $0xFFFF  }
0xad: {  	_ =	strace $0x9000004D  }
0xae: {  	s0 =	stileid.u32;
	[bflag:$0x2] =	sbarrier.arrive $0xFFFF  }
0xaf: {  	p0 =	sne.s32 s0, $0x0;
	s0 =	rddreg [dreg:$0x1]  }
0xb0: {  	s0 =	sadd.s32 @!p0 $0x100000, s0  }
0xb1: {  	[sflag:s0] =	ssyncadd.tile.s32 @!p0 $0x1;
	_ =	shalt  }
.Lfunc_end2:
_tile_overlayer_lowered:
.L_overlay_start_2:
0xb2: {  	(tag) =	ssettag $0x2  }
0xb3: {  	s0 =	rddreg [dreg:$0x0];
	s2 =	stileid.u32  }
0xb4: {  	s1 =	rddreg [dreg:$0x1];
	p0 =	sne.s32 s2, $0x0  }
0xb5: {  	s3 =	rddreg [dreg:$0x2];
	[bflag:$0x3] =	sbarrier.arrive $0xFFFF;
	s2 =	simm.s32 @!p0 $0x1C07  }
0xb6: {  	[timem:s3], [sflag:s2] =	dma.local @!p0 [hbm:s0], s1  }
0xb7: {  	s0 =	simm.s32 @!p0 $0x7  }
0xb8: {  	_ =	swait.ge @!p0 [sflag:s0], s1  }
0xb9: {  	s1 =	ssub.s32 @!p0 $0x0, s1;
	[sflag:s0] =	ssyncset.done @!p0 $0x0  }
0xba: {  	[sflag:s0] =	ssyncadd.s32 @!p0 s1  }
0xbb: {  	[bflag:$0x3] =	sbarrier.arrive $0xFFFF  }
0xbc: {  	_ =	shalt  }

// kernel: kernel.22.cloned.1.call-start
scs
__scs_entry_jumppad:
0x0: {  	(pc) =	sbr.rel $0x88, $3  }
0x1: {  	(tag) =	ssettag $0x0;
	lr =	simm.s32 $0x1  }
0x2: {  	[smem:$0x3F79] =	sst lr;
	_ =	strace $0xD0000000  }
0x3: {  	_ = 	snop  }
0x4: {  	_ = 	snop  }
0x5: {  	_ = 	snop  }
0x6: {  	_ = 	snop  }
0x7: {  	_ = 	snop  }
__scs_overlays_trampoline_lowered:
0x8: {  	[smem:$0x3F88] =	sst s0  }
0x9: {  	[smem:$0x3F89] =	sst s1  }
0xa: {  	[smem:$0x3F8A] =	sst s2  }
0xb: {  	[smem:$0x3F8B] =	sst s3  }
0xc: {  	[smem:$0x3F8C] =	sst s4  }
0xd: {  	[smem:$0x3F8D] =	sst s5  }
0xe: {  	[smem:$0x3F8E] =	sst s6  }
0xf: {  	[smem:$0x3F8F] =	sst s7  }
0x10: {  	[smem:$0x3F90] =	sst s8  }
0x11: {  	[smem:$0x3F91] =	sst s9;
	s0 =	simm.s32 @!p0 $0x0  }
0x12: {  	s1 =	sld [smem:$0x3F77];
	s0 =	simm.s32 @p0 $0x1  }
0x13: {  	[smem:$0x3F92] =	sst s0;
	s0 =	simm.s32 @!p1 $0x0  }
0x14: {  	s2 =	sld [smem:$0x3F76];
	s0 =	simm.s32 @p1 $0x1  }
0x15: {  	[smem:$0x3F93] =	sst s0;
	s0 =	simm.s32 @!p2 $0x0  }
0x16: {  	s3 =	sld [smem:$0x3FDB];
	s0 =	simm.s32 @p2 $0x1  }
0x17: {  	s4 =	simm.s32 $0x1BF5;
	[smem:$0x3F95] =	sst s0  }
0x18: {  	s0 =	sld [smem:$0x3F78];
	_ =	swait.ge [sflag:s4], $0x0  }
0x19: {  	s7 =	sld [smem:$0x3F79]  }
0x1a: {  	s8 =	sadd.s32 $0xFFFFE003, lr  }
0x1b: {  	s9 =	sadd.s32 $0xFFFFFEF7, lr;
	s5 =	simm.s32 $0xFFFFFFFF;
	p2 =	slt.u32 s8, $0xFFFFF086  }
0x1c: {  	p1 =	slt.u32 s9, $0xF7A;
	s5 =	simm.s32 @!p2 $0x0  }
0x1d: {  	s5 =	simm.s32 @p1 $0x1;
	p0 =	seq.s32 s7, s2  }
0x1e: {  	s7 =	smul.u32 @!p0 $0xF7A, s2;
	p2 =	seq.s32 @!p0 s5, $0x0  }
0x1f: {  	s9 =	smul.u32 $0xF7A, s1;
	s8 =	simm.s32 @!p0 $0x1BF5;
	p2 =	por !p2, p0  }
0x20: {  	[sflag:s8] =	ssyncset.s32 @!p0 $0xFFFFF086;
	s6 =	sadd.s32 @!p0 s3, s7;
	s7 =	simm.s32 @!p0 $0x108  }
0x21: {  	s3 =	sadd.s32 s3, s9;
	s6 =	sadd.s32 @!p0 $0x88, s6;
	s7 =	simm.s32 @p2 $0x1082  }
0x22: {  	[simem:s7], [sflag:s8] =	dma.local @!p0 [hbm:s6], $0xF7A  }
0x23: {  	s9 =	sor.u32 $0xD0000000, s2;
	s6 =	simm.s32 $0x108;
	_ =	swait.ge @!p0 [sflag:s8], $0x0  }
0x24: {  	s3 =	sadd.s32 $0x88, s3;
	s6 =	simm.s32 @!p1 $0x1082;
	[sflag:s4] =	ssyncset.s32 $0xFFFFF086  }
0x25: {  	[simem:s6], [sflag:s4] =	dma.local [hbm:s3], $0xF7A  }
0x26: {  	[smem:$0x3F79] =	sst s1;
	(tag) =	ssettag s2;
	_ =	strace s9  }
0x27: {  	s1 =	sld [smem:$0x3F89]  }
0x28: {  	s2 =	sld [smem:$0x3F8A]  }
0x29: {  	s4 =	sld [smem:$0x3F8C]  }
0x2a: {  	p0 =	seq.s32 s5, $0x0;
	s5 =	sld [smem:$0x3F8D]  }
0x2b: {  	s6 =	sld [smem:$0x3F8E]  }
0x2c: {  	s7 =	sld [smem:$0x3F8F]  }
0x2d: {  	s3 =	simm.s32 $0x108;
	s8 =	sld [smem:$0x3F90]  }
0x2e: {  	s3 =	simm.s32 @!p0 $0x1082;
	s9 =	sld [smem:$0x3F91]  }
0x2f: {  	lr =	sadd.s32 s0, s3;
	s0 =	sld [smem:$0x3F88]  }
0x30: {  	s3 =	sld [smem:$0x3F8B]  }
0x31: {  	[smem:$0x3F94] =	sst s10  }
0x32: {  	s10 =	sld [smem:$0x3F92];
	_ =	sdelay $0x3  }
0x33: {  	p0 =	seq.s32 s10, $0x1;
	s10 =	sld [smem:$0x3F94];
	_ =	sdelay $0x3  }
0x34: {  	[smem:$0x3F94] =	sst s10  }
0x35: {  	s10 =	sld [smem:$0x3F93];
	_ =	sdelay $0x3  }
0x36: {  	p1 =	seq.s32 s10, $0x1;
	s10 =	sld [smem:$0x3F94];
	_ =	sdelay $0x3  }
0x37: {  	[smem:$0x3F94] =	sst s10  }
0x38: {  	s10 =	sld [smem:$0x3F95]  }
0x39: {  	_ = 	snop;
	(pc) =	sbr.ind lr, $3  }
0x3a: {  	_ = 	snop  }
0x3b: {  	_ = 	snop  }
0x3c: {  	p2 =	seq.s32 s10, $0x1;
	s10 =	sld [smem:$0x3F94]  }
0x3d: {  	_ =	shalt  }
0x3e: {  	_ =	shalt  }
0x3f: {  	_ =	shalt  }
0x40: {  	_ =	shalt  }
0x41: {  	_ =	shalt  }
0x42: {  	_ =	shalt  }
0x43: {  	_ =	shalt  }
0x44: {  	_ =	shalt  }
0x45: {  	_ =	shalt  }
0x46: {  	_ =	shalt  }
0x47: {  	_ =	shalt  }
0x48: {  	_ =	shalt  }
0x49: {  	_ =	shalt  }
0x4a: {  	_ =	shalt  }
0x4b: {  	_ =	shalt  }
0x4c: {  	_ =	shalt  }
0x4d: {  	_ =	shalt  }
0x4e: {  	_ =	shalt  }
0x4f: {  	_ =	shalt  }
0x50: {  	_ =	shalt  }
0x51: {  	_ =	shalt  }
0x52: {  	_ =	shalt  }
0x53: {  	_ =	shalt  }
0x54: {  	_ =	shalt  }
0x55: {  	_ =	shalt  }
0x56: {  	_ =	shalt  }
0x57: {  	_ =	shalt  }
0x58: {  	_ =	shalt  }
0x59: {  	_ =	shalt  }
0x5a: {  	_ =	shalt  }
0x5b: {  	_ =	shalt  }
0x5c: {  	_ =	shalt  }
0x5d: {  	_ =	shalt  }
0x5e: {  	_ =	shalt  }
0x5f: {  	_ =	shalt  }
0x60: {  	_ =	shalt  }
0x61: {  	_ =	shalt  }
0x62: {  	_ =	shalt  }
0x63: {  	_ =	shalt  }
0x64: {  	_ =	shalt  }
0x65: {  	_ =	shalt  }
0x66: {  	_ =	shalt  }
0x67: {  	_ =	shalt  }
0x68: {  	_ =	shalt  }
0x69: {  	_ =	shalt  }
0x6a: {  	_ =	shalt  }
0x6b: {  	_ =	shalt  }
0x6c: {  	_ =	shalt  }
0x6d: {  	_ =	shalt  }
0x6e: {  	_ =	shalt  }
0x6f: {  	_ =	shalt  }
0x70: {  	_ =	shalt  }
0x71: {  	_ =	shalt  }
0x72: {  	_ =	shalt  }
0x73: {  	_ =	shalt  }
0x74: {  	_ =	shalt  }
0x75: {  	_ =	shalt  }
0x76: {  	_ =	shalt  }
0x77: {  	_ =	shalt  }
0x78: {  	_ =	shalt  }
0x79: {  	_ =	shalt  }
0x7a: {  	_ =	shalt  }
0x7b: {  	_ =	shalt  }
0x7c: {  	_ =	shalt  }
0x7d: {  	_ =	shalt  }
0x7e: {  	_ =	shalt  }
0x7f: {  	_ =	shalt  }
0x80: {  	_ =	shalt  }
0x81: {  	_ =	shalt  }
0x82: {  	_ =	shalt  }
0x83: {  	_ =	shalt  }
0x84: {  	_ =	shalt  }
0x85: {  	_ =	shalt  }
0x86: {  	_ =	shalt  }
0x87: {  	_ =	shalt  }
.Lfunc_end0:
.L_simem_size_0:
called_computation.3_lowered:
.L_overlay_start_0:
0x88: {  	s2 =	sld [smem:$0x3FD9]  }
0x89: {  	s3 =	sld [smem:$0x3FFE];
	_ =	sdelay $0x1  }
0x8a: {  	s1 =	srdreg.scid  }
0x8b: {  	s0 =	sand.u32 $0x1, s1  }
0x8c: {  	s16 =	sshll.u32 s0, $0xA;
	s2 =	sadd.s32 s3, s2  }
0x8d: {  	s2 =	sadd.s32 s2, s16  }
0x8e: {  	[smem:$0x3FA0] =	sst s2  }
0x8f: {  	_ = 	snop  }
0x90: {  	(tm) =	ssettm $0x1  }
0x91: {  	s17 =	sld [smem:$0x3FFB];
	_ =	sdelay $0x3  }
0x92: {  	_ =	strace s17  }
0x93: {  	s2 =	sld [smem:$0x3FFC];
	_ =	sdelay $0x3  }
0x94: {  	_ =	strace s2  }
0x95: {  	s2 =	sld [smem:$0x3FFD];
	_ =	sdelay $0x3  }
0x96: {  	_ =	strace s2  }
0x97: {  	_ =	strace $0x8FFFFFFF  }
0x98: {  	s18 =	sld [smem:$0x3FDB];
	_ =	sdelay $0x1  }
0x99: {  	s19 =	simm.s32 $_scs_section_size  }
0x9a: {  	s4 =	simm.s32 $_size__tile_overlayer_lowered;
	s5 =	simm.s32 $_tile_overlayer_lowered  }
0x9b: {  	s22 =	simm.s32 $0x1BFF;
	s21 =	sshll.u32 s5, $0x1;
	s2 =	sadd.s32 s19, s18  }
0x9c: {  	s6 =	simm.s32 $0x0;
	s20 =	sshll.u32 s4, $0x1;
	s4 =	sadd.s32 s21, s2  }
0x9d: {  	[timem:s6], [sflag:s22] =	dma.local [hbm:s4], s20  }
0x9e: {  	_ =	swait.ge [sflag:s22], s20  }
0x9f: {  	s3 =	ssub.s32 $0x0, s20;
	[sflag:s22] =	ssyncset.done $0x0  }
0xa0: {  	[sflag:s22] =	ssyncadd.s32 s3;
	_ =	sdelay $0x1  }
0xa1: {  	s23 =	simm.s32 $0x1B8B  }
0xa2: {  	_ =	swait.ge [sflag:s23], $0x1  }
0xa3: {  	[sflag:s23] =	ssyncset.done $0x0  }
0xa4: {  	s25 =	simm.s32 $0x1B8E;
	s24 =	sld [smem:$0x3FFE];
	[sflag:s23] =	ssyncadd.s32 $0xFFFFFFFF  }
0xa5: {  	s26 =	simm.s32 $execute0_lowered;
	[smem:$0x3FD2] =	sst s25  }
0xa6: {  	s4 =	sshll.u32 s26, $0x1;
	_ =	strace $0x8000004F;
	[dreg:$0x1] =	wrdreg $0xFFFFFFFF  }
0xa7: {  	s28 =	simm.s32 $_size_execute0_lowered;
	s2 =	sadd.s32 s2, s4;
	[dreg:$0x0] =	wrdreg $0x0  }
0xa8: {  	s4 =	sshll.u32 s28, $0x1;
	[dreg:$0x2] =	wrdreg s2  }
0xa9: {  	[dreg:$0x3] =	wrdreg s4  }
0xaa: {  	[dreg:$0x4] =	wrdreg $0xC0  }
0xab: {  	_ =	task [dreg:s6], $0x5FFFF  }
0xac: {  	[dreg:$0x1] =	wrdreg $0xFFFFFFFF  }
0xad: {  	[dreg:$0x0] =	wrdreg $0x60  }
0xae: {  	[dreg:$0x2] =	wrdreg s24  }
0xaf: {  	[dreg:$0x3] =	wrdreg $0x4BA00  }
0xb0: {  	[dreg:$0x4] =	wrdreg $0x9  }
0xb1: {  	_ =	task.clear_ibuf [dreg:s6], $0x5FFFF;
	_ =	strace $0x9000004F  }
0xb2: {  	s29 =	simm.s32 $0x9;
	_ =	strace $0x80000051  }
0xb3: {  	_ =	swait.ge [sflag:s29], $0x1  }
0xb4: {  	[sflag:s29] =	ssyncadd.s32 $0xFFFFFFFF  }
0xb5: {  	_ =	strace $0x90000051  }
0xb6: {  	_ =	sfence  }
0xb7: {  	s30 =	sld [smem:$0x0];
	_ =	sdelay $0x2  }
0xb8: {  	s31 =	sshll.u32 s1, $0xD;
	s1 =	sshrl.u32 s1, $0x2  }
0xb9: {  	s3 =	sand.u32 $0x4000, s31;
	s1 =	sadd.s32 s1, s30  }
0xba: {  	s0 =	sor.u32 s3, s0;
	s1 =	sshll.u32 s1, $0x11  }
0xbb: {  	s0 =	sor.u32 s1, s0  }
0xbc: {  	s0 =	sadd.s32 $0x8F2B, s0  }
0xbd: {  	[sflag:s0] =	ssyncadd.remote.s32 $0x1  }
0xbe: {  	_ =	sfence.sel $0xFFFF  }
0xbf: {  	[dreg:$0x0] =	wrdreg $0xFFFFFFFF;
	(pc) =	sbr.abs _section_cstart, $3  }
0xc0: {  	[dreg:$0x1] =	wrdreg $0xFFFFFFFF  }
0xc1: {  	_ =	task.clear_ibuf [dreg:s6], $0x2FFFF;
	_ =	strace $0x9FFFFFFF  }
0xc2: {  	(tm) =	ssettm $0x7FFFFFFF  }
0xc3: {  	_ =	shalt  }
tec
execute0_lowered:
.L_overlay_start_1:
0x0: {  	(tag) =	ssettag $0x1  }
0x1: {  	s6 =	rddreg [dreg:$0x0]  }
0x2: {  	s1 =	rddreg [dreg:$0x1];
	s3 =	simm.s32 $0x0;
	s5 =	srdreg.scid  }
0x3: {  	s2 =	stileid.u32;
	s16 =	simm.s32 $0xFA0;
	s17 =	simm.s32 $0x1  }
0x4: {  	s18 =	simm.s32 $0x50;
	s20 =	simm.s32 $0x2;
	s7 =	smul.u32 $0x62100, s2  }
0x5: {  	s21 =	simm.s32 $0x0;
	[smem:$0x7FF] =	sst s3;
	s9 =	smul.u32 $0x620, s2  }
0x6: {  	s4 =	sadd.s32 $0xFB800, s6;
	s10 =	sand.u32 $0x1, s5;
	s15 =	smul.u32 $0x62000, s2  }
0x7: {  	s5 =	sadd.s32 $0x6800, s6;
	s13 =	sadd.s32 $0x716000, s6;
	s31 =	smul.u32 $0x3100, s2  }
0x8: {  	_ =	strace $0x80000050;
	s26 =	ssub.s32 $0x2, s10;
	s19 =	smul.u32 $0x6200, s10  }
0x9: {  	s29 =	smul.u32 $0x31000, s10;
	s8 =	sshrl.u32 s26, $0x1;
	s7 =	sshrl.u32 s7, $0x2  }
0xa: {  	s9 =	sadd.s32 $0x5F0, s9;
	s30 =	sshrl.u32 s15, $0x2;
	s15 =	simm.s32 $0x3  }
0xb: {  	s11 =	ssub.s32 s26, s8;
	s6 =	sadd.s32 s7, s1;
	s8 =	smul.u32 $0xC350, s2  }
0xc: {  	s12 =	sshll.u32 s9, $0x6;
	s14 =	sadd.s32 s19, s9;
	v0 =	vmov s19;
	s19 =	simm.s32 $0x4  }
0xd: {  	s7 =	sadd.s32 $0x17C00, s6;
	s9 =	sadd.s32 s12, s1;
	s28 =	sshll.u32 s14, $0x3  }
0xe: {  	s11 =	smax.u32 s11, $0x1;
	s10 =	sadd.s32 s13, s28;
	s13 =	sadd.s32 s29, s13  }
0xf: {  	v1 =	vimm.f32 $0.0e+00;
	s12 =	sadd.s32 s30, s1;
	s14 =	simm.s32 $0x37A0;
	s13 =	sadd.s32 s31, s13  }
.LBB2_1:
0x10: {  	s22 =	simm.s32 $0x0  }
.LBB2_2:
0x11: {  	p0 =	sne.s32 s22, $0x4F00  }
.Ltmp0:
0x12: {  	s23 =	sshra.s32 s22, $0x2;
	(pc) =	sbr.rel @p0 .LBB2_2-.Ltmp0, $4  }
0x13: {  	[tilespmem:s23+$0x37A0] =	vst v1  }
0x14: {  	[tilespmem:s23+$0x37B0] =	vst v1  }
0x15: {  	[tilespmem:s23+$0x37C0] =	vst v1  }
0x16: {  	s22 =	sadd.s32 $0x100, s22;
	[tilespmem:s23+$0x37D0] =	vst v1  }
0x17: {  	s22 =	sadd.s32 $0x0, s6  }
0x18: {  	[spmem:s22] =	stream.linear.scatter [tilespmem:s14], [sflag:$0x3], $0x1400, $0x38;
	[tilespmem:$0x1D3E0] =	vst v63  }
0x19: {  	s22 =	simm.s32 $0x5000;
	_ =	swait.ge [sflag:s15], $0x1400  }
.LBB2_4:
0x1a: {  	s23 =	sshra.s32 s22, $0x2;
	[sflag:s15] =	ssyncset.done $0x0;
	p0 =	sne.s32 s22, $0x5A000  }
.Ltmp1:
0x1b: {  	s23 =	sadd.s32 s23, s6;
	[sflag:s15] =	ssyncadd.s32 $0xFFFFEC00;
	(pc) =	sbr.rel @p0 .LBB2_4-.Ltmp1, $3  }
0x1c: {  	[spmem:s23] =	stream.linear.scatter [tilespmem:s14], [sflag:$0x3], $0x1400, $0x38;
	[tilespmem:$0x1D3E0] =	vst v63  }
0x1d: {  	s22 =	sadd.s32 $0x5000, s22;
	_ =	sdelay $0x1  }
0x1e: {  	_ =	swait.ge [sflag:s15], $0x1400  }
0x1f: {  	[sflag:s15] =	ssyncset.done $0x0  }
0x20: {  	[sflag:s15] =	ssyncadd.s32 $0xFFFFEC00  }
0x21: {  	[spmem:s7] =	stream.linear.scatter [tilespmem:s14], [sflag:$0x3], $0xC40, $0x38;
	[tilespmem:$0x1D3E0] =	vst v63  }
.Ltmp2:
0x22: {  	_ =	swait.ge [sflag:s15], $0xC40;
	(pc) =	sbr.rel .LBB2_6-.Ltmp2, $4  }
0x23: {  	[sflag:s15] =	ssyncset.done $0x0  }
0x24: {  	[sflag:s15] =	ssyncadd.s32 $0xFFFFF3C0  }
0x25: {  	[bflag:$0x0] =	sbarrier.arrive $0xFFFF  }
0x26: {  	s22 =	simm.s32 $0x0;
	s23 =	simm.s32 $0x0  }
.LBB2_18:
0x27: {  	s23 =	sadd.s32 $0x1, s23  }
0x28: {  	p0 =	sne.s32 s23, $0x19  }
.Ltmp3:
0x29: {  	_ = 	snop;
	(pc) =	sbr.rel @!p0 .LBB2_19-.Ltmp3, $1  }
0x2a: {  	_ =	sdelay $0x3  }
.LBB2_6:
0x2b: {  	s24 =	smul.u32 $0x7D0, s23;
	_ =	sdelay $0x1  }
0x2c: {  	s24 =	sadd.s32 s8, s24  }
0x2d: {  	s25 =	sshrl.u32 s24, $0x3  }
0x2e: {  	s25 =	sadd.s32 s5, s25  }
0x2f: {  	[tilespmem:s22], [sflag:$0x3] =	stream.linear.gather [hbm4b:s25+s22], $0x7D0, $0x38;
	[tilespmem:$0x1D3E0] =	vst v63  }
0x30: {  	_ =	swait.ge [sflag:s15], $0x7D0  }
0x31: {  	[sflag:s15] =	ssyncset.done $0x0  }
0x32: {  	s26 =	simm.s32 $0x0;
	[sflag:s15] =	ssyncadd.s32 $0xFFFFF830  }
0x33: {  	v2 =	vld [tilespmem:s26+$0x40]  }
0x34: {  	v3 =	vld [tilespmem:s26+$0x0]  }
0x35: {  	v4 =	vld [tilespmem:s26+$0x10]  }
0x36: {  	v7 =	vld [tilespmem:s26+$0x20]  }
0x37: {  	v8 =	vld [tilespmem:s26+$0x30]  }
0x38: {  	s25 =	simm.s32 $0x50;
	v2 =	vsub.s32 v2, v0  }
0x39: {  	v5 =	vld [tilespmem:s25+$0x40];
	v3 =	vsub.s32 v3, v0;
	vm0 =	vgt.u32 v2, $0x61FF  }
0x3a: {  	v6 =	vld [tilespmem:s25+$0x0];
	v4 =	vsub.s32 v4, v0;
	v9 =	vsel vm0, $0x620F, v2;
	vm0 =	vgt.u32 v3, $0x61FF  }
0x3b: {  	v10 =	vsub.s32 v7, v0;
	v2 =	vld [tilespmem:s25+$0x10];
	[tilespmem:s26+$0x810] =	vst v9;
	v9 =	vsel vm0, $0x620F, v3;
	vm0 =	vgt.u32 v4, $0x61FF  }
0x3c: {  	v7 =	vsub.s32 v8, v0;
	v3 =	vld [tilespmem:s25+$0x20];
	[tilespmem:s26+$0x7D0] =	vst v9;
	v9 =	vsel vm0, $0x620F, v4;
	vm0 =	vgt.u32 v10, $0x61FF  }
0x3d: {  	s28 =	simm.s32 $0x280;
	v4 =	vld [tilespmem:s25+$0x30];
	[tilespmem:s26+$0x7E0] =	vst v9;
	v8 =	vsel vm0, $0x620F, v10;
	vm0 =	vgt.u32 v7, $0x61FF  }
.LBB2_7:
0x3e: {  	s29 =	sshra.s32 s28, $0x2;
	p0 =	sne.s32 s28, $0x1E00;
	s28 =	sadd.s32 $0x140, s28;
	v9 =	vsub.s32 v5, v0;
	[tilespmem:s26+$0x7F0] =	vst v8;
	v7 =	vsel vm0, $0x620F, v7  }
.Ltmp4:
0x3f: {  	v5 =	vld [tilespmem:s29+$0x40];
	v8 =	vsub.s32 v6, v0;
	vm0 =	vgt.u32 v9, $0x61FF;
	[tilespmem:s26+$0x800] =	vst v7;
	s26 =	smov.u32 s25;
	s25 =	smov.u32 s29;
	(pc) =	sbr.rel @p0 .LBB2_7-.Ltmp4, $4  }
0x40: {  	v6 =	vld [tilespmem:s25+$0x0];
	vm1 =	vgt.u32 v8, $0x61FF;
	v7 =	vsub.s32 v2, v0;
	v9 =	vsel vm0, $0x620F, v9  }
0x41: {  	v2 =	vld [tilespmem:s25+$0x10];
	v8 =	vsel vm1, $0x620F, v8;
	vm0 =	vgt.u32 v7, $0x61FF;
	v10 =	vsub.s32 v3, v0;
	[tilespmem:s26+$0x810] =	vst v9  }
0x42: {  	v3 =	vld [tilespmem:s25+$0x20];
	[tilespmem:s26+$0x7D0] =	vst v8;
	v8 =	vsel vm0, $0x620F, v7;
	vm0 =	vgt.u32 v10, $0x61FF;
	v7 =	vsub.s32 v4, v0  }
0x43: {  	v4 =	vld [tilespmem:s25+$0x30];
	[tilespmem:s26+$0x7E0] =	vst v8;
	v8 =	vsel vm0, $0x620F, v10;
	vm0 =	vgt.u32 v7, $0x61FF  }
0x44: {  	v5 =	vsub.s32 v5, v0  }
0x45: {  	[tilespmem:s26+$0x7F0] =	vst v8;
	v7 =	vsel vm0, $0x620F, v7;
	v6 =	vsub.s32 v6, v0;
	vm12 =	vgt.u32 v5, $0x61FF  }
0x46: {  	[tilespmem:s26+$0x800] =	vst v7;
	vm1 =	vgt.u32 v6, $0x61FF;
	v2 =	vsub.s32 v2, v0;
	v5 =	vsel vm12, $0x620F, v5  }
0x47: {  	v6 =	vsel vm1, $0x620F, v6;
	vm13 =	vgt.u32 v2, $0x61FF;
	v3 =	vsub.s32 v3, v0;
	[tilespmem:s25+$0x810] =	vst v5  }
.Ltmp5:
0x48: {  	[tilespmem:s25+$0x7D0] =	vst v6;
	v2 =	vsel vm13, $0x620F, v2;
	vm14 =	vgt.u32 v3, $0x61FF;
	v4 =	vsub.s32 v4, v0;
	(pc) =	sbr.rel .LBB2_9-.Ltmp5, $4  }
0x49: {  	[tilespmem:s25+$0x7E0] =	vst v2;
	v2 =	vsel vm14, $0x620F, v3;
	vm15 =	vgt.u32 v4, $0x61FF  }
0x4a: {  	s31 =	sshll.u32 s24, $0x3;
	[tilespmem:s25+$0x7F0] =	vst v2;
	v2 =	vsel vm15, $0x620F, v4  }
0x4b: {  	s26 =	sadd.s32 s4, s31;
	[tilespmem:s25+$0x800] =	vst v2;
	s25 =	simm.s32 $0x0  }
0x4c: {  	[tilespmem:s16], [sflag:$0x1] =	stream.linear.gather [hbm4b:s26+s25], $0x1400, $0x38;
	[tilespmem:$0x1D3E0] =	vst v63  }
.LBB2_16:
0x4d: {  	[tilespmem:s28+$0x37D0] =	vst v2  }
0x4e: {  	[tilespmem:s28+$0x37A0] =	vst v3  }
0x4f: {  	[tilespmem:s28+$0x37B0] =	vst v4  }
0x50: {  	[tilespmem:s28+$0x37C0] =	vst v5;
	s0 =	sadd.s32 $0x7D0, s26  }
0x51: {  	[spmem:s1] =	stream.indirect.scatter.add.f32 [tilespmem:s14], [sflag:$0x3], $0x40, s0, s18, $0xb8;
	[tilespmem:$0x1D3E0] =	vst v63  }
0x52: {  	_ =	swait.ge [sflag:s15], $0x1400  }
0x53: {  	[sflag:s15] =	ssyncset.done $0x0  }
0x54: {  	[sflag:s15] =	ssyncadd.s32 $0xFFFFEC00  }
.LBB2_17:
0x55: {  	s25 =	sadd.s32 $0x1, s25  }
0x56: {  	p0 =	sne.s32 s25, $0x19  }
.Ltmp6:
0x57: {  	_ = 	snop;
	(pc) =	sbr.rel @!p0 .LBB2_18-.Ltmp6, $1  }
0x58: {  	_ =	sdelay $0x3  }
.LBB2_9:
0x59: {  	s26 =	smul.u32 $0x50, s25  }
0x5a: {  	s28 =	sand.u32 $0x1, s25;
	p0 =	seq.s32 s25, $0x18  }
0x5b: {  	p1 =	sne.s32 @!p0 s28, $0x0;
	s29 =	sadd.s32 s24, s26  }
0x5c: {  	p0 =	por p1, p0;
	s29 =	sshll.u32 s29, $0x6  }
0x5d: {  	s30 =	sshrl.u32 @!p0 s29, $0x3  }
0x5e: {  	s30 =	sadd.s32 @!p0 s4, s30  }
0x5f: {  	s31 =	simm.s32 @!p0 $0x0;
	s0 =	simm.s32 @!p0 $0x23A0;
	s30 =	sadd.s32 @!p0 $0x280, s30  }
0x60: {  	[tilespmem:s0], [sflag:$0x2] =	stream.linear.gather @!p0 [hbm4b:s30+s31], $0x1400, $0x38;
	[tilespmem:$0x1D3E0] =	vst v63  }
0x61: {  	p0 =	seq.s32 s28, $0x0  }
0x62: {  	s0 =	sshrl.u32 @!p0 s29, $0x3  }
0x63: {  	s0 =	sadd.s32 @!p0 s4, s0  }
0x64: {  	s29 =	simm.s32 @!p0 $0x0;
	s30 =	simm.s32 @!p0 $0xFA0;
	s0 =	sadd.s32 @!p0 $0x280, s0  }
0x65: {  	[tilespmem:s30], [sflag:$0x1] =	stream.linear.gather @!p0 [hbm4b:s0+s29], $0x1400, $0x38;
	[tilespmem:$0x1D3E0] =	vst v63  }
0x66: {  	p0 =	sne.s32 s28, $0x0  }
.Ltmp7:
0x67: {  	_ = 	snop;
	(pc) =	sbr.rel @p0 .LBB2_13-.Ltmp7, $1  }
0x68: {  	_ =	sdelay $0x3  }
0x69: {  	_ =	swait.ge [sflag:s17], $0x1400  }
0x6a: {  	[sflag:s17] =	ssyncset.done $0x0  }
0x6b: {  	s29 =	simm.s32 $0x0;
	[sflag:s17] =	ssyncadd.s32 $0xFFFFEC00  }
0x6c: {  	v2 =	vld [tilespmem:s29+$0xFD0]  }
0x6d: {  	v3 =	vld [tilespmem:s29+$0xFA0]  }
0x6e: {  	v4 =	vld [tilespmem:s29+$0xFB0]  }
0x6f: {  	s30 =	simm.s32 $0x100;
	v5 =	vld [tilespmem:s29+$0xFC0]  }
.LBB2_11:
0x70: {  	p0 =	sne.s32 s30, $0x4F00  }
.Ltmp8:
0x71: {  	s0 =	sshra.s32 s30, $0x2;
	s30 =	sadd.s32 $0x100, s30;
	[tilespmem:s29+$0x37D0] =	vst v2;
	(pc) =	sbr.rel @p0 .LBB2_11-.Ltmp8, $4  }
0x72: {  	v2 =	vld [tilespmem:s0+$0xFD0];
	[tilespmem:s29+$0x37A0] =	vst v3  }
0x73: {  	v3 =	vld [tilespmem:s0+$0xFA0];
	[tilespmem:s29+$0x37B0] =	vst v4  }
0x74: {  	v4 =	vld [tilespmem:s0+$0xFB0];
	[tilespmem:s29+$0x37C0] =	vst v5;
	s29 =	smov.u32 s0  }
0x75: {  	v5 =	vld [tilespmem:s29+$0xFC0]  }
0x76: {  	_ = 	snop  }
0x77: {  	[tilespmem:s29+$0x37D0] =	vst v2  }
0x78: {  	[tilespmem:s29+$0x37A0] =	vst v3  }
0x79: {  	[tilespmem:s29+$0x37B0] =	vst v4  }
0x7a: {  	s0 =	sadd.s32 $0x7D0, s26;
	[tilespmem:s29+$0x37C0] =	vst v5  }
0x7b: {  	[spmem:s1] =	stream.indirect.scatter.add.f32 [tilespmem:s14], [sflag:$0x4], $0x40, s0, s18, $0xb8;
	[tilespmem:$0x1D3E0] =	vst v63  }
0x7c: {  	_ =	swait.ge [sflag:s19], $0x1400  }
0x7d: {  	[sflag:s19] =	ssyncset.done $0x0  }
0x7e: {  	[sflag:s19] =	ssyncadd.s32 $0xFFFFEC00  }
.LBB2_13:
0x7f: {  	p0 =	seq.s32 s28, $0x1  }
.Ltmp9:
0x80: {  	_ = 	snop;
	(pc) =	sbr.rel @!p0 .LBB2_17-.Ltmp9, $1  }
0x81: {  	_ =	sdelay $0x3  }
0x82: {  	_ =	swait.ge [sflag:s20], $0x1400  }
0x83: {  	[sflag:s20] =	ssyncset.done $0x0  }
0x84: {  	s28 =	simm.s32 $0x0;
	[sflag:s20] =	ssyncadd.s32 $0xFFFFEC00  }
0x85: {  	v2 =	vld [tilespmem:s28+$0x23D0]  }
0x86: {  	v3 =	vld [tilespmem:s28+$0x23A0]  }
0x87: {  	v4 =	vld [tilespmem:s28+$0x23B0]  }
0x88: {  	s29 =	simm.s32 $0x100;
	v5 =	vld [tilespmem:s28+$0x23C0]  }
.LBB2_15:
0x89: {  	p0 =	sne.s32 s29, $0x4F00  }
.Ltmp10:
0x8a: {  	s0 =	sshra.s32 s29, $0x2;
	s29 =	sadd.s32 $0x100, s29;
	[tilespmem:s28+$0x37D0] =	vst v2;
	(pc) =	sbr.rel @p0 .LBB2_15-.Ltmp10, $4  }
0x8b: {  	v2 =	vld [tilespmem:s0+$0x23D0];
	[tilespmem:s28+$0x37A0] =	vst v3  }
0x8c: {  	v3 =	vld [tilespmem:s0+$0x23A0];
	[tilespmem:s28+$0x37B0] =	vst v4  }
0x8d: {  	v4 =	vld [tilespmem:s0+$0x23B0];
	[tilespmem:s28+$0x37C0] =	vst v5;
	s28 =	smov.u32 s0  }
0x8e: {  	v5 =	vld [tilespmem:s28+$0x23C0]  }
.Ltmp11:
0x8f: {  	_ = 	snop;
	(pc) =	sbr.rel .LBB2_16-.Ltmp11, $1  }
0x90: {  	_ =	sdelay $0x3  }
.LBB2_19:
0x91: {  	[bflag:$0x0] =	sbarrier.arrive $0xFFFF  }
0x92: {  	[tilespmem:s14], [sflag:$0x3] =	stream.linear.gather [spmem:s12], $0x1400, $0x38;
	[tilespmem:$0x1D3E0] =	vst v63  }
0x93: {  	_ =	swait.ge [sflag:s15], $0x1400  }
0x94: {  	[sflag:s15] =	ssyncset.done $0x0  }
0x95: {  	s0 =	sadd.s32 $0x0, s13;
	[sflag:s15] =	ssyncadd.s32 $0xFFFFEC00  }
0x96: {  	[hbm4b:s0+s3] =	stream.linear.scatter [tilespmem:s14], [sflag:$0x3], $0x1400, $0x38;
	[tilespmem:$0x1D3E0] =	vst v63  }
0x97: {  	_ =	swait.ge [sflag:s15], $0x1400  }
0x98: {  	s22 =	simm.s32 $0x280;
	s23 =	smov.u32 s12;
	[sflag:s15] =	ssyncset.done $0x0  }
.LBB2_20:
0x99: {  	p0 =	sne.s32 s22, $0x2D00;
	[sflag:s15] =	ssyncadd.s32 $0xFFFFEC00;
	s23 =	sadd.s32 $0x1400, s23  }
0x9a: {  	[tilespmem:s14], [sflag:$0x3] =	stream.linear.gather [spmem:s23], $0x1400, $0x38;
	[tilespmem:$0x1D3E0] =	vst v63  }
0x9b: {  	s0 =	smov.u32 s22;
	s22 =	sadd.s32 $0x280, s22;
	_ =	swait.ge [sflag:s15], $0x1400  }
.Ltmp12:
0x9c: {  	[sflag:s15] =	ssyncset.done $0x0;
	(pc) =	sbr.rel @p0 .LBB2_20-.Ltmp12, $4  }
0x9d: {  	s0 =	sadd.s32 s0, s13;
	[sflag:s15] =	ssyncadd.s32 $0xFFFFEC00  }
0x9e: {  	[hbm4b:s0+s3] =	stream.linear.scatter [tilespmem:s14], [sflag:$0x3], $0x1400, $0x38;
	[tilespmem:$0x1D3E0] =	vst v63  }
0x9f: {  	_ =	swait.ge [sflag:s15], $0x1400  }
0xa0: {  	[sflag:s15] =	ssyncset.done $0x0  }
0xa1: {  	[sflag:s15] =	ssyncadd.s32 $0xFFFFEC00  }
0xa2: {  	[tilespmem:s14], [sflag:$0x3] =	stream.linear.gather [spmem:s9], $0xC00, $0x38;
	[tilespmem:$0x1D3E0] =	vst v63  }
0xa3: {  	s21 =	sadd.s32 $0x1, s21;
	_ =	swait.ge [sflag:s15], $0xC00  }
0xa4: {  	p0 =	sne.s32 s21, s11;
	[sflag:s15] =	ssyncset.done $0x0  }
.Ltmp13:
0xa5: {  	[sflag:s15] =	ssyncadd.s32 $0xFFFFF400;
	(pc) =	sbr.rel @p0 .LBB2_1-.Ltmp13, $4  }
0xa6: {  	[hbm4b:s10+s3] =	stream.linear.scatter [tilespmem:s14], [sflag:$0x3], $0xC00, $0x38;
	[tilespmem:$0x1D3E0] =	vst v63  }
0xa7: {  	_ =	swait.ge [sflag:s15], $0xC00  }
0xa8: {  	[sflag:s15] =	ssyncset.done $0x0  }
0xa9: {  	[sflag:s15] =	ssyncadd.s32 $0xFFFFF400  }
0xaa: {  	_ =	sfence.sel $0x180000  }
0xab: {  	[bflag:$0x0] =	sbarrier.arrive $0xFFFF  }
0xac: {  	_ =	strace $0x90000050  }
0xad: {  	[bflag:$0x2] =	sbarrier.arrive $0xFFFF  }
0xae: {  	p0 =	sne.s32 s2, $0x0;
	s0 =	rddreg [dreg:$0x2]  }
0xaf: {  	s0 =	sadd.s32 @!p0 $0x100000, s0  }
0xb0: {  	[sflag:s0] =	ssyncadd.tile.s32 @!p0 $0x1;
	_ =	shalt  }
.Lfunc_end2:
_tile_overlayer_lowered:
.L_overlay_start_2:
0xb1: {  	(tag) =	ssettag $0x2  }
0xb2: {  	s0 =	rddreg [dreg:$0x0];
	s2 =	stileid.u32  }
0xb3: {  	s1 =	rddreg [dreg:$0x1];
	p0 =	sne.s32 s2, $0x0  }
0xb4: {  	s3 =	rddreg [dreg:$0x2];
	[bflag:$0x3] =	sbarrier.arrive $0xFFFF;
	s2 =	simm.s32 @!p0 $0x1C03  }
0xb5: {  	[timem:s3], [sflag:s2] =	dma.local @!p0 [hbm:s0], s1  }
0xb6: {  	s0 =	simm.s32 @!p0 $0x3  }
0xb7: {  	_ =	swait.ge @!p0 [sflag:s0], s1  }
0xb8: {  	s1 =	ssub.s32 @!p0 $0x0, s1;
	[sflag:s0] =	ssyncset.done @!p0 $0x0  }
0xb9: {  	[sflag:s0] =	ssyncadd.s32 @!p0 s1  }
0xba: {  	[bflag:$0x3] =	sbarrier.arrive $0xFFFF  }
0xbb: {  	_ =	shalt  }

// kernel: kernel.25.cloned.1.call-start
scs
__scs_entry_jumppad:
0x0: {  	(pc) =	sbr.rel $0x88, $3  }
0x1: {  	(tag) =	ssettag $0x0;
	lr =	simm.s32 $0x1  }
0x2: {  	[smem:$0x3F79] =	sst lr;
	_ =	strace $0xD0000000  }
0x3: {  	_ = 	snop  }
0x4: {  	_ = 	snop  }
0x5: {  	_ = 	snop  }
0x6: {  	_ = 	snop  }
0x7: {  	_ = 	snop  }
__scs_overlays_trampoline_lowered:
0x8: {  	[smem:$0x3F88] =	sst s0  }
0x9: {  	[smem:$0x3F89] =	sst s1  }
0xa: {  	[smem:$0x3F8A] =	sst s2  }
0xb: {  	[smem:$0x3F8B] =	sst s3  }
0xc: {  	[smem:$0x3F8C] =	sst s4  }
0xd: {  	[smem:$0x3F8D] =	sst s5  }
0xe: {  	[smem:$0x3F8E] =	sst s6  }
0xf: {  	[smem:$0x3F8F] =	sst s7  }
0x10: {  	[smem:$0x3F90] =	sst s8  }
0x11: {  	[smem:$0x3F91] =	sst s9;
	s0 =	simm.s32 @!p0 $0x0  }
0x12: {  	s1 =	sld [smem:$0x3F77];
	s0 =	simm.s32 @p0 $0x1  }
0x13: {  	[smem:$0x3F92] =	sst s0;
	s0 =	simm.s32 @!p1 $0x0  }
0x14: {  	s2 =	sld [smem:$0x3F76];
	s0 =	simm.s32 @p1 $0x1  }
0x15: {  	[smem:$0x3F93] =	sst s0;
	s0 =	simm.s32 @!p2 $0x0  }
0x16: {  	s3 =	sld [smem:$0x3FDB];
	s0 =	simm.s32 @p2 $0x1  }
0x17: {  	s4 =	simm.s32 $0x1BF5;
	[smem:$0x3F95] =	sst s0  }
0x18: {  	s0 =	sld [smem:$0x3F78];
	_ =	swait.ge [sflag:s4], $0x0  }
0x19: {  	s7 =	sld [smem:$0x3F79]  }
0x1a: {  	s8 =	sadd.s32 $0xFFFFE003, lr  }
0x1b: {  	s9 =	sadd.s32 $0xFFFFFEF7, lr;
	s5 =	simm.s32 $0xFFFFFFFF;
	p2 =	slt.u32 s8, $0xFFFFF086  }
0x1c: {  	p1 =	slt.u32 s9, $0xF7A;
	s5 =	simm.s32 @!p2 $0x0  }
0x1d: {  	s5 =	simm.s32 @p1 $0x1;
	p0 =	seq.s32 s7, s2  }
0x1e: {  	s7 =	smul.u32 @!p0 $0xF7A, s2;
	p2 =	seq.s32 @!p0 s5, $0x0  }
0x1f: {  	s9 =	smul.u32 $0xF7A, s1;
	s8 =	simm.s32 @!p0 $0x1BF5;
	p2 =	por !p2, p0  }
0x20: {  	[sflag:s8] =	ssyncset.s32 @!p0 $0xFFFFF086;
	s6 =	sadd.s32 @!p0 s3, s7;
	s7 =	simm.s32 @!p0 $0x108  }
0x21: {  	s3 =	sadd.s32 s3, s9;
	s6 =	sadd.s32 @!p0 $0x88, s6;
	s7 =	simm.s32 @p2 $0x1082  }
0x22: {  	[simem:s7], [sflag:s8] =	dma.local @!p0 [hbm:s6], $0xF7A  }
0x23: {  	s9 =	sor.u32 $0xD0000000, s2;
	s6 =	simm.s32 $0x108;
	_ =	swait.ge @!p0 [sflag:s8], $0x0  }
0x24: {  	s3 =	sadd.s32 $0x88, s3;
	s6 =	simm.s32 @!p1 $0x1082;
	[sflag:s4] =	ssyncset.s32 $0xFFFFF086  }
0x25: {  	[simem:s6], [sflag:s4] =	dma.local [hbm:s3], $0xF7A  }
0x26: {  	[smem:$0x3F79] =	sst s1;
	(tag) =	ssettag s2;
	_ =	strace s9  }
0x27: {  	s1 =	sld [smem:$0x3F89]  }
0x28: {  	s2 =	sld [smem:$0x3F8A]  }
0x29: {  	s4 =	sld [smem:$0x3F8C]  }
0x2a: {  	p0 =	seq.s32 s5, $0x0;
	s5 =	sld [smem:$0x3F8D]  }
0x2b: {  	s6 =	sld [smem:$0x3F8E]  }
0x2c: {  	s7 =	sld [smem:$0x3F8F]  }
0x2d: {  	s3 =	simm.s32 $0x108;
	s8 =	sld [smem:$0x3F90]  }
0x2e: {  	s3 =	simm.s32 @!p0 $0x1082;
	s9 =	sld [smem:$0x3F91]  }
0x2f: {  	lr =	sadd.s32 s0, s3;
	s0 =	sld [smem:$0x3F88]  }
0x30: {  	s3 =	sld [smem:$0x3F8B]  }
0x31: {  	[smem:$0x3F94] =	sst s10  }
0x32: {  	s10 =	sld [smem:$0x3F92];
	_ =	sdelay $0x3  }
0x33: {  	p0 =	seq.s32 s10, $0x1;
	s10 =	sld [smem:$0x3F94];
	_ =	sdelay $0x3  }
0x34: {  	[smem:$0x3F94] =	sst s10  }
0x35: {  	s10 =	sld [smem:$0x3F93];
	_ =	sdelay $0x3  }
0x36: {  	p1 =	seq.s32 s10, $0x1;
	s10 =	sld [smem:$0x3F94];
	_ =	sdelay $0x3  }
0x37: {  	[smem:$0x3F94] =	sst s10  }
0x38: {  	s10 =	sld [smem:$0x3F95]  }
0x39: {  	_ = 	snop;
	(pc) =	sbr.ind lr, $3  }
0x3a: {  	_ = 	snop  }
0x3b: {  	_ = 	snop  }
0x3c: {  	p2 =	seq.s32 s10, $0x1;
	s10 =	sld [smem:$0x3F94]  }
0x3d: {  	_ =	shalt  }
0x3e: {  	_ =	shalt  }
0x3f: {  	_ =	shalt  }
0x40: {  	_ =	shalt  }
0x41: {  	_ =	shalt  }
0x42: {  	_ =	shalt  }
0x43: {  	_ =	shalt  }
0x44: {  	_ =	shalt  }
0x45: {  	_ =	shalt  }
0x46: {  	_ =	shalt  }
0x47: {  	_ =	shalt  }
0x48: {  	_ =	shalt  }
0x49: {  	_ =	shalt  }
0x4a: {  	_ =	shalt  }
0x4b: {  	_ =	shalt  }
0x4c: {  	_ =	shalt  }
0x4d: {  	_ =	shalt  }
0x4e: {  	_ =	shalt  }
0x4f: {  	_ =	shalt  }
0x50: {  	_ =	shalt  }
0x51: {  	_ =	shalt  }
0x52: {  	_ =	shalt  }
0x53: {  	_ =	shalt  }
0x54: {  	_ =	shalt  }
0x55: {  	_ =	shalt  }
0x56: {  	_ =	shalt  }
0x57: {  	_ =	shalt  }
0x58: {  	_ =	shalt  }
0x59: {  	_ =	shalt  }
0x5a: {  	_ =	shalt  }
0x5b: {  	_ =	shalt  }
0x5c: {  	_ =	shalt  }
0x5d: {  	_ =	shalt  }
0x5e: {  	_ =	shalt  }
0x5f: {  	_ =	shalt  }
0x60: {  	_ =	shalt  }
0x61: {  	_ =	shalt  }
0x62: {  	_ =	shalt  }
0x63: {  	_ =	shalt  }
0x64: {  	_ =	shalt  }
0x65: {  	_ =	shalt  }
0x66: {  	_ =	shalt  }
0x67: {  	_ =	shalt  }
0x68: {  	_ =	shalt  }
0x69: {  	_ =	shalt  }
0x6a: {  	_ =	shalt  }
0x6b: {  	_ =	shalt  }
0x6c: {  	_ =	shalt  }
0x6d: {  	_ =	shalt  }
0x6e: {  	_ =	shalt  }
0x6f: {  	_ =	shalt  }
0x70: {  	_ =	shalt  }
0x71: {  	_ =	shalt  }
0x72: {  	_ =	shalt  }
0x73: {  	_ =	shalt  }
0x74: {  	_ =	shalt  }
0x75: {  	_ =	shalt  }
0x76: {  	_ =	shalt  }
0x77: {  	_ =	shalt  }
0x78: {  	_ =	shalt  }
0x79: {  	_ =	shalt  }
0x7a: {  	_ =	shalt  }
0x7b: {  	_ =	shalt  }
0x7c: {  	_ =	shalt  }
0x7d: {  	_ =	shalt  }
0x7e: {  	_ =	shalt  }
0x7f: {  	_ =	shalt  }
0x80: {  	_ =	shalt  }
0x81: {  	_ =	shalt  }
0x82: {  	_ =	shalt  }
0x83: {  	_ =	shalt  }
0x84: {  	_ =	shalt  }
0x85: {  	_ =	shalt  }
0x86: {  	_ =	shalt  }
0x87: {  	_ =	shalt  }
.Lfunc_end0:
.L_simem_size_0:
called_computation.4_lowered:
.L_overlay_start_0:
0x88: {  	s2 =	sld [smem:$0x3FD9]  }
0x89: {  	s3 =	sld [smem:$0x3FFE];
	_ =	sdelay $0x1  }
0x8a: {  	s1 =	srdreg.scid  }
0x8b: {  	s0 =	sand.u32 $0x1, s1  }
0x8c: {  	s16 =	sshll.u32 s0, $0xA;
	s2 =	sadd.s32 s3, s2  }
0x8d: {  	s2 =	sadd.s32 s2, s16  }
0x8e: {  	[smem:$0x3FA0] =	sst s2  }
0x8f: {  	_ = 	snop  }
0x90: {  	(tm) =	ssettm $0x1  }
0x91: {  	s17 =	sld [smem:$0x3FFB];
	_ =	sdelay $0x3  }
0x92: {  	_ =	strace s17  }
0x93: {  	s2 =	sld [smem:$0x3FFC];
	_ =	sdelay $0x3  }
0x94: {  	_ =	strace s2  }
0x95: {  	s2 =	sld [smem:$0x3FFD];
	_ =	sdelay $0x3  }
0x96: {  	_ =	strace s2  }
0x97: {  	_ =	strace $0x8FFFFFFF  }
0x98: {  	s18 =	sld [smem:$0x3FDB];
	_ =	sdelay $0x1  }
0x99: {  	s19 =	simm.s32 $_scs_section_size  }
0x9a: {  	s4 =	simm.s32 $_size__tile_overlayer_lowered;
	s5 =	simm.s32 $_tile_overlayer_lowered  }
0x9b: {  	s22 =	simm.s32 $0x1BFF;
	s21 =	sshll.u32 s5, $0x1;
	s2 =	sadd.s32 s19, s18  }
0x9c: {  	s6 =	simm.s32 $0x0;
	s20 =	sshll.u32 s4, $0x1;
	s4 =	sadd.s32 s21, s2  }
0x9d: {  	[timem:s6], [sflag:s22] =	dma.local [hbm:s4], s20  }
0x9e: {  	_ =	swait.ge [sflag:s22], s20  }
0x9f: {  	s3 =	ssub.s32 $0x0, s20;
	[sflag:s22] =	ssyncset.done $0x0  }
0xa0: {  	[sflag:s22] =	ssyncadd.s32 s3;
	_ =	sdelay $0x1  }
0xa1: {  	s23 =	simm.s32 $0x1B8B  }
0xa2: {  	_ =	swait.ge [sflag:s23], $0x1  }
0xa3: {  	[sflag:s23] =	ssyncset.done $0x0  }
0xa4: {  	s25 =	simm.s32 $0x1B8E;
	s24 =	sld [smem:$0x3FFE];
	[sflag:s23] =	ssyncadd.s32 $0xFFFFFFFF  }
0xa5: {  	s26 =	simm.s32 $execute0_lowered;
	[smem:$0x3FD2] =	sst s25  }
0xa6: {  	s4 =	sshll.u32 s26, $0x1;
	_ =	strace $0x80000052;
	[dreg:$0x1] =	wrdreg $0xFFFFFFFF  }
0xa7: {  	s28 =	simm.s32 $_size_execute0_lowered;
	s2 =	sadd.s32 s2, s4;
	[dreg:$0x0] =	wrdreg $0x0  }
0xa8: {  	s4 =	sshll.u32 s28, $0x1;
	[dreg:$0x2] =	wrdreg s2  }
0xa9: {  	[dreg:$0x3] =	wrdreg s4  }
0xaa: {  	[dreg:$0x4] =	wrdreg $0xC0  }
0xab: {  	_ =	task [dreg:s6], $0x5FFFF  }
0xac: {  	[dreg:$0x1] =	wrdreg $0xFFFFFFFF  }
0xad: {  	[dreg:$0x0] =	wrdreg $0x60  }
0xae: {  	[dreg:$0x2] =	wrdreg s24  }
0xaf: {  	[dreg:$0x3] =	wrdreg $0x9  }
0xb0: {  	_ =	task.clear_ibuf [dreg:s6], $0x4FFFF;
	_ =	strace $0x90000052  }
0xb1: {  	s29 =	simm.s32 $0x9;
	_ =	strace $0x80000054  }
0xb2: {  	_ =	swait.ge [sflag:s29], $0x1  }
0xb3: {  	[sflag:s29] =	ssyncadd.s32 $0xFFFFFFFF  }
0xb4: {  	_ =	strace $0x90000054  }
0xb5: {  	_ =	sfence  }
0xb6: {  	s30 =	sld [smem:$0x0];
	_ =	sdelay $0x2  }
0xb7: {  	s31 =	sshll.u32 s1, $0xD;
	s1 =	sshrl.u32 s1, $0x2  }
0xb8: {  	s3 =	sand.u32 $0x4000, s31;
	s1 =	sadd.s32 s1, s30  }
0xb9: {  	s0 =	sor.u32 s3, s0;
	s1 =	sshll.u32 s1, $0x11  }
0xba: {  	s0 =	sor.u32 s1, s0  }
0xbb: {  	s0 =	sadd.s32 $0x8F2B, s0  }
0xbc: {  	[sflag:s0] =	ssyncadd.remote.s32 $0x1  }
0xbd: {  	_ =	sfence.sel $0xFFFF  }
0xbe: {  	[dreg:$0x0] =	wrdreg $0xFFFFFFFF;
	(pc) =	sbr.abs _section_cstart, $3  }
0xbf: {  	[dreg:$0x1] =	wrdreg $0xFFFFFFFF  }
0xc0: {  	_ =	task.clear_ibuf [dreg:s6], $0x2FFFF;
	_ =	strace $0x9FFFFFFF  }
0xc1: {  	(tm) =	ssettm $0x7FFFFFFF  }
tec
execute0_lowered:
.L_overlay_start_1:
0x0: {  	(tag) =	ssettag $0x1  }
0x1: {  	s7 =	rddreg [dreg:$0x0]  }
0x2: {  	s0 =	rddreg [dreg:$0x1];
	s1 =	simm.s32 $0x0  }
0x3: {  	s3 =	srdreg.scid;
	s11 =	simm.s32 $0x28;
	s12 =	simm.s32 $0x400  }
0x4: {  	s13 =	simm.s32 $0x1;
	s14 =	simm.s32 $0x2C00;
	s15 =	simm.s32 $0x2  }
0x5: {  	s16 =	simm.s32 $0x4000;
	s17 =	simm.s32 $0x4;
	s18 =	simm.s32 $0x3  }
0x6: {  	s19 =	simm.s32 $0x0;
	[smem:$0x7FF] =	sst s1;
	s2 =	sadd.s32 $0x1BF800, s7  }
.Ltmp0:
0x7: {  	s9 =	sand.u32 $0x1, s3;
	s4 =	sadd.s32 $0x1F000, s7;
	(pc) =	sbr.rel .LBB2_1-.Ltmp0, $4  }
0x8: {  	s5 =	sadd.s32 $0x6800, s7;
	s6 =	sadd.s32 $0x283800, s7;
	s8 =	ssub.s32 $0x2, s9  }
0x9: {  	s3 =	stileid.u32;
	s7 =	sadd.s32 $0x259A800, s7;
	s10 =	sshrl.u32 s8, $0x1  }
0xa: {  	_ =	strace $0x80000053;
	p0 =	seq.s32 s9, $0x1;
	s10 =	ssub.s32 s8, s10  }
0xb: {  	s8 =	smul.u32 $0xC350, s3;
	s9 =	smax.u32 s10, $0x1;
	s10 =	simm.s32 $0x5  }
.LBB2_24:
0xc: {  	s19 =	sadd.s32 $0x1, s19  }
0xd: {  	p1 =	sne.s32 s19, s9  }
.Ltmp1:
0xe: {  	_ = 	snop;
	(pc) =	sbr.rel @!p1 .LBB2_25-.Ltmp1, $1  }
0xf: {  	_ =	sdelay $0x3  }
.LBB2_1:
.Ltmp2:
0x10: {  	(pc) =	sbr.rel @p0 .LBB2_13-.Ltmp2, $4  }
.Ltmp3:
0x11: {  	(pc) =	sbr.rel @!p0 .LBB2_2-.Ltmp3, $4  }
0x12: {  	_ = 	snop  }
0x13: {  	_ = 	snop  }
0x14: {  	s20 =	simm.s32 $0x0;
	s21 =	simm.s32 $0x0  }
0x15: {  	_ = 	snop  }
.LBB2_23:
0x16: {  	s21 =	sadd.s32 $0x1, s21  }
0x17: {  	_ =	swait.ge [sflag:s17], $0x1400;
	p1 =	sne.s32 s21, $0x32  }
.Ltmp4:
0x18: {  	[sflag:s17] =	ssyncset.done $0x0;
	(pc) =	sbr.rel @!p1 .LBB2_24-.Ltmp4, $4  }
0x19: {  	[sflag:s17] =	ssyncadd.s32 $0xFFFFEC00  }
0x1a: {  	_ =	swait.ge [sflag:s18], $0x1400  }
0x1b: {  	[sflag:s18] =	ssyncset.done $0x0  }
0x1c: {  	[sflag:s18] =	ssyncadd.s32 $0xFFFFEC00  }
.LBB2_13:
0x1d: {  	s20 =	smul.u32 $0x3E8, s21;
	_ =	sdelay $0x1  }
0x1e: {  	s20 =	sadd.s32 s8, s20  }
0x1f: {  	s22 =	sshrl.u32 s20, $0x3  }
0x20: {  	s23 =	sadd.s32 s5, s22;
	s22 =	simm.s32 $0x0  }
0x21: {  	[tilespmem:s22], [sflag:$0x5] =	stream.linear.gather [hbm4b:s23+s22], $0x3E8, $0x38;
	[tilespmem:$0x5400] =	vst v63  }
.Ltmp5:
0x22: {  	_ = 	snop;
	(pc) =	sbr.rel .LBB2_14-.Ltmp5, $4  }
0x23: {  	_ =	swait.ge [sflag:s10], $0x3E8  }
0x24: {  	[sflag:s10] =	ssyncset.done $0x0  }
0x25: {  	[sflag:s10] =	ssyncadd.s32 $0xFFFFFC18  }
0x26: {  	[tilespmem:s12], [sflag:$0x1] =	stream.indirect.gather [hbm4b:s2+s11], $0x80, s22, s11, $0xb8;
	[tilespmem:$0x5400] =	vst v63  }
.LBB2_21:
0x27: {  	[tilespmem:s24+$0x4030] =	vst v0  }
0x28: {  	[tilespmem:s24+$0x4000] =	vst v1  }
0x29: {  	[tilespmem:s24+$0x4010] =	vst v2;
	s23 =	sshll.u32 s23, $0x4  }
0x2a: {  	[tilespmem:s24+$0x4020] =	vst v3;
	s23 =	sadd.s32 s7, s23  }
0x2b: {  	[hbm4b:s23+s1] =	stream.linear.scatter [tilespmem:s16], [sflag:$0x4], $0x1400, $0x38;
	[tilespmem:$0x5400] =	vst v63  }
.LBB2_22:
0x2c: {  	p1 =	sne.s32 s22, $0x19  }
.Ltmp6:
0x2d: {  	_ = 	snop;
	(pc) =	sbr.rel @!p1 .LBB2_23-.Ltmp6, $1  }
0x2e: {  	_ =	sdelay $0x3  }
.LBB2_14:
0x2f: {  	s24 =	sand.u32 $0x1, s22;
	p1 =	seq.s32 s22, $0x18  }
0x30: {  	p2 =	sne.s32 @!p1 s24, $0x0  }
0x31: {  	s25 =	smov.u32 s22;
	s22 =	sadd.s32 $0x1, s22;
	p1 =	por p2, p1  }
0x32: {  	s23 =	smul.u32 @!p1 $0xA0, s22;
	_ =	sdelay $0x1  }
0x33: {  	s26 =	simm.s32 @!p1 $0x28;
	s28 =	simm.s32 @!p1 $0x1800;
	s23 =	sshra.s32 @!p1 s23, $0x2  }
0x34: {  	[tilespmem:s28], [sflag:$0x2] =	stream.indirect.gather @!p1 [hbm4b:s2+s26], $0x80, s23, s26, $0xb8;
	[tilespmem:$0x5400] =	vst v63  }
0x35: {  	p1 =	seq.s32 s24, $0x0  }
0x36: {  	p2 =	sne.s32 s24, $0x0;
	s23 =	smul.u32 @!p1 $0xA0, s22  }
.Ltmp7:
0x37: {  	_ = 	snop;
	(pc) =	sbr.rel @p2 .LBB2_18-.Ltmp7, $4  }
0x38: {  	s31 =	smul.u32 $0x28, s25  }
0x39: {  	s28 =	simm.s32 @!p1 $0x28;
	s29 =	simm.s32 @!p1 $0x400;
	s23 =	sshra.s32 @!p1 s23, $0x2  }
0x3a: {  	[tilespmem:s29], [sflag:$0x1] =	stream.indirect.gather @!p1 [hbm4b:s2+s28], $0x80, s23, s28, $0xb8;
	[tilespmem:$0x5400] =	vst v63  }
0x3b: {  	s23 =	sadd.s32 s20, s31;
	p1 =	slt.u32 s25, $0x2  }
0x3c: {  	_ =	swait.ge [sflag:s13], $0x1400  }
0x3d: {  	[sflag:s13] =	ssyncset.done $0x0  }
0x3e: {  	s25 =	simm.s32 @!p1 $0x3;
	[sflag:s13] =	ssyncadd.s32 $0xFFFFEC00  }
0x3f: {  	_ =	swait.ge @!p1 [sflag:s25], $0x1400  }
0x40: {  	[sflag:s25] =	ssyncset.done @!p1 $0x0  }
0x41: {  	[sflag:s25] =	ssyncadd.s32 @!p1 $0xFFFFEC00;
	s25 =	simm.s32 $0x0  }
0x42: {  	v0 =	vld [tilespmem:s25+$0x430]  }
0x43: {  	v1 =	vld [tilespmem:s25+$0x400]  }
0x44: {  	v2 =	vld [tilespmem:s25+$0x410]  }
0x45: {  	s26 =	simm.s32 $0x200;
	v3 =	vld [tilespmem:s25+$0x420]  }
.LBB2_16:
0x46: {  	p2 =	sne.s32 s26, $0x4E00  }
.Ltmp8:
0x47: {  	s28 =	sshra.s32 s26, $0x2;
	s26 =	sadd.s32 $0x200, s26;
	[tilespmem:s25+$0x2C30] =	vst v0;
	(pc) =	sbr.rel @p2 .LBB2_16-.Ltmp8, $4  }
0x48: {  	v0 =	vld [tilespmem:s28+$0x430];
	[tilespmem:s25+$0x2C00] =	vst v1  }
0x49: {  	v1 =	vld [tilespmem:s28+$0x400];
	[tilespmem:s25+$0x2C10] =	vst v2  }
0x4a: {  	v2 =	vld [tilespmem:s28+$0x410];
	[tilespmem:s25+$0x2C20] =	vst v3;
	s25 =	smov.u32 s28  }
0x4b: {  	v3 =	vld [tilespmem:s25+$0x420]  }
0x4c: {  	_ = 	snop  }
0x4d: {  	[tilespmem:s25+$0x2C30] =	vst v0  }
0x4e: {  	[tilespmem:s25+$0x2C00] =	vst v1  }
0x4f: {  	s26 =	sshll.u32 s23, $0x4;
	[tilespmem:s25+$0x2C10] =	vst v2  }
0x50: {  	s31 =	sadd.s32 s7, s26;
	[tilespmem:s25+$0x2C20] =	vst v3  }
0x51: {  	[hbm4b:s31+s1] =	stream.linear.scatter [tilespmem:s14], [sflag:$0x3], $0x1400, $0x38;
	[tilespmem:$0x5400] =	vst v63  }
.LBB2_18:
0x52: {  	p2 =	seq.s32 s24, $0x1  }
.Ltmp9:
0x53: {  	_ = 	snop;
	(pc) =	sbr.rel @!p2 .LBB2_22-.Ltmp9, $1  }
0x54: {  	_ =	sdelay $0x3  }
0x55: {  	_ =	swait.ge [sflag:s15], $0x1400  }
0x56: {  	[sflag:s15] =	ssyncset.done $0x0  }
0x57: {  	s24 =	simm.s32 @!p1 $0x4;
	[sflag:s15] =	ssyncadd.s32 $0xFFFFEC00  }
0x58: {  	_ =	swait.ge @!p1 [sflag:s24], $0x1400  }
0x59: {  	[sflag:s24] =	ssyncset.done @!p1 $0x0  }
0x5a: {  	[sflag:s24] =	ssyncadd.s32 @!p1 $0xFFFFEC00;
	s24 =	simm.s32 $0x0  }
0x5b: {  	v0 =	vld [tilespmem:s24+$0x1830]  }
0x5c: {  	v1 =	vld [tilespmem:s24+$0x1800]  }
0x5d: {  	v2 =	vld [tilespmem:s24+$0x1810]  }
0x5e: {  	s25 =	simm.s32 $0x200;
	v3 =	vld [tilespmem:s24+$0x1820]  }
.LBB2_20:
0x5f: {  	p1 =	sne.s32 s25, $0x4E00  }
.Ltmp10:
0x60: {  	s26 =	sshra.s32 s25, $0x2;
	s25 =	sadd.s32 $0x200, s25;
	[tilespmem:s24+$0x4030] =	vst v0;
	(pc) =	sbr.rel @p1 .LBB2_20-.Ltmp10, $4  }
0x61: {  	v0 =	vld [tilespmem:s26+$0x1830];
	[tilespmem:s24+$0x4000] =	vst v1  }
0x62: {  	v1 =	vld [tilespmem:s26+$0x1800];
	[tilespmem:s24+$0x4010] =	vst v2  }
0x63: {  	v2 =	vld [tilespmem:s26+$0x1810];
	[tilespmem:s24+$0x4020] =	vst v3;
	s24 =	smov.u32 s26  }
0x64: {  	v3 =	vld [tilespmem:s24+$0x1820]  }
.Ltmp11:
0x65: {  	_ = 	snop;
	(pc) =	sbr.rel .LBB2_21-.Ltmp11, $1  }
0x66: {  	_ =	sdelay $0x3  }
.LBB2_12:
0x67: {  	s20 =	sadd.s32 $0x1, s20  }
0x68: {  	_ =	swait.ge [sflag:s17], $0x1400;
	p1 =	seq.s32 s20, $0x32  }
.Ltmp12:
0x69: {  	[sflag:s17] =	ssyncset.done $0x0;
	(pc) =	sbr.rel @p1 .LBB2_24-.Ltmp12, $4  }
0x6a: {  	[sflag:s17] =	ssyncadd.s32 $0xFFFFEC00  }
0x6b: {  	_ =	swait.ge [sflag:s18], $0x1400  }
0x6c: {  	[sflag:s18] =	ssyncset.done $0x0  }
0x6d: {  	[sflag:s18] =	ssyncadd.s32 $0xFFFFEC00  }
.LBB2_2:
0x6e: {  	s21 =	smul.u32 $0x3E8, s20;
	_ =	sdelay $0x1  }
0x6f: {  	s21 =	sadd.s32 s8, s21  }
0x70: {  	s22 =	sshrl.u32 s21, $0x3  }
0x71: {  	s23 =	sadd.s32 s4, s22;
	s22 =	simm.s32 $0x0  }
0x72: {  	[tilespmem:s22], [sflag:$0x5] =	stream.linear.gather [hbm4b:s23+s22], $0x3E8, $0x38;
	[tilespmem:$0x5400] =	vst v63  }
.Ltmp13:
0x73: {  	_ = 	snop;
	(pc) =	sbr.rel .LBB2_3-.Ltmp13, $4  }
0x74: {  	_ =	swait.ge [sflag:s10], $0x3E8  }
0x75: {  	[sflag:s10] =	ssyncset.done $0x0  }
0x76: {  	[sflag:s10] =	ssyncadd.s32 $0xFFFFFC18  }
0x77: {  	[tilespmem:s12], [sflag:$0x1] =	stream.indirect.gather [hbm4b:s2+s11], $0x80, s22, s11, $0xb8;
	[tilespmem:$0x5400] =	vst v63  }
.LBB2_10:
0x78: {  	[tilespmem:s24+$0x4030] =	vst v0  }
0x79: {  	[tilespmem:s24+$0x4000] =	vst v1  }
0x7a: {  	[tilespmem:s24+$0x4010] =	vst v2;
	s23 =	sshll.u32 s23, $0x4  }
0x7b: {  	[tilespmem:s24+$0x4020] =	vst v3;
	s23 =	sadd.s32 s6, s23  }
0x7c: {  	[hbm4b:s23+s1] =	stream.linear.scatter [tilespmem:s16], [sflag:$0x4], $0x1400, $0x38;
	[tilespmem:$0x5400] =	vst v63  }
.LBB2_11:
0x7d: {  	p1 =	sne.s32 s22, $0x19  }
.Ltmp14:
0x7e: {  	_ = 	snop;
	(pc) =	sbr.rel @!p1 .LBB2_12-.Ltmp14, $1  }
0x7f: {  	_ =	sdelay $0x3  }
.LBB2_3:
0x80: {  	s24 =	sand.u32 $0x1, s22;
	p1 =	seq.s32 s22, $0x18  }
0x81: {  	p2 =	sne.s32 @!p1 s24, $0x0  }
0x82: {  	s25 =	smov.u32 s22;
	s22 =	sadd.s32 $0x1, s22;
	p1 =	por p2, p1  }
0x83: {  	s23 =	smul.u32 @!p1 $0xA0, s22;
	_ =	sdelay $0x1  }
0x84: {  	s26 =	simm.s32 @!p1 $0x28;
	s28 =	simm.s32 @!p1 $0x1800;
	s23 =	sshra.s32 @!p1 s23, $0x2  }
0x85: {  	[tilespmem:s28], [sflag:$0x2] =	stream.indirect.gather @!p1 [hbm4b:s2+s26], $0x80, s23, s26, $0xb8;
	[tilespmem:$0x5400] =	vst v63  }
0x86: {  	p1 =	seq.s32 s24, $0x0  }
0x87: {  	p2 =	sne.s32 s24, $0x0;
	s23 =	smul.u32 @!p1 $0xA0, s22  }
.Ltmp15:
0x88: {  	_ = 	snop;
	(pc) =	sbr.rel @p2 .LBB2_7-.Ltmp15, $4  }
0x89: {  	s31 =	smul.u32 $0x28, s25  }
0x8a: {  	s28 =	simm.s32 @!p1 $0x28;
	s29 =	simm.s32 @!p1 $0x400;
	s23 =	sshra.s32 @!p1 s23, $0x2  }
0x8b: {  	[tilespmem:s29], [sflag:$0x1] =	stream.indirect.gather @!p1 [hbm4b:s2+s28], $0x80, s23, s28, $0xb8;
	[tilespmem:$0x5400] =	vst v63  }
0x8c: {  	s23 =	sadd.s32 s21, s31;
	p1 =	slt.u32 s25, $0x2  }
0x8d: {  	_ =	swait.ge [sflag:s13], $0x1400  }
0x8e: {  	[sflag:s13] =	ssyncset.done $0x0  }
0x8f: {  	s25 =	simm.s32 @!p1 $0x3;
	[sflag:s13] =	ssyncadd.s32 $0xFFFFEC00  }
0x90: {  	_ =	swait.ge @!p1 [sflag:s25], $0x1400  }
0x91: {  	[sflag:s25] =	ssyncset.done @!p1 $0x0  }
0x92: {  	[sflag:s25] =	ssyncadd.s32 @!p1 $0xFFFFEC00;
	s25 =	simm.s32 $0x0  }
0x93: {  	v0 =	vld [tilespmem:s25+$0x430]  }
0x94: {  	v1 =	vld [tilespmem:s25+$0x400]  }
0x95: {  	v2 =	vld [tilespmem:s25+$0x410]  }
0x96: {  	s26 =	simm.s32 $0x200;
	v3 =	vld [tilespmem:s25+$0x420]  }
.LBB2_5:
0x97: {  	p2 =	sne.s32 s26, $0x4E00  }
.Ltmp16:
0x98: {  	s28 =	sshra.s32 s26, $0x2;
	s26 =	sadd.s32 $0x200, s26;
	[tilespmem:s25+$0x2C30] =	vst v0;
	(pc) =	sbr.rel @p2 .LBB2_5-.Ltmp16, $4  }
0x99: {  	v0 =	vld [tilespmem:s28+$0x430];
	[tilespmem:s25+$0x2C00] =	vst v1  }
0x9a: {  	v1 =	vld [tilespmem:s28+$0x400];
	[tilespmem:s25+$0x2C10] =	vst v2  }
0x9b: {  	v2 =	vld [tilespmem:s28+$0x410];
	[tilespmem:s25+$0x2C20] =	vst v3;
	s25 =	smov.u32 s28  }
0x9c: {  	v3 =	vld [tilespmem:s25+$0x420]  }
0x9d: {  	_ = 	snop  }
0x9e: {  	[tilespmem:s25+$0x2C30] =	vst v0  }
0x9f: {  	[tilespmem:s25+$0x2C00] =	vst v1  }
0xa0: {  	s26 =	sshll.u32 s23, $0x4;
	[tilespmem:s25+$0x2C10] =	vst v2  }
0xa1: {  	s31 =	sadd.s32 s6, s26;
	[tilespmem:s25+$0x2C20] =	vst v3  }
0xa2: {  	[hbm4b:s31+s1] =	stream.linear.scatter [tilespmem:s14], [sflag:$0x3], $0x1400, $0x38;
	[tilespmem:$0x5400] =	vst v63  }
.LBB2_7:
0xa3: {  	p2 =	seq.s32 s24, $0x1  }
.Ltmp17:
0xa4: {  	_ = 	snop;
	(pc) =	sbr.rel @!p2 .LBB2_11-.Ltmp17, $1  }
0xa5: {  	_ =	sdelay $0x3  }
0xa6: {  	_ =	swait.ge [sflag:s15], $0x1400  }
0xa7: {  	[sflag:s15] =	ssyncset.done $0x0  }
0xa8: {  	s24 =	simm.s32 @!p1 $0x4;
	[sflag:s15] =	ssyncadd.s32 $0xFFFFEC00  }
0xa9: {  	_ =	swait.ge @!p1 [sflag:s24], $0x1400  }
0xaa: {  	[sflag:s24] =	ssyncset.done @!p1 $0x0  }
0xab: {  	[sflag:s24] =	ssyncadd.s32 @!p1 $0xFFFFEC00;
	s24 =	simm.s32 $0x0  }
0xac: {  	v0 =	vld [tilespmem:s24+$0x1830]  }
0xad: {  	v1 =	vld [tilespmem:s24+$0x1800]  }
0xae: {  	v2 =	vld [tilespmem:s24+$0x1810]  }
0xaf: {  	s25 =	simm.s32 $0x200;
	v3 =	vld [tilespmem:s24+$0x1820]  }
.LBB2_9:
0xb0: {  	p1 =	sne.s32 s25, $0x4E00  }
.Ltmp18:
0xb1: {  	s26 =	sshra.s32 s25, $0x2;
	s25 =	sadd.s32 $0x200, s25;
	[tilespmem:s24+$0x4030] =	vst v0;
	(pc) =	sbr.rel @p1 .LBB2_9-.Ltmp18, $4  }
0xb2: {  	v0 =	vld [tilespmem:s26+$0x1830];
	[tilespmem:s24+$0x4000] =	vst v1  }
0xb3: {  	v1 =	vld [tilespmem:s26+$0x1800];
	[tilespmem:s24+$0x4010] =	vst v2  }
0xb4: {  	v2 =	vld [tilespmem:s26+$0x1810];
	[tilespmem:s24+$0x4020] =	vst v3;
	s24 =	smov.u32 s26  }
0xb5: {  	v3 =	vld [tilespmem:s24+$0x1820]  }
.Ltmp19:
0xb6: {  	_ = 	snop;
	(pc) =	sbr.rel .LBB2_10-.Ltmp19, $1  }
0xb7: {  	_ =	sdelay $0x3  }
.LBB2_25:
0xb8: {  	_ =	sfence.sel $0x180000  }
0xb9: {  	[bflag:$0x0] =	sbarrier.arrive $0xFFFF  }
0xba: {  	p0 =	sne.s32 s3, $0x0;
	_ =	strace $0x90000053  }
0xbb: {  	s0 =	sadd.s32 @!p0 $0x100000, s0;
	[bflag:$0x2] =	sbarrier.arrive $0xFFFF  }
0xbc: {  	[sflag:s0] =	ssyncadd.tile.s32 @!p0 $0x1;
	_ =	shalt  }
.Lfunc_end2:
_tile_overlayer_lowered:
.L_overlay_start_2:
0xbd: {  	(tag) =	ssettag $0x2  }
0xbe: {  	s0 =	rddreg [dreg:$0x0];
	s2 =	stileid.u32  }
0xbf: {  	s1 =	rddreg [dreg:$0x1];
	p0 =	sne.s32 s2, $0x0  }
0xc0: {  	s3 =	rddreg [dreg:$0x2];
	[bflag:$0x3] =	sbarrier.arrive $0xFFFF;
	s2 =	simm.s32 @!p0 $0x1C05  }
0xc1: {  	[timem:s3], [sflag:s2] =	dma.local @!p0 [hbm:s0], s1  }
0xc2: {  	s0 =	simm.s32 @!p0 $0x5  }
0xc3: {  	_ =	swait.ge @!p0 [sflag:s0], s1  }
0xc4: {  	s1 =	ssub.s32 @!p0 $0x0, s1;
	[sflag:s0] =	ssyncset.done @!p0 $0x0  }
0xc5: {  	[sflag:s0] =	ssyncadd.s32 @!p0 s1  }
0xc6: {  	[bflag:$0x3] =	sbarrier.arrive $0xFFFF  }
0xc7: {  	_ =	shalt  }

</sc_bundles>
